<compile_context>
chip_gen: v7x
topology: tpu7x:2x2x1
jax: 0.10.2.dev20260603
libtpu: 0.0.44.dev20260713+nightly
codegen_flags: <defaults>
</compile_context>

<pallas_src>
import jax
import jax.numpy as jnp
from jax import lax
from jax.experimental import pallas as pl
from jax.experimental.pallas import tpu as pltpu
from jax.experimental.pallas import tpu_sc as plsc

B, L, D, K = 2, 128, 128, 100000
TOPK = 10
N_SPECIAL = 999
BL = B * L

NW = 32
RPW = BL // NW
NLANE = 16

KH = K // 2
KPADH = 53248
NBLK = 256
CHUNK = 16384
NFULL = K // CHUNK
TAILW = K - NFULL * CHUNK

NEG = float("-inf")


def _iota():
    return lax.iota(jnp.int32, NLANE)


def _splat_lane(vec, lane, fill):
    return jnp.max(jnp.where(_iota() == lane, vec, fill))


def _merge16(tv, ti, v, vi):
    sv, si = plsc.sort_key_val(v, vi, descending=True)
    rsv = lax.rev(sv, (0,))
    rsi = lax.rev(si, (0,))
    keep = tv >= rsv
    nv = jnp.where(keep, tv, rsv)
    ni = jnp.where(keep, ti, rsi)
    return plsc.sort_key_val(nv, ni, descending=True)


def _rsqrt(x):
    i = plsc.bitcast(x, jnp.int32)
    i = jnp.int32(0x5F3759DF) - (i >> 1)
    y = plsc.bitcast(i, jnp.float32)
    for _ in range(4):
        y = y * (jnp.float32(1.5) - jnp.float32(0.5) * x * y * y)
    return y


def _sc_body(pred_hbm, emb_hbm, dg_hbm, se_hbm, aux_hbm,
             filt_hbm, adv_hbm,
             buf_a, buf_b, outbuf, dg_t, se_t, aux_vm, erows, rowvi, rowvv,
             flip_vm, sidx_refs, sval_refs, sem_i, sem_g, sem_o, sem_s):
    w = lax.axis_index("s") * 2 + lax.axis_index("c")
    iota = _iota()
    neg16 = jnp.full((NLANE,), NEG, jnp.float32)
    zero16 = jnp.zeros((NLANE,), jnp.int32)

    def _fill_pad(t, _):
        buf_a[pl.ds(KH + t * NLANE, NLANE)] = neg16
        buf_b[pl.ds(KH + t * NLANE, NLANE)] = neg16
        return 0
    lax.fori_loop(0, (KPADH - KH) // NLANE, _fill_pad, 0)

    def _fill_out(t, _):
        outbuf[pl.ds(t * NLANE, NLANE)] = neg16
        return 0
    lax.fori_loop(0, CHUNK // NLANE, _fill_out, 0)

    pltpu.sync_copy(dg_hbm.at[pl.ds(w * RPW * D, RPW * D)], dg_t)
    pltpu.sync_copy(se_hbm.at[pl.ds(w * RPW * D, RPW * D)], se_t)
    pltpu.sync_copy(aux_hbm.at[pl.ds(w * NLANE, NLANE)], aux_vm)
    va = aux_vm[...]

    pltpu.async_copy(pred_hbm.at[pl.ds(w * RPW * K, KH)],
                     buf_a.at[pl.ds(0, KH)], sem_i)

    def _half_top16(buf, koff):
        def p1(it, accs):
            base = it * NBLK
            return tuple(
                jnp.maximum(accs[u], buf[pl.ds(base + u * NLANE, NLANE)])
                for u in range(16))
        accs = lax.fori_loop(0, KPADH // NBLK, p1, (neg16,) * 16)

        mval, mid = neg16, zero16
        for u in range(16):
            mval, mid = _merge16(mval, mid, accs[u], iota + u * NLANE)
        t10 = jnp.min(jnp.where(iota < TOPK, mval, jnp.float32(jnp.inf)))

        def p3_u(u, st):
            bmax = _splat_lane(mval, u, NEG)
            bid = _splat_lane(mid, u, 0)

            def scan_block(st2):
                def p3_t(t, st3):
                    ev, ei, ethr = st3
                    idxv = bid + NBLK * (t * NLANE) + NBLK * iota
                    v = plsc.load_gather(buf, [idxv])

                    def do_merge(st4):
                        ev4, ei4, _ = st4
                        ev5, ei5 = _merge16(ev4, ei4, v, idxv)
                        return (ev5, ei5,
                                jnp.broadcast_to(jnp.min(ev5), (NLANE,)))
                    return lax.cond(jnp.any(v > ethr), do_merge,
                                    lambda s: s, st3)
                return lax.fori_loop(0, KPADH // NBLK // NLANE, p3_t, st2)
            return lax.cond(bmax >= t10, scan_block, lambda s: s, st)

        ev, ei, _ = lax.fori_loop(0, 16, p3_u, (neg16, zero16, neg16))
        return ev, ei + koff

    def _wait_half(buf):
        pltpu.make_async_copy(
            pred_hbm.at[pl.ds(0, KH)], buf.at[pl.ds(0, KH)], sem_i).wait()

    def _row(j, flipacc):
        r = w * RPW + j
        rbase = r * K

        for c in range(NFULL):
            pltpu.async_copy(
                outbuf.at[pl.ds(0, CHUNK)],
                filt_hbm.at[pl.ds(rbase + c * CHUNK, CHUNK)], sem_o)
        pltpu.async_copy(
            outbuf.at[pl.ds(0, TAILW)],
            filt_hbm.at[pl.ds(rbase + NFULL * CHUNK, TAILW)], sem_o)

        _wait_half(buf_a)
        pltpu.async_copy(pred_hbm.at[pl.ds(rbase + KH, KH)],
                         buf_b.at[pl.ds(0, KH)], sem_i)
        av, ai = _half_top16(buf_a, 0)
        _wait_half(buf_b)

        @pl.when(j < RPW - 1)
        def _prefetch_next():
            pltpu.async_copy(pred_hbm.at[pl.ds(rbase + K, KH)],
                             buf_a.at[pl.ds(0, KH)], sem_i)

        bv, bi = _half_top16(buf_b, KH)
        eval_, eidx = _merge16(av, ai, bv, bi)

        tok = _splat_lane(va, j, 0)
        att = _splat_lane(va, j + RPW, 0)
        eidx10 = eidx * att

        gh = []
        for jj in range(TOPK):
            tk = _splat_lane(eidx10, jj, 0)
            gh.append(pltpu.async_copy(
                emb_hbm.at[pl.ds(tk * D, D)],
                erows.at[pl.ds(jj * D, D)], sem_g))

        def pdots(c, acc):
            pn, ps = acc
            d_c = dg_t[pl.ds(j * D + c * NLANE, NLANE)]
            s_c = se_t[pl.ds(j * D + c * NLANE, NLANE)]
            return (pn + d_c * s_c, ps + s_c * s_c)
        pn, ps = lax.fori_loop(0, D // NLANE, pdots,
                               (jnp.zeros((NLANE,), jnp.float32),) * 2)
        prev = jnp.sum(pn)
        sn = jnp.sum(ps)

        for h in gh:
            h.wait()

        def cdots(jj, acc):
            na, sa, ea = acc

            def inner(c, acc2):
                an, as_, ae = acc2
                d_c = dg_t[pl.ds(j * D + c * NLANE, NLANE)]
                s_c = se_t[pl.ds(j * D + c * NLANE, NLANE)]
                e_c = erows[pl.ds(jj * D + c * NLANE, NLANE)]
                return (an + d_c * e_c, as_ + s_c * e_c, ae + e_c * e_c)
            an, as_, ae = lax.fori_loop(
                0, D // NLANE, inner,
                (jnp.zeros((NLANE,), jnp.float32),) * 3)
            sel = iota == jj
            return (jnp.where(sel, jnp.sum(an), na),
                    jnp.where(sel, jnp.sum(as_), sa),
                    jnp.where(sel, jnp.sum(ae), ea))
        zf = jnp.zeros((NLANE,), jnp.float32)
        nacc, seacc, enacc = lax.fori_loop(0, TOPK, cdots, (zf, zf, zf))

        sq = jnp.maximum(enacc + sn - 2.0 * seacc, 0.0) + jnp.float32(1e-20)
        val = (nacc - prev) * _rsqrt(sq)
        valid = (eidx10 >= N_SPECIAL) & (eidx10 != tok) & (iota < TOPK)
        fval = jnp.where(valid, val, NEG)

        m = jnp.max(fval)
        flip = jnp.min(jnp.where(fval == m, eidx10, jnp.int32(K)))
        flip = jnp.where(m == NEG, jnp.int32(0), flip)
        flipacc = jnp.where(iota == j, flip, flipacc)

        i0 = _splat_lane(eidx10, 0, 0)
        v0 = _splat_lane(fval, 0, NEG)
        rowvi[pl.ds(j * NLANE, NLANE)] = jnp.where(iota < TOPK, eidx10, i0)
        rowvv[pl.ds(j * NLANE, NLANE)] = jnp.where(iota < TOPK, fval, v0)
        return flipacc

    flipacc = lax.fori_loop(0, RPW, _row, zero16)
    flip_vm[...] = flipacc
    pltpu.sync_copy(flip_vm, adv_hbm.at[pl.ds(w * NLANE, NLANE)])

    for j in range(RPW):
        rbase = (w * RPW + j) * K
        for c in range(NFULL):
            pltpu.make_async_copy(
                outbuf.at[pl.ds(0, CHUNK)],
                filt_hbm.at[pl.ds(rbase + c * CHUNK, CHUNK)], sem_o).wait()
        pltpu.make_async_copy(
            outbuf.at[pl.ds(0, TAILW)],
            filt_hbm.at[pl.ds(rbase + NFULL * CHUNK, TAILW)], sem_o).wait()

    sh = []
    for j in range(RPW):
        rbase = (w * RPW + j) * K
        sidx_refs[j][...] = rbase + rowvi[pl.ds(j * NLANE, NLANE)]
        sval_refs[j][...] = rowvv[pl.ds(j * NLANE, NLANE)]
        sh.append(pltpu.async_copy(
            sval_refs[j], filt_hbm.at[sidx_refs[j]], sem_s))
    for h in sh:
        h.wait()


@jax.jit
def kernel(delta_grad, embedding_matrix, src_embeds, pred_lm, rand_vals,
           src_tokens, attention_mask):
    pred = pred_lm.reshape(BL * K)
    emb = embedding_matrix.reshape(K * D)
    dg = delta_grad.reshape(BL * D)
    se = src_embeds.reshape(BL * D)
    tok = src_tokens.reshape(BL).astype(jnp.int32)
    att = attention_mask.reshape(BL).astype(jnp.int32)
    aux = jnp.concatenate(
        [tok.reshape(NW, RPW), att.reshape(NW, RPW)], axis=1).reshape(-1)

    mesh = plsc.VectorSubcoreMesh(core_axis_name="c", subcore_axis_name="s")
    filt, adv = pl.kernel(
        _sc_body,
        out_type=(
            jax.ShapeDtypeStruct((BL * K,), jnp.float32),
            jax.ShapeDtypeStruct((NW * NLANE,), jnp.int32),
        ),
        mesh=mesh,
        compiler_params=pltpu.CompilerParams(needs_layout_passes=False),
        scratch_types=[
            pltpu.VMEM((KPADH,), jnp.float32),
            pltpu.VMEM((KPADH,), jnp.float32),
            pltpu.VMEM((CHUNK,), jnp.float32),
            pltpu.VMEM((RPW * D,), jnp.float32),
            pltpu.VMEM((RPW * D,), jnp.float32),
            pltpu.VMEM((NLANE,), jnp.int32),
            pltpu.VMEM((TOPK * D,), jnp.float32),
            pltpu.VMEM((RPW * NLANE,), jnp.int32),
            pltpu.VMEM((RPW * NLANE,), jnp.float32),
            pltpu.VMEM((NLANE,), jnp.int32),
            [pltpu.VMEM((NLANE,), jnp.int32) for _ in range(RPW)],
            [pltpu.VMEM((NLANE,), jnp.float32) for _ in range(RPW)],
            pltpu.SemaphoreType.DMA,
            pltpu.SemaphoreType.DMA,
            pltpu.SemaphoreType.DMA,
            pltpu.SemaphoreType.DMA,
        ],
    )(pred, emb, dg, se, aux)

    adv_flip = adv.reshape(NW, NLANE)[:, :RPW].reshape(B, L)
    mask_idx = ((src_tokens >= N_SPECIAL) &
                (rand_vals > (1.0 - 0.3))).astype(src_tokens.dtype)
    adv_tokens = src_tokens * (1 - mask_idx) + adv_flip * mask_idx
    return adv_tokens, filt.reshape(B, L, K)

# --- scband reference (transcript-rebuilt; emitter-appended) ---
"""Pipeline reference for scband-dvat-5403068858731 (READ-ONLY COPY).

The authoritative reference and input builder live on the scoring server;
editing this copy changes nothing except your own understanding.
"""

import jax, jax.numpy as jnp
import numpy as np

B, L, D, K = 2, 128, 128, 100000
TOPK = 10
SWAP_RATIO = 0.3
N_SPECIAL = 999


def setup_inputs(seed: int = 0) -> dict:
    key = jax.random.key(seed)
    ks = jax.random.split(key, 6)
    delta_grad = jax.random.normal(ks[0], (B, L, D), dtype=jnp.float32)
    embedding_matrix = jax.random.normal(ks[1], (K, D), dtype=jnp.float32)
    src_embeds = jax.random.normal(ks[2], (B, L, D), dtype=jnp.float32)
    pred_lm = jax.random.normal(ks[3], (B, L, K), dtype=jnp.float32)
    rand_vals = jax.random.uniform(ks[4], (B, L), dtype=jnp.float32)
    src_tokens = jax.random.randint(ks[5], (B, L), 0, K)
    attention_mask = jnp.ones((B, L), dtype=jnp.int32)
    return {
        'delta_grad': delta_grad,
        'embedding_matrix': embedding_matrix,
        'src_embeds': src_embeds,
        'pred_lm': pred_lm,
        'rand_vals': rand_vals,
        'src_tokens': src_tokens,
        'attention_mask': attention_mask,
    }


def _pairwise_distance(src_embeds, vocab_embeds):
    vocab_sq_norm = jnp.sum(vocab_embeds ** 2, axis=-1)  # [K]
    src_sq_norm = jnp.sum(src_embeds ** 2, axis=-1)      # [B, L]
    dot = jnp.einsum('bij,kj->bik', src_embeds, vocab_embeds)
    sq_norm = vocab_sq_norm[None, None, :] + src_sq_norm[..., None] - 2.0 * dot
    sq_norm = jax.nn.relu(sq_norm) + 1e-20
    return jnp.sqrt(sq_norm)


def reference(delta_grad, embedding_matrix, src_embeds, pred_lm, rand_vals, src_tokens, attention_mask):
    # discrete_vat core (brute-force adversarial token flip against codebook)
    new_embed_dot_grad = jnp.einsum('bij,kj->bik', delta_grad, embedding_matrix)
    prev_embed_dot_grad = jnp.einsum('bij,bij->bi', delta_grad, src_embeds)
    dir_dot_grad = prev_embed_dot_grad[..., None] - new_embed_dot_grad
    dir_dot_grad = dir_dot_grad * -1.0
    dir_norm = _pairwise_distance(src_embeds, embedding_matrix)
    dir_dot_grad = dir_dot_grad / dir_norm

    no_special_tokens = (src_tokens >= N_SPECIAL).astype(jnp.float32)
    swap = (rand_vals > (1.0 - SWAP_RATIO)).astype(jnp.float32)
    mask_idx = jnp.clip(no_special_tokens * swap, 0.0, 1.0).astype(src_tokens.dtype)

    _, top_k_lm_idx = jax.lax.top_k(pred_lm, TOPK)  # [B, L, TOPK]
    top_k_lm_idx = top_k_lm_idx * attention_mask[..., None].astype(top_k_lm_idx.dtype)

    bi = jnp.arange(B)[:, None, None]
    li = jnp.arange(L)[None, :, None]
    mask = jnp.full(dir_dot_grad.shape, -jnp.inf, dtype=jnp.float32)
    mask = mask.at[bi, li, top_k_lm_idx].set(0.0)

    filtered = dir_dot_grad + mask
    filtered = filtered.at[:, :, :N_SPECIAL].set(-jnp.inf)
    filtered = filtered.at[bi, li, src_tokens[..., None]].set(-jnp.inf)

    adv_flip = jnp.argmax(filtered, axis=2).astype(src_tokens.dtype)
    ori_tokens = src_tokens * (1 - mask_idx)
    adv_tokens = ori_tokens + adv_flip * mask_idx
    return adv_tokens, filtered

if __name__ == "__main__":
    import jax
    _d = setup_inputs()
    print(jax.jit(kernel)(*tuple(_d.values())))

</pallas_src>

<mosaic_0001>
#map = affine_map<(d0, d1) -> (0)>
module attributes {stable_mosaic.version = 14 : i64} {
  func.func @_sc_body(%arg0: i32, %arg1: i32, %arg2: memref<25600000xf32, #tpu.memory_space<hbm>>, %arg3: memref<12800000xf32, #tpu.memory_space<hbm>>, %arg4: memref<32768xf32, #tpu.memory_space<hbm>>, %arg5: memref<32768xf32, #tpu.memory_space<hbm>>, %arg6: memref<512xi32, #tpu.memory_space<hbm>>, %arg7: memref<25600000xf32, #tpu.memory_space<hbm>>, %arg8: memref<512xi32, #tpu.memory_space<hbm>>, %arg9: memref<53248xf32, #tpu.memory_space<vmem>>, %arg10: memref<53248xf32, #tpu.memory_space<vmem>>, %arg11: memref<16384xf32, #tpu.memory_space<vmem>>, %arg12: memref<1024xf32, #tpu.memory_space<vmem>>, %arg13: memref<1024xf32, #tpu.memory_space<vmem>>, %arg14: memref<16xi32, #tpu.memory_space<vmem>>, %arg15: memref<1280xf32, #tpu.memory_space<vmem>>, %arg16: memref<128xi32, #tpu.memory_space<vmem>>, %arg17: memref<128xf32, #tpu.memory_space<vmem>>, %arg18: memref<16xi32, #tpu.memory_space<vmem>>, %arg19: memref<16xi32, #tpu.memory_space<vmem>>, %arg20: memref<16xi32, #tpu.memory_space<vmem>>, %arg21: memref<16xi32, #tpu.memory_space<vmem>>, %arg22: memref<16xi32, #tpu.memory_space<vmem>>, %arg23: memref<16xi32, #tpu.memory_space<vmem>>, %arg24: memref<16xi32, #tpu.memory_space<vmem>>, %arg25: memref<16xi32, #tpu.memory_space<vmem>>, %arg26: memref<16xi32, #tpu.memory_space<vmem>>, %arg27: memref<16xf32, #tpu.memory_space<vmem>>, %arg28: memref<16xf32, #tpu.memory_space<vmem>>, %arg29: memref<16xf32, #tpu.memory_space<vmem>>, %arg30: memref<16xf32, #tpu.memory_space<vmem>>, %arg31: memref<16xf32, #tpu.memory_space<vmem>>, %arg32: memref<16xf32, #tpu.memory_space<vmem>>, %arg33: memref<16xf32, #tpu.memory_space<vmem>>, %arg34: memref<16xf32, #tpu.memory_space<vmem>>, %arg35: memref<!tpu.dma_semaphore, #tpu.memory_space<semaphore_mem>>, %arg36: memref<!tpu.dma_semaphore, #tpu.memory_space<semaphore_mem>>, %arg37: memref<!tpu.dma_semaphore, #tpu.memory_space<semaphore_mem>>, %arg38: memref<!tpu.dma_semaphore, #tpu.memory_space<semaphore_mem>>) attributes {dimension_semantics = [#tpu.dimension_semantics<core_parallel>, #tpu.dimension_semantics<subcore_parallel>], iteration_bounds = array<i64: 2, 16>, scalar_prefetch = 0 : i64, scratch_operands = 30 : i64, tpu.core_type = #tpu.core_type<sc_vector_subcore>, window_params = [{transform_indices = #map}, {transform_indices = #map}, {transform_indices = #map}, {transform_indices = #map}, {transform_indices = #map}, {transform_indices = #map}, {transform_indices = #map}]} {
    %mul3A = arith.constant 2 : i32
    %mul3A_0 = arith.muli %arg1, %mul3A : i32
    %add3A = arith.addi %mul3A_0, %arg0 : i32
    %iota3A = tpu.iota {dimensions = array<i32: 0>} : vector<16xi32>
    %broadcast_in_dim3A = arith.constant 0xFF800000 : f32
    %broadcast_in_dim3A_1 = vector.broadcast %broadcast_in_dim3A : f32 to vector<16xf32>
    %broadcast_in_dim3A_2 = arith.constant 0 : i32
    %broadcast_in_dim3A_3 = vector.broadcast %broadcast_in_dim3A_2 : i32 to vector<16xi32>
    %scan3A = arith.constant 0 : i32
    %scan3A_4 = arith.constant 0 : i32
    %scan3A_5 = arith.constant 203 : i32
    %scan3A_6 = arith.addi %scan3A_4, %scan3A_5 : i32
    %scan3A_7 = arith.constant 1 : i32
    %scan3A_8 = scf.for %scan3A_701 = %scan3A_4 to %scan3A_6 step %scan3A_7 iter_args(%scan3A_702 = %scan3A) -> (i32)  : i32 {
      %mul3A_703 = arith.constant 16 : i32
      %mul3A_704 = arith.muli %scan3A_701, %mul3A_703 : i32
      %add3A_705 = arith.constant 50000 : i32
      %add3A_706 = arith.addi %add3A_705, %mul3A_704 : i32
      %swap3A_707 = arith.index_cast %add3A_706 : i32 to index
      %swap3A_708 = tpu.vector_load %arg9[%swap3A_707] {strides = array<i32>} : memref<53248xf32, #tpu.memory_space<vmem>>, vector<16xf32>,
      tpu.vector_store %arg9[%swap3A_707], %broadcast_in_dim3A_1 {strides = array<i32>} : memref<53248xf32, #tpu.memory_space<vmem>>, vector<16xf32>,
      %mul3A_709 = arith.constant 16 : i32
      %mul3A_710 = arith.muli %scan3A_701, %mul3A_709 : i32
      %add3A_711 = arith.constant 50000 : i32
      %add3A_712 = arith.addi %add3A_711, %mul3A_710 : i32
      %swap3A_713 = arith.index_cast %add3A_712 : i32 to index
      %swap3A_714 = tpu.vector_load %arg10[%swap3A_713] {strides = array<i32>} : memref<53248xf32, #tpu.memory_space<vmem>>, vector<16xf32>,
      tpu.vector_store %arg10[%swap3A_713], %broadcast_in_dim3A_1 {strides = array<i32>} : memref<53248xf32, #tpu.memory_space<vmem>>, vector<16xf32>,
      %scan3A_715 = arith.constant 0 : i32
      scf.yield %scan3A_715 : i32
    }
    %scan3A_9 = arith.constant 203 : i32
    %scan3A_10 = arith.constant 0 : i32
    %scan3A_11 = arith.constant 0 : i32
    %scan3A_12 = arith.constant 1024 : i32
    %scan3A_13 = arith.addi %scan3A_11, %scan3A_12 : i32
    %scan3A_14 = arith.constant 1 : i32
    %scan3A_15 = scf.for %scan3A_701 = %scan3A_11 to %scan3A_13 step %scan3A_14 iter_args(%scan3A_702 = %scan3A_10) -> (i32)  : i32 {
      %mul3A_703 = arith.constant 16 : i32
      %mul3A_704 = arith.muli %scan3A_701, %mul3A_703 : i32
      %swap3A_705 = arith.index_cast %mul3A_704 : i32 to index
      %swap3A_706 = tpu.vector_load %arg11[%swap3A_705] {strides = array<i32>} : memref<16384xf32, #tpu.memory_space<vmem>>, vector<16xf32>,
      tpu.vector_store %arg11[%swap3A_705], %broadcast_in_dim3A_1 {strides = array<i32>} : memref<16384xf32, #tpu.memory_space<vmem>>, vector<16xf32>,
      %scan3A_707 = arith.constant 0 : i32
      scf.yield %scan3A_707 : i32
    }
    %scan3A_16 = arith.constant 1024 : i32
    %mul3A_17 = arith.constant 8 : i32
    %mul3A_18 = arith.muli %add3A, %mul3A_17 : i32
    %mul3A_19 = arith.constant 128 : i32
    %mul3A_20 = arith.muli %mul3A_18, %mul3A_19 : i32
    "tpu.region"() ({
      %run_scoped3A = tpu.sem_alloc : memref<!tpu.dma_semaphore, #tpu.memory_space<semaphore_mem>>
      %dma_start3A_701 = tpu.memref_slice %arg4[%mul3A_20] : memref<32768xf32, #tpu.memory_space<hbm>> -> memref<1024xf32, #tpu.memory_space<hbm>>
      %dma_start3A_702 = tpu.memref_slice %arg4[%mul3A_20] : memref<32768xf32, #tpu.memory_space<hbm>> -> memref<1024xf32, #tpu.memory_space<hbm>>
      tpu.enqueue_dma source(%dma_start3A_702 : memref<1024xf32, #tpu.memory_space<hbm>>) target(%arg12 : memref<1024xf32, #tpu.memory_space<vmem>>) target_semaphore(%run_scoped3A : memref<!tpu.dma_semaphore, #tpu.memory_space<semaphore_mem>>)
      %dma_wait3A_703 = tpu.memref_slice %arg4[%mul3A_20] : memref<32768xf32, #tpu.memory_space<hbm>> -> memref<1024xf32, #tpu.memory_space<hbm>>
      %dma_wait3A_704 = tpu.memref_slice %arg4[%mul3A_20] : memref<32768xf32, #tpu.memory_space<hbm>> -> memref<1024xf32, #tpu.memory_space<hbm>>
      tpu.wait_dma2 semaphore(%run_scoped3A : memref<!tpu.dma_semaphore, #tpu.memory_space<semaphore_mem>>) src(%dma_wait3A_704 : memref<1024xf32, #tpu.memory_space<hbm>>) dst(%arg12 : memref<1024xf32, #tpu.memory_space<vmem>>)
      tpu.yield
    }) : () -> ()
    %mul3A_21 = arith.constant 8 : i32
    %mul3A_22 = arith.muli %add3A, %mul3A_21 : i32
    %mul3A_23 = arith.constant 128 : i32
    %mul3A_24 = arith.muli %mul3A_22, %mul3A_23 : i32
    "tpu.region"() ({
      %run_scoped3A = tpu.sem_alloc : memref<!tpu.dma_semaphore, #tpu.memory_space<semaphore_mem>>
      %dma_start3A_701 = tpu.memref_slice %arg5[%mul3A_24] : memref<32768xf32, #tpu.memory_space<hbm>> -> memref<1024xf32, #tpu.memory_space<hbm>>
      %dma_start3A_702 = tpu.memref_slice %arg5[%mul3A_24] : memref<32768xf32, #tpu.memory_space<hbm>> -> memref<1024xf32, #tpu.memory_space<hbm>>
      tpu.enqueue_dma source(%dma_start3A_702 : memref<1024xf32, #tpu.memory_space<hbm>>) target(%arg13 : memref<1024xf32, #tpu.memory_space<vmem>>) target_semaphore(%run_scoped3A : memref<!tpu.dma_semaphore, #tpu.memory_space<semaphore_mem>>)
      %dma_wait3A_703 = tpu.memref_slice %arg5[%mul3A_24] : memref<32768xf32, #tpu.memory_space<hbm>> -> memref<1024xf32, #tpu.memory_space<hbm>>
      %dma_wait3A_704 = tpu.memref_slice %arg5[%mul3A_24] : memref<32768xf32, #tpu.memory_space<hbm>> -> memref<1024xf32, #tpu.memory_space<hbm>>
      tpu.wait_dma2 semaphore(%run_scoped3A : memref<!tpu.dma_semaphore, #tpu.memory_space<semaphore_mem>>) src(%dma_wait3A_704 : memref<1024xf32, #tpu.memory_space<hbm>>) dst(%arg13 : memref<1024xf32, #tpu.memory_space<vmem>>)
      tpu.yield
    }) : () -> ()
    %mul3A_25 = arith.constant 16 : i32
    %mul3A_26 = arith.muli %add3A, %mul3A_25 : i32
    "tpu.region"() ({
      %run_scoped3A = tpu.sem_alloc : memref<!tpu.dma_semaphore, #tpu.memory_space<semaphore_mem>>
      %dma_start3A_701 = tpu.memref_slice %arg6[%mul3A_26] : memref<512xi32, #tpu.memory_space<hbm>> -> memref<16xi32, #tpu.memory_space<hbm>>
      %dma_start3A_702 = tpu.memref_slice %arg6[%mul3A_26] : memref<512xi32, #tpu.memory_space<hbm>> -> memref<16xi32, #tpu.memory_space<hbm>>
      tpu.enqueue_dma source(%dma_start3A_702 : memref<16xi32, #tpu.memory_space<hbm>>) target(%arg14 : memref<16xi32, #tpu.memory_space<vmem>>) target_semaphore(%run_scoped3A : memref<!tpu.dma_semaphore, #tpu.memory_space<semaphore_mem>>)
      %dma_wait3A_703 = tpu.memref_slice %arg6[%mul3A_26] : memref<512xi32, #tpu.memory_space<hbm>> -> memref<16xi32, #tpu.memory_space<hbm>>
      %dma_wait3A_704 = tpu.memref_slice %arg6[%mul3A_26] : memref<512xi32, #tpu.memory_space<hbm>> -> memref<16xi32, #tpu.memory_space<hbm>>
      tpu.wait_dma2 semaphore(%run_scoped3A : memref<!tpu.dma_semaphore, #tpu.memory_space<semaphore_mem>>) src(%dma_wait3A_704 : memref<16xi32, #tpu.memory_space<hbm>>) dst(%arg14 : memref<16xi32, #tpu.memory_space<vmem>>)
      tpu.yield
    }) : () -> ()
    %get3A = arith.constant 0 : index
    %get3A_27 = tpu.vector_load %arg14[%get3A] {strides = array<i32>} : memref<16xi32, #tpu.memory_space<vmem>>, vector<16xi32>,
    %mul3A_28 = arith.constant 8 : i32
    %mul3A_29 = arith.muli %add3A, %mul3A_28 : i32
    %mul3A_30 = arith.constant 100000 : i32
    %mul3A_31 = arith.muli %mul3A_29, %mul3A_30 : i32
    %dma_start3A = arith.constant 0 : i32
    %dma_start3A_32 = tpu.memref_slice %arg9[%dma_start3A] : memref<53248xf32, #tpu.memory_space<vmem>> -> memref<50000xf32, #tpu.memory_space<vmem>>
    %dma_start3A_33 = tpu.memref_slice %arg2[%mul3A_31] : memref<25600000xf32, #tpu.memory_space<hbm>> -> memref<50000xf32, #tpu.memory_space<hbm>>
    %dma_start3A_34 = arith.constant 0 : i32
    %dma_start3A_35 = tpu.memref_slice %arg9[%dma_start3A_34] : memref<53248xf32, #tpu.memory_space<vmem>> -> memref<50000xf32, #tpu.memory_space<vmem>>
    %dma_start3A_36 = tpu.memref_slice %arg2[%mul3A_31] : memref<25600000xf32, #tpu.memory_space<hbm>> -> memref<50000xf32, #tpu.memory_space<hbm>>
    tpu.enqueue_dma source(%dma_start3A_36 : memref<50000xf32, #tpu.memory_space<hbm>>) target(%dma_start3A_35 : memref<50000xf32, #tpu.memory_space<vmem>>) target_semaphore(%arg35 : memref<!tpu.dma_semaphore, #tpu.memory_space<semaphore_mem>>)
    %scan3A_37 = arith.constant 0 : i32
    %scan3A_38 = arith.constant 8 : i32
    %scan3A_39 = arith.addi %scan3A_37, %scan3A_38 : i32
    %scan3A_40 = arith.constant 1 : i32
    %scan3A_41 = scf.for %scan3A_701 = %scan3A_37 to %scan3A_39 step %scan3A_40 iter_args(%scan3A_702 = %broadcast_in_dim3A_3) -> (vector<16xi32>)  : i32 {
      %mul3A_703 = arith.constant 8 : i32
      %mul3A_704 = arith.muli %add3A, %mul3A_703 : i32
      %add3A_705 = arith.addi %mul3A_704, %scan3A_701 : i32
      %mul3A_706 = arith.constant 100000 : i32
      %mul3A_707 = arith.muli %add3A_705, %mul3A_706 : i32
      %add3A_708 = arith.constant 0 : i32
      %add3A_709 = arith.addi %mul3A_707, %add3A_708 : i32
      %dma_start3A_710 = arith.constant 0 : i32
      %dma_start3A_711 = tpu.memref_slice %arg11[%dma_start3A_710] : memref<16384xf32, #tpu.memory_space<vmem>> -> memref<16384xf32, #tpu.memory_space<vmem>>
      %dma_start3A_712 = tpu.memref_slice %arg7[%add3A_709] : memref<25600000xf32, #tpu.memory_space<hbm>> -> memref<16384xf32, #tpu.memory_space<hbm>>
      %dma_start3A_713 = tpu.memref_slice %arg7[%add3A_709] : memref<25600000xf32, #tpu.memory_space<hbm>> -> memref<16384xf32, #tpu.memory_space<hbm>>
      %dma_start3A_714 = arith.constant 0 : i32
      %dma_start3A_715 = tpu.memref_slice %arg11[%dma_start3A_714] : memref<16384xf32, #tpu.memory_space<vmem>> -> memref<16384xf32, #tpu.memory_space<vmem>>
      tpu.enqueue_dma source(%dma_start3A_715 : memref<16384xf32, #tpu.memory_space<vmem>>) target(%dma_start3A_713 : memref<16384xf32, #tpu.memory_space<hbm>>) target_semaphore(%arg37 : memref<!tpu.dma_semaphore, #tpu.memory_space<semaphore_mem>>)
      %add3A_716 = arith.constant 16384 : i32
      %add3A_717 = arith.addi %mul3A_707, %add3A_716 : i32
      %dma_start3A_718 = arith.constant 0 : i32
      %dma_start3A_719 = tpu.memref_slice %arg11[%dma_start3A_718] : memref<16384xf32, #tpu.memory_space<vmem>> -> memref<16384xf32, #tpu.memory_space<vmem>>
      %dma_start3A_720 = tpu.memref_slice %arg7[%add3A_717] : memref<25600000xf32, #tpu.memory_space<hbm>> -> memref<16384xf32, #tpu.memory_space<hbm>>
      %dma_start3A_721 = tpu.memref_slice %arg7[%add3A_717] : memref<25600000xf32, #tpu.memory_space<hbm>> -> memref<16384xf32, #tpu.memory_space<hbm>>
      %dma_start3A_722 = arith.constant 0 : i32
      %dma_start3A_723 = tpu.memref_slice %arg11[%dma_start3A_722] : memref<16384xf32, #tpu.memory_space<vmem>> -> memref<16384xf32, #tpu.memory_space<vmem>>
      tpu.enqueue_dma source(%dma_start3A_723 : memref<16384xf32, #tpu.memory_space<vmem>>) target(%dma_start3A_721 : memref<16384xf32, #tpu.memory_space<hbm>>) target_semaphore(%arg37 : memref<!tpu.dma_semaphore, #tpu.memory_space<semaphore_mem>>)
      %add3A_724 = arith.constant 32768 : i32
      %add3A_725 = arith.addi %mul3A_707, %add3A_724 : i32
      %dma_start3A_726 = arith.constant 0 : i32
      %dma_start3A_727 = tpu.memref_slice %arg11[%dma_start3A_726] : memref<16384xf32, #tpu.memory_space<vmem>> -> memref<16384xf32, #tpu.memory_space<vmem>>
      %dma_start3A_728 = tpu.memref_slice %arg7[%add3A_725] : memref<25600000xf32, #tpu.memory_space<hbm>> -> memref<16384xf32, #tpu.memory_space<hbm>>
      %dma_start3A_729 = tpu.memref_slice %arg7[%add3A_725] : memref<25600000xf32, #tpu.memory_space<hbm>> -> memref<16384xf32, #tpu.memory_space<hbm>>
      %dma_start3A_730 = arith.constant 0 : i32
      %dma_start3A_731 = tpu.memref_slice %arg11[%dma_start3A_730] : memref<16384xf32, #tpu.memory_space<vmem>> -> memref<16384xf32, #tpu.memory_space<vmem>>
      tpu.enqueue_dma source(%dma_start3A_731 : memref<16384xf32, #tpu.memory_space<vmem>>) target(%dma_start3A_729 : memref<16384xf32, #tpu.memory_space<hbm>>) target_semaphore(%arg37 : memref<!tpu.dma_semaphore, #tpu.memory_space<semaphore_mem>>)
      %add3A_732 = arith.constant 49152 : i32
      %add3A_733 = arith.addi %mul3A_707, %add3A_732 : i32
      %dma_start3A_734 = arith.constant 0 : i32
      %dma_start3A_735 = tpu.memref_slice %arg11[%dma_start3A_734] : memref<16384xf32, #tpu.memory_space<vmem>> -> memref<16384xf32, #tpu.memory_space<vmem>>
      %dma_start3A_736 = tpu.memref_slice %arg7[%add3A_733] : memref<25600000xf32, #tpu.memory_space<hbm>> -> memref<16384xf32, #tpu.memory_space<hbm>>
      %dma_start3A_737 = tpu.memref_slice %arg7[%add3A_733] : memref<25600000xf32, #tpu.memory_space<hbm>> -> memref<16384xf32, #tpu.memory_space<hbm>>
      %dma_start3A_738 = arith.constant 0 : i32
      %dma_start3A_739 = tpu.memref_slice %arg11[%dma_start3A_738] : memref<16384xf32, #tpu.memory_space<vmem>> -> memref<16384xf32, #tpu.memory_space<vmem>>
      tpu.enqueue_dma source(%dma_start3A_739 : memref<16384xf32, #tpu.memory_space<vmem>>) target(%dma_start3A_737 : memref<16384xf32, #tpu.memory_space<hbm>>) target_semaphore(%arg37 : memref<!tpu.dma_semaphore, #tpu.memory_space<semaphore_mem>>)
      %add3A_740 = arith.constant 65536 : i32
      %add3A_741 = arith.addi %mul3A_707, %add3A_740 : i32
      %dma_start3A_742 = arith.constant 0 : i32
      %dma_start3A_743 = tpu.memref_slice %arg11[%dma_start3A_742] : memref<16384xf32, #tpu.memory_space<vmem>> -> memref<16384xf32, #tpu.memory_space<vmem>>
      %dma_start3A_744 = tpu.memref_slice %arg7[%add3A_741] : memref<25600000xf32, #tpu.memory_space<hbm>> -> memref<16384xf32, #tpu.memory_space<hbm>>
      %dma_start3A_745 = tpu.memref_slice %arg7[%add3A_741] : memref<25600000xf32, #tpu.memory_space<hbm>> -> memref<16384xf32, #tpu.memory_space<hbm>>
      %dma_start3A_746 = arith.constant 0 : i32
      %dma_start3A_747 = tpu.memref_slice %arg11[%dma_start3A_746] : memref<16384xf32, #tpu.memory_space<vmem>> -> memref<16384xf32, #tpu.memory_space<vmem>>
      tpu.enqueue_dma source(%dma_start3A_747 : memref<16384xf32, #tpu.memory_space<vmem>>) target(%dma_start3A_745 : memref<16384xf32, #tpu.memory_space<hbm>>) target_semaphore(%arg37 : memref<!tpu.dma_semaphore, #tpu.memory_space<semaphore_mem>>)
      %add3A_748 = arith.constant 81920 : i32
      %add3A_749 = arith.addi %mul3A_707, %add3A_748 : i32
      %dma_start3A_750 = arith.constant 0 : i32
      %dma_start3A_751 = tpu.memref_slice %arg11[%dma_start3A_750] : memref<16384xf32, #tpu.memory_space<vmem>> -> memref<16384xf32, #tpu.memory_space<vmem>>
      %dma_start3A_752 = tpu.memref_slice %arg7[%add3A_749] : memref<25600000xf32, #tpu.memory_space<hbm>> -> memref<16384xf32, #tpu.memory_space<hbm>>
      %dma_start3A_753 = tpu.memref_slice %arg7[%add3A_749] : memref<25600000xf32, #tpu.memory_space<hbm>> -> memref<16384xf32, #tpu.memory_space<hbm>>
      %dma_start3A_754 = arith.constant 0 : i32
      %dma_start3A_755 = tpu.memref_slice %arg11[%dma_start3A_754] : memref<16384xf32, #tpu.memory_space<vmem>> -> memref<16384xf32, #tpu.memory_space<vmem>>
      tpu.enqueue_dma source(%dma_start3A_755 : memref<16384xf32, #tpu.memory_space<vmem>>) target(%dma_start3A_753 : memref<16384xf32, #tpu.memory_space<hbm>>) target_semaphore(%arg37 : memref<!tpu.dma_semaphore, #tpu.memory_space<semaphore_mem>>)
      %add3A_756 = arith.constant 98304 : i32
      %add3A_757 = arith.addi %mul3A_707, %add3A_756 : i32
      %dma_start3A_758 = arith.constant 0 : i32
      %dma_start3A_759 = tpu.memref_slice %arg11[%dma_start3A_758] : memref<16384xf32, #tpu.memory_space<vmem>> -> memref<1696xf32, #tpu.memory_space<vmem>>
      %dma_start3A_760 = tpu.memref_slice %arg7[%add3A_757] : memref<25600000xf32, #tpu.memory_space<hbm>> -> memref<1696xf32, #tpu.memory_space<hbm>>
      %dma_start3A_761 = tpu.memref_slice %arg7[%add3A_757] : memref<25600000xf32, #tpu.memory_space<hbm>> -> memref<1696xf32, #tpu.memory_space<hbm>>
      %dma_start3A_762 = arith.constant 0 : i32
      %dma_start3A_763 = tpu.memref_slice %arg11[%dma_start3A_762] : memref<16384xf32, #tpu.memory_space<vmem>> -> memref<1696xf32, #tpu.memory_space<vmem>>
      tpu.enqueue_dma source(%dma_start3A_763 : memref<1696xf32, #tpu.memory_space<vmem>>) target(%dma_start3A_761 : memref<1696xf32, #tpu.memory_space<hbm>>) target_semaphore(%arg37 : memref<!tpu.dma_semaphore, #tpu.memory_space<semaphore_mem>>)
      %dma_wait3A_764 = arith.constant 0 : i32
      %dma_wait3A_765 = tpu.memref_slice %arg9[%dma_wait3A_764] : memref<53248xf32, #tpu.memory_space<vmem>> -> memref<50000xf32, #tpu.memory_space<vmem>>
      %dma_wait3A_766 = arith.constant 0 : i32
      %dma_wait3A_767 = tpu.memref_slice %arg2[%dma_wait3A_766] : memref<25600000xf32, #tpu.memory_space<hbm>> -> memref<50000xf32, #tpu.memory_space<hbm>>
      %dma_wait3A_768 = arith.constant 0 : i32
      %dma_wait3A_769 = tpu.memref_slice %arg9[%dma_wait3A_768] : memref<53248xf32, #tpu.memory_space<vmem>> -> memref<50000xf32, #tpu.memory_space<vmem>>
      %dma_wait3A_770 = arith.constant 0 : i32
      %dma_wait3A_771 = tpu.memref_slice %arg2[%dma_wait3A_770] : memref<25600000xf32, #tpu.memory_space<hbm>> -> memref<50000xf32, #tpu.memory_space<hbm>>
      tpu.wait_dma2 semaphore(%arg35 : memref<!tpu.dma_semaphore, #tpu.memory_space<semaphore_mem>>) src(%dma_wait3A_771 : memref<50000xf32, #tpu.memory_space<hbm>>) dst(%dma_wait3A_769 : memref<50000xf32, #tpu.memory_space<vmem>>)
      %add3A_772 = arith.constant 50000 : i32
      %add3A_773 = arith.addi %mul3A_707, %add3A_772 : i32
      %dma_start3A_774 = arith.constant 0 : i32
      %dma_start3A_775 = tpu.memref_slice %arg10[%dma_start3A_774] : memref<53248xf32, #tpu.memory_space<vmem>> -> memref<50000xf32, #tpu.memory_space<vmem>>
      %dma_start3A_776 = tpu.memref_slice %arg2[%add3A_773] : memref<25600000xf32, #tpu.memory_space<hbm>> -> memref<50000xf32, #tpu.memory_space<hbm>>
      %dma_start3A_777 = arith.constant 0 : i32
      %dma_start3A_778 = tpu.memref_slice %arg10[%dma_start3A_777] : memref<53248xf32, #tpu.memory_space<vmem>> -> memref<50000xf32, #tpu.memory_space<vmem>>
      %dma_start3A_779 = tpu.memref_slice %arg2[%add3A_773] : memref<25600000xf32, #tpu.memory_space<hbm>> -> memref<50000xf32, #tpu.memory_space<hbm>>
      tpu.enqueue_dma source(%dma_start3A_779 : memref<50000xf32, #tpu.memory_space<hbm>>) target(%dma_start3A_778 : memref<50000xf32, #tpu.memory_space<vmem>>) target_semaphore(%arg35 : memref<!tpu.dma_semaphore, #tpu.memory_space<semaphore_mem>>)
      %scan3A_780 = arith.constant 0 : i32
      %scan3A_781 = arith.constant 208 : i32
      %scan3A_782 = arith.addi %scan3A_780, %scan3A_781 : i32
      %scan3A_783 = arith.constant 1 : i32
      %scan3A_784:16 = scf.for %scan3A_2101 = %scan3A_780 to %scan3A_782 step %scan3A_783 iter_args(%scan3A_2102 = %broadcast_in_dim3A_1, %scan3A_2103 = %broadcast_in_dim3A_1, %scan3A_2104 = %broadcast_in_dim3A_1, %scan3A_2105 = %broadcast_in_dim3A_1, %scan3A_2106 = %broadcast_in_dim3A_1, %scan3A_2107 = %broadcast_in_dim3A_1, %scan3A_2108 = %broadcast_in_dim3A_1, %scan3A_2109 = %broadcast_in_dim3A_1, %scan3A_2110 = %broadcast_in_dim3A_1, %scan3A_2111 = %broadcast_in_dim3A_1, %scan3A_2112 = %broadcast_in_dim3A_1, %scan3A_2113 = %broadcast_in_dim3A_1, %scan3A_2114 = %broadcast_in_dim3A_1, %scan3A_2115 = %broadcast_in_dim3A_1, %scan3A_2116 = %broadcast_in_dim3A_1, %scan3A_2117 = %broadcast_in_dim3A_1) -> (vector<16xf32>, vector<16xf32>, vector<16xf32>, vector<16xf32>, vector<16xf32>, vector<16xf32>, vector<16xf32>, vector<16xf32>, vector<16xf32>, vector<16xf32>, vector<16xf32>, vector<16xf32>, vector<16xf32>, vector<16xf32>, vector<16xf32>, vector<16xf32>)  : i32 {
        %mul3A_2118 = arith.constant 256 : i32
        %mul3A_2119 = arith.muli %scan3A_2101, %mul3A_2118 : i32
        %add3A_2120 = arith.constant 0 : i32
        %add3A_2121 = arith.addi %mul3A_2119, %add3A_2120 : i32
        %get3A_2122 = arith.index_cast %add3A_2121 : i32 to index
        %get3A_2123 = tpu.vector_load %arg9[%get3A_2122] {strides = array<i32>} : memref<53248xf32, #tpu.memory_space<vmem>>, vector<16xf32>,
        %max3A_2124 = arith.maximumf %scan3A_2102, %get3A_2123 : vector<16xf32>
        %add3A_2125 = arith.constant 16 : i32
        %add3A_2126 = arith.addi %mul3A_2119, %add3A_2125 : i32
        %get3A_2127 = arith.index_cast %add3A_2126 : i32 to index
        %get3A_2128 = tpu.vector_load %arg9[%get3A_2127] {strides = array<i32>} : memref<53248xf32, #tpu.memory_space<vmem>>, vector<16xf32>,
        %max3A_2129 = arith.maximumf %scan3A_2103, %get3A_2128 : vector<16xf32>
        %add3A_2130 = arith.constant 32 : i32
        %add3A_2131 = arith.addi %mul3A_2119, %add3A_2130 : i32
        %get3A_2132 = arith.index_cast %add3A_2131 : i32 to index
        %get3A_2133 = tpu.vector_load %arg9[%get3A_2132] {strides = array<i32>} : memref<53248xf32, #tpu.memory_space<vmem>>, vector<16xf32>,
        %max3A_2134 = arith.maximumf %scan3A_2104, %get3A_2133 : vector<16xf32>
        %add3A_2135 = arith.constant 48 : i32
        %add3A_2136 = arith.addi %mul3A_2119, %add3A_2135 : i32
        %get3A_2137 = arith.index_cast %add3A_2136 : i32 to index
        %get3A_2138 = tpu.vector_load %arg9[%get3A_2137] {strides = array<i32>} : memref<53248xf32, #tpu.memory_space<vmem>>, vector<16xf32>,
        %max3A_2139 = arith.maximumf %scan3A_2105, %get3A_2138 : vector<16xf32>
        %add3A_2140 = arith.constant 64 : i32
        %add3A_2141 = arith.addi %mul3A_2119, %add3A_2140 : i32
        %get3A_2142 = arith.index_cast %add3A_2141 : i32 to index
        %get3A_2143 = tpu.vector_load %arg9[%get3A_2142] {strides = array<i32>} : memref<53248xf32, #tpu.memory_space<vmem>>, vector<16xf32>,
        %max3A_2144 = arith.maximumf %scan3A_2106, %get3A_2143 : vector<16xf32>
        %add3A_2145 = arith.constant 80 : i32
        %add3A_2146 = arith.addi %mul3A_2119, %add3A_2145 : i32
        %get3A_2147 = arith.index_cast %add3A_2146 : i32 to index
        %get3A_2148 = tpu.vector_load %arg9[%get3A_2147] {strides = array<i32>} : memref<53248xf32, #tpu.memory_space<vmem>>, vector<16xf32>,
        %max3A_2149 = arith.maximumf %scan3A_2107, %get3A_2148 : vector<16xf32>
        %add3A_2150 = arith.constant 96 : i32
        %add3A_2151 = arith.addi %mul3A_2119, %add3A_2150 : i32
        %get3A_2152 = arith.index_cast %add3A_2151 : i32 to index
        %get3A_2153 = tpu.vector_load %arg9[%get3A_2152] {strides = array<i32>} : memref<53248xf32, #tpu.memory_space<vmem>>, vector<16xf32>,
        %max3A_2154 = arith.maximumf %scan3A_2108, %get3A_2153 : vector<16xf32>
        %add3A_2155 = arith.constant 112 : i32
        %add3A_2156 = arith.addi %mul3A_2119, %add3A_2155 : i32
        %get3A_2157 = arith.index_cast %add3A_2156 : i32 to index
        %get3A_2158 = tpu.vector_load %arg9[%get3A_2157] {strides = array<i32>} : memref<53248xf32, #tpu.memory_space<vmem>>, vector<16xf32>,
        %max3A_2159 = arith.maximumf %scan3A_2109, %get3A_2158 : vector<16xf32>
        %add3A_2160 = arith.constant 128 : i32
        %add3A_2161 = arith.addi %mul3A_2119, %add3A_2160 : i32
        %get3A_2162 = arith.index_cast %add3A_2161 : i32 to index
        %get3A_2163 = tpu.vector_load %arg9[%get3A_2162] {strides = array<i32>} : memref<53248xf32, #tpu.memory_space<vmem>>, vector<16xf32>,
        %max3A_2164 = arith.maximumf %scan3A_2110, %get3A_2163 : vector<16xf32>
        %add3A_2165 = arith.constant 144 : i32
        %add3A_2166 = arith.addi %mul3A_2119, %add3A_2165 : i32
        %get3A_2167 = arith.index_cast %add3A_2166 : i32 to index
        %get3A_2168 = tpu.vector_load %arg9[%get3A_2167] {strides = array<i32>} : memref<53248xf32, #tpu.memory_space<vmem>>, vector<16xf32>,
        %max3A_2169 = arith.maximumf %scan3A_2111, %get3A_2168 : vector<16xf32>
        %add3A_2170 = arith.constant 160 : i32
        %add3A_2171 = arith.addi %mul3A_2119, %add3A_2170 : i32
        %get3A_2172 = arith.index_cast %add3A_2171 : i32 to index
        %get3A_2173 = tpu.vector_load %arg9[%get3A_2172] {strides = array<i32>} : memref<53248xf32, #tpu.memory_space<vmem>>, vector<16xf32>,
        %max3A_2174 = arith.maximumf %scan3A_2112, %get3A_2173 : vector<16xf32>
        %add3A_2175 = arith.constant 176 : i32
        %add3A_2176 = arith.addi %mul3A_2119, %add3A_2175 : i32
        %get3A_2177 = arith.index_cast %add3A_2176 : i32 to index
        %get3A_2178 = tpu.vector_load %arg9[%get3A_2177] {strides = array<i32>} : memref<53248xf32, #tpu.memory_space<vmem>>, vector<16xf32>,
        %max3A_2179 = arith.maximumf %scan3A_2113, %get3A_2178 : vector<16xf32>
        %add3A_2180 = arith.constant 192 : i32
        %add3A_2181 = arith.addi %mul3A_2119, %add3A_2180 : i32
        %get3A_2182 = arith.index_cast %add3A_2181 : i32 to index
        %get3A_2183 = tpu.vector_load %arg9[%get3A_2182] {strides = array<i32>} : memref<53248xf32, #tpu.memory_space<vmem>>, vector<16xf32>,
        %max3A_2184 = arith.maximumf %scan3A_2114, %get3A_2183 : vector<16xf32>
        %add3A_2185 = arith.constant 208 : i32
        %add3A_2186 = arith.addi %mul3A_2119, %add3A_2185 : i32
        %get3A_2187 = arith.index_cast %add3A_2186 : i32 to index
        %get3A_2188 = tpu.vector_load %arg9[%get3A_2187] {strides = array<i32>} : memref<53248xf32, #tpu.memory_space<vmem>>, vector<16xf32>,
        %max3A_2189 = arith.maximumf %scan3A_2115, %get3A_2188 : vector<16xf32>
        %add3A_2190 = arith.constant 224 : i32
        %add3A_2191 = arith.addi %mul3A_2119, %add3A_2190 : i32
        %get3A_2192 = arith.index_cast %add3A_2191 : i32 to index
        %get3A_2193 = tpu.vector_load %arg9[%get3A_2192] {strides = array<i32>} : memref<53248xf32, #tpu.memory_space<vmem>>, vector<16xf32>,
        %max3A_2194 = arith.maximumf %scan3A_2116, %get3A_2193 : vector<16xf32>
        %add3A_2195 = arith.constant 240 : i32
        %add3A_2196 = arith.addi %mul3A_2119, %add3A_2195 : i32
        %get3A_2197 = arith.index_cast %add3A_2196 : i32 to index
        %get3A_2198 = tpu.vector_load %arg9[%get3A_2197] {strides = array<i32>} : memref<53248xf32, #tpu.memory_space<vmem>>, vector<16xf32>,
        %max3A_2199 = arith.maximumf %scan3A_2117, %get3A_2198 : vector<16xf32>
        scf.yield %max3A_2124, %max3A_2129, %max3A_2134, %max3A_2139, %max3A_2144, %max3A_2149, %max3A_2154, %max3A_2159, %max3A_2164, %max3A_2169, %max3A_2174, %max3A_2179, %max3A_2184, %max3A_2189, %max3A_2194, %max3A_2199 : vector<16xf32>, vector<16xf32>, vector<16xf32>, vector<16xf32>, vector<16xf32>, vector<16xf32>, vector<16xf32>, vector<16xf32>, vector<16xf32>, vector<16xf32>, vector<16xf32>, vector<16xf32>, vector<16xf32>, vector<16xf32>, vector<16xf32>, vector<16xf32>
      }
      %scan3A_785 = arith.constant 208 : i32
      %add3A_786 = arith.constant 0 : i32
      %add3A_787 = vector.broadcast %add3A_786 : i32 to vector<16xi32>
      %add3A_788 = arith.addi %iota3A, %add3A_787 : vector<16xi32>
      %masked_sort3A = arith.constant dense<true> : vector<16xi1>
      %masked_sort3A_789, %masked_sort3A_790, %masked_sort3A_791 = tpu.sort %scan3A_784#0, %add3A_788 masked %masked_sort3A {descending = true} : (vector<16xf32>, vector<16xi32>, vector<16xi1>) -> (vector<16xi1>, vector<16xf32>, vector<16xi32>)
      %rev3A = arith.constant 15 : i32
      %rev3A_792 = vector.broadcast %rev3A : i32 to vector<16xi32>
      %rev3A_793 = tpu.iota {dimensions = array<i32: 0>} : vector<16xi32>
      %rev3A_794 = arith.subi %rev3A_792, %rev3A_793 : vector<16xi32>
      %rev3A_795 = tpu.dynamic_gather %masked_sort3A_790[%rev3A_794] in [0] : vector<16xf32>, vector<16xi32> -> vector<16xf32>
      %rev3A_796 = arith.constant 15 : i32
      %rev3A_797 = vector.broadcast %rev3A_796 : i32 to vector<16xi32>
      %rev3A_798 = tpu.iota {dimensions = array<i32: 0>} : vector<16xi32>
      %rev3A_799 = arith.subi %rev3A_797, %rev3A_798 : vector<16xi32>
      %rev3A_800 = tpu.dynamic_gather %masked_sort3A_791[%rev3A_799] in [0] : vector<16xi32>, vector<16xi32> -> vector<16xi32>
      %ge3A = arith.cmpf oge, %broadcast_in_dim3A_1, %rev3A_795 : vector<16xf32>
      %select_n3A = arith.select %ge3A, %broadcast_in_dim3A_1, %rev3A_795 : vector<16xi1>, vector<16xf32>
      %select_n3A_801 = arith.select %ge3A, %broadcast_in_dim3A_3, %rev3A_800 : vector<16xi1>, vector<16xi32>
      %masked_sort3A_802 = arith.constant dense<true> : vector<16xi1>
      %masked_sort3A_803, %masked_sort3A_804, %masked_sort3A_805 = tpu.sort %select_n3A, %select_n3A_801 masked %masked_sort3A_802 {descending = true} : (vector<16xf32>, vector<16xi32>, vector<16xi1>) -> (vector<16xi1>, vector<16xf32>, vector<16xi32>)
      %add3A_806 = arith.constant 16 : i32
      %add3A_807 = vector.broadcast %add3A_806 : i32 to vector<16xi32>
      %add3A_808 = arith.addi %iota3A, %add3A_807 : vector<16xi32>
      %masked_sort3A_809 = arith.constant dense<true> : vector<16xi1>
      %masked_sort3A_810, %masked_sort3A_811, %masked_sort3A_812 = tpu.sort %scan3A_784#1, %add3A_808 masked %masked_sort3A_809 {descending = true} : (vector<16xf32>, vector<16xi32>, vector<16xi1>) -> (vector<16xi1>, vector<16xf32>, vector<16xi32>)
      %rev3A_813 = arith.constant 15 : i32
      %rev3A_814 = vector.broadcast %rev3A_813 : i32 to vector<16xi32>
      %rev3A_815 = tpu.iota {dimensions = array<i32: 0>} : vector<16xi32>
      %rev3A_816 = arith.subi %rev3A_814, %rev3A_815 : vector<16xi32>
      %rev3A_817 = tpu.dynamic_gather %masked_sort3A_811[%rev3A_816] in [0] : vector<16xf32>, vector<16xi32> -> vector<16xf32>
      %rev3A_818 = arith.constant 15 : i32
      %rev3A_819 = vector.broadcast %rev3A_818 : i32 to vector<16xi32>
      %rev3A_820 = tpu.iota {dimensions = array<i32: 0>} : vector<16xi32>
      %rev3A_821 = arith.subi %rev3A_819, %rev3A_820 : vector<16xi32>
      %rev3A_822 = tpu.dynamic_gather %masked_sort3A_812[%rev3A_821] in [0] : vector<16xi32>, vector<16xi32> -> vector<16xi32>
      %ge3A_823 = arith.cmpf oge, %masked_sort3A_804, %rev3A_817 : vector<16xf32>
      %select_n3A_824 = arith.select %ge3A_823, %masked_sort3A_804, %rev3A_817 : vector<16xi1>, vector<16xf32>
      %select_n3A_825 = arith.select %ge3A_823, %masked_sort3A_805, %rev3A_822 : vector<16xi1>, vector<16xi32>
      %masked_sort3A_826 = arith.constant dense<true> : vector<16xi1>
      %masked_sort3A_827, %masked_sort3A_828, %masked_sort3A_829 = tpu.sort %select_n3A_824, %select_n3A_825 masked %masked_sort3A_826 {descending = true} : (vector<16xf32>, vector<16xi32>, vector<16xi1>) -> (vector<16xi1>, vector<16xf32>, vector<16xi32>)
      %add3A_830 = arith.constant 32 : i32
      %add3A_831 = vector.broadcast %add3A_830 : i32 to vector<16xi32>
      %add3A_832 = arith.addi %iota3A, %add3A_831 : vector<16xi32>
      %masked_sort3A_833 = arith.constant dense<true> : vector<16xi1>
      %masked_sort3A_834, %masked_sort3A_835, %masked_sort3A_836 = tpu.sort %scan3A_784#2, %add3A_832 masked %masked_sort3A_833 {descending = true} : (vector<16xf32>, vector<16xi32>, vector<16xi1>) -> (vector<16xi1>, vector<16xf32>, vector<16xi32>)
      %rev3A_837 = arith.constant 15 : i32
      %rev3A_838 = vector.broadcast %rev3A_837 : i32 to vector<16xi32>
      %rev3A_839 = tpu.iota {dimensions = array<i32: 0>} : vector<16xi32>
      %rev3A_840 = arith.subi %rev3A_838, %rev3A_839 : vector<16xi32>
      %rev3A_841 = tpu.dynamic_gather %masked_sort3A_835[%rev3A_840] in [0] : vector<16xf32>, vector<16xi32> -> vector<16xf32>
      %rev3A_842 = arith.constant 15 : i32
      %rev3A_843 = vector.broadcast %rev3A_842 : i32 to vector<16xi32>
      %rev3A_844 = tpu.iota {dimensions = array<i32: 0>} : vector<16xi32>
      %rev3A_845 = arith.subi %rev3A_843, %rev3A_844 : vector<16xi32>
      %rev3A_846 = tpu.dynamic_gather %masked_sort3A_836[%rev3A_845] in [0] : vector<16xi32>, vector<16xi32> -> vector<16xi32>
      %ge3A_847 = arith.cmpf oge, %masked_sort3A_828, %rev3A_841 : vector<16xf32>
      %select_n3A_848 = arith.select %ge3A_847, %masked_sort3A_828, %rev3A_841 : vector<16xi1>, vector<16xf32>
      %select_n3A_849 = arith.select %ge3A_847, %masked_sort3A_829, %rev3A_846 : vector<16xi1>, vector<16xi32>
      %masked_sort3A_850 = arith.constant dense<true> : vector<16xi1>
      %masked_sort3A_851, %masked_sort3A_852, %masked_sort3A_853 = tpu.sort %select_n3A_848, %select_n3A_849 masked %masked_sort3A_850 {descending = true} : (vector<16xf32>, vector<16xi32>, vector<16xi1>) -> (vector<16xi1>, vector<16xf32>, vector<16xi32>)
      %add3A_854 = arith.constant 48 : i32
      %add3A_855 = vector.broadcast %add3A_854 : i32 to vector<16xi32>
      %add3A_856 = arith.addi %iota3A, %add3A_855 : vector<16xi32>
      %masked_sort3A_857 = arith.constant dense<true> : vector<16xi1>
      %masked_sort3A_858, %masked_sort3A_859, %masked_sort3A_860 = tpu.sort %scan3A_784#3, %add3A_856 masked %masked_sort3A_857 {descending = true} : (vector<16xf32>, vector<16xi32>, vector<16xi1>) -> (vector<16xi1>, vector<16xf32>, vector<16xi32>)
      %rev3A_861 = arith.constant 15 : i32
      %rev3A_862 = vector.broadcast %rev3A_861 : i32 to vector<16xi32>
      %rev3A_863 = tpu.iota {dimensions = array<i32: 0>} : vector<16xi32>
      %rev3A_864 = arith.subi %rev3A_862, %rev3A_863 : vector<16xi32>
      %rev3A_865 = tpu.dynamic_gather %masked_sort3A_859[%rev3A_864] in [0] : vector<16xf32>, vector<16xi32> -> vector<16xf32>
      %rev3A_866 = arith.constant 15 : i32
      %rev3A_867 = vector.broadcast %rev3A_866 : i32 to vector<16xi32>
      %rev3A_868 = tpu.iota {dimensions = array<i32: 0>} : vector<16xi32>
      %rev3A_869 = arith.subi %rev3A_867, %rev3A_868 : vector<16xi32>
      %rev3A_870 = tpu.dynamic_gather %masked_sort3A_860[%rev3A_869] in [0] : vector<16xi32>, vector<16xi32> -> vector<16xi32>
      %ge3A_871 = arith.cmpf oge, %masked_sort3A_852, %rev3A_865 : vector<16xf32>
      %select_n3A_872 = arith.select %ge3A_871, %masked_sort3A_852, %rev3A_865 : vector<16xi1>, vector<16xf32>
      %select_n3A_873 = arith.select %ge3A_871, %masked_sort3A_853, %rev3A_870 : vector<16xi1>, vector<16xi32>
      %masked_sort3A_874 = arith.constant dense<true> : vector<16xi1>
      %masked_sort3A_875, %masked_sort3A_876, %masked_sort3A_877 = tpu.sort %select_n3A_872, %select_n3A_873 masked %masked_sort3A_874 {descending = true} : (vector<16xf32>, vector<16xi32>, vector<16xi1>) -> (vector<16xi1>, vector<16xf32>, vector<16xi32>)
      %add3A_878 = arith.constant 64 : i32
      %add3A_879 = vector.broadcast %add3A_878 : i32 to vector<16xi32>
      %add3A_880 = arith.addi %iota3A, %add3A_879 : vector<16xi32>
      %masked_sort3A_881 = arith.constant dense<true> : vector<16xi1>
      %masked_sort3A_882, %masked_sort3A_883, %masked_sort3A_884 = tpu.sort %scan3A_784#4, %add3A_880 masked %masked_sort3A_881 {descending = true} : (vector<16xf32>, vector<16xi32>, vector<16xi1>) -> (vector<16xi1>, vector<16xf32>, vector<16xi32>)
      %rev3A_885 = arith.constant 15 : i32
      %rev3A_886 = vector.broadcast %rev3A_885 : i32 to vector<16xi32>
      %rev3A_887 = tpu.iota {dimensions = array<i32: 0>} : vector<16xi32>
      %rev3A_888 = arith.subi %rev3A_886, %rev3A_887 : vector<16xi32>
      %rev3A_889 = tpu.dynamic_gather %masked_sort3A_883[%rev3A_888] in [0] : vector<16xf32>, vector<16xi32> -> vector<16xf32>
      %rev3A_890 = arith.constant 15 : i32
      %rev3A_891 = vector.broadcast %rev3A_890 : i32 to vector<16xi32>
      %rev3A_892 = tpu.iota {dimensions = array<i32: 0>} : vector<16xi32>
      %rev3A_893 = arith.subi %rev3A_891, %rev3A_892 : vector<16xi32>
      %rev3A_894 = tpu.dynamic_gather %masked_sort3A_884[%rev3A_893] in [0] : vector<16xi32>, vector<16xi32> -> vector<16xi32>
      %ge3A_895 = arith.cmpf oge, %masked_sort3A_876, %rev3A_889 : vector<16xf32>
      %select_n3A_896 = arith.select %ge3A_895, %masked_sort3A_876, %rev3A_889 : vector<16xi1>, vector<16xf32>
      %select_n3A_897 = arith.select %ge3A_895, %masked_sort3A_877, %rev3A_894 : vector<16xi1>, vector<16xi32>
      %masked_sort3A_898 = arith.constant dense<true> : vector<16xi1>
      %masked_sort3A_899, %masked_sort3A_900, %masked_sort3A_901 = tpu.sort %select_n3A_896, %select_n3A_897 masked %masked_sort3A_898 {descending = true} : (vector<16xf32>, vector<16xi32>, vector<16xi1>) -> (vector<16xi1>, vector<16xf32>, vector<16xi32>)
      %add3A_902 = arith.constant 80 : i32
      %add3A_903 = vector.broadcast %add3A_902 : i32 to vector<16xi32>
      %add3A_904 = arith.addi %iota3A, %add3A_903 : vector<16xi32>
      %masked_sort3A_905 = arith.constant dense<true> : vector<16xi1>
      %masked_sort3A_906, %masked_sort3A_907, %masked_sort3A_908 = tpu.sort %scan3A_784#5, %add3A_904 masked %masked_sort3A_905 {descending = true} : (vector<16xf32>, vector<16xi32>, vector<16xi1>) -> (vector<16xi1>, vector<16xf32>, vector<16xi32>)
      %rev3A_909 = arith.constant 15 : i32
      %rev3A_910 = vector.broadcast %rev3A_909 : i32 to vector<16xi32>
      %rev3A_911 = tpu.iota {dimensions = array<i32: 0>} : vector<16xi32>
      %rev3A_912 = arith.subi %rev3A_910, %rev3A_911 : vector<16xi32>
      %rev3A_913 = tpu.dynamic_gather %masked_sort3A_907[%rev3A_912] in [0] : vector<16xf32>, vector<16xi32> -> vector<16xf32>
      %rev3A_914 = arith.constant 15 : i32
      %rev3A_915 = vector.broadcast %rev3A_914 : i32 to vector<16xi32>
      %rev3A_916 = tpu.iota {dimensions = array<i32: 0>} : vector<16xi32>
      %rev3A_917 = arith.subi %rev3A_915, %rev3A_916 : vector<16xi32>
      %rev3A_918 = tpu.dynamic_gather %masked_sort3A_908[%rev3A_917] in [0] : vector<16xi32>, vector<16xi32> -> vector<16xi32>
      %ge3A_919 = arith.cmpf oge, %masked_sort3A_900, %rev3A_913 : vector<16xf32>
      %select_n3A_920 = arith.select %ge3A_919, %masked_sort3A_900, %rev3A_913 : vector<16xi1>, vector<16xf32>
      %select_n3A_921 = arith.select %ge3A_919, %masked_sort3A_901, %rev3A_918 : vector<16xi1>, vector<16xi32>
      %masked_sort3A_922 = arith.constant dense<true> : vector<16xi1>
      %masked_sort3A_923, %masked_sort3A_924, %masked_sort3A_925 = tpu.sort %select_n3A_920, %select_n3A_921 masked %masked_sort3A_922 {descending = true} : (vector<16xf32>, vector<16xi32>, vector<16xi1>) -> (vector<16xi1>, vector<16xf32>, vector<16xi32>)
      %add3A_926 = arith.constant 96 : i32
      %add3A_927 = vector.broadcast %add3A_926 : i32 to vector<16xi32>
      %add3A_928 = arith.addi %iota3A, %add3A_927 : vector<16xi32>
      %masked_sort3A_929 = arith.constant dense<true> : vector<16xi1>
      %masked_sort3A_930, %masked_sort3A_931, %masked_sort3A_932 = tpu.sort %scan3A_784#6, %add3A_928 masked %masked_sort3A_929 {descending = true} : (vector<16xf32>, vector<16xi32>, vector<16xi1>) -> (vector<16xi1>, vector<16xf32>, vector<16xi32>)
      %rev3A_933 = arith.constant 15 : i32
      %rev3A_934 = vector.broadcast %rev3A_933 : i32 to vector<16xi32>
      %rev3A_935 = tpu.iota {dimensions = array<i32: 0>} : vector<16xi32>
      %rev3A_936 = arith.subi %rev3A_934, %rev3A_935 : vector<16xi32>
      %rev3A_937 = tpu.dynamic_gather %masked_sort3A_931[%rev3A_936] in [0] : vector<16xf32>, vector<16xi32> -> vector<16xf32>
      %rev3A_938 = arith.constant 15 : i32
      %rev3A_939 = vector.broadcast %rev3A_938 : i32 to vector<16xi32>
      %rev3A_940 = tpu.iota {dimensions = array<i32: 0>} : vector<16xi32>
      %rev3A_941 = arith.subi %rev3A_939, %rev3A_940 : vector<16xi32>
      %rev3A_942 = tpu.dynamic_gather %masked_sort3A_932[%rev3A_941] in [0] : vector<16xi32>, vector<16xi32> -> vector<16xi32>
      %ge3A_943 = arith.cmpf oge, %masked_sort3A_924, %rev3A_937 : vector<16xf32>
      %select_n3A_944 = arith.select %ge3A_943, %masked_sort3A_924, %rev3A_937 : vector<16xi1>, vector<16xf32>
      %select_n3A_945 = arith.select %ge3A_943, %masked_sort3A_925, %rev3A_942 : vector<16xi1>, vector<16xi32>
      %masked_sort3A_946 = arith.constant dense<true> : vector<16xi1>
      %masked_sort3A_947, %masked_sort3A_948, %masked_sort3A_949 = tpu.sort %select_n3A_944, %select_n3A_945 masked %masked_sort3A_946 {descending = true} : (vector<16xf32>, vector<16xi32>, vector<16xi1>) -> (vector<16xi1>, vector<16xf32>, vector<16xi32>)
      %add3A_950 = arith.constant 112 : i32
      %add3A_951 = vector.broadcast %add3A_950 : i32 to vector<16xi32>
      %add3A_952 = arith.addi %iota3A, %add3A_951 : vector<16xi32>
      %masked_sort3A_953 = arith.constant dense<true> : vector<16xi1>
      %masked_sort3A_954, %masked_sort3A_955, %masked_sort3A_956 = tpu.sort %scan3A_784#7, %add3A_952 masked %masked_sort3A_953 {descending = true} : (vector<16xf32>, vector<16xi32>, vector<16xi1>) -> (vector<16xi1>, vector<16xf32>, vector<16xi32>)
      %rev3A_957 = arith.constant 15 : i32
      %rev3A_958 = vector.broadcast %rev3A_957 : i32 to vector<16xi32>
      %rev3A_959 = tpu.iota {dimensions = array<i32: 0>} : vector<16xi32>
      %rev3A_960 = arith.subi %rev3A_958, %rev3A_959 : vector<16xi32>
      %rev3A_961 = tpu.dynamic_gather %masked_sort3A_955[%rev3A_960] in [0] : vector<16xf32>, vector<16xi32> -> vector<16xf32>
      %rev3A_962 = arith.constant 15 : i32
      %rev3A_963 = vector.broadcast %rev3A_962 : i32 to vector<16xi32>
      %rev3A_964 = tpu.iota {dimensions = array<i32: 0>} : vector<16xi32>
      %rev3A_965 = arith.subi %rev3A_963, %rev3A_964 : vector<16xi32>
      %rev3A_966 = tpu.dynamic_gather %masked_sort3A_956[%rev3A_965] in [0] : vector<16xi32>, vector<16xi32> -> vector<16xi32>
      %ge3A_967 = arith.cmpf oge, %masked_sort3A_948, %rev3A_961 : vector<16xf32>
      %select_n3A_968 = arith.select %ge3A_967, %masked_sort3A_948, %rev3A_961 : vector<16xi1>, vector<16xf32>
      %select_n3A_969 = arith.select %ge3A_967, %masked_sort3A_949, %rev3A_966 : vector<16xi1>, vector<16xi32>
      %masked_sort3A_970 = arith.constant dense<true> : vector<16xi1>
      %masked_sort3A_971, %masked_sort3A_972, %masked_sort3A_973 = tpu.sort %select_n3A_968, %select_n3A_969 masked %masked_sort3A_970 {descending = true} : (vector<16xf32>, vector<16xi32>, vector<16xi1>) -> (vector<16xi1>, vector<16xf32>, vector<16xi32>)
      %add3A_974 = arith.constant 128 : i32
      %add3A_975 = vector.broadcast %add3A_974 : i32 to vector<16xi32>
      %add3A_976 = arith.addi %iota3A, %add3A_975 : vector<16xi32>
      %masked_sort3A_977 = arith.constant dense<true> : vector<16xi1>
      %masked_sort3A_978, %masked_sort3A_979, %masked_sort3A_980 = tpu.sort %scan3A_784#8, %add3A_976 masked %masked_sort3A_977 {descending = true} : (vector<16xf32>, vector<16xi32>, vector<16xi1>) -> (vector<16xi1>, vector<16xf32>, vector<16xi32>)
      %rev3A_981 = arith.constant 15 : i32
      %rev3A_982 = vector.broadcast %rev3A_981 : i32 to vector<16xi32>
      %rev3A_983 = tpu.iota {dimensions = array<i32: 0>} : vector<16xi32>
      %rev3A_984 = arith.subi %rev3A_982, %rev3A_983 : vector<16xi32>
      %rev3A_985 = tpu.dynamic_gather %masked_sort3A_979[%rev3A_984] in [0] : vector<16xf32>, vector<16xi32> -> vector<16xf32>
      %rev3A_986 = arith.constant 15 : i32
      %rev3A_987 = vector.broadcast %rev3A_986 : i32 to vector<16xi32>
      %rev3A_988 = tpu.iota {dimensions = array<i32: 0>} : vector<16xi32>
      %rev3A_989 = arith.subi %rev3A_987, %rev3A_988 : vector<16xi32>
      %rev3A_990 = tpu.dynamic_gather %masked_sort3A_980[%rev3A_989] in [0] : vector<16xi32>, vector<16xi32> -> vector<16xi32>
      %ge3A_991 = arith.cmpf oge, %masked_sort3A_972, %rev3A_985 : vector<16xf32>
      %select_n3A_992 = arith.select %ge3A_991, %masked_sort3A_972, %rev3A_985 : vector<16xi1>, vector<16xf32>
      %select_n3A_993 = arith.select %ge3A_991, %masked_sort3A_973, %rev3A_990 : vector<16xi1>, vector<16xi32>
      %masked_sort3A_994 = arith.constant dense<true> : vector<16xi1>
      %masked_sort3A_995, %masked_sort3A_996, %masked_sort3A_997 = tpu.sort %select_n3A_992, %select_n3A_993 masked %masked_sort3A_994 {descending = true} : (vector<16xf32>, vector<16xi32>, vector<16xi1>) -> (vector<16xi1>, vector<16xf32>, vector<16xi32>)
      %add3A_998 = arith.constant 144 : i32
      %add3A_999 = vector.broadcast %add3A_998 : i32 to vector<16xi32>
      %add3A_1000 = arith.addi %iota3A, %add3A_999 : vector<16xi32>
      %masked_sort3A_1001 = arith.constant dense<true> : vector<16xi1>
      %masked_sort3A_1002, %masked_sort3A_1003, %masked_sort3A_1004 = tpu.sort %scan3A_784#9, %add3A_1000 masked %masked_sort3A_1001 {descending = true} : (vector<16xf32>, vector<16xi32>, vector<16xi1>) -> (vector<16xi1>, vector<16xf32>, vector<16xi32>)
      %rev3A_1005 = arith.constant 15 : i32
      %rev3A_1006 = vector.broadcast %rev3A_1005 : i32 to vector<16xi32>
      %rev3A_1007 = tpu.iota {dimensions = array<i32: 0>} : vector<16xi32>
      %rev3A_1008 = arith.subi %rev3A_1006, %rev3A_1007 : vector<16xi32>
      %rev3A_1009 = tpu.dynamic_gather %masked_sort3A_1003[%rev3A_1008] in [0] : vector<16xf32>, vector<16xi32> -> vector<16xf32>
      %rev3A_1010 = arith.constant 15 : i32
      %rev3A_1011 = vector.broadcast %rev3A_1010 : i32 to vector<16xi32>
      %rev3A_1012 = tpu.iota {dimensions = array<i32: 0>} : vector<16xi32>
      %rev3A_1013 = arith.subi %rev3A_1011, %rev3A_1012 : vector<16xi32>
      %rev3A_1014 = tpu.dynamic_gather %masked_sort3A_1004[%rev3A_1013] in [0] : vector<16xi32>, vector<16xi32> -> vector<16xi32>
      %ge3A_1015 = arith.cmpf oge, %masked_sort3A_996, %rev3A_1009 : vector<16xf32>
      %select_n3A_1016 = arith.select %ge3A_1015, %masked_sort3A_996, %rev3A_1009 : vector<16xi1>, vector<16xf32>
      %select_n3A_1017 = arith.select %ge3A_1015, %masked_sort3A_997, %rev3A_1014 : vector<16xi1>, vector<16xi32>
      %masked_sort3A_1018 = arith.constant dense<true> : vector<16xi1>
      %masked_sort3A_1019, %masked_sort3A_1020, %masked_sort3A_1021 = tpu.sort %select_n3A_1016, %select_n3A_1017 masked %masked_sort3A_1018 {descending = true} : (vector<16xf32>, vector<16xi32>, vector<16xi1>) -> (vector<16xi1>, vector<16xf32>, vector<16xi32>)
      %add3A_1022 = arith.constant 160 : i32
      %add3A_1023 = vector.broadcast %add3A_1022 : i32 to vector<16xi32>
      %add3A_1024 = arith.addi %iota3A, %add3A_1023 : vector<16xi32>
      %masked_sort3A_1025 = arith.constant dense<true> : vector<16xi1>
      %masked_sort3A_1026, %masked_sort3A_1027, %masked_sort3A_1028 = tpu.sort %scan3A_784#10, %add3A_1024 masked %masked_sort3A_1025 {descending = true} : (vector<16xf32>, vector<16xi32>, vector<16xi1>) -> (vector<16xi1>, vector<16xf32>, vector<16xi32>)
      %rev3A_1029 = arith.constant 15 : i32
      %rev3A_1030 = vector.broadcast %rev3A_1029 : i32 to vector<16xi32>
      %rev3A_1031 = tpu.iota {dimensions = array<i32: 0>} : vector<16xi32>
      %rev3A_1032 = arith.subi %rev3A_1030, %rev3A_1031 : vector<16xi32>
      %rev3A_1033 = tpu.dynamic_gather %masked_sort3A_1027[%rev3A_1032] in [0] : vector<16xf32>, vector<16xi32> -> vector<16xf32>
      %rev3A_1034 = arith.constant 15 : i32
      %rev3A_1035 = vector.broadcast %rev3A_1034 : i32 to vector<16xi32>
      %rev3A_1036 = tpu.iota {dimensions = array<i32: 0>} : vector<16xi32>
      %rev3A_1037 = arith.subi %rev3A_1035, %rev3A_1036 : vector<16xi32>
      %rev3A_1038 = tpu.dynamic_gather %masked_sort3A_1028[%rev3A_1037] in [0] : vector<16xi32>, vector<16xi32> -> vector<16xi32>
      %ge3A_1039 = arith.cmpf oge, %masked_sort3A_1020, %rev3A_1033 : vector<16xf32>
      %select_n3A_1040 = arith.select %ge3A_1039, %masked_sort3A_1020, %rev3A_1033 : vector<16xi1>, vector<16xf32>
      %select_n3A_1041 = arith.select %ge3A_1039, %masked_sort3A_1021, %rev3A_1038 : vector<16xi1>, vector<16xi32>
      %masked_sort3A_1042 = arith.constant dense<true> : vector<16xi1>
      %masked_sort3A_1043, %masked_sort3A_1044, %masked_sort3A_1045 = tpu.sort %select_n3A_1040, %select_n3A_1041 masked %masked_sort3A_1042 {descending = true} : (vector<16xf32>, vector<16xi32>, vector<16xi1>) -> (vector<16xi1>, vector<16xf32>, vector<16xi32>)
      %add3A_1046 = arith.constant 176 : i32
      %add3A_1047 = vector.broadcast %add3A_1046 : i32 to vector<16xi32>
      %add3A_1048 = arith.addi %iota3A, %add3A_1047 : vector<16xi32>
      %masked_sort3A_1049 = arith.constant dense<true> : vector<16xi1>
      %masked_sort3A_1050, %masked_sort3A_1051, %masked_sort3A_1052 = tpu.sort %scan3A_784#11, %add3A_1048 masked %masked_sort3A_1049 {descending = true} : (vector<16xf32>, vector<16xi32>, vector<16xi1>) -> (vector<16xi1>, vector<16xf32>, vector<16xi32>)
      %rev3A_1053 = arith.constant 15 : i32
      %rev3A_1054 = vector.broadcast %rev3A_1053 : i32 to vector<16xi32>
      %rev3A_1055 = tpu.iota {dimensions = array<i32: 0>} : vector<16xi32>
      %rev3A_1056 = arith.subi %rev3A_1054, %rev3A_1055 : vector<16xi32>
      %rev3A_1057 = tpu.dynamic_gather %masked_sort3A_1051[%rev3A_1056] in [0] : vector<16xf32>, vector<16xi32> -> vector<16xf32>
      %rev3A_1058 = arith.constant 15 : i32
      %rev3A_1059 = vector.broadcast %rev3A_1058 : i32 to vector<16xi32>
      %rev3A_1060 = tpu.iota {dimensions = array<i32: 0>} : vector<16xi32>
      %rev3A_1061 = arith.subi %rev3A_1059, %rev3A_1060 : vector<16xi32>
      %rev3A_1062 = tpu.dynamic_gather %masked_sort3A_1052[%rev3A_1061] in [0] : vector<16xi32>, vector<16xi32> -> vector<16xi32>
      %ge3A_1063 = arith.cmpf oge, %masked_sort3A_1044, %rev3A_1057 : vector<16xf32>
      %select_n3A_1064 = arith.select %ge3A_1063, %masked_sort3A_1044, %rev3A_1057 : vector<16xi1>, vector<16xf32>
      %select_n3A_1065 = arith.select %ge3A_1063, %masked_sort3A_1045, %rev3A_1062 : vector<16xi1>, vector<16xi32>
      %masked_sort3A_1066 = arith.constant dense<true> : vector<16xi1>
      %masked_sort3A_1067, %masked_sort3A_1068, %masked_sort3A_1069 = tpu.sort %select_n3A_1064, %select_n3A_1065 masked %masked_sort3A_1066 {descending = true} : (vector<16xf32>, vector<16xi32>, vector<16xi1>) -> (vector<16xi1>, vector<16xf32>, vector<16xi32>)
      %add3A_1070 = arith.constant 192 : i32
      %add3A_1071 = vector.broadcast %add3A_1070 : i32 to vector<16xi32>
      %add3A_1072 = arith.addi %iota3A, %add3A_1071 : vector<16xi32>
      %masked_sort3A_1073 = arith.constant dense<true> : vector<16xi1>
      %masked_sort3A_1074, %masked_sort3A_1075, %masked_sort3A_1076 = tpu.sort %scan3A_784#12, %add3A_1072 masked %masked_sort3A_1073 {descending = true} : (vector<16xf32>, vector<16xi32>, vector<16xi1>) -> (vector<16xi1>, vector<16xf32>, vector<16xi32>)
      %rev3A_1077 = arith.constant 15 : i32
      %rev3A_1078 = vector.broadcast %rev3A_1077 : i32 to vector<16xi32>
      %rev3A_1079 = tpu.iota {dimensions = array<i32: 0>} : vector<16xi32>
      %rev3A_1080 = arith.subi %rev3A_1078, %rev3A_1079 : vector<16xi32>
      %rev3A_1081 = tpu.dynamic_gather %masked_sort3A_1075[%rev3A_1080] in [0] : vector<16xf32>, vector<16xi32> -> vector<16xf32>
      %rev3A_1082 = arith.constant 15 : i32
      %rev3A_1083 = vector.broadcast %rev3A_1082 : i32 to vector<16xi32>
      %rev3A_1084 = tpu.iota {dimensions = array<i32: 0>} : vector<16xi32>
      %rev3A_1085 = arith.subi %rev3A_1083, %rev3A_1084 : vector<16xi32>
      %rev3A_1086 = tpu.dynamic_gather %masked_sort3A_1076[%rev3A_1085] in [0] : vector<16xi32>, vector<16xi32> -> vector<16xi32>
      %ge3A_1087 = arith.cmpf oge, %masked_sort3A_1068, %rev3A_1081 : vector<16xf32>
      %select_n3A_1088 = arith.select %ge3A_1087, %masked_sort3A_1068, %rev3A_1081 : vector<16xi1>, vector<16xf32>
      %select_n3A_1089 = arith.select %ge3A_1087, %masked_sort3A_1069, %rev3A_1086 : vector<16xi1>, vector<16xi32>
      %masked_sort3A_1090 = arith.constant dense<true> : vector<16xi1>
      %masked_sort3A_1091, %masked_sort3A_1092, %masked_sort3A_1093 = tpu.sort %select_n3A_1088, %select_n3A_1089 masked %masked_sort3A_1090 {descending = true} : (vector<16xf32>, vector<16xi32>, vector<16xi1>) -> (vector<16xi1>, vector<16xf32>, vector<16xi32>)
      %add3A_1094 = arith.constant 208 : i32
      %add3A_1095 = vector.broadcast %add3A_1094 : i32 to vector<16xi32>
      %add3A_1096 = arith.addi %iota3A, %add3A_1095 : vector<16xi32>
      %masked_sort3A_1097 = arith.constant dense<true> : vector<16xi1>
      %masked_sort3A_1098, %masked_sort3A_1099, %masked_sort3A_1100 = tpu.sort %scan3A_784#13, %add3A_1096 masked %masked_sort3A_1097 {descending = true} : (vector<16xf32>, vector<16xi32>, vector<16xi1>) -> (vector<16xi1>, vector<16xf32>, vector<16xi32>)
      %rev3A_1101 = arith.constant 15 : i32
      %rev3A_1102 = vector.broadcast %rev3A_1101 : i32 to vector<16xi32>
      %rev3A_1103 = tpu.iota {dimensions = array<i32: 0>} : vector<16xi32>
      %rev3A_1104 = arith.subi %rev3A_1102, %rev3A_1103 : vector<16xi32>
      %rev3A_1105 = tpu.dynamic_gather %masked_sort3A_1099[%rev3A_1104] in [0] : vector<16xf32>, vector<16xi32> -> vector<16xf32>
      %rev3A_1106 = arith.constant 15 : i32
      %rev3A_1107 = vector.broadcast %rev3A_1106 : i32 to vector<16xi32>
      %rev3A_1108 = tpu.iota {dimensions = array<i32: 0>} : vector<16xi32>
      %rev3A_1109 = arith.subi %rev3A_1107, %rev3A_1108 : vector<16xi32>
      %rev3A_1110 = tpu.dynamic_gather %masked_sort3A_1100[%rev3A_1109] in [0] : vector<16xi32>, vector<16xi32> -> vector<16xi32>
      %ge3A_1111 = arith.cmpf oge, %masked_sort3A_1092, %rev3A_1105 : vector<16xf32>
      %select_n3A_1112 = arith.select %ge3A_1111, %masked_sort3A_1092, %rev3A_1105 : vector<16xi1>, vector<16xf32>
      %select_n3A_1113 = arith.select %ge3A_1111, %masked_sort3A_1093, %rev3A_1110 : vector<16xi1>, vector<16xi32>
      %masked_sort3A_1114 = arith.constant dense<true> : vector<16xi1>
      %masked_sort3A_1115, %masked_sort3A_1116, %masked_sort3A_1117 = tpu.sort %select_n3A_1112, %select_n3A_1113 masked %masked_sort3A_1114 {descending = true} : (vector<16xf32>, vector<16xi32>, vector<16xi1>) -> (vector<16xi1>, vector<16xf32>, vector<16xi32>)
      %add3A_1118 = arith.constant 224 : i32
      %add3A_1119 = vector.broadcast %add3A_1118 : i32 to vector<16xi32>
      %add3A_1120 = arith.addi %iota3A, %add3A_1119 : vector<16xi32>
      %masked_sort3A_1121 = arith.constant dense<true> : vector<16xi1>
      %masked_sort3A_1122, %masked_sort3A_1123, %masked_sort3A_1124 = tpu.sort %scan3A_784#14, %add3A_1120 masked %masked_sort3A_1121 {descending = true} : (vector<16xf32>, vector<16xi32>, vector<16xi1>) -> (vector<16xi1>, vector<16xf32>, vector<16xi32>)
      %rev3A_1125 = arith.constant 15 : i32
      %rev3A_1126 = vector.broadcast %rev3A_1125 : i32 to vector<16xi32>
      %rev3A_1127 = tpu.iota {dimensions = array<i32: 0>} : vector<16xi32>
      %rev3A_1128 = arith.subi %rev3A_1126, %rev3A_1127 : vector<16xi32>
      %rev3A_1129 = tpu.dynamic_gather %masked_sort3A_1123[%rev3A_1128] in [0] : vector<16xf32>, vector<16xi32> -> vector<16xf32>
      %rev3A_1130 = arith.constant 15 : i32
      %rev3A_1131 = vector.broadcast %rev3A_1130 : i32 to vector<16xi32>
      %rev3A_1132 = tpu.iota {dimensions = array<i32: 0>} : vector<16xi32>
      %rev3A_1133 = arith.subi %rev3A_1131, %rev3A_1132 : vector<16xi32>
      %rev3A_1134 = tpu.dynamic_gather %masked_sort3A_1124[%rev3A_1133] in [0] : vector<16xi32>, vector<16xi32> -> vector<16xi32>
      %ge3A_1135 = arith.cmpf oge, %masked_sort3A_1116, %rev3A_1129 : vector<16xf32>
      %select_n3A_1136 = arith.select %ge3A_1135, %masked_sort3A_1116, %rev3A_1129 : vector<16xi1>, vector<16xf32>
      %select_n3A_1137 = arith.select %ge3A_1135, %masked_sort3A_1117, %rev3A_1134 : vector<16xi1>, vector<16xi32>
      %masked_sort3A_1138 = arith.constant dense<true> : vector<16xi1>
      %masked_sort3A_1139, %masked_sort3A_1140, %masked_sort3A_1141 = tpu.sort %select_n3A_1136, %select_n3A_1137 masked %masked_sort3A_1138 {descending = true} : (vector<16xf32>, vector<16xi32>, vector<16xi1>) -> (vector<16xi1>, vector<16xf32>, vector<16xi32>)
      %add3A_1142 = arith.constant 240 : i32
      %add3A_1143 = vector.broadcast %add3A_1142 : i32 to vector<16xi32>
      %add3A_1144 = arith.addi %iota3A, %add3A_1143 : vector<16xi32>
      %masked_sort3A_1145 = arith.constant dense<true> : vector<16xi1>
      %masked_sort3A_1146, %masked_sort3A_1147, %masked_sort3A_1148 = tpu.sort %scan3A_784#15, %add3A_1144 masked %masked_sort3A_1145 {descending = true} : (vector<16xf32>, vector<16xi32>, vector<16xi1>) -> (vector<16xi1>, vector<16xf32>, vector<16xi32>)
      %rev3A_1149 = arith.constant 15 : i32
      %rev3A_1150 = vector.broadcast %rev3A_1149 : i32 to vector<16xi32>
      %rev3A_1151 = tpu.iota {dimensions = array<i32: 0>} : vector<16xi32>
      %rev3A_1152 = arith.subi %rev3A_1150, %rev3A_1151 : vector<16xi32>
      %rev3A_1153 = tpu.dynamic_gather %masked_sort3A_1147[%rev3A_1152] in [0] : vector<16xf32>, vector<16xi32> -> vector<16xf32>
      %rev3A_1154 = arith.constant 15 : i32
      %rev3A_1155 = vector.broadcast %rev3A_1154 : i32 to vector<16xi32>
      %rev3A_1156 = tpu.iota {dimensions = array<i32: 0>} : vector<16xi32>
      %rev3A_1157 = arith.subi %rev3A_1155, %rev3A_1156 : vector<16xi32>
      %rev3A_1158 = tpu.dynamic_gather %masked_sort3A_1148[%rev3A_1157] in [0] : vector<16xi32>, vector<16xi32> -> vector<16xi32>
      %ge3A_1159 = arith.cmpf oge, %masked_sort3A_1140, %rev3A_1153 : vector<16xf32>
      %select_n3A_1160 = arith.select %ge3A_1159, %masked_sort3A_1140, %rev3A_1153 : vector<16xi1>, vector<16xf32>
      %select_n3A_1161 = arith.select %ge3A_1159, %masked_sort3A_1141, %rev3A_1158 : vector<16xi1>, vector<16xi32>
      %masked_sort3A_1162 = arith.constant dense<true> : vector<16xi1>
      %masked_sort3A_1163, %masked_sort3A_1164, %masked_sort3A_1165 = tpu.sort %select_n3A_1160, %select_n3A_1161 masked %masked_sort3A_1162 {descending = true} : (vector<16xf32>, vector<16xi32>, vector<16xi1>) -> (vector<16xi1>, vector<16xf32>, vector<16xi32>)
      %lt3A = arith.constant 10 : i32
      %lt3A_1166 = vector.broadcast %lt3A : i32 to vector<16xi32>
      %lt3A_1167 = arith.cmpi slt, %iota3A, %lt3A_1166 : vector<16xi32>
      %jit3A = arith.constant 0x7F800000 : f32
      %broadcast_in_dim3A_1168 = vector.broadcast %jit3A : f32 to vector<16xf32>
      %select_n3A_1169 = arith.select %lt3A_1167, %masked_sort3A_1164, %broadcast_in_dim3A_1168 : vector<16xi1>, vector<16xf32>
      %reduce_min3A = arith.constant true
      %reduce_min3A_1170 = vector.broadcast %reduce_min3A : i1 to vector<16xi1>
      %reduce_min3A_1171 = tpu.scan <min>, %select_n3A_1169 masked %reduce_min3A_1170 : vector<16xf32>, vector<16xi1> -> vector<16xf32>
      %reduce_min3A_1172 = vector.extract %reduce_min3A_1171[15] : f32 from vector<16xf32>
      %scan3A_1173 = arith.constant 0 : i32
      %scan3A_1174 = arith.constant 16 : i32
      %scan3A_1175 = arith.addi %scan3A_1173, %scan3A_1174 : i32
      %scan3A_1176 = arith.constant 1 : i32
      %scan3A_1177:3 = scf.for %scan3A_2101 = %scan3A_1173 to %scan3A_1175 step %scan3A_1176 iter_args(%scan3A_2102 = %broadcast_in_dim3A_1, %scan3A_2103 = %broadcast_in_dim3A_3, %scan3A_2104 = %broadcast_in_dim3A_1) -> (vector<16xf32>, vector<16xi32>, vector<16xf32>)  : i32 {
        %iota3A_2105 = tpu.iota {dimensions = array<i32: 0>} : vector<16xi32>
        %eq3A_2106 = vector.broadcast %scan3A_2101 : i32 to vector<16xi32>
        %eq3A_2107 = arith.cmpi eq, %iota3A_2105, %eq3A_2106 : vector<16xi32>
        %jit3A_2108 = arith.constant 0xFF800000 : f32
        %broadcast_in_dim3A_2109 = vector.broadcast %jit3A_2108 : f32 to vector<16xf32>
        %select_n3A_2110 = arith.select %eq3A_2107, %masked_sort3A_1164, %broadcast_in_dim3A_2109 : vector<16xi1>, vector<16xf32>
        %reduce_max3A_2111 = arith.constant true
        %reduce_max3A_2112 = vector.broadcast %reduce_max3A_2111 : i1 to vector<16xi1>
        %reduce_max3A_2113 = tpu.scan <max>, %select_n3A_2110 masked %reduce_max3A_2112 : vector<16xf32>, vector<16xi1> -> vector<16xf32>
        %reduce_max3A_2114 = vector.extract %reduce_max3A_2113[15] : f32 from vector<16xf32>
        %iota3A_2115 = tpu.iota {dimensions = array<i32: 0>} : vector<16xi32>
        %eq3A_2116 = vector.broadcast %scan3A_2101 : i32 to vector<16xi32>
        %eq3A_2117 = arith.cmpi eq, %iota3A_2115, %eq3A_2116 : vector<16xi32>
        %jit3A_2118 = arith.constant 0 : i32
        %broadcast_in_dim3A_2119 = vector.broadcast %jit3A_2118 : i32 to vector<16xi32>
        %select_n3A_2120 = arith.select %eq3A_2117, %masked_sort3A_1165, %broadcast_in_dim3A_2119 : vector<16xi1>, vector<16xi32>
        %reduce_max3A_2121 = arith.constant true
        %reduce_max3A_2122 = vector.broadcast %reduce_max3A_2121 : i1 to vector<16xi1>
        %reduce_max3A_2123 = arith.constant -2147483648 : i32
        %reduce_max3A_2124 = vector.broadcast %reduce_max3A_2123 : i32 to vector<16xi32>
        %reduce_max3A_2125 = arith.xori %select_n3A_2120, %reduce_max3A_2124 : vector<16xi32>
        %reduce_max3A_2126 = tpu.scan <max>, %reduce_max3A_2125 masked %reduce_max3A_2122 : vector<16xi32>, vector<16xi1> -> vector<16xi32>
        %reduce_max3A_2127 = arith.xori %reduce_max3A_2126, %reduce_max3A_2124 : vector<16xi32>
        %reduce_max3A_2128 = vector.extract %reduce_max3A_2127[15] : i32 from vector<16xi32>
        %ge3A_2129 = arith.cmpf oge, %reduce_max3A_2114, %reduce_min3A_1172 : f32
        %convert_element_type3A_2130 = arith.extui %ge3A_2129 : i1 to i32
        %cond3A_2131 = arith.constant 0 : i32
        %cond3A_2132 = arith.cmpi ne, %convert_element_type3A_2130, %cond3A_2131 : i32
        %cond3A_2133:3 = scf.if %cond3A_2132 -> (vector<16xf32>, vector<16xi32>, vector<16xf32>) {
          %scan3A_2134 = arith.constant 0 : i32
          %scan3A_2135 = arith.constant 13 : i32
          %scan3A_2136 = arith.addi %scan3A_2134, %scan3A_2135 : i32
          %scan3A_2137 = arith.constant 1 : i32
          %scan3A_2138:3 = scf.for %scan3A_2140 = %scan3A_2134 to %scan3A_2136 step %scan3A_2137 iter_args(%scan3A_2141 = %scan3A_2102, %scan3A_2142 = %scan3A_2103, %scan3A_2143 = %scan3A_2104) -> (vector<16xf32>, vector<16xi32>, vector<16xf32>)  : i32 {
            %mul3A_2144 = arith.constant 16 : i32
            %mul3A_2145 = arith.muli %scan3A_2140, %mul3A_2144 : i32
            %mul3A_2146 = arith.constant 256 : i32
            %mul3A_2147 = arith.muli %mul3A_2146, %mul3A_2145 : i32
            %add3A_2148 = arith.addi %reduce_max3A_2128, %mul3A_2147 : i32
            %mul3A_2149 = arith.constant 256 : i32
            %mul3A_2150 = vector.broadcast %mul3A_2149 : i32 to vector<16xi32>
            %mul3A_2151 = arith.muli %mul3A_2150, %iota3A : vector<16xi32>
            %add3A_2152 = vector.broadcast %add3A_2148 : i32 to vector<16xi32>
            %add3A_2153 = arith.addi %add3A_2152, %mul3A_2151 : vector<16xi32>
            %gather3A = tpu.vector_load_idx %arg9[%add3A_2153] : memref<53248xf32, #tpu.memory_space<vmem>>[vector<16xi32>], vector<16xf32>,
            %gt3A = arith.cmpf ogt, %gather3A, %scan3A_2143 : vector<16xf32>
            %reduce_or3A = arith.constant 1.000000e+00 : f32
            %reduce_or3A_2154 = arith.constant 0.000000e+00 : f32
            %reduce_or3A_2155 = vector.broadcast %reduce_or3A : f32 to vector<16xf32>
            %reduce_or3A_2156 = vector.broadcast %reduce_or3A_2154 : f32 to vector<16xf32>
            %reduce_or3A_2157 = arith.select %gt3A, %reduce_or3A_2155, %reduce_or3A_2156 : vector<16xi1>, vector<16xf32>
            %reduce_or3A_2158 = arith.constant true
            %reduce_or3A_2159 = vector.broadcast %reduce_or3A_2158 : i1 to vector<16xi1>
            %reduce_or3A_2160 = tpu.scan <max>, %reduce_or3A_2157 masked %reduce_or3A_2159 : vector<16xf32>, vector<16xi1> -> vector<16xf32>
            %reduce_or3A_2161 = vector.extract %reduce_or3A_2160[15] : f32 from vector<16xf32>
            %reduce_or3A_2162 = arith.constant 0.000000e+00 : f32
            %reduce_or3A_2163 = arith.cmpf ogt, %reduce_or3A_2161, %reduce_or3A_2162 : f32
            %convert_element_type3A_2164 = arith.extui %reduce_or3A_2163 : i1 to i32
            %cond3A_2165 = arith.constant 0 : i32
            %cond3A_2166 = arith.cmpi ne, %convert_element_type3A_2164, %cond3A_2165 : i32
            %cond3A_2167:3 = scf.if %cond3A_2166 -> (vector<16xf32>, vector<16xi32>, vector<16xf32>) {
              %masked_sort3A_2168 = arith.constant dense<true> : vector<16xi1>
              %masked_sort3A_2169, %masked_sort3A_2170, %masked_sort3A_2171 = tpu.sort %gather3A, %add3A_2153 masked %masked_sort3A_2168 {descending = true} : (vector<16xf32>, vector<16xi32>, vector<16xi1>) -> (vector<16xi1>, vector<16xf32>, vector<16xi32>)
              %rev3A_2172 = arith.constant 15 : i32
              %rev3A_2173 = vector.broadcast %rev3A_2172 : i32 to vector<16xi32>
              %rev3A_2174 = tpu.iota {dimensions = array<i32: 0>} : vector<16xi32>
              %rev3A_2175 = arith.subi %rev3A_2173, %rev3A_2174 : vector<16xi32>
              %rev3A_2176 = tpu.dynamic_gather %masked_sort3A_2170[%rev3A_2175] in [0] : vector<16xf32>, vector<16xi32> -> vector<16xf32>
              %rev3A_2177 = arith.constant 15 : i32
              %rev3A_2178 = vector.broadcast %rev3A_2177 : i32 to vector<16xi32>
              %rev3A_2179 = tpu.iota {dimensions = array<i32: 0>} : vector<16xi32>
              %rev3A_2180 = arith.subi %rev3A_2178, %rev3A_2179 : vector<16xi32>
              %rev3A_2181 = tpu.dynamic_gather %masked_sort3A_2171[%rev3A_2180] in [0] : vector<16xi32>, vector<16xi32> -> vector<16xi32>
              %ge3A_2182 = arith.cmpf oge, %scan3A_2141, %rev3A_2176 : vector<16xf32>
              %select_n3A_2183 = arith.select %ge3A_2182, %scan3A_2141, %rev3A_2176 : vector<16xi1>, vector<16xf32>
              %select_n3A_2184 = arith.select %ge3A_2182, %scan3A_2142, %rev3A_2181 : vector<16xi1>, vector<16xi32>
              %masked_sort3A_2185 = arith.constant dense<true> : vector<16xi1>
              %masked_sort3A_2186, %masked_sort3A_2187, %masked_sort3A_2188 = tpu.sort %select_n3A_2183, %select_n3A_2184 masked %masked_sort3A_2185 {descending = true} : (vector<16xf32>, vector<16xi32>, vector<16xi1>) -> (vector<16xi1>, vector<16xf32>, vector<16xi32>)
              %reduce_min3A_2189 = arith.constant true
              %reduce_min3A_2190 = vector.broadcast %reduce_min3A_2189 : i1 to vector<16xi1>
              %reduce_min3A_2191 = tpu.scan <min>, %masked_sort3A_2187 masked %reduce_min3A_2190 : vector<16xf32>, vector<16xi1> -> vector<16xf32>
              %reduce_min3A_2192 = vector.extract %reduce_min3A_2191[15] : f32 from vector<16xf32>
              %broadcast_in_dim3A_2193 = vector.broadcast %reduce_min3A_2192 : f32 to vector<16xf32>
              scf.yield %masked_sort3A_2187, %masked_sort3A_2188, %broadcast_in_dim3A_2193 : vector<16xf32>, vector<16xi32>, vector<16xf32>
            } else {
              scf.yield %scan3A_2141, %scan3A_2142, %scan3A_2143 : vector<16xf32>, vector<16xi32>, vector<16xf32>
            }
            scf.yield %cond3A_2167#0, %cond3A_2167#1, %cond3A_2167#2 : vector<16xf32>, vector<16xi32>, vector<16xf32>
          }
          %scan3A_2139 = arith.constant 13 : i32
          scf.yield %scan3A_2138#0, %scan3A_2138#1, %scan3A_2138#2 : vector<16xf32>, vector<16xi32>, vector<16xf32>
        } else {
          scf.yield %scan3A_2102, %scan3A_2103, %scan3A_2104 : vector<16xf32>, vector<16xi32>, vector<16xf32>
        }
        scf.yield %cond3A_2133#0, %cond3A_2133#1, %cond3A_2133#2 : vector<16xf32>, vector<16xi32>, vector<16xf32>
      }
      %scan3A_1178 = arith.constant 16 : i32
      %add3A_1179 = arith.constant 0 : i32
      %add3A_1180 = vector.broadcast %add3A_1179 : i32 to vector<16xi32>
      %add3A_1181 = arith.addi %scan3A_1177#1, %add3A_1180 : vector<16xi32>
      %dma_wait3A_1182 = arith.constant 0 : i32
      %dma_wait3A_1183 = tpu.memref_slice %arg10[%dma_wait3A_1182] : memref<53248xf32, #tpu.memory_space<vmem>> -> memref<50000xf32, #tpu.memory_space<vmem>>
      %dma_wait3A_1184 = arith.constant 0 : i32
      %dma_wait3A_1185 = tpu.memref_slice %arg2[%dma_wait3A_1184] : memref<25600000xf32, #tpu.memory_space<hbm>> -> memref<50000xf32, #tpu.memory_space<hbm>>
      %dma_wait3A_1186 = arith.constant 0 : i32
      %dma_wait3A_1187 = tpu.memref_slice %arg10[%dma_wait3A_1186] : memref<53248xf32, #tpu.memory_space<vmem>> -> memref<50000xf32, #tpu.memory_space<vmem>>
      %dma_wait3A_1188 = arith.constant 0 : i32
      %dma_wait3A_1189 = tpu.memref_slice %arg2[%dma_wait3A_1188] : memref<25600000xf32, #tpu.memory_space<hbm>> -> memref<50000xf32, #tpu.memory_space<hbm>>
      tpu.wait_dma2 semaphore(%arg35 : memref<!tpu.dma_semaphore, #tpu.memory_space<semaphore_mem>>) src(%dma_wait3A_1189 : memref<50000xf32, #tpu.memory_space<hbm>>) dst(%dma_wait3A_1187 : memref<50000xf32, #tpu.memory_space<vmem>>)
      %lt3A_1190 = arith.constant 7 : i32
      %lt3A_1191 = arith.cmpi slt, %scan3A_701, %lt3A_1190 : i32
      %convert_element_type3A = arith.extui %lt3A_1191 : i1 to i32
      %cond3A = arith.constant 0 : i32
      %cond3A_1192 = arith.cmpi ne, %convert_element_type3A, %cond3A : i32
      scf.if %cond3A_1192 {
        %add3A_2101 = arith.constant 100000 : i32
        %add3A_2102 = arith.addi %mul3A_707, %add3A_2101 : i32
        %dma_start3A_2103 = arith.constant 0 : i32
        %dma_start3A_2104 = tpu.memref_slice %arg9[%dma_start3A_2103] : memref<53248xf32, #tpu.memory_space<vmem>> -> memref<50000xf32, #tpu.memory_space<vmem>>
        %dma_start3A_2105 = tpu.memref_slice %arg2[%add3A_2102] : memref<25600000xf32, #tpu.memory_space<hbm>> -> memref<50000xf32, #tpu.memory_space<hbm>>
        %dma_start3A_2106 = arith.constant 0 : i32
        %dma_start3A_2107 = tpu.memref_slice %arg9[%dma_start3A_2106] : memref<53248xf32, #tpu.memory_space<vmem>> -> memref<50000xf32, #tpu.memory_space<vmem>>
        %dma_start3A_2108 = tpu.memref_slice %arg2[%add3A_2102] : memref<25600000xf32, #tpu.memory_space<hbm>> -> memref<50000xf32, #tpu.memory_space<hbm>>
        tpu.enqueue_dma source(%dma_start3A_2108 : memref<50000xf32, #tpu.memory_space<hbm>>) target(%dma_start3A_2107 : memref<50000xf32, #tpu.memory_space<vmem>>) target_semaphore(%arg35 : memref<!tpu.dma_semaphore, #tpu.memory_space<semaphore_mem>>)
      } else {
      }
      %scan3A_1193 = arith.constant 0 : i32
      %scan3A_1194 = arith.constant 208 : i32
      %scan3A_1195 = arith.addi %scan3A_1193, %scan3A_1194 : i32
      %scan3A_1196 = arith.constant 1 : i32
      %scan3A_1197:16 = scf.for %scan3A_2101 = %scan3A_1193 to %scan3A_1195 step %scan3A_1196 iter_args(%scan3A_2102 = %broadcast_in_dim3A_1, %scan3A_2103 = %broadcast_in_dim3A_1, %scan3A_2104 = %broadcast_in_dim3A_1, %scan3A_2105 = %broadcast_in_dim3A_1, %scan3A_2106 = %broadcast_in_dim3A_1, %scan3A_2107 = %broadcast_in_dim3A_1, %scan3A_2108 = %broadcast_in_dim3A_1, %scan3A_2109 = %broadcast_in_dim3A_1, %scan3A_2110 = %broadcast_in_dim3A_1, %scan3A_2111 = %broadcast_in_dim3A_1, %scan3A_2112 = %broadcast_in_dim3A_1, %scan3A_2113 = %broadcast_in_dim3A_1, %scan3A_2114 = %broadcast_in_dim3A_1, %scan3A_2115 = %broadcast_in_dim3A_1, %scan3A_2116 = %broadcast_in_dim3A_1, %scan3A_2117 = %broadcast_in_dim3A_1) -> (vector<16xf32>, vector<16xf32>, vector<16xf32>, vector<16xf32>, vector<16xf32>, vector<16xf32>, vector<16xf32>, vector<16xf32>, vector<16xf32>, vector<16xf32>, vector<16xf32>, vector<16xf32>, vector<16xf32>, vector<16xf32>, vector<16xf32>, vector<16xf32>)  : i32 {
        %mul3A_2118 = arith.constant 256 : i32
        %mul3A_2119 = arith.muli %scan3A_2101, %mul3A_2118 : i32
        %add3A_2120 = arith.constant 0 : i32
        %add3A_2121 = arith.addi %mul3A_2119, %add3A_2120 : i32
        %get3A_2122 = arith.index_cast %add3A_2121 : i32 to index
        %get3A_2123 = tpu.vector_load %arg10[%get3A_2122] {strides = array<i32>} : memref<53248xf32, #tpu.memory_space<vmem>>, vector<16xf32>,
        %max3A_2124 = arith.maximumf %scan3A_2102, %get3A_2123 : vector<16xf32>
        %add3A_2125 = arith.constant 16 : i32
        %add3A_2126 = arith.addi %mul3A_2119, %add3A_2125 : i32
        %get3A_2127 = arith.index_cast %add3A_2126 : i32 to index
        %get3A_2128 = tpu.vector_load %arg10[%get3A_2127] {strides = array<i32>} : memref<53248xf32, #tpu.memory_space<vmem>>, vector<16xf32>,
        %max3A_2129 = arith.maximumf %scan3A_2103, %get3A_2128 : vector<16xf32>
        %add3A_2130 = arith.constant 32 : i32
        %add3A_2131 = arith.addi %mul3A_2119, %add3A_2130 : i32
        %get3A_2132 = arith.index_cast %add3A_2131 : i32 to index
        %get3A_2133 = tpu.vector_load %arg10[%get3A_2132] {strides = array<i32>} : memref<53248xf32, #tpu.memory_space<vmem>>, vector<16xf32>,
        %max3A_2134 = arith.maximumf %scan3A_2104, %get3A_2133 : vector<16xf32>
        %add3A_2135 = arith.constant 48 : i32
        %add3A_2136 = arith.addi %mul3A_2119, %add3A_2135 : i32
        %get3A_2137 = arith.index_cast %add3A_2136 : i32 to index
        %get3A_2138 = tpu.vector_load %arg10[%get3A_2137] {strides = array<i32>} : memref<53248xf32, #tpu.memory_space<vmem>>, vector<16xf32>,
        %max3A_2139 = arith.maximumf %scan3A_2105, %get3A_2138 : vector<16xf32>
        %add3A_2140 = arith.constant 64 : i32
        %add3A_2141 = arith.addi %mul3A_2119, %add3A_2140 : i32
        %get3A_2142 = arith.index_cast %add3A_2141 : i32 to index
        %get3A_2143 = tpu.vector_load %arg10[%get3A_2142] {strides = array<i32>} : memref<53248xf32, #tpu.memory_space<vmem>>, vector<16xf32>,
        %max3A_2144 = arith.maximumf %scan3A_2106, %get3A_2143 : vector<16xf32>
        %add3A_2145 = arith.constant 80 : i32
        %add3A_2146 = arith.addi %mul3A_2119, %add3A_2145 : i32
        %get3A_2147 = arith.index_cast %add3A_2146 : i32 to index
        %get3A_2148 = tpu.vector_load %arg10[%get3A_2147] {strides = array<i32>} : memref<53248xf32, #tpu.memory_space<vmem>>, vector<16xf32>,
        %max3A_2149 = arith.maximumf %scan3A_2107, %get3A_2148 : vector<16xf32>
        %add3A_2150 = arith.constant 96 : i32
        %add3A_2151 = arith.addi %mul3A_2119, %add3A_2150 : i32
        %get3A_2152 = arith.index_cast %add3A_2151 : i32 to index
        %get3A_2153 = tpu.vector_load %arg10[%get3A_2152] {strides = array<i32>} : memref<53248xf32, #tpu.memory_space<vmem>>, vector<16xf32>,
        %max3A_2154 = arith.maximumf %scan3A_2108, %get3A_2153 : vector<16xf32>
        %add3A_2155 = arith.constant 112 : i32
        %add3A_2156 = arith.addi %mul3A_2119, %add3A_2155 : i32
        %get3A_2157 = arith.index_cast %add3A_2156 : i32 to index
        %get3A_2158 = tpu.vector_load %arg10[%get3A_2157] {strides = array<i32>} : memref<53248xf32, #tpu.memory_space<vmem>>, vector<16xf32>,
        %max3A_2159 = arith.maximumf %scan3A_2109, %get3A_2158 : vector<16xf32>
        %add3A_2160 = arith.constant 128 : i32
        %add3A_2161 = arith.addi %mul3A_2119, %add3A_2160 : i32
        %get3A_2162 = arith.index_cast %add3A_2161 : i32 to index
        %get3A_2163 = tpu.vector_load %arg10[%get3A_2162] {strides = array<i32>} : memref<53248xf32, #tpu.memory_space<vmem>>, vector<16xf32>,
        %max3A_2164 = arith.maximumf %scan3A_2110, %get3A_2163 : vector<16xf32>
        %add3A_2165 = arith.constant 144 : i32
        %add3A_2166 = arith.addi %mul3A_2119, %add3A_2165 : i32
        %get3A_2167 = arith.index_cast %add3A_2166 : i32 to index
        %get3A_2168 = tpu.vector_load %arg10[%get3A_2167] {strides = array<i32>} : memref<53248xf32, #tpu.memory_space<vmem>>, vector<16xf32>,
        %max3A_2169 = arith.maximumf %scan3A_2111, %get3A_2168 : vector<16xf32>
        %add3A_2170 = arith.constant 160 : i32
        %add3A_2171 = arith.addi %mul3A_2119, %add3A_2170 : i32
        %get3A_2172 = arith.index_cast %add3A_2171 : i32 to index
        %get3A_2173 = tpu.vector_load %arg10[%get3A_2172] {strides = array<i32>} : memref<53248xf32, #tpu.memory_space<vmem>>, vector<16xf32>,
        %max3A_2174 = arith.maximumf %scan3A_2112, %get3A_2173 : vector<16xf32>
        %add3A_2175 = arith.constant 176 : i32
        %add3A_2176 = arith.addi %mul3A_2119, %add3A_2175 : i32
        %get3A_2177 = arith.index_cast %add3A_2176 : i32 to index
        %get3A_2178 = tpu.vector_load %arg10[%get3A_2177] {strides = array<i32>} : memref<53248xf32, #tpu.memory_space<vmem>>, vector<16xf32>,
        %max3A_2179 = arith.maximumf %scan3A_2113, %get3A_2178 : vector<16xf32>
        %add3A_2180 = arith.constant 192 : i32
        %add3A_2181 = arith.addi %mul3A_2119, %add3A_2180 : i32
        %get3A_2182 = arith.index_cast %add3A_2181 : i32 to index
        %get3A_2183 = tpu.vector_load %arg10[%get3A_2182] {strides = array<i32>} : memref<53248xf32, #tpu.memory_space<vmem>>, vector<16xf32>,
        %max3A_2184 = arith.maximumf %scan3A_2114, %get3A_2183 : vector<16xf32>
        %add3A_2185 = arith.constant 208 : i32
        %add3A_2186 = arith.addi %mul3A_2119, %add3A_2185 : i32
        %get3A_2187 = arith.index_cast %add3A_2186 : i32 to index
        %get3A_2188 = tpu.vector_load %arg10[%get3A_2187] {strides = array<i32>} : memref<53248xf32, #tpu.memory_space<vmem>>, vector<16xf32>,
        %max3A_2189 = arith.maximumf %scan3A_2115, %get3A_2188 : vector<16xf32>
        %add3A_2190 = arith.constant 224 : i32
        %add3A_2191 = arith.addi %mul3A_2119, %add3A_2190 : i32
        %get3A_2192 = arith.index_cast %add3A_2191 : i32 to index
        %get3A_2193 = tpu.vector_load %arg10[%get3A_2192] {strides = array<i32>} : memref<53248xf32, #tpu.memory_space<vmem>>, vector<16xf32>,
        %max3A_2194 = arith.maximumf %scan3A_2116, %get3A_2193 : vector<16xf32>
        %add3A_2195 = arith.constant 240 : i32
        %add3A_2196 = arith.addi %mul3A_2119, %add3A_2195 : i32
        %get3A_2197 = arith.index_cast %add3A_2196 : i32 to index
        %get3A_2198 = tpu.vector_load %arg10[%get3A_2197] {strides = array<i32>} : memref<53248xf32, #tpu.memory_space<vmem>>, vector<16xf32>,
        %max3A_2199 = arith.maximumf %scan3A_2117, %get3A_2198 : vector<16xf32>
        scf.yield %max3A_2124, %max3A_2129, %max3A_2134, %max3A_2139, %max3A_2144, %max3A_2149, %max3A_2154, %max3A_2159, %max3A_2164, %max3A_2169, %max3A_2174, %max3A_2179, %max3A_2184, %max3A_2189, %max3A_2194, %max3A_2199 : vector<16xf32>, vector<16xf32>, vector<16xf32>, vector<16xf32>, vector<16xf32>, vector<16xf32>, vector<16xf32>, vector<16xf32>, vector<16xf32>, vector<16xf32>, vector<16xf32>, vector<16xf32>, vector<16xf32>, vector<16xf32>, vector<16xf32>, vector<16xf32>
      }
      %scan3A_1198 = arith.constant 208 : i32
      %add3A_1199 = arith.constant 0 : i32
      %add3A_1200 = vector.broadcast %add3A_1199 : i32 to vector<16xi32>
      %add3A_1201 = arith.addi %iota3A, %add3A_1200 : vector<16xi32>
      %masked_sort3A_1202 = arith.constant dense<true> : vector<16xi1>
      %masked_sort3A_1203, %masked_sort3A_1204, %masked_sort3A_1205 = tpu.sort %scan3A_1197#0, %add3A_1201 masked %masked_sort3A_1202 {descending = true} : (vector<16xf32>, vector<16xi32>, vector<16xi1>) -> (vector<16xi1>, vector<16xf32>, vector<16xi32>)
      %rev3A_1206 = arith.constant 15 : i32
      %rev3A_1207 = vector.broadcast %rev3A_1206 : i32 to vector<16xi32>
      %rev3A_1208 = tpu.iota {dimensions = array<i32: 0>} : vector<16xi32>
      %rev3A_1209 = arith.subi %rev3A_1207, %rev3A_1208 : vector<16xi32>
      %rev3A_1210 = tpu.dynamic_gather %masked_sort3A_1204[%rev3A_1209] in [0] : vector<16xf32>, vector<16xi32> -> vector<16xf32>
      %rev3A_1211 = arith.constant 15 : i32
      %rev3A_1212 = vector.broadcast %rev3A_1211 : i32 to vector<16xi32>
      %rev3A_1213 = tpu.iota {dimensions = array<i32: 0>} : vector<16xi32>
      %rev3A_1214 = arith.subi %rev3A_1212, %rev3A_1213 : vector<16xi32>
      %rev3A_1215 = tpu.dynamic_gather %masked_sort3A_1205[%rev3A_1214] in [0] : vector<16xi32>, vector<16xi32> -> vector<16xi32>
      %ge3A_1216 = arith.cmpf oge, %broadcast_in_dim3A_1, %rev3A_1210 : vector<16xf32>
      %select_n3A_1217 = arith.select %ge3A_1216, %broadcast_in_dim3A_1, %rev3A_1210 : vector<16xi1>, vector<16xf32>
      %select_n3A_1218 = arith.select %ge3A_1216, %broadcast_in_dim3A_3, %rev3A_1215 : vector<16xi1>, vector<16xi32>
      %masked_sort3A_1219 = arith.constant dense<true> : vector<16xi1>
      %masked_sort3A_1220, %masked_sort3A_1221, %masked_sort3A_1222 = tpu.sort %select_n3A_1217, %select_n3A_1218 masked %masked_sort3A_1219 {descending = true} : (vector<16xf32>, vector<16xi32>, vector<16xi1>) -> (vector<16xi1>, vector<16xf32>, vector<16xi32>)
      %add3A_1223 = arith.constant 16 : i32
      %add3A_1224 = vector.broadcast %add3A_1223 : i32 to vector<16xi32>
      %add3A_1225 = arith.addi %iota3A, %add3A_1224 : vector<16xi32>
      %masked_sort3A_1226 = arith.constant dense<true> : vector<16xi1>
      %masked_sort3A_1227, %masked_sort3A_1228, %masked_sort3A_1229 = tpu.sort %scan3A_1197#1, %add3A_1225 masked %masked_sort3A_1226 {descending = true} : (vector<16xf32>, vector<16xi32>, vector<16xi1>) -> (vector<16xi1>, vector<16xf32>, vector<16xi32>)
      %rev3A_1230 = arith.constant 15 : i32
      %rev3A_1231 = vector.broadcast %rev3A_1230 : i32 to vector<16xi32>
      %rev3A_1232 = tpu.iota {dimensions = array<i32: 0>} : vector<16xi32>
      %rev3A_1233 = arith.subi %rev3A_1231, %rev3A_1232 : vector<16xi32>
      %rev3A_1234 = tpu.dynamic_gather %masked_sort3A_1228[%rev3A_1233] in [0] : vector<16xf32>, vector<16xi32> -> vector<16xf32>
      %rev3A_1235 = arith.constant 15 : i32
      %rev3A_1236 = vector.broadcast %rev3A_1235 : i32 to vector<16xi32>
      %rev3A_1237 = tpu.iota {dimensions = array<i32: 0>} : vector<16xi32>
      %rev3A_1238 = arith.subi %rev3A_1236, %rev3A_1237 : vector<16xi32>
      %rev3A_1239 = tpu.dynamic_gather %masked_sort3A_1229[%rev3A_1238] in [0] : vector<16xi32>, vector<16xi32> -> vector<16xi32>
      %ge3A_1240 = arith.cmpf oge, %masked_sort3A_1221, %rev3A_1234 : vector<16xf32>
      %select_n3A_1241 = arith.select %ge3A_1240, %masked_sort3A_1221, %rev3A_1234 : vector<16xi1>, vector<16xf32>
      %select_n3A_1242 = arith.select %ge3A_1240, %masked_sort3A_1222, %rev3A_1239 : vector<16xi1>, vector<16xi32>
      %masked_sort3A_1243 = arith.constant dense<true> : vector<16xi1>
      %masked_sort3A_1244, %masked_sort3A_1245, %masked_sort3A_1246 = tpu.sort %select_n3A_1241, %select_n3A_1242 masked %masked_sort3A_1243 {descending = true} : (vector<16xf32>, vector<16xi32>, vector<16xi1>) -> (vector<16xi1>, vector<16xf32>, vector<16xi32>)
      %add3A_1247 = arith.constant 32 : i32
      %add3A_1248 = vector.broadcast %add3A_1247 : i32 to vector<16xi32>
      %add3A_1249 = arith.addi %iota3A, %add3A_1248 : vector<16xi32>
      %masked_sort3A_1250 = arith.constant dense<true> : vector<16xi1>
      %masked_sort3A_1251, %masked_sort3A_1252, %masked_sort3A_1253 = tpu.sort %scan3A_1197#2, %add3A_1249 masked %masked_sort3A_1250 {descending = true} : (vector<16xf32>, vector<16xi32>, vector<16xi1>) -> (vector<16xi1>, vector<16xf32>, vector<16xi32>)
      %rev3A_1254 = arith.constant 15 : i32
      %rev3A_1255 = vector.broadcast %rev3A_1254 : i32 to vector<16xi32>
      %rev3A_1256 = tpu.iota {dimensions = array<i32: 0>} : vector<16xi32>
      %rev3A_1257 = arith.subi %rev3A_1255, %rev3A_1256 : vector<16xi32>
      %rev3A_1258 = tpu.dynamic_gather %masked_sort3A_1252[%rev3A_1257] in [0] : vector<16xf32>, vector<16xi32> -> vector<16xf32>
      %rev3A_1259 = arith.constant 15 : i32
      %rev3A_1260 = vector.broadcast %rev3A_1259 : i32 to vector<16xi32>
      %rev3A_1261 = tpu.iota {dimensions = array<i32: 0>} : vector<16xi32>
      %rev3A_1262 = arith.subi %rev3A_1260, %rev3A_1261 : vector<16xi32>
      %rev3A_1263 = tpu.dynamic_gather %masked_sort3A_1253[%rev3A_1262] in [0] : vector<16xi32>, vector<16xi32> -> vector<16xi32>
      %ge3A_1264 = arith.cmpf oge, %masked_sort3A_1245, %rev3A_1258 : vector<16xf32>
      %select_n3A_1265 = arith.select %ge3A_1264, %masked_sort3A_1245, %rev3A_1258 : vector<16xi1>, vector<16xf32>
      %select_n3A_1266 = arith.select %ge3A_1264, %masked_sort3A_1246, %rev3A_1263 : vector<16xi1>, vector<16xi32>
      %masked_sort3A_1267 = arith.constant dense<true> : vector<16xi1>
      %masked_sort3A_1268, %masked_sort3A_1269, %masked_sort3A_1270 = tpu.sort %select_n3A_1265, %select_n3A_1266 masked %masked_sort3A_1267 {descending = true} : (vector<16xf32>, vector<16xi32>, vector<16xi1>) -> (vector<16xi1>, vector<16xf32>, vector<16xi32>)
      %add3A_1271 = arith.constant 48 : i32
      %add3A_1272 = vector.broadcast %add3A_1271 : i32 to vector<16xi32>
      %add3A_1273 = arith.addi %iota3A, %add3A_1272 : vector<16xi32>
      %masked_sort3A_1274 = arith.constant dense<true> : vector<16xi1>
      %masked_sort3A_1275, %masked_sort3A_1276, %masked_sort3A_1277 = tpu.sort %scan3A_1197#3, %add3A_1273 masked %masked_sort3A_1274 {descending = true} : (vector<16xf32>, vector<16xi32>, vector<16xi1>) -> (vector<16xi1>, vector<16xf32>, vector<16xi32>)
      %rev3A_1278 = arith.constant 15 : i32
      %rev3A_1279 = vector.broadcast %rev3A_1278 : i32 to vector<16xi32>
      %rev3A_1280 = tpu.iota {dimensions = array<i32: 0>} : vector<16xi32>
      %rev3A_1281 = arith.subi %rev3A_1279, %rev3A_1280 : vector<16xi32>
      %rev3A_1282 = tpu.dynamic_gather %masked_sort3A_1276[%rev3A_1281] in [0] : vector<16xf32>, vector<16xi32> -> vector<16xf32>
      %rev3A_1283 = arith.constant 15 : i32
      %rev3A_1284 = vector.broadcast %rev3A_1283 : i32 to vector<16xi32>
      %rev3A_1285 = tpu.iota {dimensions = array<i32: 0>} : vector<16xi32>
      %rev3A_1286 = arith.subi %rev3A_1284, %rev3A_1285 : vector<16xi32>
      %rev3A_1287 = tpu.dynamic_gather %masked_sort3A_1277[%rev3A_1286] in [0] : vector<16xi32>, vector<16xi32> -> vector<16xi32>
      %ge3A_1288 = arith.cmpf oge, %masked_sort3A_1269, %rev3A_1282 : vector<16xf32>
      %select_n3A_1289 = arith.select %ge3A_1288, %masked_sort3A_1269, %rev3A_1282 : vector<16xi1>, vector<16xf32>
      %select_n3A_1290 = arith.select %ge3A_1288, %masked_sort3A_1270, %rev3A_1287 : vector<16xi1>, vector<16xi32>
      %masked_sort3A_1291 = arith.constant dense<true> : vector<16xi1>
      %masked_sort3A_1292, %masked_sort3A_1293, %masked_sort3A_1294 = tpu.sort %select_n3A_1289, %select_n3A_1290 masked %masked_sort3A_1291 {descending = true} : (vector<16xf32>, vector<16xi32>, vector<16xi1>) -> (vector<16xi1>, vector<16xf32>, vector<16xi32>)
      %add3A_1295 = arith.constant 64 : i32
      %add3A_1296 = vector.broadcast %add3A_1295 : i32 to vector<16xi32>
      %add3A_1297 = arith.addi %iota3A, %add3A_1296 : vector<16xi32>
      %masked_sort3A_1298 = arith.constant dense<true> : vector<16xi1>
      %masked_sort3A_1299, %masked_sort3A_1300, %masked_sort3A_1301 = tpu.sort %scan3A_1197#4, %add3A_1297 masked %masked_sort3A_1298 {descending = true} : (vector<16xf32>, vector<16xi32>, vector<16xi1>) -> (vector<16xi1>, vector<16xf32>, vector<16xi32>)
      %rev3A_1302 = arith.constant 15 : i32
      %rev3A_1303 = vector.broadcast %rev3A_1302 : i32 to vector<16xi32>
      %rev3A_1304 = tpu.iota {dimensions = array<i32: 0>} : vector<16xi32>
      %rev3A_1305 = arith.subi %rev3A_1303, %rev3A_1304 : vector<16xi32>
      %rev3A_1306 = tpu.dynamic_gather %masked_sort3A_1300[%rev3A_1305] in [0] : vector<16xf32>, vector<16xi32> -> vector<16xf32>
      %rev3A_1307 = arith.constant 15 : i32
      %rev3A_1308 = vector.broadcast %rev3A_1307 : i32 to vector<16xi32>
      %rev3A_1309 = tpu.iota {dimensions = array<i32: 0>} : vector<16xi32>
      %rev3A_1310 = arith.subi %rev3A_1308, %rev3A_1309 : vector<16xi32>
      %rev3A_1311 = tpu.dynamic_gather %masked_sort3A_1301[%rev3A_1310] in [0] : vector<16xi32>, vector<16xi32> -> vector<16xi32>
      %ge3A_1312 = arith.cmpf oge, %masked_sort3A_1293, %rev3A_1306 : vector<16xf32>
      %select_n3A_1313 = arith.select %ge3A_1312, %masked_sort3A_1293, %rev3A_1306 : vector<16xi1>, vector<16xf32>
      %select_n3A_1314 = arith.select %ge3A_1312, %masked_sort3A_1294, %rev3A_1311 : vector<16xi1>, vector<16xi32>
      %masked_sort3A_1315 = arith.constant dense<true> : vector<16xi1>
      %masked_sort3A_1316, %masked_sort3A_1317, %masked_sort3A_1318 = tpu.sort %select_n3A_1313, %select_n3A_1314 masked %masked_sort3A_1315 {descending = true} : (vector<16xf32>, vector<16xi32>, vector<16xi1>) -> (vector<16xi1>, vector<16xf32>, vector<16xi32>)
      %add3A_1319 = arith.constant 80 : i32
      %add3A_1320 = vector.broadcast %add3A_1319 : i32 to vector<16xi32>
      %add3A_1321 = arith.addi %iota3A, %add3A_1320 : vector<16xi32>
      %masked_sort3A_1322 = arith.constant dense<true> : vector<16xi1>
      %masked_sort3A_1323, %masked_sort3A_1324, %masked_sort3A_1325 = tpu.sort %scan3A_1197#5, %add3A_1321 masked %masked_sort3A_1322 {descending = true} : (vector<16xf32>, vector<16xi32>, vector<16xi1>) -> (vector<16xi1>, vector<16xf32>, vector<16xi32>)
      %rev3A_1326 = arith.constant 15 : i32
      %rev3A_1327 = vector.broadcast %rev3A_1326 : i32 to vector<16xi32>
      %rev3A_1328 = tpu.iota {dimensions = array<i32: 0>} : vector<16xi32>
      %rev3A_1329 = arith.subi %rev3A_1327, %rev3A_1328 : vector<16xi32>
      %rev3A_1330 = tpu.dynamic_gather %masked_sort3A_1324[%rev3A_1329] in [0] : vector<16xf32>, vector<16xi32> -> vector<16xf32>
      %rev3A_1331 = arith.constant 15 : i32
      %rev3A_1332 = vector.broadcast %rev3A_1331 : i32 to vector<16xi32>
      %rev3A_1333 = tpu.iota {dimensions = array<i32: 0>} : vector<16xi32>
      %rev3A_1334 = arith.subi %rev3A_1332, %rev3A_1333 : vector<16xi32>
      %rev3A_1335 = tpu.dynamic_gather %masked_sort3A_1325[%rev3A_1334] in [0] : vector<16xi32>, vector<16xi32> -> vector<16xi32>
      %ge3A_1336 = arith.cmpf oge, %masked_sort3A_1317, %rev3A_1330 : vector<16xf32>
      %select_n3A_1337 = arith.select %ge3A_1336, %masked_sort3A_1317, %rev3A_1330 : vector<16xi1>, vector<16xf32>
      %select_n3A_1338 = arith.select %ge3A_1336, %masked_sort3A_1318, %rev3A_1335 : vector<16xi1>, vector<16xi32>
      %masked_sort3A_1339 = arith.constant dense<true> : vector<16xi1>
      %masked_sort3A_1340, %masked_sort3A_1341, %masked_sort3A_1342 = tpu.sort %select_n3A_1337, %select_n3A_1338 masked %masked_sort3A_1339 {descending = true} : (vector<16xf32>, vector<16xi32>, vector<16xi1>) -> (vector<16xi1>, vector<16xf32>, vector<16xi32>)
      %add3A_1343 = arith.constant 96 : i32
      %add3A_1344 = vector.broadcast %add3A_1343 : i32 to vector<16xi32>
      %add3A_1345 = arith.addi %iota3A, %add3A_1344 : vector<16xi32>
      %masked_sort3A_1346 = arith.constant dense<true> : vector<16xi1>
      %masked_sort3A_1347, %masked_sort3A_1348, %masked_sort3A_1349 = tpu.sort %scan3A_1197#6, %add3A_1345 masked %masked_sort3A_1346 {descending = true} : (vector<16xf32>, vector<16xi32>, vector<16xi1>) -> (vector<16xi1>, vector<16xf32>, vector<16xi32>)
      %rev3A_1350 = arith.constant 15 : i32
      %rev3A_1351 = vector.broadcast %rev3A_1350 : i32 to vector<16xi32>
      %rev3A_1352 = tpu.iota {dimensions = array<i32: 0>} : vector<16xi32>
      %rev3A_1353 = arith.subi %rev3A_1351, %rev3A_1352 : vector<16xi32>
      %rev3A_1354 = tpu.dynamic_gather %masked_sort3A_1348[%rev3A_1353] in [0] : vector<16xf32>, vector<16xi32> -> vector<16xf32>
      %rev3A_1355 = arith.constant 15 : i32
      %rev3A_1356 = vector.broadcast %rev3A_1355 : i32 to vector<16xi32>
      %rev3A_1357 = tpu.iota {dimensions = array<i32: 0>} : vector<16xi32>
      %rev3A_1358 = arith.subi %rev3A_1356, %rev3A_1357 : vector<16xi32>
      %rev3A_1359 = tpu.dynamic_gather %masked_sort3A_1349[%rev3A_1358] in [0] : vector<16xi32>, vector<16xi32> -> vector<16xi32>
      %ge3A_1360 = arith.cmpf oge, %masked_sort3A_1341, %rev3A_1354 : vector<16xf32>
      %select_n3A_1361 = arith.select %ge3A_1360, %masked_sort3A_1341, %rev3A_1354 : vector<16xi1>, vector<16xf32>
      %select_n3A_1362 = arith.select %ge3A_1360, %masked_sort3A_1342, %rev3A_1359 : vector<16xi1>, vector<16xi32>
      %masked_sort3A_1363 = arith.constant dense<true> : vector<16xi1>
      %masked_sort3A_1364, %masked_sort3A_1365, %masked_sort3A_1366 = tpu.sort %select_n3A_1361, %select_n3A_1362 masked %masked_sort3A_1363 {descending = true} : (vector<16xf32>, vector<16xi32>, vector<16xi1>) -> (vector<16xi1>, vector<16xf32>, vector<16xi32>)
      %add3A_1367 = arith.constant 112 : i32
      %add3A_1368 = vector.broadcast %add3A_1367 : i32 to vector<16xi32>
      %add3A_1369 = arith.addi %iota3A, %add3A_1368 : vector<16xi32>
      %masked_sort3A_1370 = arith.constant dense<true> : vector<16xi1>
      %masked_sort3A_1371, %masked_sort3A_1372, %masked_sort3A_1373 = tpu.sort %scan3A_1197#7, %add3A_1369 masked %masked_sort3A_1370 {descending = true} : (vector<16xf32>, vector<16xi32>, vector<16xi1>) -> (vector<16xi1>, vector<16xf32>, vector<16xi32>)
      %rev3A_1374 = arith.constant 15 : i32
      %rev3A_1375 = vector.broadcast %rev3A_1374 : i32 to vector<16xi32>
      %rev3A_1376 = tpu.iota {dimensions = array<i32: 0>} : vector<16xi32>
      %rev3A_1377 = arith.subi %rev3A_1375, %rev3A_1376 : vector<16xi32>
      %rev3A_1378 = tpu.dynamic_gather %masked_sort3A_1372[%rev3A_1377] in [0] : vector<16xf32>, vector<16xi32> -> vector<16xf32>
      %rev3A_1379 = arith.constant 15 : i32
      %rev3A_1380 = vector.broadcast %rev3A_1379 : i32 to vector<16xi32>
      %rev3A_1381 = tpu.iota {dimensions = array<i32: 0>} : vector<16xi32>
      %rev3A_1382 = arith.subi %rev3A_1380, %rev3A_1381 : vector<16xi32>
      %rev3A_1383 = tpu.dynamic_gather %masked_sort3A_1373[%rev3A_1382] in [0] : vector<16xi32>, vector<16xi32> -> vector<16xi32>
      %ge3A_1384 = arith.cmpf oge, %masked_sort3A_1365, %rev3A_1378 : vector<16xf32>
      %select_n3A_1385 = arith.select %ge3A_1384, %masked_sort3A_1365, %rev3A_1378 : vector<16xi1>, vector<16xf32>
      %select_n3A_1386 = arith.select %ge3A_1384, %masked_sort3A_1366, %rev3A_1383 : vector<16xi1>, vector<16xi32>
      %masked_sort3A_1387 = arith.constant dense<true> : vector<16xi1>
      %masked_sort3A_1388, %masked_sort3A_1389, %masked_sort3A_1390 = tpu.sort %select_n3A_1385, %select_n3A_1386 masked %masked_sort3A_1387 {descending = true} : (vector<16xf32>, vector<16xi32>, vector<16xi1>) -> (vector<16xi1>, vector<16xf32>, vector<16xi32>)
      %add3A_1391 = arith.constant 128 : i32
      %add3A_1392 = vector.broadcast %add3A_1391 : i32 to vector<16xi32>
      %add3A_1393 = arith.addi %iota3A, %add3A_1392 : vector<16xi32>
      %masked_sort3A_1394 = arith.constant dense<true> : vector<16xi1>
      %masked_sort3A_1395, %masked_sort3A_1396, %masked_sort3A_1397 = tpu.sort %scan3A_1197#8, %add3A_1393 masked %masked_sort3A_1394 {descending = true} : (vector<16xf32>, vector<16xi32>, vector<16xi1>) -> (vector<16xi1>, vector<16xf32>, vector<16xi32>)
      %rev3A_1398 = arith.constant 15 : i32
      %rev3A_1399 = vector.broadcast %rev3A_1398 : i32 to vector<16xi32>
      %rev3A_1400 = tpu.iota {dimensions = array<i32: 0>} : vector<16xi32>
      %rev3A_1401 = arith.subi %rev3A_1399, %rev3A_1400 : vector<16xi32>
      %rev3A_1402 = tpu.dynamic_gather %masked_sort3A_1396[%rev3A_1401] in [0] : vector<16xf32>, vector<16xi32> -> vector<16xf32>
      %rev3A_1403 = arith.constant 15 : i32
      %rev3A_1404 = vector.broadcast %rev3A_1403 : i32 to vector<16xi32>
      %rev3A_1405 = tpu.iota {dimensions = array<i32: 0>} : vector<16xi32>
      %rev3A_1406 = arith.subi %rev3A_1404, %rev3A_1405 : vector<16xi32>
      %rev3A_1407 = tpu.dynamic_gather %masked_sort3A_1397[%rev3A_1406] in [0] : vector<16xi32>, vector<16xi32> -> vector<16xi32>
      %ge3A_1408 = arith.cmpf oge, %masked_sort3A_1389, %rev3A_1402 : vector<16xf32>
      %select_n3A_1409 = arith.select %ge3A_1408, %masked_sort3A_1389, %rev3A_1402 : vector<16xi1>, vector<16xf32>
      %select_n3A_1410 = arith.select %ge3A_1408, %masked_sort3A_1390, %rev3A_1407 : vector<16xi1>, vector<16xi32>
      %masked_sort3A_1411 = arith.constant dense<true> : vector<16xi1>
      %masked_sort3A_1412, %masked_sort3A_1413, %masked_sort3A_1414 = tpu.sort %select_n3A_1409, %select_n3A_1410 masked %masked_sort3A_1411 {descending = true} : (vector<16xf32>, vector<16xi32>, vector<16xi1>) -> (vector<16xi1>, vector<16xf32>, vector<16xi32>)
      %add3A_1415 = arith.constant 144 : i32
      %add3A_1416 = vector.broadcast %add3A_1415 : i32 to vector<16xi32>
      %add3A_1417 = arith.addi %iota3A, %add3A_1416 : vector<16xi32>
      %masked_sort3A_1418 = arith.constant dense<true> : vector<16xi1>
      %masked_sort3A_1419, %masked_sort3A_1420, %masked_sort3A_1421 = tpu.sort %scan3A_1197#9, %add3A_1417 masked %masked_sort3A_1418 {descending = true} : (vector<16xf32>, vector<16xi32>, vector<16xi1>) -> (vector<16xi1>, vector<16xf32>, vector<16xi32>)
      %rev3A_1422 = arith.constant 15 : i32
      %rev3A_1423 = vector.broadcast %rev3A_1422 : i32 to vector<16xi32>
      %rev3A_1424 = tpu.iota {dimensions = array<i32: 0>} : vector<16xi32>
      %rev3A_1425 = arith.subi %rev3A_1423, %rev3A_1424 : vector<16xi32>
      %rev3A_1426 = tpu.dynamic_gather %masked_sort3A_1420[%rev3A_1425] in [0] : vector<16xf32>, vector<16xi32> -> vector<16xf32>
      %rev3A_1427 = arith.constant 15 : i32
      %rev3A_1428 = vector.broadcast %rev3A_1427 : i32 to vector<16xi32>
      %rev3A_1429 = tpu.iota {dimensions = array<i32: 0>} : vector<16xi32>
      %rev3A_1430 = arith.subi %rev3A_1428, %rev3A_1429 : vector<16xi32>
      %rev3A_1431 = tpu.dynamic_gather %masked_sort3A_1421[%rev3A_1430] in [0] : vector<16xi32>, vector<16xi32> -> vector<16xi32>
      %ge3A_1432 = arith.cmpf oge, %masked_sort3A_1413, %rev3A_1426 : vector<16xf32>
      %select_n3A_1433 = arith.select %ge3A_1432, %masked_sort3A_1413, %rev3A_1426 : vector<16xi1>, vector<16xf32>
      %select_n3A_1434 = arith.select %ge3A_1432, %masked_sort3A_1414, %rev3A_1431 : vector<16xi1>, vector<16xi32>
      %masked_sort3A_1435 = arith.constant dense<true> : vector<16xi1>
      %masked_sort3A_1436, %masked_sort3A_1437, %masked_sort3A_1438 = tpu.sort %select_n3A_1433, %select_n3A_1434 masked %masked_sort3A_1435 {descending = true} : (vector<16xf32>, vector<16xi32>, vector<16xi1>) -> (vector<16xi1>, vector<16xf32>, vector<16xi32>)
      %add3A_1439 = arith.constant 160 : i32
      %add3A_1440 = vector.broadcast %add3A_1439 : i32 to vector<16xi32>
      %add3A_1441 = arith.addi %iota3A, %add3A_1440 : vector<16xi32>
      %masked_sort3A_1442 = arith.constant dense<true> : vector<16xi1>
      %masked_sort3A_1443, %masked_sort3A_1444, %masked_sort3A_1445 = tpu.sort %scan3A_1197#10, %add3A_1441 masked %masked_sort3A_1442 {descending = true} : (vector<16xf32>, vector<16xi32>, vector<16xi1>) -> (vector<16xi1>, vector<16xf32>, vector<16xi32>)
      %rev3A_1446 = arith.constant 15 : i32
      %rev3A_1447 = vector.broadcast %rev3A_1446 : i32 to vector<16xi32>
      %rev3A_1448 = tpu.iota {dimensions = array<i32: 0>} : vector<16xi32>
      %rev3A_1449 = arith.subi %rev3A_1447, %rev3A_1448 : vector<16xi32>
      %rev3A_1450 = tpu.dynamic_gather %masked_sort3A_1444[%rev3A_1449] in [0] : vector<16xf32>, vector<16xi32> -> vector<16xf32>
      %rev3A_1451 = arith.constant 15 : i32
      %rev3A_1452 = vector.broadcast %rev3A_1451 : i32 to vector<16xi32>
      %rev3A_1453 = tpu.iota {dimensions = array<i32: 0>} : vector<16xi32>
      %rev3A_1454 = arith.subi %rev3A_1452, %rev3A_1453 : vector<16xi32>
      %rev3A_1455 = tpu.dynamic_gather %masked_sort3A_1445[%rev3A_1454] in [0] : vector<16xi32>, vector<16xi32> -> vector<16xi32>
      %ge3A_1456 = arith.cmpf oge, %masked_sort3A_1437, %rev3A_1450 : vector<16xf32>
      %select_n3A_1457 = arith.select %ge3A_1456, %masked_sort3A_1437, %rev3A_1450 : vector<16xi1>, vector<16xf32>
      %select_n3A_1458 = arith.select %ge3A_1456, %masked_sort3A_1438, %rev3A_1455 : vector<16xi1>, vector<16xi32>
      %masked_sort3A_1459 = arith.constant dense<true> : vector<16xi1>
      %masked_sort3A_1460, %masked_sort3A_1461, %masked_sort3A_1462 = tpu.sort %select_n3A_1457, %select_n3A_1458 masked %masked_sort3A_1459 {descending = true} : (vector<16xf32>, vector<16xi32>, vector<16xi1>) -> (vector<16xi1>, vector<16xf32>, vector<16xi32>)
      %add3A_1463 = arith.constant 176 : i32
      %add3A_1464 = vector.broadcast %add3A_1463 : i32 to vector<16xi32>
      %add3A_1465 = arith.addi %iota3A, %add3A_1464 : vector<16xi32>
      %masked_sort3A_1466 = arith.constant dense<true> : vector<16xi1>
      %masked_sort3A_1467, %masked_sort3A_1468, %masked_sort3A_1469 = tpu.sort %scan3A_1197#11, %add3A_1465 masked %masked_sort3A_1466 {descending = true} : (vector<16xf32>, vector<16xi32>, vector<16xi1>) -> (vector<16xi1>, vector<16xf32>, vector<16xi32>)
      %rev3A_1470 = arith.constant 15 : i32
      %rev3A_1471 = vector.broadcast %rev3A_1470 : i32 to vector<16xi32>
      %rev3A_1472 = tpu.iota {dimensions = array<i32: 0>} : vector<16xi32>
      %rev3A_1473 = arith.subi %rev3A_1471, %rev3A_1472 : vector<16xi32>
      %rev3A_1474 = tpu.dynamic_gather %masked_sort3A_1468[%rev3A_1473] in [0] : vector<16xf32>, vector<16xi32> -> vector<16xf32>
      %rev3A_1475 = arith.constant 15 : i32
      %rev3A_1476 = vector.broadcast %rev3A_1475 : i32 to vector<16xi32>
      %rev3A_1477 = tpu.iota {dimensions = array<i32: 0>} : vector<16xi32>
      %rev3A_1478 = arith.subi %rev3A_1476, %rev3A_1477 : vector<16xi32>
      %rev3A_1479 = tpu.dynamic_gather %masked_sort3A_1469[%rev3A_1478] in [0] : vector<16xi32>, vector<16xi32> -> vector<16xi32>
      %ge3A_1480 = arith.cmpf oge, %masked_sort3A_1461, %rev3A_1474 : vector<16xf32>
      %select_n3A_1481 = arith.select %ge3A_1480, %masked_sort3A_1461, %rev3A_1474 : vector<16xi1>, vector<16xf32>
      %select_n3A_1482 = arith.select %ge3A_1480, %masked_sort3A_1462, %rev3A_1479 : vector<16xi1>, vector<16xi32>
      %masked_sort3A_1483 = arith.constant dense<true> : vector<16xi1>
      %masked_sort3A_1484, %masked_sort3A_1485, %masked_sort3A_1486 = tpu.sort %select_n3A_1481, %select_n3A_1482 masked %masked_sort3A_1483 {descending = true} : (vector<16xf32>, vector<16xi32>, vector<16xi1>) -> (vector<16xi1>, vector<16xf32>, vector<16xi32>)
      %add3A_1487 = arith.constant 192 : i32
      %add3A_1488 = vector.broadcast %add3A_1487 : i32 to vector<16xi32>
      %add3A_1489 = arith.addi %iota3A, %add3A_1488 : vector<16xi32>
      %masked_sort3A_1490 = arith.constant dense<true> : vector<16xi1>
      %masked_sort3A_1491, %masked_sort3A_1492, %masked_sort3A_1493 = tpu.sort %scan3A_1197#12, %add3A_1489 masked %masked_sort3A_1490 {descending = true} : (vector<16xf32>, vector<16xi32>, vector<16xi1>) -> (vector<16xi1>, vector<16xf32>, vector<16xi32>)
      %rev3A_1494 = arith.constant 15 : i32
      %rev3A_1495 = vector.broadcast %rev3A_1494 : i32 to vector<16xi32>
      %rev3A_1496 = tpu.iota {dimensions = array<i32: 0>} : vector<16xi32>
      %rev3A_1497 = arith.subi %rev3A_1495, %rev3A_1496 : vector<16xi32>
      %rev3A_1498 = tpu.dynamic_gather %masked_sort3A_1492[%rev3A_1497] in [0] : vector<16xf32>, vector<16xi32> -> vector<16xf32>
      %rev3A_1499 = arith.constant 15 : i32
      %rev3A_1500 = vector.broadcast %rev3A_1499 : i32 to vector<16xi32>
      %rev3A_1501 = tpu.iota {dimensions = array<i32: 0>} : vector<16xi32>
      %rev3A_1502 = arith.subi %rev3A_1500, %rev3A_1501 : vector<16xi32>
      %rev3A_1503 = tpu.dynamic_gather %masked_sort3A_1493[%rev3A_1502] in [0] : vector<16xi32>, vector<16xi32> -> vector<16xi32>
      %ge3A_1504 = arith.cmpf oge, %masked_sort3A_1485, %rev3A_1498 : vector<16xf32>
      %select_n3A_1505 = arith.select %ge3A_1504, %masked_sort3A_1485, %rev3A_1498 : vector<16xi1>, vector<16xf32>
      %select_n3A_1506 = arith.select %ge3A_1504, %masked_sort3A_1486, %rev3A_1503 : vector<16xi1>, vector<16xi32>
      %masked_sort3A_1507 = arith.constant dense<true> : vector<16xi1>
      %masked_sort3A_1508, %masked_sort3A_1509, %masked_sort3A_1510 = tpu.sort %select_n3A_1505, %select_n3A_1506 masked %masked_sort3A_1507 {descending = true} : (vector<16xf32>, vector<16xi32>, vector<16xi1>) -> (vector<16xi1>, vector<16xf32>, vector<16xi32>)
      %add3A_1511 = arith.constant 208 : i32
      %add3A_1512 = vector.broadcast %add3A_1511 : i32 to vector<16xi32>
      %add3A_1513 = arith.addi %iota3A, %add3A_1512 : vector<16xi32>
      %masked_sort3A_1514 = arith.constant dense<true> : vector<16xi1>
      %masked_sort3A_1515, %masked_sort3A_1516, %masked_sort3A_1517 = tpu.sort %scan3A_1197#13, %add3A_1513 masked %masked_sort3A_1514 {descending = true} : (vector<16xf32>, vector<16xi32>, vector<16xi1>) -> (vector<16xi1>, vector<16xf32>, vector<16xi32>)
      %rev3A_1518 = arith.constant 15 : i32
      %rev3A_1519 = vector.broadcast %rev3A_1518 : i32 to vector<16xi32>
      %rev3A_1520 = tpu.iota {dimensions = array<i32: 0>} : vector<16xi32>
      %rev3A_1521 = arith.subi %rev3A_1519, %rev3A_1520 : vector<16xi32>
      %rev3A_1522 = tpu.dynamic_gather %masked_sort3A_1516[%rev3A_1521] in [0] : vector<16xf32>, vector<16xi32> -> vector<16xf32>
      %rev3A_1523 = arith.constant 15 : i32
      %rev3A_1524 = vector.broadcast %rev3A_1523 : i32 to vector<16xi32>
      %rev3A_1525 = tpu.iota {dimensions = array<i32: 0>} : vector<16xi32>
      %rev3A_1526 = arith.subi %rev3A_1524, %rev3A_1525 : vector<16xi32>
      %rev3A_1527 = tpu.dynamic_gather %masked_sort3A_1517[%rev3A_1526] in [0] : vector<16xi32>, vector<16xi32> -> vector<16xi32>
      %ge3A_1528 = arith.cmpf oge, %masked_sort3A_1509, %rev3A_1522 : vector<16xf32>
      %select_n3A_1529 = arith.select %ge3A_1528, %masked_sort3A_1509, %rev3A_1522 : vector<16xi1>, vector<16xf32>
      %select_n3A_1530 = arith.select %ge3A_1528, %masked_sort3A_1510, %rev3A_1527 : vector<16xi1>, vector<16xi32>
      %masked_sort3A_1531 = arith.constant dense<true> : vector<16xi1>
      %masked_sort3A_1532, %masked_sort3A_1533, %masked_sort3A_1534 = tpu.sort %select_n3A_1529, %select_n3A_1530 masked %masked_sort3A_1531 {descending = true} : (vector<16xf32>, vector<16xi32>, vector<16xi1>) -> (vector<16xi1>, vector<16xf32>, vector<16xi32>)
      %add3A_1535 = arith.constant 224 : i32
      %add3A_1536 = vector.broadcast %add3A_1535 : i32 to vector<16xi32>
      %add3A_1537 = arith.addi %iota3A, %add3A_1536 : vector<16xi32>
      %masked_sort3A_1538 = arith.constant dense<true> : vector<16xi1>
      %masked_sort3A_1539, %masked_sort3A_1540, %masked_sort3A_1541 = tpu.sort %scan3A_1197#14, %add3A_1537 masked %masked_sort3A_1538 {descending = true} : (vector<16xf32>, vector<16xi32>, vector<16xi1>) -> (vector<16xi1>, vector<16xf32>, vector<16xi32>)
      %rev3A_1542 = arith.constant 15 : i32
      %rev3A_1543 = vector.broadcast %rev3A_1542 : i32 to vector<16xi32>
      %rev3A_1544 = tpu.iota {dimensions = array<i32: 0>} : vector<16xi32>
      %rev3A_1545 = arith.subi %rev3A_1543, %rev3A_1544 : vector<16xi32>
      %rev3A_1546 = tpu.dynamic_gather %masked_sort3A_1540[%rev3A_1545] in [0] : vector<16xf32>, vector<16xi32> -> vector<16xf32>
      %rev3A_1547 = arith.constant 15 : i32
      %rev3A_1548 = vector.broadcast %rev3A_1547 : i32 to vector<16xi32>
      %rev3A_1549 = tpu.iota {dimensions = array<i32: 0>} : vector<16xi32>
      %rev3A_1550 = arith.subi %rev3A_1548, %rev3A_1549 : vector<16xi32>
      %rev3A_1551 = tpu.dynamic_gather %masked_sort3A_1541[%rev3A_1550] in [0] : vector<16xi32>, vector<16xi32> -> vector<16xi32>
      %ge3A_1552 = arith.cmpf oge, %masked_sort3A_1533, %rev3A_1546 : vector<16xf32>
      %select_n3A_1553 = arith.select %ge3A_1552, %masked_sort3A_1533, %rev3A_1546 : vector<16xi1>, vector<16xf32>
      %select_n3A_1554 = arith.select %ge3A_1552, %masked_sort3A_1534, %rev3A_1551 : vector<16xi1>, vector<16xi32>
      %masked_sort3A_1555 = arith.constant dense<true> : vector<16xi1>
      %masked_sort3A_1556, %masked_sort3A_1557, %masked_sort3A_1558 = tpu.sort %select_n3A_1553, %select_n3A_1554 masked %masked_sort3A_1555 {descending = true} : (vector<16xf32>, vector<16xi32>, vector<16xi1>) -> (vector<16xi1>, vector<16xf32>, vector<16xi32>)
      %add3A_1559 = arith.constant 240 : i32
      %add3A_1560 = vector.broadcast %add3A_1559 : i32 to vector<16xi32>
      %add3A_1561 = arith.addi %iota3A, %add3A_1560 : vector<16xi32>
      %masked_sort3A_1562 = arith.constant dense<true> : vector<16xi1>
      %masked_sort3A_1563, %masked_sort3A_1564, %masked_sort3A_1565 = tpu.sort %scan3A_1197#15, %add3A_1561 masked %masked_sort3A_1562 {descending = true} : (vector<16xf32>, vector<16xi32>, vector<16xi1>) -> (vector<16xi1>, vector<16xf32>, vector<16xi32>)
      %rev3A_1566 = arith.constant 15 : i32
      %rev3A_1567 = vector.broadcast %rev3A_1566 : i32 to vector<16xi32>
      %rev3A_1568 = tpu.iota {dimensions = array<i32: 0>} : vector<16xi32>
      %rev3A_1569 = arith.subi %rev3A_1567, %rev3A_1568 : vector<16xi32>
      %rev3A_1570 = tpu.dynamic_gather %masked_sort3A_1564[%rev3A_1569] in [0] : vector<16xf32>, vector<16xi32> -> vector<16xf32>
      %rev3A_1571 = arith.constant 15 : i32
      %rev3A_1572 = vector.broadcast %rev3A_1571 : i32 to vector<16xi32>
      %rev3A_1573 = tpu.iota {dimensions = array<i32: 0>} : vector<16xi32>
      %rev3A_1574 = arith.subi %rev3A_1572, %rev3A_1573 : vector<16xi32>
      %rev3A_1575 = tpu.dynamic_gather %masked_sort3A_1565[%rev3A_1574] in [0] : vector<16xi32>, vector<16xi32> -> vector<16xi32>
      %ge3A_1576 = arith.cmpf oge, %masked_sort3A_1557, %rev3A_1570 : vector<16xf32>
      %select_n3A_1577 = arith.select %ge3A_1576, %masked_sort3A_1557, %rev3A_1570 : vector<16xi1>, vector<16xf32>
      %select_n3A_1578 = arith.select %ge3A_1576, %masked_sort3A_1558, %rev3A_1575 : vector<16xi1>, vector<16xi32>
      %masked_sort3A_1579 = arith.constant dense<true> : vector<16xi1>
      %masked_sort3A_1580, %masked_sort3A_1581, %masked_sort3A_1582 = tpu.sort %select_n3A_1577, %select_n3A_1578 masked %masked_sort3A_1579 {descending = true} : (vector<16xf32>, vector<16xi32>, vector<16xi1>) -> (vector<16xi1>, vector<16xf32>, vector<16xi32>)
      %lt3A_1583 = arith.constant 10 : i32
      %lt3A_1584 = vector.broadcast %lt3A_1583 : i32 to vector<16xi32>
      %lt3A_1585 = arith.cmpi slt, %iota3A, %lt3A_1584 : vector<16xi32>
      %jit3A_1586 = arith.constant 0x7F800000 : f32
      %broadcast_in_dim3A_1587 = vector.broadcast %jit3A_1586 : f32 to vector<16xf32>
      %select_n3A_1588 = arith.select %lt3A_1585, %masked_sort3A_1581, %broadcast_in_dim3A_1587 : vector<16xi1>, vector<16xf32>
      %reduce_min3A_1589 = arith.constant true
      %reduce_min3A_1590 = vector.broadcast %reduce_min3A_1589 : i1 to vector<16xi1>
      %reduce_min3A_1591 = tpu.scan <min>, %select_n3A_1588 masked %reduce_min3A_1590 : vector<16xf32>, vector<16xi1> -> vector<16xf32>
      %reduce_min3A_1592 = vector.extract %reduce_min3A_1591[15] : f32 from vector<16xf32>
      %scan3A_1593 = arith.constant 0 : i32
      %scan3A_1594 = arith.constant 16 : i32
      %scan3A_1595 = arith.addi %scan3A_1593, %scan3A_1594 : i32
      %scan3A_1596 = arith.constant 1 : i32
      %scan3A_1597:3 = scf.for %scan3A_2101 = %scan3A_1593 to %scan3A_1595 step %scan3A_1596 iter_args(%scan3A_2102 = %broadcast_in_dim3A_1, %scan3A_2103 = %broadcast_in_dim3A_3, %scan3A_2104 = %broadcast_in_dim3A_1) -> (vector<16xf32>, vector<16xi32>, vector<16xf32>)  : i32 {
        %iota3A_2105 = tpu.iota {dimensions = array<i32: 0>} : vector<16xi32>
        %eq3A_2106 = vector.broadcast %scan3A_2101 : i32 to vector<16xi32>
        %eq3A_2107 = arith.cmpi eq, %iota3A_2105, %eq3A_2106 : vector<16xi32>
        %jit3A_2108 = arith.constant 0xFF800000 : f32
        %broadcast_in_dim3A_2109 = vector.broadcast %jit3A_2108 : f32 to vector<16xf32>
        %select_n3A_2110 = arith.select %eq3A_2107, %masked_sort3A_1581, %broadcast_in_dim3A_2109 : vector<16xi1>, vector<16xf32>
        %reduce_max3A_2111 = arith.constant true
        %reduce_max3A_2112 = vector.broadcast %reduce_max3A_2111 : i1 to vector<16xi1>
        %reduce_max3A_2113 = tpu.scan <max>, %select_n3A_2110 masked %reduce_max3A_2112 : vector<16xf32>, vector<16xi1> -> vector<16xf32>
        %reduce_max3A_2114 = vector.extract %reduce_max3A_2113[15] : f32 from vector<16xf32>
        %iota3A_2115 = tpu.iota {dimensions = array<i32: 0>} : vector<16xi32>
        %eq3A_2116 = vector.broadcast %scan3A_2101 : i32 to vector<16xi32>
        %eq3A_2117 = arith.cmpi eq, %iota3A_2115, %eq3A_2116 : vector<16xi32>
        %jit3A_2118 = arith.constant 0 : i32
        %broadcast_in_dim3A_2119 = vector.broadcast %jit3A_2118 : i32 to vector<16xi32>
        %select_n3A_2120 = arith.select %eq3A_2117, %masked_sort3A_1582, %broadcast_in_dim3A_2119 : vector<16xi1>, vector<16xi32>
        %reduce_max3A_2121 = arith.constant true
        %reduce_max3A_2122 = vector.broadcast %reduce_max3A_2121 : i1 to vector<16xi1>
        %reduce_max3A_2123 = arith.constant -2147483648 : i32
        %reduce_max3A_2124 = vector.broadcast %reduce_max3A_2123 : i32 to vector<16xi32>
        %reduce_max3A_2125 = arith.xori %select_n3A_2120, %reduce_max3A_2124 : vector<16xi32>
        %reduce_max3A_2126 = tpu.scan <max>, %reduce_max3A_2125 masked %reduce_max3A_2122 : vector<16xi32>, vector<16xi1> -> vector<16xi32>
        %reduce_max3A_2127 = arith.xori %reduce_max3A_2126, %reduce_max3A_2124 : vector<16xi32>
        %reduce_max3A_2128 = vector.extract %reduce_max3A_2127[15] : i32 from vector<16xi32>
        %ge3A_2129 = arith.cmpf oge, %reduce_max3A_2114, %reduce_min3A_1592 : f32
        %convert_element_type3A_2130 = arith.extui %ge3A_2129 : i1 to i32
        %cond3A_2131 = arith.constant 0 : i32
        %cond3A_2132 = arith.cmpi ne, %convert_element_type3A_2130, %cond3A_2131 : i32
        %cond3A_2133:3 = scf.if %cond3A_2132 -> (vector<16xf32>, vector<16xi32>, vector<16xf32>) {
          %scan3A_2134 = arith.constant 0 : i32
          %scan3A_2135 = arith.constant 13 : i32
          %scan3A_2136 = arith.addi %scan3A_2134, %scan3A_2135 : i32
          %scan3A_2137 = arith.constant 1 : i32
          %scan3A_2138:3 = scf.for %scan3A_2140 = %scan3A_2134 to %scan3A_2136 step %scan3A_2137 iter_args(%scan3A_2141 = %scan3A_2102, %scan3A_2142 = %scan3A_2103, %scan3A_2143 = %scan3A_2104) -> (vector<16xf32>, vector<16xi32>, vector<16xf32>)  : i32 {
            %mul3A_2144 = arith.constant 16 : i32
            %mul3A_2145 = arith.muli %scan3A_2140, %mul3A_2144 : i32
            %mul3A_2146 = arith.constant 256 : i32
            %mul3A_2147 = arith.muli %mul3A_2146, %mul3A_2145 : i32
            %add3A_2148 = arith.addi %reduce_max3A_2128, %mul3A_2147 : i32
            %mul3A_2149 = arith.constant 256 : i32
            %mul3A_2150 = vector.broadcast %mul3A_2149 : i32 to vector<16xi32>
            %mul3A_2151 = arith.muli %mul3A_2150, %iota3A : vector<16xi32>
            %add3A_2152 = vector.broadcast %add3A_2148 : i32 to vector<16xi32>
            %add3A_2153 = arith.addi %add3A_2152, %mul3A_2151 : vector<16xi32>
            %gather3A = tpu.vector_load_idx %arg10[%add3A_2153] : memref<53248xf32, #tpu.memory_space<vmem>>[vector<16xi32>], vector<16xf32>,
            %gt3A = arith.cmpf ogt, %gather3A, %scan3A_2143 : vector<16xf32>
            %reduce_or3A = arith.constant 1.000000e+00 : f32
            %reduce_or3A_2154 = arith.constant 0.000000e+00 : f32
            %reduce_or3A_2155 = vector.broadcast %reduce_or3A : f32 to vector<16xf32>
            %reduce_or3A_2156 = vector.broadcast %reduce_or3A_2154 : f32 to vector<16xf32>
            %reduce_or3A_2157 = arith.select %gt3A, %reduce_or3A_2155, %reduce_or3A_2156 : vector<16xi1>, vector<16xf32>
            %reduce_or3A_2158 = arith.constant true
            %reduce_or3A_2159 = vector.broadcast %reduce_or3A_2158 : i1 to vector<16xi1>
            %reduce_or3A_2160 = tpu.scan <max>, %reduce_or3A_2157 masked %reduce_or3A_2159 : vector<16xf32>, vector<16xi1> -> vector<16xf32>
            %reduce_or3A_2161 = vector.extract %reduce_or3A_2160[15] : f32 from vector<16xf32>
            %reduce_or3A_2162 = arith.constant 0.000000e+00 : f32
            %reduce_or3A_2163 = arith.cmpf ogt, %reduce_or3A_2161, %reduce_or3A_2162 : f32
            %convert_element_type3A_2164 = arith.extui %reduce_or3A_2163 : i1 to i32
            %cond3A_2165 = arith.constant 0 : i32
            %cond3A_2166 = arith.cmpi ne, %convert_element_type3A_2164, %cond3A_2165 : i32
            %cond3A_2167:3 = scf.if %cond3A_2166 -> (vector<16xf32>, vector<16xi32>, vector<16xf32>) {
              %masked_sort3A_2168 = arith.constant dense<true> : vector<16xi1>
              %masked_sort3A_2169, %masked_sort3A_2170, %masked_sort3A_2171 = tpu.sort %gather3A, %add3A_2153 masked %masked_sort3A_2168 {descending = true} : (vector<16xf32>, vector<16xi32>, vector<16xi1>) -> (vector<16xi1>, vector<16xf32>, vector<16xi32>)
              %rev3A_2172 = arith.constant 15 : i32
              %rev3A_2173 = vector.broadcast %rev3A_2172 : i32 to vector<16xi32>
              %rev3A_2174 = tpu.iota {dimensions = array<i32: 0>} : vector<16xi32>
              %rev3A_2175 = arith.subi %rev3A_2173, %rev3A_2174 : vector<16xi32>
              %rev3A_2176 = tpu.dynamic_gather %masked_sort3A_2170[%rev3A_2175] in [0] : vector<16xf32>, vector<16xi32> -> vector<16xf32>
              %rev3A_2177 = arith.constant 15 : i32
              %rev3A_2178 = vector.broadcast %rev3A_2177 : i32 to vector<16xi32>
              %rev3A_2179 = tpu.iota {dimensions = array<i32: 0>} : vector<16xi32>
              %rev3A_2180 = arith.subi %rev3A_2178, %rev3A_2179 : vector<16xi32>
              %rev3A_2181 = tpu.dynamic_gather %masked_sort3A_2171[%rev3A_2180] in [0] : vector<16xi32>, vector<16xi32> -> vector<16xi32>
              %ge3A_2182 = arith.cmpf oge, %scan3A_2141, %rev3A_2176 : vector<16xf32>
              %select_n3A_2183 = arith.select %ge3A_2182, %scan3A_2141, %rev3A_2176 : vector<16xi1>, vector<16xf32>
              %select_n3A_2184 = arith.select %ge3A_2182, %scan3A_2142, %rev3A_2181 : vector<16xi1>, vector<16xi32>
              %masked_sort3A_2185 = arith.constant dense<true> : vector<16xi1>
              %masked_sort3A_2186, %masked_sort3A_2187, %masked_sort3A_2188 = tpu.sort %select_n3A_2183, %select_n3A_2184 masked %masked_sort3A_2185 {descending = true} : (vector<16xf32>, vector<16xi32>, vector<16xi1>) -> (vector<16xi1>, vector<16xf32>, vector<16xi32>)
              %reduce_min3A_2189 = arith.constant true
              %reduce_min3A_2190 = vector.broadcast %reduce_min3A_2189 : i1 to vector<16xi1>
              %reduce_min3A_2191 = tpu.scan <min>, %masked_sort3A_2187 masked %reduce_min3A_2190 : vector<16xf32>, vector<16xi1> -> vector<16xf32>
              %reduce_min3A_2192 = vector.extract %reduce_min3A_2191[15] : f32 from vector<16xf32>
              %broadcast_in_dim3A_2193 = vector.broadcast %reduce_min3A_2192 : f32 to vector<16xf32>
              scf.yield %masked_sort3A_2187, %masked_sort3A_2188, %broadcast_in_dim3A_2193 : vector<16xf32>, vector<16xi32>, vector<16xf32>
            } else {
              scf.yield %scan3A_2141, %scan3A_2142, %scan3A_2143 : vector<16xf32>, vector<16xi32>, vector<16xf32>
            }
            scf.yield %cond3A_2167#0, %cond3A_2167#1, %cond3A_2167#2 : vector<16xf32>, vector<16xi32>, vector<16xf32>
          }
          %scan3A_2139 = arith.constant 13 : i32
          scf.yield %scan3A_2138#0, %scan3A_2138#1, %scan3A_2138#2 : vector<16xf32>, vector<16xi32>, vector<16xf32>
        } else {
          scf.yield %scan3A_2102, %scan3A_2103, %scan3A_2104 : vector<16xf32>, vector<16xi32>, vector<16xf32>
        }
        scf.yield %cond3A_2133#0, %cond3A_2133#1, %cond3A_2133#2 : vector<16xf32>, vector<16xi32>, vector<16xf32>
      }
      %scan3A_1598 = arith.constant 16 : i32
      %add3A_1599 = arith.constant 50000 : i32
      %add3A_1600 = vector.broadcast %add3A_1599 : i32 to vector<16xi32>
      %add3A_1601 = arith.addi %scan3A_1597#1, %add3A_1600 : vector<16xi32>
      %masked_sort3A_1602 = arith.constant dense<true> : vector<16xi1>
      %masked_sort3A_1603, %masked_sort3A_1604, %masked_sort3A_1605 = tpu.sort %scan3A_1597#0, %add3A_1601 masked %masked_sort3A_1602 {descending = true} : (vector<16xf32>, vector<16xi32>, vector<16xi1>) -> (vector<16xi1>, vector<16xf32>, vector<16xi32>)
      %rev3A_1606 = arith.constant 15 : i32
      %rev3A_1607 = vector.broadcast %rev3A_1606 : i32 to vector<16xi32>
      %rev3A_1608 = tpu.iota {dimensions = array<i32: 0>} : vector<16xi32>
      %rev3A_1609 = arith.subi %rev3A_1607, %rev3A_1608 : vector<16xi32>
      %rev3A_1610 = tpu.dynamic_gather %masked_sort3A_1604[%rev3A_1609] in [0] : vector<16xf32>, vector<16xi32> -> vector<16xf32>
      %rev3A_1611 = arith.constant 15 : i32
      %rev3A_1612 = vector.broadcast %rev3A_1611 : i32 to vector<16xi32>
      %rev3A_1613 = tpu.iota {dimensions = array<i32: 0>} : vector<16xi32>
      %rev3A_1614 = arith.subi %rev3A_1612, %rev3A_1613 : vector<16xi32>
      %rev3A_1615 = tpu.dynamic_gather %masked_sort3A_1605[%rev3A_1614] in [0] : vector<16xi32>, vector<16xi32> -> vector<16xi32>
      %ge3A_1616 = arith.cmpf oge, %scan3A_1177#0, %rev3A_1610 : vector<16xf32>
      %select_n3A_1617 = arith.select %ge3A_1616, %scan3A_1177#0, %rev3A_1610 : vector<16xi1>, vector<16xf32>
      %select_n3A_1618 = arith.select %ge3A_1616, %add3A_1181, %rev3A_1615 : vector<16xi1>, vector<16xi32>
      %masked_sort3A_1619 = arith.constant dense<true> : vector<16xi1>
      %masked_sort3A_1620, %masked_sort3A_1621, %masked_sort3A_1622 = tpu.sort %select_n3A_1617, %select_n3A_1618 masked %masked_sort3A_1619 {descending = true} : (vector<16xf32>, vector<16xi32>, vector<16xi1>) -> (vector<16xi1>, vector<16xf32>, vector<16xi32>)
      %iota3A_1623 = tpu.iota {dimensions = array<i32: 0>} : vector<16xi32>
      %eq3A = vector.broadcast %scan3A_701 : i32 to vector<16xi32>
      %eq3A_1624 = arith.cmpi eq, %iota3A_1623, %eq3A : vector<16xi32>
      %jit3A_1625 = arith.constant 0 : i32
      %broadcast_in_dim3A_1626 = vector.broadcast %jit3A_1625 : i32 to vector<16xi32>
      %select_n3A_1627 = arith.select %eq3A_1624, %get3A_27, %broadcast_in_dim3A_1626 : vector<16xi1>, vector<16xi32>
      %reduce_max3A = arith.constant true
      %reduce_max3A_1628 = vector.broadcast %reduce_max3A : i1 to vector<16xi1>
      %reduce_max3A_1629 = arith.constant -2147483648 : i32
      %reduce_max3A_1630 = vector.broadcast %reduce_max3A_1629 : i32 to vector<16xi32>
      %reduce_max3A_1631 = arith.xori %select_n3A_1627, %reduce_max3A_1630 : vector<16xi32>
      %reduce_max3A_1632 = tpu.scan <max>, %reduce_max3A_1631 masked %reduce_max3A_1628 : vector<16xi32>, vector<16xi1> -> vector<16xi32>
      %reduce_max3A_1633 = arith.xori %reduce_max3A_1632, %reduce_max3A_1630 : vector<16xi32>
      %reduce_max3A_1634 = vector.extract %reduce_max3A_1633[15] : i32 from vector<16xi32>
      %add3A_1635 = arith.constant 8 : i32
      %add3A_1636 = arith.addi %scan3A_701, %add3A_1635 : i32
      %iota3A_1637 = tpu.iota {dimensions = array<i32: 0>} : vector<16xi32>
      %eq3A_1638 = vector.broadcast %add3A_1636 : i32 to vector<16xi32>
      %eq3A_1639 = arith.cmpi eq, %iota3A_1637, %eq3A_1638 : vector<16xi32>
      %jit3A_1640 = arith.constant 0 : i32
      %broadcast_in_dim3A_1641 = vector.broadcast %jit3A_1640 : i32 to vector<16xi32>
      %select_n3A_1642 = arith.select %eq3A_1639, %get3A_27, %broadcast_in_dim3A_1641 : vector<16xi1>, vector<16xi32>
      %reduce_max3A_1643 = arith.constant true
      %reduce_max3A_1644 = vector.broadcast %reduce_max3A_1643 : i1 to vector<16xi1>
      %reduce_max3A_1645 = arith.constant -2147483648 : i32
      %reduce_max3A_1646 = vector.broadcast %reduce_max3A_1645 : i32 to vector<16xi32>
      %reduce_max3A_1647 = arith.xori %select_n3A_1642, %reduce_max3A_1646 : vector<16xi32>
      %reduce_max3A_1648 = tpu.scan <max>, %reduce_max3A_1647 masked %reduce_max3A_1644 : vector<16xi32>, vector<16xi1> -> vector<16xi32>
      %reduce_max3A_1649 = arith.xori %reduce_max3A_1648, %reduce_max3A_1646 : vector<16xi32>
      %reduce_max3A_1650 = vector.extract %reduce_max3A_1649[15] : i32 from vector<16xi32>
      %mul3A_1651 = vector.broadcast %reduce_max3A_1650 : i32 to vector<16xi32>
      %mul3A_1652 = arith.muli %masked_sort3A_1622, %mul3A_1651 : vector<16xi32>
      %iota3A_1653 = tpu.iota {dimensions = array<i32: 0>} : vector<16xi32>
      %eq3A_1654 = arith.constant 0 : i32
      %eq3A_1655 = vector.broadcast %eq3A_1654 : i32 to vector<16xi32>
      %eq3A_1656 = arith.cmpi eq, %iota3A_1653, %eq3A_1655 : vector<16xi32>
      %jit3A_1657 = arith.constant 0 : i32
      %broadcast_in_dim3A_1658 = vector.broadcast %jit3A_1657 : i32 to vector<16xi32>
      %select_n3A_1659 = arith.select %eq3A_1656, %mul3A_1652, %broadcast_in_dim3A_1658 : vector<16xi1>, vector<16xi32>
      %reduce_max3A_1660 = arith.constant true
      %reduce_max3A_1661 = vector.broadcast %reduce_max3A_1660 : i1 to vector<16xi1>
      %reduce_max3A_1662 = arith.constant -2147483648 : i32
      %reduce_max3A_1663 = vector.broadcast %reduce_max3A_1662 : i32 to vector<16xi32>
      %reduce_max3A_1664 = arith.xori %select_n3A_1659, %reduce_max3A_1663 : vector<16xi32>
      %reduce_max3A_1665 = tpu.scan <max>, %reduce_max3A_1664 masked %reduce_max3A_1661 : vector<16xi32>, vector<16xi1> -> vector<16xi32>
      %reduce_max3A_1666 = arith.xori %reduce_max3A_1665, %reduce_max3A_1663 : vector<16xi32>
      %reduce_max3A_1667 = vector.extract %reduce_max3A_1666[15] : i32 from vector<16xi32>
      %mul3A_1668 = arith.constant 128 : i32
      %mul3A_1669 = arith.muli %reduce_max3A_1667, %mul3A_1668 : i32
      %dma_start3A_1670 = arith.constant 0 : i32
      %dma_start3A_1671 = tpu.memref_slice %arg15[%dma_start3A_1670] : memref<1280xf32, #tpu.memory_space<vmem>> -> memref<128xf32, #tpu.memory_space<vmem>>
      %dma_start3A_1672 = tpu.memref_slice %arg3[%mul3A_1669] : memref<12800000xf32, #tpu.memory_space<hbm>> -> memref<128xf32, #tpu.memory_space<hbm>>
      %dma_start3A_1673 = arith.constant 0 : i32
      %dma_start3A_1674 = tpu.memref_slice %arg15[%dma_start3A_1673] : memref<1280xf32, #tpu.memory_space<vmem>> -> memref<128xf32, #tpu.memory_space<vmem>>
      %dma_start3A_1675 = tpu.memref_slice %arg3[%mul3A_1669] : memref<12800000xf32, #tpu.memory_space<hbm>> -> memref<128xf32, #tpu.memory_space<hbm>>
      tpu.enqueue_dma source(%dma_start3A_1675 : memref<128xf32, #tpu.memory_space<hbm>>) target(%dma_start3A_1674 : memref<128xf32, #tpu.memory_space<vmem>>) target_semaphore(%arg36 : memref<!tpu.dma_semaphore, #tpu.memory_space<semaphore_mem>>)
      %iota3A_1676 = tpu.iota {dimensions = array<i32: 0>} : vector<16xi32>
      %eq3A_1677 = arith.constant 1 : i32
      %eq3A_1678 = vector.broadcast %eq3A_1677 : i32 to vector<16xi32>
      %eq3A_1679 = arith.cmpi eq, %iota3A_1676, %eq3A_1678 : vector<16xi32>
      %jit3A_1680 = arith.constant 0 : i32
      %broadcast_in_dim3A_1681 = vector.broadcast %jit3A_1680 : i32 to vector<16xi32>
      %select_n3A_1682 = arith.select %eq3A_1679, %mul3A_1652, %broadcast_in_dim3A_1681 : vector<16xi1>, vector<16xi32>
      %reduce_max3A_1683 = arith.constant true
      %reduce_max3A_1684 = vector.broadcast %reduce_max3A_1683 : i1 to vector<16xi1>
      %reduce_max3A_1685 = arith.constant -2147483648 : i32
      %reduce_max3A_1686 = vector.broadcast %reduce_max3A_1685 : i32 to vector<16xi32>
      %reduce_max3A_1687 = arith.xori %select_n3A_1682, %reduce_max3A_1686 : vector<16xi32>
      %reduce_max3A_1688 = tpu.scan <max>, %reduce_max3A_1687 masked %reduce_max3A_1684 : vector<16xi32>, vector<16xi1> -> vector<16xi32>
      %reduce_max3A_1689 = arith.xori %reduce_max3A_1688, %reduce_max3A_1686 : vector<16xi32>
      %reduce_max3A_1690 = vector.extract %reduce_max3A_1689[15] : i32 from vector<16xi32>
      %mul3A_1691 = arith.constant 128 : i32
      %mul3A_1692 = arith.muli %reduce_max3A_1690, %mul3A_1691 : i32
      %dma_start3A_1693 = arith.constant 128 : i32
      %dma_start3A_1694 = tpu.memref_slice %arg15[%dma_start3A_1693] : memref<1280xf32, #tpu.memory_space<vmem>> -> memref<128xf32, #tpu.memory_space<vmem>>
      %dma_start3A_1695 = tpu.memref_slice %arg3[%mul3A_1692] : memref<12800000xf32, #tpu.memory_space<hbm>> -> memref<128xf32, #tpu.memory_space<hbm>>
      %dma_start3A_1696 = arith.constant 128 : i32
      %dma_start3A_1697 = tpu.memref_slice %arg15[%dma_start3A_1696] : memref<1280xf32, #tpu.memory_space<vmem>> -> memref<128xf32, #tpu.memory_space<vmem>>
      %dma_start3A_1698 = tpu.memref_slice %arg3[%mul3A_1692] : memref<12800000xf32, #tpu.memory_space<hbm>> -> memref<128xf32, #tpu.memory_space<hbm>>
      tpu.enqueue_dma source(%dma_start3A_1698 : memref<128xf32, #tpu.memory_space<hbm>>) target(%dma_start3A_1697 : memref<128xf32, #tpu.memory_space<vmem>>) target_semaphore(%arg36 : memref<!tpu.dma_semaphore, #tpu.memory_space<semaphore_mem>>)
      %iota3A_1699 = tpu.iota {dimensions = array<i32: 0>} : vector<16xi32>
      %eq3A_1700 = arith.constant 2 : i32
      %eq3A_1701 = vector.broadcast %eq3A_1700 : i32 to vector<16xi32>
      %eq3A_1702 = arith.cmpi eq, %iota3A_1699, %eq3A_1701 : vector<16xi32>
      %jit3A_1703 = arith.constant 0 : i32
      %broadcast_in_dim3A_1704 = vector.broadcast %jit3A_1703 : i32 to vector<16xi32>
      %select_n3A_1705 = arith.select %eq3A_1702, %mul3A_1652, %broadcast_in_dim3A_1704 : vector<16xi1>, vector<16xi32>
      %reduce_max3A_1706 = arith.constant true
      %reduce_max3A_1707 = vector.broadcast %reduce_max3A_1706 : i1 to vector<16xi1>
      %reduce_max3A_1708 = arith.constant -2147483648 : i32
      %reduce_max3A_1709 = vector.broadcast %reduce_max3A_1708 : i32 to vector<16xi32>
      %reduce_max3A_1710 = arith.xori %select_n3A_1705, %reduce_max3A_1709 : vector<16xi32>
      %reduce_max3A_1711 = tpu.scan <max>, %reduce_max3A_1710 masked %reduce_max3A_1707 : vector<16xi32>, vector<16xi1> -> vector<16xi32>
      %reduce_max3A_1712 = arith.xori %reduce_max3A_1711, %reduce_max3A_1709 : vector<16xi32>
      %reduce_max3A_1713 = vector.extract %reduce_max3A_1712[15] : i32 from vector<16xi32>
      %mul3A_1714 = arith.constant 128 : i32
      %mul3A_1715 = arith.muli %reduce_max3A_1713, %mul3A_1714 : i32
      %dma_start3A_1716 = arith.constant 256 : i32
      %dma_start3A_1717 = tpu.memref_slice %arg15[%dma_start3A_1716] : memref<1280xf32, #tpu.memory_space<vmem>> -> memref<128xf32, #tpu.memory_space<vmem>>
      %dma_start3A_1718 = tpu.memref_slice %arg3[%mul3A_1715] : memref<12800000xf32, #tpu.memory_space<hbm>> -> memref<128xf32, #tpu.memory_space<hbm>>
      %dma_start3A_1719 = arith.constant 256 : i32
      %dma_start3A_1720 = tpu.memref_slice %arg15[%dma_start3A_1719] : memref<1280xf32, #tpu.memory_space<vmem>> -> memref<128xf32, #tpu.memory_space<vmem>>
      %dma_start3A_1721 = tpu.memref_slice %arg3[%mul3A_1715] : memref<12800000xf32, #tpu.memory_space<hbm>> -> memref<128xf32, #tpu.memory_space<hbm>>
      tpu.enqueue_dma source(%dma_start3A_1721 : memref<128xf32, #tpu.memory_space<hbm>>) target(%dma_start3A_1720 : memref<128xf32, #tpu.memory_space<vmem>>) target_semaphore(%arg36 : memref<!tpu.dma_semaphore, #tpu.memory_space<semaphore_mem>>)
      %iota3A_1722 = tpu.iota {dimensions = array<i32: 0>} : vector<16xi32>
      %eq3A_1723 = arith.constant 3 : i32
      %eq3A_1724 = vector.broadcast %eq3A_1723 : i32 to vector<16xi32>
      %eq3A_1725 = arith.cmpi eq, %iota3A_1722, %eq3A_1724 : vector<16xi32>
      %jit3A_1726 = arith.constant 0 : i32
      %broadcast_in_dim3A_1727 = vector.broadcast %jit3A_1726 : i32 to vector<16xi32>
      %select_n3A_1728 = arith.select %eq3A_1725, %mul3A_1652, %broadcast_in_dim3A_1727 : vector<16xi1>, vector<16xi32>
      %reduce_max3A_1729 = arith.constant true
      %reduce_max3A_1730 = vector.broadcast %reduce_max3A_1729 : i1 to vector<16xi1>
      %reduce_max3A_1731 = arith.constant -2147483648 : i32
      %reduce_max3A_1732 = vector.broadcast %reduce_max3A_1731 : i32 to vector<16xi32>
      %reduce_max3A_1733 = arith.xori %select_n3A_1728, %reduce_max3A_1732 : vector<16xi32>
      %reduce_max3A_1734 = tpu.scan <max>, %reduce_max3A_1733 masked %reduce_max3A_1730 : vector<16xi32>, vector<16xi1> -> vector<16xi32>
      %reduce_max3A_1735 = arith.xori %reduce_max3A_1734, %reduce_max3A_1732 : vector<16xi32>
      %reduce_max3A_1736 = vector.extract %reduce_max3A_1735[15] : i32 from vector<16xi32>
      %mul3A_1737 = arith.constant 128 : i32
      %mul3A_1738 = arith.muli %reduce_max3A_1736, %mul3A_1737 : i32
      %dma_start3A_1739 = arith.constant 384 : i32
      %dma_start3A_1740 = tpu.memref_slice %arg15[%dma_start3A_1739] : memref<1280xf32, #tpu.memory_space<vmem>> -> memref<128xf32, #tpu.memory_space<vmem>>
      %dma_start3A_1741 = tpu.memref_slice %arg3[%mul3A_1738] : memref<12800000xf32, #tpu.memory_space<hbm>> -> memref<128xf32, #tpu.memory_space<hbm>>
      %dma_start3A_1742 = arith.constant 384 : i32
      %dma_start3A_1743 = tpu.memref_slice %arg15[%dma_start3A_1742] : memref<1280xf32, #tpu.memory_space<vmem>> -> memref<128xf32, #tpu.memory_space<vmem>>
      %dma_start3A_1744 = tpu.memref_slice %arg3[%mul3A_1738] : memref<12800000xf32, #tpu.memory_space<hbm>> -> memref<128xf32, #tpu.memory_space<hbm>>
      tpu.enqueue_dma source(%dma_start3A_1744 : memref<128xf32, #tpu.memory_space<hbm>>) target(%dma_start3A_1743 : memref<128xf32, #tpu.memory_space<vmem>>) target_semaphore(%arg36 : memref<!tpu.dma_semaphore, #tpu.memory_space<semaphore_mem>>)
      %iota3A_1745 = tpu.iota {dimensions = array<i32: 0>} : vector<16xi32>
      %eq3A_1746 = arith.constant 4 : i32
      %eq3A_1747 = vector.broadcast %eq3A_1746 : i32 to vector<16xi32>
      %eq3A_1748 = arith.cmpi eq, %iota3A_1745, %eq3A_1747 : vector<16xi32>
      %jit3A_1749 = arith.constant 0 : i32
      %broadcast_in_dim3A_1750 = vector.broadcast %jit3A_1749 : i32 to vector<16xi32>
      %select_n3A_1751 = arith.select %eq3A_1748, %mul3A_1652, %broadcast_in_dim3A_1750 : vector<16xi1>, vector<16xi32>
      %reduce_max3A_1752 = arith.constant true
      %reduce_max3A_1753 = vector.broadcast %reduce_max3A_1752 : i1 to vector<16xi1>
      %reduce_max3A_1754 = arith.constant -2147483648 : i32
      %reduce_max3A_1755 = vector.broadcast %reduce_max3A_1754 : i32 to vector<16xi32>
      %reduce_max3A_1756 = arith.xori %select_n3A_1751, %reduce_max3A_1755 : vector<16xi32>
      %reduce_max3A_1757 = tpu.scan <max>, %reduce_max3A_1756 masked %reduce_max3A_1753 : vector<16xi32>, vector<16xi1> -> vector<16xi32>
      %reduce_max3A_1758 = arith.xori %reduce_max3A_1757, %reduce_max3A_1755 : vector<16xi32>
      %reduce_max3A_1759 = vector.extract %reduce_max3A_1758[15] : i32 from vector<16xi32>
      %mul3A_1760 = arith.constant 128 : i32
      %mul3A_1761 = arith.muli %reduce_max3A_1759, %mul3A_1760 : i32
      %dma_start3A_1762 = arith.constant 512 : i32
      %dma_start3A_1763 = tpu.memref_slice %arg15[%dma_start3A_1762] : memref<1280xf32, #tpu.memory_space<vmem>> -> memref<128xf32, #tpu.memory_space<vmem>>
      %dma_start3A_1764 = tpu.memref_slice %arg3[%mul3A_1761] : memref<12800000xf32, #tpu.memory_space<hbm>> -> memref<128xf32, #tpu.memory_space<hbm>>
      %dma_start3A_1765 = arith.constant 512 : i32
      %dma_start3A_1766 = tpu.memref_slice %arg15[%dma_start3A_1765] : memref<1280xf32, #tpu.memory_space<vmem>> -> memref<128xf32, #tpu.memory_space<vmem>>
      %dma_start3A_1767 = tpu.memref_slice %arg3[%mul3A_1761] : memref<12800000xf32, #tpu.memory_space<hbm>> -> memref<128xf32, #tpu.memory_space<hbm>>
      tpu.enqueue_dma source(%dma_start3A_1767 : memref<128xf32, #tpu.memory_space<hbm>>) target(%dma_start3A_1766 : memref<128xf32, #tpu.memory_space<vmem>>) target_semaphore(%arg36 : memref<!tpu.dma_semaphore, #tpu.memory_space<semaphore_mem>>)
      %iota3A_1768 = tpu.iota {dimensions = array<i32: 0>} : vector<16xi32>
      %eq3A_1769 = arith.constant 5 : i32
      %eq3A_1770 = vector.broadcast %eq3A_1769 : i32 to vector<16xi32>
      %eq3A_1771 = arith.cmpi eq, %iota3A_1768, %eq3A_1770 : vector<16xi32>
      %jit3A_1772 = arith.constant 0 : i32
      %broadcast_in_dim3A_1773 = vector.broadcast %jit3A_1772 : i32 to vector<16xi32>
      %select_n3A_1774 = arith.select %eq3A_1771, %mul3A_1652, %broadcast_in_dim3A_1773 : vector<16xi1>, vector<16xi32>
      %reduce_max3A_1775 = arith.constant true
      %reduce_max3A_1776 = vector.broadcast %reduce_max3A_1775 : i1 to vector<16xi1>
      %reduce_max3A_1777 = arith.constant -2147483648 : i32
      %reduce_max3A_1778 = vector.broadcast %reduce_max3A_1777 : i32 to vector<16xi32>
      %reduce_max3A_1779 = arith.xori %select_n3A_1774, %reduce_max3A_1778 : vector<16xi32>
      %reduce_max3A_1780 = tpu.scan <max>, %reduce_max3A_1779 masked %reduce_max3A_1776 : vector<16xi32>, vector<16xi1> -> vector<16xi32>
      %reduce_max3A_1781 = arith.xori %reduce_max3A_1780, %reduce_max3A_1778 : vector<16xi32>
      %reduce_max3A_1782 = vector.extract %reduce_max3A_1781[15] : i32 from vector<16xi32>
      %mul3A_1783 = arith.constant 128 : i32
      %mul3A_1784 = arith.muli %reduce_max3A_1782, %mul3A_1783 : i32
      %dma_start3A_1785 = arith.constant 640 : i32
      %dma_start3A_1786 = tpu.memref_slice %arg15[%dma_start3A_1785] : memref<1280xf32, #tpu.memory_space<vmem>> -> memref<128xf32, #tpu.memory_space<vmem>>
      %dma_start3A_1787 = tpu.memref_slice %arg3[%mul3A_1784] : memref<12800000xf32, #tpu.memory_space<hbm>> -> memref<128xf32, #tpu.memory_space<hbm>>
      %dma_start3A_1788 = arith.constant 640 : i32
      %dma_start3A_1789 = tpu.memref_slice %arg15[%dma_start3A_1788] : memref<1280xf32, #tpu.memory_space<vmem>> -> memref<128xf32, #tpu.memory_space<vmem>>
      %dma_start3A_1790 = tpu.memref_slice %arg3[%mul3A_1784] : memref<12800000xf32, #tpu.memory_space<hbm>> -> memref<128xf32, #tpu.memory_space<hbm>>
      tpu.enqueue_dma source(%dma_start3A_1790 : memref<128xf32, #tpu.memory_space<hbm>>) target(%dma_start3A_1789 : memref<128xf32, #tpu.memory_space<vmem>>) target_semaphore(%arg36 : memref<!tpu.dma_semaphore, #tpu.memory_space<semaphore_mem>>)
      %iota3A_1791 = tpu.iota {dimensions = array<i32: 0>} : vector<16xi32>
      %eq3A_1792 = arith.constant 6 : i32
      %eq3A_1793 = vector.broadcast %eq3A_1792 : i32 to vector<16xi32>
      %eq3A_1794 = arith.cmpi eq, %iota3A_1791, %eq3A_1793 : vector<16xi32>
      %jit3A_1795 = arith.constant 0 : i32
      %broadcast_in_dim3A_1796 = vector.broadcast %jit3A_1795 : i32 to vector<16xi32>
      %select_n3A_1797 = arith.select %eq3A_1794, %mul3A_1652, %broadcast_in_dim3A_1796 : vector<16xi1>, vector<16xi32>
      %reduce_max3A_1798 = arith.constant true
      %reduce_max3A_1799 = vector.broadcast %reduce_max3A_1798 : i1 to vector<16xi1>
      %reduce_max3A_1800 = arith.constant -2147483648 : i32
      %reduce_max3A_1801 = vector.broadcast %reduce_max3A_1800 : i32 to vector<16xi32>
      %reduce_max3A_1802 = arith.xori %select_n3A_1797, %reduce_max3A_1801 : vector<16xi32>
      %reduce_max3A_1803 = tpu.scan <max>, %reduce_max3A_1802 masked %reduce_max3A_1799 : vector<16xi32>, vector<16xi1> -> vector<16xi32>
      %reduce_max3A_1804 = arith.xori %reduce_max3A_1803, %reduce_max3A_1801 : vector<16xi32>
      %reduce_max3A_1805 = vector.extract %reduce_max3A_1804[15] : i32 from vector<16xi32>
      %mul3A_1806 = arith.constant 128 : i32
      %mul3A_1807 = arith.muli %reduce_max3A_1805, %mul3A_1806 : i32
      %dma_start3A_1808 = arith.constant 768 : i32
      %dma_start3A_1809 = tpu.memref_slice %arg15[%dma_start3A_1808] : memref<1280xf32, #tpu.memory_space<vmem>> -> memref<128xf32, #tpu.memory_space<vmem>>
      %dma_start3A_1810 = tpu.memref_slice %arg3[%mul3A_1807] : memref<12800000xf32, #tpu.memory_space<hbm>> -> memref<128xf32, #tpu.memory_space<hbm>>
      %dma_start3A_1811 = arith.constant 768 : i32
      %dma_start3A_1812 = tpu.memref_slice %arg15[%dma_start3A_1811] : memref<1280xf32, #tpu.memory_space<vmem>> -> memref<128xf32, #tpu.memory_space<vmem>>
      %dma_start3A_1813 = tpu.memref_slice %arg3[%mul3A_1807] : memref<12800000xf32, #tpu.memory_space<hbm>> -> memref<128xf32, #tpu.memory_space<hbm>>
      tpu.enqueue_dma source(%dma_start3A_1813 : memref<128xf32, #tpu.memory_space<hbm>>) target(%dma_start3A_1812 : memref<128xf32, #tpu.memory_space<vmem>>) target_semaphore(%arg36 : memref<!tpu.dma_semaphore, #tpu.memory_space<semaphore_mem>>)
      %iota3A_1814 = tpu.iota {dimensions = array<i32: 0>} : vector<16xi32>
      %eq3A_1815 = arith.constant 7 : i32
      %eq3A_1816 = vector.broadcast %eq3A_1815 : i32 to vector<16xi32>
      %eq3A_1817 = arith.cmpi eq, %iota3A_1814, %eq3A_1816 : vector<16xi32>
      %jit3A_1818 = arith.constant 0 : i32
      %broadcast_in_dim3A_1819 = vector.broadcast %jit3A_1818 : i32 to vector<16xi32>
      %select_n3A_1820 = arith.select %eq3A_1817, %mul3A_1652, %broadcast_in_dim3A_1819 : vector<16xi1>, vector<16xi32>
      %reduce_max3A_1821 = arith.constant true
      %reduce_max3A_1822 = vector.broadcast %reduce_max3A_1821 : i1 to vector<16xi1>
      %reduce_max3A_1823 = arith.constant -2147483648 : i32
      %reduce_max3A_1824 = vector.broadcast %reduce_max3A_1823 : i32 to vector<16xi32>
      %reduce_max3A_1825 = arith.xori %select_n3A_1820, %reduce_max3A_1824 : vector<16xi32>
      %reduce_max3A_1826 = tpu.scan <max>, %reduce_max3A_1825 masked %reduce_max3A_1822 : vector<16xi32>, vector<16xi1> -> vector<16xi32>
      %reduce_max3A_1827 = arith.xori %reduce_max3A_1826, %reduce_max3A_1824 : vector<16xi32>
      %reduce_max3A_1828 = vector.extract %reduce_max3A_1827[15] : i32 from vector<16xi32>
      %mul3A_1829 = arith.constant 128 : i32
      %mul3A_1830 = arith.muli %reduce_max3A_1828, %mul3A_1829 : i32
      %dma_start3A_1831 = arith.constant 896 : i32
      %dma_start3A_1832 = tpu.memref_slice %arg15[%dma_start3A_1831] : memref<1280xf32, #tpu.memory_space<vmem>> -> memref<128xf32, #tpu.memory_space<vmem>>
      %dma_start3A_1833 = tpu.memref_slice %arg3[%mul3A_1830] : memref<12800000xf32, #tpu.memory_space<hbm>> -> memref<128xf32, #tpu.memory_space<hbm>>
      %dma_start3A_1834 = arith.constant 896 : i32
      %dma_start3A_1835 = tpu.memref_slice %arg15[%dma_start3A_1834] : memref<1280xf32, #tpu.memory_space<vmem>> -> memref<128xf32, #tpu.memory_space<vmem>>
      %dma_start3A_1836 = tpu.memref_slice %arg3[%mul3A_1830] : memref<12800000xf32, #tpu.memory_space<hbm>> -> memref<128xf32, #tpu.memory_space<hbm>>
      tpu.enqueue_dma source(%dma_start3A_1836 : memref<128xf32, #tpu.memory_space<hbm>>) target(%dma_start3A_1835 : memref<128xf32, #tpu.memory_space<vmem>>) target_semaphore(%arg36 : memref<!tpu.dma_semaphore, #tpu.memory_space<semaphore_mem>>)
      %iota3A_1837 = tpu.iota {dimensions = array<i32: 0>} : vector<16xi32>
      %eq3A_1838 = arith.constant 8 : i32
      %eq3A_1839 = vector.broadcast %eq3A_1838 : i32 to vector<16xi32>
      %eq3A_1840 = arith.cmpi eq, %iota3A_1837, %eq3A_1839 : vector<16xi32>
      %jit3A_1841 = arith.constant 0 : i32
      %broadcast_in_dim3A_1842 = vector.broadcast %jit3A_1841 : i32 to vector<16xi32>
      %select_n3A_1843 = arith.select %eq3A_1840, %mul3A_1652, %broadcast_in_dim3A_1842 : vector<16xi1>, vector<16xi32>
      %reduce_max3A_1844 = arith.constant true
      %reduce_max3A_1845 = vector.broadcast %reduce_max3A_1844 : i1 to vector<16xi1>
      %reduce_max3A_1846 = arith.constant -2147483648 : i32
      %reduce_max3A_1847 = vector.broadcast %reduce_max3A_1846 : i32 to vector<16xi32>
      %reduce_max3A_1848 = arith.xori %select_n3A_1843, %reduce_max3A_1847 : vector<16xi32>
      %reduce_max3A_1849 = tpu.scan <max>, %reduce_max3A_1848 masked %reduce_max3A_1845 : vector<16xi32>, vector<16xi1> -> vector<16xi32>
      %reduce_max3A_1850 = arith.xori %reduce_max3A_1849, %reduce_max3A_1847 : vector<16xi32>
      %reduce_max3A_1851 = vector.extract %reduce_max3A_1850[15] : i32 from vector<16xi32>
      %mul3A_1852 = arith.constant 128 : i32
      %mul3A_1853 = arith.muli %reduce_max3A_1851, %mul3A_1852 : i32
      %dma_start3A_1854 = arith.constant 1024 : i32
      %dma_start3A_1855 = tpu.memref_slice %arg15[%dma_start3A_1854] : memref<1280xf32, #tpu.memory_space<vmem>> -> memref<128xf32, #tpu.memory_space<vmem>>
      %dma_start3A_1856 = tpu.memref_slice %arg3[%mul3A_1853] : memref<12800000xf32, #tpu.memory_space<hbm>> -> memref<128xf32, #tpu.memory_space<hbm>>
      %dma_start3A_1857 = arith.constant 1024 : i32
      %dma_start3A_1858 = tpu.memref_slice %arg15[%dma_start3A_1857] : memref<1280xf32, #tpu.memory_space<vmem>> -> memref<128xf32, #tpu.memory_space<vmem>>
      %dma_start3A_1859 = tpu.memref_slice %arg3[%mul3A_1853] : memref<12800000xf32, #tpu.memory_space<hbm>> -> memref<128xf32, #tpu.memory_space<hbm>>
      tpu.enqueue_dma source(%dma_start3A_1859 : memref<128xf32, #tpu.memory_space<hbm>>) target(%dma_start3A_1858 : memref<128xf32, #tpu.memory_space<vmem>>) target_semaphore(%arg36 : memref<!tpu.dma_semaphore, #tpu.memory_space<semaphore_mem>>)
      %iota3A_1860 = tpu.iota {dimensions = array<i32: 0>} : vector<16xi32>
      %eq3A_1861 = arith.constant 9 : i32
      %eq3A_1862 = vector.broadcast %eq3A_1861 : i32 to vector<16xi32>
      %eq3A_1863 = arith.cmpi eq, %iota3A_1860, %eq3A_1862 : vector<16xi32>
      %jit3A_1864 = arith.constant 0 : i32
      %broadcast_in_dim3A_1865 = vector.broadcast %jit3A_1864 : i32 to vector<16xi32>
      %select_n3A_1866 = arith.select %eq3A_1863, %mul3A_1652, %broadcast_in_dim3A_1865 : vector<16xi1>, vector<16xi32>
      %reduce_max3A_1867 = arith.constant true
      %reduce_max3A_1868 = vector.broadcast %reduce_max3A_1867 : i1 to vector<16xi1>
      %reduce_max3A_1869 = arith.constant -2147483648 : i32
      %reduce_max3A_1870 = vector.broadcast %reduce_max3A_1869 : i32 to vector<16xi32>
      %reduce_max3A_1871 = arith.xori %select_n3A_1866, %reduce_max3A_1870 : vector<16xi32>
      %reduce_max3A_1872 = tpu.scan <max>, %reduce_max3A_1871 masked %reduce_max3A_1868 : vector<16xi32>, vector<16xi1> -> vector<16xi32>
      %reduce_max3A_1873 = arith.xori %reduce_max3A_1872, %reduce_max3A_1870 : vector<16xi32>
      %reduce_max3A_1874 = vector.extract %reduce_max3A_1873[15] : i32 from vector<16xi32>
      %mul3A_1875 = arith.constant 128 : i32
      %mul3A_1876 = arith.muli %reduce_max3A_1874, %mul3A_1875 : i32
      %dma_start3A_1877 = arith.constant 1152 : i32
      %dma_start3A_1878 = tpu.memref_slice %arg15[%dma_start3A_1877] : memref<1280xf32, #tpu.memory_space<vmem>> -> memref<128xf32, #tpu.memory_space<vmem>>
      %dma_start3A_1879 = tpu.memref_slice %arg3[%mul3A_1876] : memref<12800000xf32, #tpu.memory_space<hbm>> -> memref<128xf32, #tpu.memory_space<hbm>>
      %dma_start3A_1880 = arith.constant 1152 : i32
      %dma_start3A_1881 = tpu.memref_slice %arg15[%dma_start3A_1880] : memref<1280xf32, #tpu.memory_space<vmem>> -> memref<128xf32, #tpu.memory_space<vmem>>
      %dma_start3A_1882 = tpu.memref_slice %arg3[%mul3A_1876] : memref<12800000xf32, #tpu.memory_space<hbm>> -> memref<128xf32, #tpu.memory_space<hbm>>
      tpu.enqueue_dma source(%dma_start3A_1882 : memref<128xf32, #tpu.memory_space<hbm>>) target(%dma_start3A_1881 : memref<128xf32, #tpu.memory_space<vmem>>) target_semaphore(%arg36 : memref<!tpu.dma_semaphore, #tpu.memory_space<semaphore_mem>>)
      %broadcast_in_dim3A_1883 = arith.constant 0.000000e+00 : f32
      %broadcast_in_dim3A_1884 = vector.broadcast %broadcast_in_dim3A_1883 : f32 to vector<16xf32>
      %scan3A_1885 = arith.constant 0 : i32
      %scan3A_1886 = arith.constant 8 : i32
      %scan3A_1887 = arith.addi %scan3A_1885, %scan3A_1886 : i32
      %scan3A_1888 = arith.constant 1 : i32
      %scan3A_1889:2 = scf.for %scan3A_2101 = %scan3A_1885 to %scan3A_1887 step %scan3A_1888 iter_args(%scan3A_2102 = %broadcast_in_dim3A_1884, %scan3A_2103 = %broadcast_in_dim3A_1884) -> (vector<16xf32>, vector<16xf32>)  : i32 {
        %mul3A_2104 = arith.constant 128 : i32
        %mul3A_2105 = arith.muli %scan3A_701, %mul3A_2104 : i32
        %mul3A_2106 = arith.constant 16 : i32
        %mul3A_2107 = arith.muli %scan3A_2101, %mul3A_2106 : i32
        %add3A_2108 = arith.addi %mul3A_2105, %mul3A_2107 : i32
        %get3A_2109 = arith.index_cast %add3A_2108 : i32 to index
        %get3A_2110 = tpu.vector_load %arg12[%get3A_2109] {strides = array<i32>} : memref<1024xf32, #tpu.memory_space<vmem>>, vector<16xf32>,
        %mul3A_2111 = arith.constant 128 : i32
        %mul3A_2112 = arith.muli %scan3A_701, %mul3A_2111 : i32
        %mul3A_2113 = arith.constant 16 : i32
        %mul3A_2114 = arith.muli %scan3A_2101, %mul3A_2113 : i32
        %add3A_2115 = arith.addi %mul3A_2112, %mul3A_2114 : i32
        %get3A_2116 = arith.index_cast %add3A_2115 : i32 to index
        %get3A_2117 = tpu.vector_load %arg13[%get3A_2116] {strides = array<i32>} : memref<1024xf32, #tpu.memory_space<vmem>>, vector<16xf32>,
        %mul3A_2118 = arith.mulf %get3A_2110, %get3A_2117 : vector<16xf32>
        %add3A_2119 = arith.addf %scan3A_2102, %mul3A_2118 : vector<16xf32>
        %mul3A_2120 = arith.mulf %get3A_2117, %get3A_2117 : vector<16xf32>
        %add3A_2121 = arith.addf %scan3A_2103, %mul3A_2120 : vector<16xf32>
        scf.yield %add3A_2119, %add3A_2121 : vector<16xf32>, vector<16xf32>
      }
      %scan3A_1890 = arith.constant 8 : i32
      %reduce_sum3A = arith.constant true
      %reduce_sum3A_1891 = vector.broadcast %reduce_sum3A : i1 to vector<16xi1>
      %reduce_sum3A_1892 = tpu.scan <sum>, %scan3A_1889#0 masked %reduce_sum3A_1891 : vector<16xf32>, vector<16xi1> -> vector<16xf32>
      %reduce_sum3A_1893 = vector.extract %reduce_sum3A_1892[15] : f32 from vector<16xf32>
      %reduce_sum3A_1894 = arith.constant true
      %reduce_sum3A_1895 = vector.broadcast %reduce_sum3A_1894 : i1 to vector<16xi1>
      %reduce_sum3A_1896 = tpu.scan <sum>, %scan3A_1889#1 masked %reduce_sum3A_1895 : vector<16xf32>, vector<16xi1> -> vector<16xf32>
      %reduce_sum3A_1897 = vector.extract %reduce_sum3A_1896[15] : f32 from vector<16xf32>
      %dma_wait3A_1898 = arith.constant 0 : i32
      %dma_wait3A_1899 = tpu.memref_slice %arg15[%dma_wait3A_1898] : memref<1280xf32, #tpu.memory_space<vmem>> -> memref<128xf32, #tpu.memory_space<vmem>>
      %dma_wait3A_1900 = tpu.memref_slice %arg3[%mul3A_1669] : memref<12800000xf32, #tpu.memory_space<hbm>> -> memref<128xf32, #tpu.memory_space<hbm>>
      %dma_wait3A_1901 = arith.constant 0 : i32
      %dma_wait3A_1902 = tpu.memref_slice %arg15[%dma_wait3A_1901] : memref<1280xf32, #tpu.memory_space<vmem>> -> memref<128xf32, #tpu.memory_space<vmem>>
      %dma_wait3A_1903 = tpu.memref_slice %arg3[%mul3A_1669] : memref<12800000xf32, #tpu.memory_space<hbm>> -> memref<128xf32, #tpu.memory_space<hbm>>
      tpu.wait_dma2 semaphore(%arg36 : memref<!tpu.dma_semaphore, #tpu.memory_space<semaphore_mem>>) src(%dma_wait3A_1903 : memref<128xf32, #tpu.memory_space<hbm>>) dst(%dma_wait3A_1902 : memref<128xf32, #tpu.memory_space<vmem>>)
      %dma_wait3A_1904 = arith.constant 128 : i32
      %dma_wait3A_1905 = tpu.memref_slice %arg15[%dma_wait3A_1904] : memref<1280xf32, #tpu.memory_space<vmem>> -> memref<128xf32, #tpu.memory_space<vmem>>
      %dma_wait3A_1906 = tpu.memref_slice %arg3[%mul3A_1692] : memref<12800000xf32, #tpu.memory_space<hbm>> -> memref<128xf32, #tpu.memory_space<hbm>>
      %dma_wait3A_1907 = arith.constant 128 : i32
      %dma_wait3A_1908 = tpu.memref_slice %arg15[%dma_wait3A_1907] : memref<1280xf32, #tpu.memory_space<vmem>> -> memref<128xf32, #tpu.memory_space<vmem>>
      %dma_wait3A_1909 = tpu.memref_slice %arg3[%mul3A_1692] : memref<12800000xf32, #tpu.memory_space<hbm>> -> memref<128xf32, #tpu.memory_space<hbm>>
      tpu.wait_dma2 semaphore(%arg36 : memref<!tpu.dma_semaphore, #tpu.memory_space<semaphore_mem>>) src(%dma_wait3A_1909 : memref<128xf32, #tpu.memory_space<hbm>>) dst(%dma_wait3A_1908 : memref<128xf32, #tpu.memory_space<vmem>>)
      %dma_wait3A_1910 = arith.constant 256 : i32
      %dma_wait3A_1911 = tpu.memref_slice %arg15[%dma_wait3A_1910] : memref<1280xf32, #tpu.memory_space<vmem>> -> memref<128xf32, #tpu.memory_space<vmem>>
      %dma_wait3A_1912 = tpu.memref_slice %arg3[%mul3A_1715] : memref<12800000xf32, #tpu.memory_space<hbm>> -> memref<128xf32, #tpu.memory_space<hbm>>
      %dma_wait3A_1913 = arith.constant 256 : i32
      %dma_wait3A_1914 = tpu.memref_slice %arg15[%dma_wait3A_1913] : memref<1280xf32, #tpu.memory_space<vmem>> -> memref<128xf32, #tpu.memory_space<vmem>>
      %dma_wait3A_1915 = tpu.memref_slice %arg3[%mul3A_1715] : memref<12800000xf32, #tpu.memory_space<hbm>> -> memref<128xf32, #tpu.memory_space<hbm>>
      tpu.wait_dma2 semaphore(%arg36 : memref<!tpu.dma_semaphore, #tpu.memory_space<semaphore_mem>>) src(%dma_wait3A_1915 : memref<128xf32, #tpu.memory_space<hbm>>) dst(%dma_wait3A_1914 : memref<128xf32, #tpu.memory_space<vmem>>)
      %dma_wait3A_1916 = arith.constant 384 : i32
      %dma_wait3A_1917 = tpu.memref_slice %arg15[%dma_wait3A_1916] : memref<1280xf32, #tpu.memory_space<vmem>> -> memref<128xf32, #tpu.memory_space<vmem>>
      %dma_wait3A_1918 = tpu.memref_slice %arg3[%mul3A_1738] : memref<12800000xf32, #tpu.memory_space<hbm>> -> memref<128xf32, #tpu.memory_space<hbm>>
      %dma_wait3A_1919 = arith.constant 384 : i32
      %dma_wait3A_1920 = tpu.memref_slice %arg15[%dma_wait3A_1919] : memref<1280xf32, #tpu.memory_space<vmem>> -> memref<128xf32, #tpu.memory_space<vmem>>
      %dma_wait3A_1921 = tpu.memref_slice %arg3[%mul3A_1738] : memref<12800000xf32, #tpu.memory_space<hbm>> -> memref<128xf32, #tpu.memory_space<hbm>>
      tpu.wait_dma2 semaphore(%arg36 : memref<!tpu.dma_semaphore, #tpu.memory_space<semaphore_mem>>) src(%dma_wait3A_1921 : memref<128xf32, #tpu.memory_space<hbm>>) dst(%dma_wait3A_1920 : memref<128xf32, #tpu.memory_space<vmem>>)
      %dma_wait3A_1922 = arith.constant 512 : i32
      %dma_wait3A_1923 = tpu.memref_slice %arg15[%dma_wait3A_1922] : memref<1280xf32, #tpu.memory_space<vmem>> -> memref<128xf32, #tpu.memory_space<vmem>>
      %dma_wait3A_1924 = tpu.memref_slice %arg3[%mul3A_1761] : memref<12800000xf32, #tpu.memory_space<hbm>> -> memref<128xf32, #tpu.memory_space<hbm>>
      %dma_wait3A_1925 = arith.constant 512 : i32
      %dma_wait3A_1926 = tpu.memref_slice %arg15[%dma_wait3A_1925] : memref<1280xf32, #tpu.memory_space<vmem>> -> memref<128xf32, #tpu.memory_space<vmem>>
      %dma_wait3A_1927 = tpu.memref_slice %arg3[%mul3A_1761] : memref<12800000xf32, #tpu.memory_space<hbm>> -> memref<128xf32, #tpu.memory_space<hbm>>
      tpu.wait_dma2 semaphore(%arg36 : memref<!tpu.dma_semaphore, #tpu.memory_space<semaphore_mem>>) src(%dma_wait3A_1927 : memref<128xf32, #tpu.memory_space<hbm>>) dst(%dma_wait3A_1926 : memref<128xf32, #tpu.memory_space<vmem>>)
      %dma_wait3A_1928 = arith.constant 640 : i32
      %dma_wait3A_1929 = tpu.memref_slice %arg15[%dma_wait3A_1928] : memref<1280xf32, #tpu.memory_space<vmem>> -> memref<128xf32, #tpu.memory_space<vmem>>
      %dma_wait3A_1930 = tpu.memref_slice %arg3[%mul3A_1784] : memref<12800000xf32, #tpu.memory_space<hbm>> -> memref<128xf32, #tpu.memory_space<hbm>>
      %dma_wait3A_1931 = arith.constant 640 : i32
      %dma_wait3A_1932 = tpu.memref_slice %arg15[%dma_wait3A_1931] : memref<1280xf32, #tpu.memory_space<vmem>> -> memref<128xf32, #tpu.memory_space<vmem>>
      %dma_wait3A_1933 = tpu.memref_slice %arg3[%mul3A_1784] : memref<12800000xf32, #tpu.memory_space<hbm>> -> memref<128xf32, #tpu.memory_space<hbm>>
      tpu.wait_dma2 semaphore(%arg36 : memref<!tpu.dma_semaphore, #tpu.memory_space<semaphore_mem>>) src(%dma_wait3A_1933 : memref<128xf32, #tpu.memory_space<hbm>>) dst(%dma_wait3A_1932 : memref<128xf32, #tpu.memory_space<vmem>>)
      %dma_wait3A_1934 = arith.constant 768 : i32
      %dma_wait3A_1935 = tpu.memref_slice %arg15[%dma_wait3A_1934] : memref<1280xf32, #tpu.memory_space<vmem>> -> memref<128xf32, #tpu.memory_space<vmem>>
      %dma_wait3A_1936 = tpu.memref_slice %arg3[%mul3A_1807] : memref<12800000xf32, #tpu.memory_space<hbm>> -> memref<128xf32, #tpu.memory_space<hbm>>
      %dma_wait3A_1937 = arith.constant 768 : i32
      %dma_wait3A_1938 = tpu.memref_slice %arg15[%dma_wait3A_1937] : memref<1280xf32, #tpu.memory_space<vmem>> -> memref<128xf32, #tpu.memory_space<vmem>>
      %dma_wait3A_1939 = tpu.memref_slice %arg3[%mul3A_1807] : memref<12800000xf32, #tpu.memory_space<hbm>> -> memref<128xf32, #tpu.memory_space<hbm>>
      tpu.wait_dma2 semaphore(%arg36 : memref<!tpu.dma_semaphore, #tpu.memory_space<semaphore_mem>>) src(%dma_wait3A_1939 : memref<128xf32, #tpu.memory_space<hbm>>) dst(%dma_wait3A_1938 : memref<128xf32, #tpu.memory_space<vmem>>)
      %dma_wait3A_1940 = arith.constant 896 : i32
      %dma_wait3A_1941 = tpu.memref_slice %arg15[%dma_wait3A_1940] : memref<1280xf32, #tpu.memory_space<vmem>> -> memref<128xf32, #tpu.memory_space<vmem>>
      %dma_wait3A_1942 = tpu.memref_slice %arg3[%mul3A_1830] : memref<12800000xf32, #tpu.memory_space<hbm>> -> memref<128xf32, #tpu.memory_space<hbm>>
      %dma_wait3A_1943 = arith.constant 896 : i32
      %dma_wait3A_1944 = tpu.memref_slice %arg15[%dma_wait3A_1943] : memref<1280xf32, #tpu.memory_space<vmem>> -> memref<128xf32, #tpu.memory_space<vmem>>
      %dma_wait3A_1945 = tpu.memref_slice %arg3[%mul3A_1830] : memref<12800000xf32, #tpu.memory_space<hbm>> -> memref<128xf32, #tpu.memory_space<hbm>>
      tpu.wait_dma2 semaphore(%arg36 : memref<!tpu.dma_semaphore, #tpu.memory_space<semaphore_mem>>) src(%dma_wait3A_1945 : memref<128xf32, #tpu.memory_space<hbm>>) dst(%dma_wait3A_1944 : memref<128xf32, #tpu.memory_space<vmem>>)
      %dma_wait3A_1946 = arith.constant 1024 : i32
      %dma_wait3A_1947 = tpu.memref_slice %arg15[%dma_wait3A_1946] : memref<1280xf32, #tpu.memory_space<vmem>> -> memref<128xf32, #tpu.memory_space<vmem>>
      %dma_wait3A_1948 = tpu.memref_slice %arg3[%mul3A_1853] : memref<12800000xf32, #tpu.memory_space<hbm>> -> memref<128xf32, #tpu.memory_space<hbm>>
      %dma_wait3A_1949 = arith.constant 1024 : i32
      %dma_wait3A_1950 = tpu.memref_slice %arg15[%dma_wait3A_1949] : memref<1280xf32, #tpu.memory_space<vmem>> -> memref<128xf32, #tpu.memory_space<vmem>>
      %dma_wait3A_1951 = tpu.memref_slice %arg3[%mul3A_1853] : memref<12800000xf32, #tpu.memory_space<hbm>> -> memref<128xf32, #tpu.memory_space<hbm>>
      tpu.wait_dma2 semaphore(%arg36 : memref<!tpu.dma_semaphore, #tpu.memory_space<semaphore_mem>>) src(%dma_wait3A_1951 : memref<128xf32, #tpu.memory_space<hbm>>) dst(%dma_wait3A_1950 : memref<128xf32, #tpu.memory_space<vmem>>)
      %dma_wait3A_1952 = arith.constant 1152 : i32
      %dma_wait3A_1953 = tpu.memref_slice %arg15[%dma_wait3A_1952] : memref<1280xf32, #tpu.memory_space<vmem>> -> memref<128xf32, #tpu.memory_space<vmem>>
      %dma_wait3A_1954 = tpu.memref_slice %arg3[%mul3A_1876] : memref<12800000xf32, #tpu.memory_space<hbm>> -> memref<128xf32, #tpu.memory_space<hbm>>
      %dma_wait3A_1955 = arith.constant 1152 : i32
      %dma_wait3A_1956 = tpu.memref_slice %arg15[%dma_wait3A_1955] : memref<1280xf32, #tpu.memory_space<vmem>> -> memref<128xf32, #tpu.memory_space<vmem>>
      %dma_wait3A_1957 = tpu.memref_slice %arg3[%mul3A_1876] : memref<12800000xf32, #tpu.memory_space<hbm>> -> memref<128xf32, #tpu.memory_space<hbm>>
      tpu.wait_dma2 semaphore(%arg36 : memref<!tpu.dma_semaphore, #tpu.memory_space<semaphore_mem>>) src(%dma_wait3A_1957 : memref<128xf32, #tpu.memory_space<hbm>>) dst(%dma_wait3A_1956 : memref<128xf32, #tpu.memory_space<vmem>>)
      %broadcast_in_dim3A_1958 = arith.constant 0.000000e+00 : f32
      %broadcast_in_dim3A_1959 = vector.broadcast %broadcast_in_dim3A_1958 : f32 to vector<16xf32>
      %scan3A_1960 = arith.constant 0 : i32
      %scan3A_1961 = arith.constant 10 : i32
      %scan3A_1962 = arith.addi %scan3A_1960, %scan3A_1961 : i32
      %scan3A_1963 = arith.constant 1 : i32
      %scan3A_1964:3 = scf.for %scan3A_2101 = %scan3A_1960 to %scan3A_1962 step %scan3A_1963 iter_args(%scan3A_2102 = %broadcast_in_dim3A_1959, %scan3A_2103 = %broadcast_in_dim3A_1959, %scan3A_2104 = %broadcast_in_dim3A_1959) -> (vector<16xf32>, vector<16xf32>, vector<16xf32>)  : i32 {
        %broadcast_in_dim3A_2105 = arith.constant 0.000000e+00 : f32
        %broadcast_in_dim3A_2106 = vector.broadcast %broadcast_in_dim3A_2105 : f32 to vector<16xf32>
        %scan3A_2107 = arith.constant 0 : i32
        %scan3A_2108 = arith.constant 8 : i32
        %scan3A_2109 = arith.addi %scan3A_2107, %scan3A_2108 : i32
        %scan3A_2110 = arith.constant 1 : i32
        %scan3A_2111:3 = scf.for %scan3A_2133 = %scan3A_2107 to %scan3A_2109 step %scan3A_2110 iter_args(%scan3A_2134 = %broadcast_in_dim3A_2106, %scan3A_2135 = %broadcast_in_dim3A_2106, %scan3A_2136 = %broadcast_in_dim3A_2106) -> (vector<16xf32>, vector<16xf32>, vector<16xf32>)  : i32 {
          %mul3A_2137 = arith.constant 128 : i32
          %mul3A_2138 = arith.muli %scan3A_701, %mul3A_2137 : i32
          %mul3A_2139 = arith.constant 16 : i32
          %mul3A_2140 = arith.muli %scan3A_2133, %mul3A_2139 : i32
          %add3A_2141 = arith.addi %mul3A_2138, %mul3A_2140 : i32
          %get3A_2142 = arith.index_cast %add3A_2141 : i32 to index
          %get3A_2143 = tpu.vector_load %arg12[%get3A_2142] {strides = array<i32>} : memref<1024xf32, #tpu.memory_space<vmem>>, vector<16xf32>,
          %mul3A_2144 = arith.constant 128 : i32
          %mul3A_2145 = arith.muli %scan3A_701, %mul3A_2144 : i32
          %mul3A_2146 = arith.constant 16 : i32
          %mul3A_2147 = arith.muli %scan3A_2133, %mul3A_2146 : i32
          %add3A_2148 = arith.addi %mul3A_2145, %mul3A_2147 : i32
          %get3A_2149 = arith.index_cast %add3A_2148 : i32 to index
          %get3A_2150 = tpu.vector_load %arg13[%get3A_2149] {strides = array<i32>} : memref<1024xf32, #tpu.memory_space<vmem>>, vector<16xf32>,
          %mul3A_2151 = arith.constant 128 : i32
          %mul3A_2152 = arith.muli %scan3A_2101, %mul3A_2151 : i32
          %mul3A_2153 = arith.constant 16 : i32
          %mul3A_2154 = arith.muli %scan3A_2133, %mul3A_2153 : i32
          %add3A_2155 = arith.addi %mul3A_2152, %mul3A_2154 : i32
          %get3A_2156 = arith.index_cast %add3A_2155 : i32 to index
          %get3A_2157 = tpu.vector_load %arg15[%get3A_2156] {strides = array<i32>} : memref<1280xf32, #tpu.memory_space<vmem>>, vector<16xf32>,
          %mul3A_2158 = arith.mulf %get3A_2143, %get3A_2157 : vector<16xf32>
          %add3A_2159 = arith.addf %scan3A_2134, %mul3A_2158 : vector<16xf32>
          %mul3A_2160 = arith.mulf %get3A_2150, %get3A_2157 : vector<16xf32>
          %add3A_2161 = arith.addf %scan3A_2135, %mul3A_2160 : vector<16xf32>
          %mul3A_2162 = arith.mulf %get3A_2157, %get3A_2157 : vector<16xf32>
          %add3A_2163 = arith.addf %scan3A_2136, %mul3A_2162 : vector<16xf32>
          scf.yield %add3A_2159, %add3A_2161, %add3A_2163 : vector<16xf32>, vector<16xf32>, vector<16xf32>
        }
        %scan3A_2112 = arith.constant 8 : i32
        %eq3A_2113 = vector.broadcast %scan3A_2101 : i32 to vector<16xi32>
        %eq3A_2114 = arith.cmpi eq, %iota3A, %eq3A_2113 : vector<16xi32>
        %reduce_sum3A_2115 = arith.constant true
        %reduce_sum3A_2116 = vector.broadcast %reduce_sum3A_2115 : i1 to vector<16xi1>
        %reduce_sum3A_2117 = tpu.scan <sum>, %scan3A_2111#0 masked %reduce_sum3A_2116 : vector<16xf32>, vector<16xi1> -> vector<16xf32>
        %reduce_sum3A_2118 = vector.extract %reduce_sum3A_2117[15] : f32 from vector<16xf32>
        %broadcast_in_dim3A_2119 = vector.broadcast %reduce_sum3A_2118 : f32 to vector<16xf32>
        %select_n3A_2120 = arith.select %eq3A_2114, %broadcast_in_dim3A_2119, %scan3A_2102 : vector<16xi1>, vector<16xf32>
        %reduce_sum3A_2121 = arith.constant true
        %reduce_sum3A_2122 = vector.broadcast %reduce_sum3A_2121 : i1 to vector<16xi1>
        %reduce_sum3A_2123 = tpu.scan <sum>, %scan3A_2111#1 masked %reduce_sum3A_2122 : vector<16xf32>, vector<16xi1> -> vector<16xf32>
        %reduce_sum3A_2124 = vector.extract %reduce_sum3A_2123[15] : f32 from vector<16xf32>
        %broadcast_in_dim3A_2125 = vector.broadcast %reduce_sum3A_2124 : f32 to vector<16xf32>
        %select_n3A_2126 = arith.select %eq3A_2114, %broadcast_in_dim3A_2125, %scan3A_2103 : vector<16xi1>, vector<16xf32>
        %reduce_sum3A_2127 = arith.constant true
        %reduce_sum3A_2128 = vector.broadcast %reduce_sum3A_2127 : i1 to vector<16xi1>
        %reduce_sum3A_2129 = tpu.scan <sum>, %scan3A_2111#2 masked %reduce_sum3A_2128 : vector<16xf32>, vector<16xi1> -> vector<16xf32>
        %reduce_sum3A_2130 = vector.extract %reduce_sum3A_2129[15] : f32 from vector<16xf32>
        %broadcast_in_dim3A_2131 = vector.broadcast %reduce_sum3A_2130 : f32 to vector<16xf32>
        %select_n3A_2132 = arith.select %eq3A_2114, %broadcast_in_dim3A_2131, %scan3A_2104 : vector<16xi1>, vector<16xf32>
        scf.yield %select_n3A_2120, %select_n3A_2126, %select_n3A_2132 : vector<16xf32>, vector<16xf32>, vector<16xf32>
      }
      %scan3A_1965 = arith.constant 10 : i32
      %add3A_1966 = vector.broadcast %reduce_sum3A_1897 : f32 to vector<16xf32>
      %add3A_1967 = arith.addf %scan3A_1964#2, %add3A_1966 : vector<16xf32>
      %mul3A_1968 = arith.constant 2.000000e+00 : f32
      %mul3A_1969 = vector.broadcast %mul3A_1968 : f32 to vector<16xf32>
      %mul3A_1970 = arith.mulf %mul3A_1969, %scan3A_1964#1 : vector<16xf32>
      %sub3A = arith.subf %add3A_1967, %mul3A_1970 : vector<16xf32>
      %max3A = arith.constant 0.000000e+00 : f32
      %max3A_1971 = vector.broadcast %max3A : f32 to vector<16xf32>
      %max3A_1972 = arith.maximumf %sub3A, %max3A_1971 : vector<16xf32>
      %add3A_1973 = arith.constant 9.99999968E-21 : f32
      %add3A_1974 = vector.broadcast %add3A_1973 : f32 to vector<16xf32>
      %add3A_1975 = arith.addf %max3A_1972, %add3A_1974 : vector<16xf32>
      %sub3A_1976 = vector.broadcast %reduce_sum3A_1893 : f32 to vector<16xf32>
      %sub3A_1977 = arith.subf %scan3A_1964#0, %sub3A_1976 : vector<16xf32>
      %bitcast3A = vector.bitcast %add3A_1975 : vector<16xf32> to vector<16xi32>
      %shift_right_arithmetic3A = arith.constant 1 : i32
      %shift_right_arithmetic3A_1978 = vector.broadcast %shift_right_arithmetic3A : i32 to vector<16xi32>
      %shift_right_arithmetic3A_1979 = arith.shrsi %bitcast3A, %shift_right_arithmetic3A_1978 : vector<16xi32>
      %sub3A_1980 = arith.constant 1597463007 : i32
      %sub3A_1981 = vector.broadcast %sub3A_1980 : i32 to vector<16xi32>
      %sub3A_1982 = arith.subi %sub3A_1981, %shift_right_arithmetic3A_1979 : vector<16xi32>
      %bitcast3A_1983 = vector.bitcast %sub3A_1982 : vector<16xi32> to vector<16xf32>
      %mul3A_1984 = arith.constant 5.000000e-01 : f32
      %mul3A_1985 = vector.broadcast %mul3A_1984 : f32 to vector<16xf32>
      %mul3A_1986 = arith.mulf %mul3A_1985, %add3A_1975 : vector<16xf32>
      %mul3A_1987 = arith.mulf %mul3A_1986, %bitcast3A_1983 : vector<16xf32>
      %mul3A_1988 = arith.mulf %mul3A_1987, %bitcast3A_1983 : vector<16xf32>
      %sub3A_1989 = arith.constant 1.500000e+00 : f32
      %sub3A_1990 = vector.broadcast %sub3A_1989 : f32 to vector<16xf32>
      %sub3A_1991 = arith.subf %sub3A_1990, %mul3A_1988 : vector<16xf32>
      %mul3A_1992 = arith.mulf %bitcast3A_1983, %sub3A_1991 : vector<16xf32>
      %mul3A_1993 = arith.constant 5.000000e-01 : f32
      %mul3A_1994 = vector.broadcast %mul3A_1993 : f32 to vector<16xf32>
      %mul3A_1995 = arith.mulf %mul3A_1994, %add3A_1975 : vector<16xf32>
      %mul3A_1996 = arith.mulf %mul3A_1995, %mul3A_1992 : vector<16xf32>
      %mul3A_1997 = arith.mulf %mul3A_1996, %mul3A_1992 : vector<16xf32>
      %sub3A_1998 = arith.constant 1.500000e+00 : f32
      %sub3A_1999 = vector.broadcast %sub3A_1998 : f32 to vector<16xf32>
      %sub3A_2000 = arith.subf %sub3A_1999, %mul3A_1997 : vector<16xf32>
      %mul3A_2001 = arith.mulf %mul3A_1992, %sub3A_2000 : vector<16xf32>
      %mul3A_2002 = arith.constant 5.000000e-01 : f32
      %mul3A_2003 = vector.broadcast %mul3A_2002 : f32 to vector<16xf32>
      %mul3A_2004 = arith.mulf %mul3A_2003, %add3A_1975 : vector<16xf32>
      %mul3A_2005 = arith.mulf %mul3A_2004, %mul3A_2001 : vector<16xf32>
      %mul3A_2006 = arith.mulf %mul3A_2005, %mul3A_2001 : vector<16xf32>
      %sub3A_2007 = arith.constant 1.500000e+00 : f32
      %sub3A_2008 = vector.broadcast %sub3A_2007 : f32 to vector<16xf32>
      %sub3A_2009 = arith.subf %sub3A_2008, %mul3A_2006 : vector<16xf32>
      %mul3A_2010 = arith.mulf %mul3A_2001, %sub3A_2009 : vector<16xf32>
      %mul3A_2011 = arith.constant 5.000000e-01 : f32
      %mul3A_2012 = vector.broadcast %mul3A_2011 : f32 to vector<16xf32>
      %mul3A_2013 = arith.mulf %mul3A_2012, %add3A_1975 : vector<16xf32>
      %mul3A_2014 = arith.mulf %mul3A_2013, %mul3A_2010 : vector<16xf32>
      %mul3A_2015 = arith.mulf %mul3A_2014, %mul3A_2010 : vector<16xf32>
      %sub3A_2016 = arith.constant 1.500000e+00 : f32
      %sub3A_2017 = vector.broadcast %sub3A_2016 : f32 to vector<16xf32>
      %sub3A_2018 = arith.subf %sub3A_2017, %mul3A_2015 : vector<16xf32>
      %mul3A_2019 = arith.mulf %mul3A_2010, %sub3A_2018 : vector<16xf32>
      %mul3A_2020 = arith.mulf %sub3A_1977, %mul3A_2019 : vector<16xf32>
      %ge3A_2021 = arith.constant 999 : i32
      %ge3A_2022 = vector.broadcast %ge3A_2021 : i32 to vector<16xi32>
      %ge3A_2023 = arith.cmpi sge, %mul3A_1652, %ge3A_2022 : vector<16xi32>
      %ne3A = vector.broadcast %reduce_max3A_1634 : i32 to vector<16xi32>
      %ne3A_2024 = arith.cmpi ne, %mul3A_1652, %ne3A : vector<16xi32>
      %and3A = arith.andi %ge3A_2023, %ne3A_2024 : vector<16xi1>
      %lt3A_2025 = arith.constant 10 : i32
      %lt3A_2026 = vector.broadcast %lt3A_2025 : i32 to vector<16xi32>
      %lt3A_2027 = arith.cmpi slt, %iota3A, %lt3A_2026 : vector<16xi32>
      %and3A_2028 = arith.andi %and3A, %lt3A_2027 : vector<16xi1>
      %jit3A_2029 = arith.constant 0xFF800000 : f32
      %broadcast_in_dim3A_2030 = vector.broadcast %jit3A_2029 : f32 to vector<16xf32>
      %select_n3A_2031 = arith.select %and3A_2028, %mul3A_2020, %broadcast_in_dim3A_2030 : vector<16xi1>, vector<16xf32>
      %reduce_max3A_2032 = arith.constant true
      %reduce_max3A_2033 = vector.broadcast %reduce_max3A_2032 : i1 to vector<16xi1>
      %reduce_max3A_2034 = tpu.scan <max>, %select_n3A_2031 masked %reduce_max3A_2033 : vector<16xf32>, vector<16xi1> -> vector<16xf32>
      %reduce_max3A_2035 = vector.extract %reduce_max3A_2034[15] : f32 from vector<16xf32>
      %eq3A_2036 = vector.broadcast %reduce_max3A_2035 : f32 to vector<16xf32>
      %eq3A_2037 = arith.cmpf oeq, %select_n3A_2031, %eq3A_2036 : vector<16xf32>
      %jit3A_2038 = arith.constant 100000 : i32
      %broadcast_in_dim3A_2039 = vector.broadcast %jit3A_2038 : i32 to vector<16xi32>
      %select_n3A_2040 = arith.select %eq3A_2037, %mul3A_1652, %broadcast_in_dim3A_2039 : vector<16xi1>, vector<16xi32>
      %reduce_min3A_2041 = arith.constant true
      %reduce_min3A_2042 = vector.broadcast %reduce_min3A_2041 : i1 to vector<16xi1>
      %reduce_min3A_2043 = arith.constant -2147483648 : i32
      %reduce_min3A_2044 = vector.broadcast %reduce_min3A_2043 : i32 to vector<16xi32>
      %reduce_min3A_2045 = arith.xori %select_n3A_2040, %reduce_min3A_2044 : vector<16xi32>
      %reduce_min3A_2046 = tpu.scan <min>, %reduce_min3A_2045 masked %reduce_min3A_2042 : vector<16xi32>, vector<16xi1> -> vector<16xi32>
      %reduce_min3A_2047 = arith.xori %reduce_min3A_2046, %reduce_min3A_2044 : vector<16xi32>
      %reduce_min3A_2048 = vector.extract %reduce_min3A_2047[15] : i32 from vector<16xi32>
      %eq3A_2049 = arith.constant 0xFF800000 : f32
      %eq3A_2050 = arith.cmpf oeq, %reduce_max3A_2035, %eq3A_2049 : f32
      %jit3A_2051 = arith.constant 0 : i32
      %select_n3A_2052 = arith.select %eq3A_2050, %jit3A_2051, %reduce_min3A_2048 : i32
      %eq3A_2053 = vector.broadcast %scan3A_701 : i32 to vector<16xi32>
      %eq3A_2054 = arith.cmpi eq, %iota3A, %eq3A_2053 : vector<16xi32>
      %broadcast_in_dim3A_2055 = vector.broadcast %select_n3A_2052 : i32 to vector<16xi32>
      %select_n3A_2056 = arith.select %eq3A_2054, %broadcast_in_dim3A_2055, %scan3A_702 : vector<16xi1>, vector<16xi32>
      %iota3A_2057 = tpu.iota {dimensions = array<i32: 0>} : vector<16xi32>
      %eq3A_2058 = arith.constant 0 : i32
      %eq3A_2059 = vector.broadcast %eq3A_2058 : i32 to vector<16xi32>
      %eq3A_2060 = arith.cmpi eq, %iota3A_2057, %eq3A_2059 : vector<16xi32>
      %jit3A_2061 = arith.constant 0 : i32
      %broadcast_in_dim3A_2062 = vector.broadcast %jit3A_2061 : i32 to vector<16xi32>
      %select_n3A_2063 = arith.select %eq3A_2060, %mul3A_1652, %broadcast_in_dim3A_2062 : vector<16xi1>, vector<16xi32>
      %reduce_max3A_2064 = arith.constant true
      %reduce_max3A_2065 = vector.broadcast %reduce_max3A_2064 : i1 to vector<16xi1>
      %reduce_max3A_2066 = arith.constant -2147483648 : i32
      %reduce_max3A_2067 = vector.broadcast %reduce_max3A_2066 : i32 to vector<16xi32>
      %reduce_max3A_2068 = arith.xori %select_n3A_2063, %reduce_max3A_2067 : vector<16xi32>
      %reduce_max3A_2069 = tpu.scan <max>, %reduce_max3A_2068 masked %reduce_max3A_2065 : vector<16xi32>, vector<16xi1> -> vector<16xi32>
      %reduce_max3A_2070 = arith.xori %reduce_max3A_2069, %reduce_max3A_2067 : vector<16xi32>
      %reduce_max3A_2071 = vector.extract %reduce_max3A_2070[15] : i32 from vector<16xi32>
      %iota3A_2072 = tpu.iota {dimensions = array<i32: 0>} : vector<16xi32>
      %eq3A_2073 = arith.constant 0 : i32
      %eq3A_2074 = vector.broadcast %eq3A_2073 : i32 to vector<16xi32>
      %eq3A_2075 = arith.cmpi eq, %iota3A_2072, %eq3A_2074 : vector<16xi32>
      %jit3A_2076 = arith.constant 0xFF800000 : f32
      %broadcast_in_dim3A_2077 = vector.broadcast %jit3A_2076 : f32 to vector<16xf32>
      %select_n3A_2078 = arith.select %eq3A_2075, %select_n3A_2031, %broadcast_in_dim3A_2077 : vector<16xi1>, vector<16xf32>
      %reduce_max3A_2079 = arith.constant true
      %reduce_max3A_2080 = vector.broadcast %reduce_max3A_2079 : i1 to vector<16xi1>
      %reduce_max3A_2081 = tpu.scan <max>, %select_n3A_2078 masked %reduce_max3A_2080 : vector<16xf32>, vector<16xi1> -> vector<16xf32>
      %reduce_max3A_2082 = vector.extract %reduce_max3A_2081[15] : f32 from vector<16xf32>
      %lt3A_2083 = arith.constant 10 : i32
      %lt3A_2084 = vector.broadcast %lt3A_2083 : i32 to vector<16xi32>
      %lt3A_2085 = arith.cmpi slt, %iota3A, %lt3A_2084 : vector<16xi32>
      %broadcast_in_dim3A_2086 = vector.broadcast %reduce_max3A_2071 : i32 to vector<16xi32>
      %select_n3A_2087 = arith.select %lt3A_2085, %mul3A_1652, %broadcast_in_dim3A_2086 : vector<16xi1>, vector<16xi32>
      %mul3A_2088 = arith.constant 16 : i32
      %mul3A_2089 = arith.muli %scan3A_701, %mul3A_2088 : i32
      %swap3A_2090 = arith.index_cast %mul3A_2089 : i32 to index
      %swap3A_2091 = tpu.vector_load %arg16[%swap3A_2090] {strides = array<i32>} : memref<128xi32, #tpu.memory_space<vmem>>, vector<16xi32>,
      tpu.vector_store %arg16[%swap3A_2090], %select_n3A_2087 {strides = array<i32>} : memref<128xi32, #tpu.memory_space<vmem>>, vector<16xi32>,
      %lt3A_2092 = arith.constant 10 : i32
      %lt3A_2093 = vector.broadcast %lt3A_2092 : i32 to vector<16xi32>
      %lt3A_2094 = arith.cmpi slt, %iota3A, %lt3A_2093 : vector<16xi32>
      %broadcast_in_dim3A_2095 = vector.broadcast %reduce_max3A_2082 : f32 to vector<16xf32>
      %select_n3A_2096 = arith.select %lt3A_2094, %select_n3A_2031, %broadcast_in_dim3A_2095 : vector<16xi1>, vector<16xf32>
      %mul3A_2097 = arith.constant 16 : i32
      %mul3A_2098 = arith.muli %scan3A_701, %mul3A_2097 : i32
      %swap3A_2099 = arith.index_cast %mul3A_2098 : i32 to index
      %swap3A_2100 = tpu.vector_load %arg17[%swap3A_2099] {strides = array<i32>} : memref<128xf32, #tpu.memory_space<vmem>>, vector<16xf32>,
      tpu.vector_store %arg17[%swap3A_2099], %select_n3A_2096 {strides = array<i32>} : memref<128xf32, #tpu.memory_space<vmem>>, vector<16xf32>,
      scf.yield %select_n3A_2056 : vector<16xi32>
    }
    %scan3A_42 = arith.constant 8 : i32
    %swap3A = arith.constant 0 : index
    %swap3A_43 = tpu.vector_load %arg18[%swap3A] {strides = array<i32>} : memref<16xi32, #tpu.memory_space<vmem>>, vector<16xi32>,
    tpu.vector_store %arg18[%swap3A], %scan3A_41 {strides = array<i32>} : memref<16xi32, #tpu.memory_space<vmem>>, vector<16xi32>,
    %mul3A_44 = arith.constant 16 : i32
    %mul3A_45 = arith.muli %add3A, %mul3A_44 : i32
    "tpu.region"() ({
      %run_scoped3A = tpu.sem_alloc : memref<!tpu.dma_semaphore, #tpu.memory_space<semaphore_mem>>
      %dma_start3A_701 = tpu.memref_slice %arg8[%mul3A_45] : memref<512xi32, #tpu.memory_space<hbm>> -> memref<16xi32, #tpu.memory_space<hbm>>
      %dma_start3A_702 = tpu.memref_slice %arg8[%mul3A_45] : memref<512xi32, #tpu.memory_space<hbm>> -> memref<16xi32, #tpu.memory_space<hbm>>
      tpu.enqueue_dma source(%arg18 : memref<16xi32, #tpu.memory_space<vmem>>) target(%dma_start3A_702 : memref<16xi32, #tpu.memory_space<hbm>>) target_semaphore(%run_scoped3A : memref<!tpu.dma_semaphore, #tpu.memory_space<semaphore_mem>>)
      %dma_wait3A_703 = tpu.memref_slice %arg8[%mul3A_45] : memref<512xi32, #tpu.memory_space<hbm>> -> memref<16xi32, #tpu.memory_space<hbm>>
      %dma_wait3A_704 = tpu.memref_slice %arg8[%mul3A_45] : memref<512xi32, #tpu.memory_space<hbm>> -> memref<16xi32, #tpu.memory_space<hbm>>
      tpu.wait_dma2 semaphore(%run_scoped3A : memref<!tpu.dma_semaphore, #tpu.memory_space<semaphore_mem>>) src(%arg18 : memref<16xi32, #tpu.memory_space<vmem>>) dst(%dma_wait3A_704 : memref<16xi32, #tpu.memory_space<hbm>>)
      tpu.yield
    }) : () -> ()
    %mul3A_46 = arith.constant 8 : i32
    %mul3A_47 = arith.muli %add3A, %mul3A_46 : i32
    %add3A_48 = arith.constant 0 : i32
    %add3A_49 = arith.addi %mul3A_47, %add3A_48 : i32
    %mul3A_50 = arith.constant 100000 : i32
    %mul3A_51 = arith.muli %add3A_49, %mul3A_50 : i32
    %add3A_52 = arith.constant 0 : i32
    %add3A_53 = arith.addi %mul3A_51, %add3A_52 : i32
    %dma_wait3A = arith.constant 0 : i32
    %dma_wait3A_54 = tpu.memref_slice %arg11[%dma_wait3A] : memref<16384xf32, #tpu.memory_space<vmem>> -> memref<16384xf32, #tpu.memory_space<vmem>>
    %dma_wait3A_55 = tpu.memref_slice %arg7[%add3A_53] : memref<25600000xf32, #tpu.memory_space<hbm>> -> memref<16384xf32, #tpu.memory_space<hbm>>
    %dma_wait3A_56 = tpu.memref_slice %arg7[%add3A_53] : memref<25600000xf32, #tpu.memory_space<hbm>> -> memref<16384xf32, #tpu.memory_space<hbm>>
    %dma_wait3A_57 = arith.constant 0 : i32
    %dma_wait3A_58 = tpu.memref_slice %arg11[%dma_wait3A_57] : memref<16384xf32, #tpu.memory_space<vmem>> -> memref<16384xf32, #tpu.memory_space<vmem>>
    tpu.wait_dma2 semaphore(%arg37 : memref<!tpu.dma_semaphore, #tpu.memory_space<semaphore_mem>>) src(%dma_wait3A_58 : memref<16384xf32, #tpu.memory_space<vmem>>) dst(%dma_wait3A_56 : memref<16384xf32, #tpu.memory_space<hbm>>)
    %add3A_59 = arith.constant 16384 : i32
    %add3A_60 = arith.addi %mul3A_51, %add3A_59 : i32
    %dma_wait3A_61 = arith.constant 0 : i32
    %dma_wait3A_62 = tpu.memref_slice %arg11[%dma_wait3A_61] : memref<16384xf32, #tpu.memory_space<vmem>> -> memref<16384xf32, #tpu.memory_space<vmem>>
    %dma_wait3A_63 = tpu.memref_slice %arg7[%add3A_60] : memref<25600000xf32, #tpu.memory_space<hbm>> -> memref<16384xf32, #tpu.memory_space<hbm>>
    %dma_wait3A_64 = tpu.memref_slice %arg7[%add3A_60] : memref<25600000xf32, #tpu.memory_space<hbm>> -> memref<16384xf32, #tpu.memory_space<hbm>>
    %dma_wait3A_65 = arith.constant 0 : i32
    %dma_wait3A_66 = tpu.memref_slice %arg11[%dma_wait3A_65] : memref<16384xf32, #tpu.memory_space<vmem>> -> memref<16384xf32, #tpu.memory_space<vmem>>
    tpu.wait_dma2 semaphore(%arg37 : memref<!tpu.dma_semaphore, #tpu.memory_space<semaphore_mem>>) src(%dma_wait3A_66 : memref<16384xf32, #tpu.memory_space<vmem>>) dst(%dma_wait3A_64 : memref<16384xf32, #tpu.memory_space<hbm>>)
    %add3A_67 = arith.constant 32768 : i32
    %add3A_68 = arith.addi %mul3A_51, %add3A_67 : i32
    %dma_wait3A_69 = arith.constant 0 : i32
    %dma_wait3A_70 = tpu.memref_slice %arg11[%dma_wait3A_69] : memref<16384xf32, #tpu.memory_space<vmem>> -> memref<16384xf32, #tpu.memory_space<vmem>>
    %dma_wait3A_71 = tpu.memref_slice %arg7[%add3A_68] : memref<25600000xf32, #tpu.memory_space<hbm>> -> memref<16384xf32, #tpu.memory_space<hbm>>
    %dma_wait3A_72 = tpu.memref_slice %arg7[%add3A_68] : memref<25600000xf32, #tpu.memory_space<hbm>> -> memref<16384xf32, #tpu.memory_space<hbm>>
    %dma_wait3A_73 = arith.constant 0 : i32
    %dma_wait3A_74 = tpu.memref_slice %arg11[%dma_wait3A_73] : memref<16384xf32, #tpu.memory_space<vmem>> -> memref<16384xf32, #tpu.memory_space<vmem>>
    tpu.wait_dma2 semaphore(%arg37 : memref<!tpu.dma_semaphore, #tpu.memory_space<semaphore_mem>>) src(%dma_wait3A_74 : memref<16384xf32, #tpu.memory_space<vmem>>) dst(%dma_wait3A_72 : memref<16384xf32, #tpu.memory_space<hbm>>)
    %add3A_75 = arith.constant 49152 : i32
    %add3A_76 = arith.addi %mul3A_51, %add3A_75 : i32
    %dma_wait3A_77 = arith.constant 0 : i32
    %dma_wait3A_78 = tpu.memref_slice %arg11[%dma_wait3A_77] : memref<16384xf32, #tpu.memory_space<vmem>> -> memref<16384xf32, #tpu.memory_space<vmem>>
    %dma_wait3A_79 = tpu.memref_slice %arg7[%add3A_76] : memref<25600000xf32, #tpu.memory_space<hbm>> -> memref<16384xf32, #tpu.memory_space<hbm>>
    %dma_wait3A_80 = tpu.memref_slice %arg7[%add3A_76] : memref<25600000xf32, #tpu.memory_space<hbm>> -> memref<16384xf32, #tpu.memory_space<hbm>>
    %dma_wait3A_81 = arith.constant 0 : i32
    %dma_wait3A_82 = tpu.memref_slice %arg11[%dma_wait3A_81] : memref<16384xf32, #tpu.memory_space<vmem>> -> memref<16384xf32, #tpu.memory_space<vmem>>
    tpu.wait_dma2 semaphore(%arg37 : memref<!tpu.dma_semaphore, #tpu.memory_space<semaphore_mem>>) src(%dma_wait3A_82 : memref<16384xf32, #tpu.memory_space<vmem>>) dst(%dma_wait3A_80 : memref<16384xf32, #tpu.memory_space<hbm>>)
    %add3A_83 = arith.constant 65536 : i32
    %add3A_84 = arith.addi %mul3A_51, %add3A_83 : i32
    %dma_wait3A_85 = arith.constant 0 : i32
    %dma_wait3A_86 = tpu.memref_slice %arg11[%dma_wait3A_85] : memref<16384xf32, #tpu.memory_space<vmem>> -> memref<16384xf32, #tpu.memory_space<vmem>>
    %dma_wait3A_87 = tpu.memref_slice %arg7[%add3A_84] : memref<25600000xf32, #tpu.memory_space<hbm>> -> memref<16384xf32, #tpu.memory_space<hbm>>
    %dma_wait3A_88 = tpu.memref_slice %arg7[%add3A_84] : memref<25600000xf32, #tpu.memory_space<hbm>> -> memref<16384xf32, #tpu.memory_space<hbm>>
    %dma_wait3A_89 = arith.constant 0 : i32
    %dma_wait3A_90 = tpu.memref_slice %arg11[%dma_wait3A_89] : memref<16384xf32, #tpu.memory_space<vmem>> -> memref<16384xf32, #tpu.memory_space<vmem>>
    tpu.wait_dma2 semaphore(%arg37 : memref<!tpu.dma_semaphore, #tpu.memory_space<semaphore_mem>>) src(%dma_wait3A_90 : memref<16384xf32, #tpu.memory_space<vmem>>) dst(%dma_wait3A_88 : memref<16384xf32, #tpu.memory_space<hbm>>)
    %add3A_91 = arith.constant 81920 : i32
    %add3A_92 = arith.addi %mul3A_51, %add3A_91 : i32
    %dma_wait3A_93 = arith.constant 0 : i32
    %dma_wait3A_94 = tpu.memref_slice %arg11[%dma_wait3A_93] : memref<16384xf32, #tpu.memory_space<vmem>> -> memref<16384xf32, #tpu.memory_space<vmem>>
    %dma_wait3A_95 = tpu.memref_slice %arg7[%add3A_92] : memref<25600000xf32, #tpu.memory_space<hbm>> -> memref<16384xf32, #tpu.memory_space<hbm>>
    %dma_wait3A_96 = tpu.memref_slice %arg7[%add3A_92] : memref<25600000xf32, #tpu.memory_space<hbm>> -> memref<16384xf32, #tpu.memory_space<hbm>>
    %dma_wait3A_97 = arith.constant 0 : i32
    %dma_wait3A_98 = tpu.memref_slice %arg11[%dma_wait3A_97] : memref<16384xf32, #tpu.memory_space<vmem>> -> memref<16384xf32, #tpu.memory_space<vmem>>
    tpu.wait_dma2 semaphore(%arg37 : memref<!tpu.dma_semaphore, #tpu.memory_space<semaphore_mem>>) src(%dma_wait3A_98 : memref<16384xf32, #tpu.memory_space<vmem>>) dst(%dma_wait3A_96 : memref<16384xf32, #tpu.memory_space<hbm>>)
    %add3A_99 = arith.constant 98304 : i32
    %add3A_100 = arith.addi %mul3A_51, %add3A_99 : i32
    %dma_wait3A_101 = arith.constant 0 : i32
    %dma_wait3A_102 = tpu.memref_slice %arg11[%dma_wait3A_101] : memref<16384xf32, #tpu.memory_space<vmem>> -> memref<1696xf32, #tpu.memory_space<vmem>>
    %dma_wait3A_103 = tpu.memref_slice %arg7[%add3A_100] : memref<25600000xf32, #tpu.memory_space<hbm>> -> memref<1696xf32, #tpu.memory_space<hbm>>
    %dma_wait3A_104 = tpu.memref_slice %arg7[%add3A_100] : memref<25600000xf32, #tpu.memory_space<hbm>> -> memref<1696xf32, #tpu.memory_space<hbm>>
    %dma_wait3A_105 = arith.constant 0 : i32
    %dma_wait3A_106 = tpu.memref_slice %arg11[%dma_wait3A_105] : memref<16384xf32, #tpu.memory_space<vmem>> -> memref<1696xf32, #tpu.memory_space<vmem>>
    tpu.wait_dma2 semaphore(%arg37 : memref<!tpu.dma_semaphore, #tpu.memory_space<semaphore_mem>>) src(%dma_wait3A_106 : memref<1696xf32, #tpu.memory_space<vmem>>) dst(%dma_wait3A_104 : memref<1696xf32, #tpu.memory_space<hbm>>)
    %mul3A_107 = arith.constant 8 : i32
    %mul3A_108 = arith.muli %add3A, %mul3A_107 : i32
    %add3A_109 = arith.constant 1 : i32
    %add3A_110 = arith.addi %mul3A_108, %add3A_109 : i32
    %mul3A_111 = arith.constant 100000 : i32
    %mul3A_112 = arith.muli %add3A_110, %mul3A_111 : i32
    %add3A_113 = arith.constant 0 : i32
    %add3A_114 = arith.addi %mul3A_112, %add3A_113 : i32
    %dma_wait3A_115 = arith.constant 0 : i32
    %dma_wait3A_116 = tpu.memref_slice %arg11[%dma_wait3A_115] : memref<16384xf32, #tpu.memory_space<vmem>> -> memref<16384xf32, #tpu.memory_space<vmem>>
    %dma_wait3A_117 = tpu.memref_slice %arg7[%add3A_114] : memref<25600000xf32, #tpu.memory_space<hbm>> -> memref<16384xf32, #tpu.memory_space<hbm>>
    %dma_wait3A_118 = tpu.memref_slice %arg7[%add3A_114] : memref<25600000xf32, #tpu.memory_space<hbm>> -> memref<16384xf32, #tpu.memory_space<hbm>>
    %dma_wait3A_119 = arith.constant 0 : i32
    %dma_wait3A_120 = tpu.memref_slice %arg11[%dma_wait3A_119] : memref<16384xf32, #tpu.memory_space<vmem>> -> memref<16384xf32, #tpu.memory_space<vmem>>
    tpu.wait_dma2 semaphore(%arg37 : memref<!tpu.dma_semaphore, #tpu.memory_space<semaphore_mem>>) src(%dma_wait3A_120 : memref<16384xf32, #tpu.memory_space<vmem>>) dst(%dma_wait3A_118 : memref<16384xf32, #tpu.memory_space<hbm>>)
    %add3A_121 = arith.constant 16384 : i32
    %add3A_122 = arith.addi %mul3A_112, %add3A_121 : i32
    %dma_wait3A_123 = arith.constant 0 : i32
    %dma_wait3A_124 = tpu.memref_slice %arg11[%dma_wait3A_123] : memref<16384xf32, #tpu.memory_space<vmem>> -> memref<16384xf32, #tpu.memory_space<vmem>>
    %dma_wait3A_125 = tpu.memref_slice %arg7[%add3A_122] : memref<25600000xf32, #tpu.memory_space<hbm>> -> memref<16384xf32, #tpu.memory_space<hbm>>
    %dma_wait3A_126 = tpu.memref_slice %arg7[%add3A_122] : memref<25600000xf32, #tpu.memory_space<hbm>> -> memref<16384xf32, #tpu.memory_space<hbm>>
    %dma_wait3A_127 = arith.constant 0 : i32
    %dma_wait3A_128 = tpu.memref_slice %arg11[%dma_wait3A_127] : memref<16384xf32, #tpu.memory_space<vmem>> -> memref<16384xf32, #tpu.memory_space<vmem>>
    tpu.wait_dma2 semaphore(%arg37 : memref<!tpu.dma_semaphore, #tpu.memory_space<semaphore_mem>>) src(%dma_wait3A_128 : memref<16384xf32, #tpu.memory_space<vmem>>) dst(%dma_wait3A_126 : memref<16384xf32, #tpu.memory_space<hbm>>)
    %add3A_129 = arith.constant 32768 : i32
    %add3A_130 = arith.addi %mul3A_112, %add3A_129 : i32
    %dma_wait3A_131 = arith.constant 0 : i32
    %dma_wait3A_132 = tpu.memref_slice %arg11[%dma_wait3A_131] : memref<16384xf32, #tpu.memory_space<vmem>> -> memref<16384xf32, #tpu.memory_space<vmem>>
    %dma_wait3A_133 = tpu.memref_slice %arg7[%add3A_130] : memref<25600000xf32, #tpu.memory_space<hbm>> -> memref<16384xf32, #tpu.memory_space<hbm>>
    %dma_wait3A_134 = tpu.memref_slice %arg7[%add3A_130] : memref<25600000xf32, #tpu.memory_space<hbm>> -> memref<16384xf32, #tpu.memory_space<hbm>>
    %dma_wait3A_135 = arith.constant 0 : i32
    %dma_wait3A_136 = tpu.memref_slice %arg11[%dma_wait3A_135] : memref<16384xf32, #tpu.memory_space<vmem>> -> memref<16384xf32, #tpu.memory_space<vmem>>
    tpu.wait_dma2 semaphore(%arg37 : memref<!tpu.dma_semaphore, #tpu.memory_space<semaphore_mem>>) src(%dma_wait3A_136 : memref<16384xf32, #tpu.memory_space<vmem>>) dst(%dma_wait3A_134 : memref<16384xf32, #tpu.memory_space<hbm>>)
    %add3A_137 = arith.constant 49152 : i32
    %add3A_138 = arith.addi %mul3A_112, %add3A_137 : i32
    %dma_wait3A_139 = arith.constant 0 : i32
    %dma_wait3A_140 = tpu.memref_slice %arg11[%dma_wait3A_139] : memref<16384xf32, #tpu.memory_space<vmem>> -> memref<16384xf32, #tpu.memory_space<vmem>>
    %dma_wait3A_141 = tpu.memref_slice %arg7[%add3A_138] : memref<25600000xf32, #tpu.memory_space<hbm>> -> memref<16384xf32, #tpu.memory_space<hbm>>
    %dma_wait3A_142 = tpu.memref_slice %arg7[%add3A_138] : memref<25600000xf32, #tpu.memory_space<hbm>> -> memref<16384xf32, #tpu.memory_space<hbm>>
    %dma_wait3A_143 = arith.constant 0 : i32
    %dma_wait3A_144 = tpu.memref_slice %arg11[%dma_wait3A_143] : memref<16384xf32, #tpu.memory_space<vmem>> -> memref<16384xf32, #tpu.memory_space<vmem>>
    tpu.wait_dma2 semaphore(%arg37 : memref<!tpu.dma_semaphore, #tpu.memory_space<semaphore_mem>>) src(%dma_wait3A_144 : memref<16384xf32, #tpu.memory_space<vmem>>) dst(%dma_wait3A_142 : memref<16384xf32, #tpu.memory_space<hbm>>)
    %add3A_145 = arith.constant 65536 : i32
    %add3A_146 = arith.addi %mul3A_112, %add3A_145 : i32
    %dma_wait3A_147 = arith.constant 0 : i32
    %dma_wait3A_148 = tpu.memref_slice %arg11[%dma_wait3A_147] : memref<16384xf32, #tpu.memory_space<vmem>> -> memref<16384xf32, #tpu.memory_space<vmem>>
    %dma_wait3A_149 = tpu.memref_slice %arg7[%add3A_146] : memref<25600000xf32, #tpu.memory_space<hbm>> -> memref<16384xf32, #tpu.memory_space<hbm>>
    %dma_wait3A_150 = tpu.memref_slice %arg7[%add3A_146] : memref<25600000xf32, #tpu.memory_space<hbm>> -> memref<16384xf32, #tpu.memory_space<hbm>>
    %dma_wait3A_151 = arith.constant 0 : i32
    %dma_wait3A_152 = tpu.memref_slice %arg11[%dma_wait3A_151] : memref<16384xf32, #tpu.memory_space<vmem>> -> memref<16384xf32, #tpu.memory_space<vmem>>
    tpu.wait_dma2 semaphore(%arg37 : memref<!tpu.dma_semaphore, #tpu.memory_space<semaphore_mem>>) src(%dma_wait3A_152 : memref<16384xf32, #tpu.memory_space<vmem>>) dst(%dma_wait3A_150 : memref<16384xf32, #tpu.memory_space<hbm>>)
    %add3A_153 = arith.constant 81920 : i32
    %add3A_154 = arith.addi %mul3A_112, %add3A_153 : i32
    %dma_wait3A_155 = arith.constant 0 : i32
    %dma_wait3A_156 = tpu.memref_slice %arg11[%dma_wait3A_155] : memref<16384xf32, #tpu.memory_space<vmem>> -> memref<16384xf32, #tpu.memory_space<vmem>>
    %dma_wait3A_157 = tpu.memref_slice %arg7[%add3A_154] : memref<25600000xf32, #tpu.memory_space<hbm>> -> memref<16384xf32, #tpu.memory_space<hbm>>
    %dma_wait3A_158 = tpu.memref_slice %arg7[%add3A_154] : memref<25600000xf32, #tpu.memory_space<hbm>> -> memref<16384xf32, #tpu.memory_space<hbm>>
    %dma_wait3A_159 = arith.constant 0 : i32
    %dma_wait3A_160 = tpu.memref_slice %arg11[%dma_wait3A_159] : memref<16384xf32, #tpu.memory_space<vmem>> -> memref<16384xf32, #tpu.memory_space<vmem>>
    tpu.wait_dma2 semaphore(%arg37 : memref<!tpu.dma_semaphore, #tpu.memory_space<semaphore_mem>>) src(%dma_wait3A_160 : memref<16384xf32, #tpu.memory_space<vmem>>) dst(%dma_wait3A_158 : memref<16384xf32, #tpu.memory_space<hbm>>)
    %add3A_161 = arith.constant 98304 : i32
    %add3A_162 = arith.addi %mul3A_112, %add3A_161 : i32
    %dma_wait3A_163 = arith.constant 0 : i32
    %dma_wait3A_164 = tpu.memref_slice %arg11[%dma_wait3A_163] : memref<16384xf32, #tpu.memory_space<vmem>> -> memref<1696xf32, #tpu.memory_space<vmem>>
    %dma_wait3A_165 = tpu.memref_slice %arg7[%add3A_162] : memref<25600000xf32, #tpu.memory_space<hbm>> -> memref<1696xf32, #tpu.memory_space<hbm>>
    %dma_wait3A_166 = tpu.memref_slice %arg7[%add3A_162] : memref<25600000xf32, #tpu.memory_space<hbm>> -> memref<1696xf32, #tpu.memory_space<hbm>>
    %dma_wait3A_167 = arith.constant 0 : i32
    %dma_wait3A_168 = tpu.memref_slice %arg11[%dma_wait3A_167] : memref<16384xf32, #tpu.memory_space<vmem>> -> memref<1696xf32, #tpu.memory_space<vmem>>
    tpu.wait_dma2 semaphore(%arg37 : memref<!tpu.dma_semaphore, #tpu.memory_space<semaphore_mem>>) src(%dma_wait3A_168 : memref<1696xf32, #tpu.memory_space<vmem>>) dst(%dma_wait3A_166 : memref<1696xf32, #tpu.memory_space<hbm>>)
    %mul3A_169 = arith.constant 8 : i32
    %mul3A_170 = arith.muli %add3A, %mul3A_169 : i32
    %add3A_171 = arith.constant 2 : i32
    %add3A_172 = arith.addi %mul3A_170, %add3A_171 : i32
    %mul3A_173 = arith.constant 100000 : i32
    %mul3A_174 = arith.muli %add3A_172, %mul3A_173 : i32
    %add3A_175 = arith.constant 0 : i32
    %add3A_176 = arith.addi %mul3A_174, %add3A_175 : i32
    %dma_wait3A_177 = arith.constant 0 : i32
    %dma_wait3A_178 = tpu.memref_slice %arg11[%dma_wait3A_177] : memref<16384xf32, #tpu.memory_space<vmem>> -> memref<16384xf32, #tpu.memory_space<vmem>>
    %dma_wait3A_179 = tpu.memref_slice %arg7[%add3A_176] : memref<25600000xf32, #tpu.memory_space<hbm>> -> memref<16384xf32, #tpu.memory_space<hbm>>
    %dma_wait3A_180 = tpu.memref_slice %arg7[%add3A_176] : memref<25600000xf32, #tpu.memory_space<hbm>> -> memref<16384xf32, #tpu.memory_space<hbm>>
    %dma_wait3A_181 = arith.constant 0 : i32
    %dma_wait3A_182 = tpu.memref_slice %arg11[%dma_wait3A_181] : memref<16384xf32, #tpu.memory_space<vmem>> -> memref<16384xf32, #tpu.memory_space<vmem>>
    tpu.wait_dma2 semaphore(%arg37 : memref<!tpu.dma_semaphore, #tpu.memory_space<semaphore_mem>>) src(%dma_wait3A_182 : memref<16384xf32, #tpu.memory_space<vmem>>) dst(%dma_wait3A_180 : memref<16384xf32, #tpu.memory_space<hbm>>)
    %add3A_183 = arith.constant 16384 : i32
    %add3A_184 = arith.addi %mul3A_174, %add3A_183 : i32
    %dma_wait3A_185 = arith.constant 0 : i32
    %dma_wait3A_186 = tpu.memref_slice %arg11[%dma_wait3A_185] : memref<16384xf32, #tpu.memory_space<vmem>> -> memref<16384xf32, #tpu.memory_space<vmem>>
    %dma_wait3A_187 = tpu.memref_slice %arg7[%add3A_184] : memref<25600000xf32, #tpu.memory_space<hbm>> -> memref<16384xf32, #tpu.memory_space<hbm>>
    %dma_wait3A_188 = tpu.memref_slice %arg7[%add3A_184] : memref<25600000xf32, #tpu.memory_space<hbm>> -> memref<16384xf32, #tpu.memory_space<hbm>>
    %dma_wait3A_189 = arith.constant 0 : i32
    %dma_wait3A_190 = tpu.memref_slice %arg11[%dma_wait3A_189] : memref<16384xf32, #tpu.memory_space<vmem>> -> memref<16384xf32, #tpu.memory_space<vmem>>
    tpu.wait_dma2 semaphore(%arg37 : memref<!tpu.dma_semaphore, #tpu.memory_space<semaphore_mem>>) src(%dma_wait3A_190 : memref<16384xf32, #tpu.memory_space<vmem>>) dst(%dma_wait3A_188 : memref<16384xf32, #tpu.memory_space<hbm>>)
    %add3A_191 = arith.constant 32768 : i32
    %add3A_192 = arith.addi %mul3A_174, %add3A_191 : i32
    %dma_wait3A_193 = arith.constant 0 : i32
    %dma_wait3A_194 = tpu.memref_slice %arg11[%dma_wait3A_193] : memref<16384xf32, #tpu.memory_space<vmem>> -> memref<16384xf32, #tpu.memory_space<vmem>>
    %dma_wait3A_195 = tpu.memref_slice %arg7[%add3A_192] : memref<25600000xf32, #tpu.memory_space<hbm>> -> memref<16384xf32, #tpu.memory_space<hbm>>
    %dma_wait3A_196 = tpu.memref_slice %arg7[%add3A_192] : memref<25600000xf32, #tpu.memory_space<hbm>> -> memref<16384xf32, #tpu.memory_space<hbm>>
    %dma_wait3A_197 = arith.constant 0 : i32
    %dma_wait3A_198 = tpu.memref_slice %arg11[%dma_wait3A_197] : memref<16384xf32, #tpu.memory_space<vmem>> -> memref<16384xf32, #tpu.memory_space<vmem>>
    tpu.wait_dma2 semaphore(%arg37 : memref<!tpu.dma_semaphore, #tpu.memory_space<semaphore_mem>>) src(%dma_wait3A_198 : memref<16384xf32, #tpu.memory_space<vmem>>) dst(%dma_wait3A_196 : memref<16384xf32, #tpu.memory_space<hbm>>)
    %add3A_199 = arith.constant 49152 : i32
    %add3A_200 = arith.addi %mul3A_174, %add3A_199 : i32
    %dma_wait3A_201 = arith.constant 0 : i32
    %dma_wait3A_202 = tpu.memref_slice %arg11[%dma_wait3A_201] : memref<16384xf32, #tpu.memory_space<vmem>> -> memref<16384xf32, #tpu.memory_space<vmem>>
    %dma_wait3A_203 = tpu.memref_slice %arg7[%add3A_200] : memref<25600000xf32, #tpu.memory_space<hbm>> -> memref<16384xf32, #tpu.memory_space<hbm>>
    %dma_wait3A_204 = tpu.memref_slice %arg7[%add3A_200] : memref<25600000xf32, #tpu.memory_space<hbm>> -> memref<16384xf32, #tpu.memory_space<hbm>>
    %dma_wait3A_205 = arith.constant 0 : i32
    %dma_wait3A_206 = tpu.memref_slice %arg11[%dma_wait3A_205] : memref<16384xf32, #tpu.memory_space<vmem>> -> memref<16384xf32, #tpu.memory_space<vmem>>
    tpu.wait_dma2 semaphore(%arg37 : memref<!tpu.dma_semaphore, #tpu.memory_space<semaphore_mem>>) src(%dma_wait3A_206 : memref<16384xf32, #tpu.memory_space<vmem>>) dst(%dma_wait3A_204 : memref<16384xf32, #tpu.memory_space<hbm>>)
    %add3A_207 = arith.constant 65536 : i32
    %add3A_208 = arith.addi %mul3A_174, %add3A_207 : i32
    %dma_wait3A_209 = arith.constant 0 : i32
    %dma_wait3A_210 = tpu.memref_slice %arg11[%dma_wait3A_209] : memref<16384xf32, #tpu.memory_space<vmem>> -> memref<16384xf32, #tpu.memory_space<vmem>>
    %dma_wait3A_211 = tpu.memref_slice %arg7[%add3A_208] : memref<25600000xf32, #tpu.memory_space<hbm>> -> memref<16384xf32, #tpu.memory_space<hbm>>
    %dma_wait3A_212 = tpu.memref_slice %arg7[%add3A_208] : memref<25600000xf32, #tpu.memory_space<hbm>> -> memref<16384xf32, #tpu.memory_space<hbm>>
    %dma_wait3A_213 = arith.constant 0 : i32
    %dma_wait3A_214 = tpu.memref_slice %arg11[%dma_wait3A_213] : memref<16384xf32, #tpu.memory_space<vmem>> -> memref<16384xf32, #tpu.memory_space<vmem>>
    tpu.wait_dma2 semaphore(%arg37 : memref<!tpu.dma_semaphore, #tpu.memory_space<semaphore_mem>>) src(%dma_wait3A_214 : memref<16384xf32, #tpu.memory_space<vmem>>) dst(%dma_wait3A_212 : memref<16384xf32, #tpu.memory_space<hbm>>)
    %add3A_215 = arith.constant 81920 : i32
    %add3A_216 = arith.addi %mul3A_174, %add3A_215 : i32
    %dma_wait3A_217 = arith.constant 0 : i32
    %dma_wait3A_218 = tpu.memref_slice %arg11[%dma_wait3A_217] : memref<16384xf32, #tpu.memory_space<vmem>> -> memref<16384xf32, #tpu.memory_space<vmem>>
    %dma_wait3A_219 = tpu.memref_slice %arg7[%add3A_216] : memref<25600000xf32, #tpu.memory_space<hbm>> -> memref<16384xf32, #tpu.memory_space<hbm>>
    %dma_wait3A_220 = tpu.memref_slice %arg7[%add3A_216] : memref<25600000xf32, #tpu.memory_space<hbm>> -> memref<16384xf32, #tpu.memory_space<hbm>>
    %dma_wait3A_221 = arith.constant 0 : i32
    %dma_wait3A_222 = tpu.memref_slice %arg11[%dma_wait3A_221] : memref<16384xf32, #tpu.memory_space<vmem>> -> memref<16384xf32, #tpu.memory_space<vmem>>
    tpu.wait_dma2 semaphore(%arg37 : memref<!tpu.dma_semaphore, #tpu.memory_space<semaphore_mem>>) src(%dma_wait3A_222 : memref<16384xf32, #tpu.memory_space<vmem>>) dst(%dma_wait3A_220 : memref<16384xf32, #tpu.memory_space<hbm>>)
    %add3A_223 = arith.constant 98304 : i32
    %add3A_224 = arith.addi %mul3A_174, %add3A_223 : i32
    %dma_wait3A_225 = arith.constant 0 : i32
    %dma_wait3A_226 = tpu.memref_slice %arg11[%dma_wait3A_225] : memref<16384xf32, #tpu.memory_space<vmem>> -> memref<1696xf32, #tpu.memory_space<vmem>>
    %dma_wait3A_227 = tpu.memref_slice %arg7[%add3A_224] : memref<25600000xf32, #tpu.memory_space<hbm>> -> memref<1696xf32, #tpu.memory_space<hbm>>
    %dma_wait3A_228 = tpu.memref_slice %arg7[%add3A_224] : memref<25600000xf32, #tpu.memory_space<hbm>> -> memref<1696xf32, #tpu.memory_space<hbm>>
    %dma_wait3A_229 = arith.constant 0 : i32
    %dma_wait3A_230 = tpu.memref_slice %arg11[%dma_wait3A_229] : memref<16384xf32, #tpu.memory_space<vmem>> -> memref<1696xf32, #tpu.memory_space<vmem>>
    tpu.wait_dma2 semaphore(%arg37 : memref<!tpu.dma_semaphore, #tpu.memory_space<semaphore_mem>>) src(%dma_wait3A_230 : memref<1696xf32, #tpu.memory_space<vmem>>) dst(%dma_wait3A_228 : memref<1696xf32, #tpu.memory_space<hbm>>)
    %mul3A_231 = arith.constant 8 : i32
    %mul3A_232 = arith.muli %add3A, %mul3A_231 : i32
    %add3A_233 = arith.constant 3 : i32
    %add3A_234 = arith.addi %mul3A_232, %add3A_233 : i32
    %mul3A_235 = arith.constant 100000 : i32
    %mul3A_236 = arith.muli %add3A_234, %mul3A_235 : i32
    %add3A_237 = arith.constant 0 : i32
    %add3A_238 = arith.addi %mul3A_236, %add3A_237 : i32
    %dma_wait3A_239 = arith.constant 0 : i32
    %dma_wait3A_240 = tpu.memref_slice %arg11[%dma_wait3A_239] : memref<16384xf32, #tpu.memory_space<vmem>> -> memref<16384xf32, #tpu.memory_space<vmem>>
    %dma_wait3A_241 = tpu.memref_slice %arg7[%add3A_238] : memref<25600000xf32, #tpu.memory_space<hbm>> -> memref<16384xf32, #tpu.memory_space<hbm>>
    %dma_wait3A_242 = tpu.memref_slice %arg7[%add3A_238] : memref<25600000xf32, #tpu.memory_space<hbm>> -> memref<16384xf32, #tpu.memory_space<hbm>>
    %dma_wait3A_243 = arith.constant 0 : i32
    %dma_wait3A_244 = tpu.memref_slice %arg11[%dma_wait3A_243] : memref<16384xf32, #tpu.memory_space<vmem>> -> memref<16384xf32, #tpu.memory_space<vmem>>
    tpu.wait_dma2 semaphore(%arg37 : memref<!tpu.dma_semaphore, #tpu.memory_space<semaphore_mem>>) src(%dma_wait3A_244 : memref<16384xf32, #tpu.memory_space<vmem>>) dst(%dma_wait3A_242 : memref<16384xf32, #tpu.memory_space<hbm>>)
    %add3A_245 = arith.constant 16384 : i32
    %add3A_246 = arith.addi %mul3A_236, %add3A_245 : i32
    %dma_wait3A_247 = arith.constant 0 : i32
    %dma_wait3A_248 = tpu.memref_slice %arg11[%dma_wait3A_247] : memref<16384xf32, #tpu.memory_space<vmem>> -> memref<16384xf32, #tpu.memory_space<vmem>>
    %dma_wait3A_249 = tpu.memref_slice %arg7[%add3A_246] : memref<25600000xf32, #tpu.memory_space<hbm>> -> memref<16384xf32, #tpu.memory_space<hbm>>
    %dma_wait3A_250 = tpu.memref_slice %arg7[%add3A_246] : memref<25600000xf32, #tpu.memory_space<hbm>> -> memref<16384xf32, #tpu.memory_space<hbm>>
    %dma_wait3A_251 = arith.constant 0 : i32
    %dma_wait3A_252 = tpu.memref_slice %arg11[%dma_wait3A_251] : memref<16384xf32, #tpu.memory_space<vmem>> -> memref<16384xf32, #tpu.memory_space<vmem>>
    tpu.wait_dma2 semaphore(%arg37 : memref<!tpu.dma_semaphore, #tpu.memory_space<semaphore_mem>>) src(%dma_wait3A_252 : memref<16384xf32, #tpu.memory_space<vmem>>) dst(%dma_wait3A_250 : memref<16384xf32, #tpu.memory_space<hbm>>)
    %add3A_253 = arith.constant 32768 : i32
    %add3A_254 = arith.addi %mul3A_236, %add3A_253 : i32
    %dma_wait3A_255 = arith.constant 0 : i32
    %dma_wait3A_256 = tpu.memref_slice %arg11[%dma_wait3A_255] : memref<16384xf32, #tpu.memory_space<vmem>> -> memref<16384xf32, #tpu.memory_space<vmem>>
    %dma_wait3A_257 = tpu.memref_slice %arg7[%add3A_254] : memref<25600000xf32, #tpu.memory_space<hbm>> -> memref<16384xf32, #tpu.memory_space<hbm>>
    %dma_wait3A_258 = tpu.memref_slice %arg7[%add3A_254] : memref<25600000xf32, #tpu.memory_space<hbm>> -> memref<16384xf32, #tpu.memory_space<hbm>>
    %dma_wait3A_259 = arith.constant 0 : i32
    %dma_wait3A_260 = tpu.memref_slice %arg11[%dma_wait3A_259] : memref<16384xf32, #tpu.memory_space<vmem>> -> memref<16384xf32, #tpu.memory_space<vmem>>
    tpu.wait_dma2 semaphore(%arg37 : memref<!tpu.dma_semaphore, #tpu.memory_space<semaphore_mem>>) src(%dma_wait3A_260 : memref<16384xf32, #tpu.memory_space<vmem>>) dst(%dma_wait3A_258 : memref<16384xf32, #tpu.memory_space<hbm>>)
    %add3A_261 = arith.constant 49152 : i32
    %add3A_262 = arith.addi %mul3A_236, %add3A_261 : i32
    %dma_wait3A_263 = arith.constant 0 : i32
    %dma_wait3A_264 = tpu.memref_slice %arg11[%dma_wait3A_263] : memref<16384xf32, #tpu.memory_space<vmem>> -> memref<16384xf32, #tpu.memory_space<vmem>>
    %dma_wait3A_265 = tpu.memref_slice %arg7[%add3A_262] : memref<25600000xf32, #tpu.memory_space<hbm>> -> memref<16384xf32, #tpu.memory_space<hbm>>
    %dma_wait3A_266 = tpu.memref_slice %arg7[%add3A_262] : memref<25600000xf32, #tpu.memory_space<hbm>> -> memref<16384xf32, #tpu.memory_space<hbm>>
    %dma_wait3A_267 = arith.constant 0 : i32
    %dma_wait3A_268 = tpu.memref_slice %arg11[%dma_wait3A_267] : memref<16384xf32, #tpu.memory_space<vmem>> -> memref<16384xf32, #tpu.memory_space<vmem>>
    tpu.wait_dma2 semaphore(%arg37 : memref<!tpu.dma_semaphore, #tpu.memory_space<semaphore_mem>>) src(%dma_wait3A_268 : memref<16384xf32, #tpu.memory_space<vmem>>) dst(%dma_wait3A_266 : memref<16384xf32, #tpu.memory_space<hbm>>)
    %add3A_269 = arith.constant 65536 : i32
    %add3A_270 = arith.addi %mul3A_236, %add3A_269 : i32
    %dma_wait3A_271 = arith.constant 0 : i32
    %dma_wait3A_272 = tpu.memref_slice %arg11[%dma_wait3A_271] : memref<16384xf32, #tpu.memory_space<vmem>> -> memref<16384xf32, #tpu.memory_space<vmem>>
    %dma_wait3A_273 = tpu.memref_slice %arg7[%add3A_270] : memref<25600000xf32, #tpu.memory_space<hbm>> -> memref<16384xf32, #tpu.memory_space<hbm>>
    %dma_wait3A_274 = tpu.memref_slice %arg7[%add3A_270] : memref<25600000xf32, #tpu.memory_space<hbm>> -> memref<16384xf32, #tpu.memory_space<hbm>>
    %dma_wait3A_275 = arith.constant 0 : i32
    %dma_wait3A_276 = tpu.memref_slice %arg11[%dma_wait3A_275] : memref<16384xf32, #tpu.memory_space<vmem>> -> memref<16384xf32, #tpu.memory_space<vmem>>
    tpu.wait_dma2 semaphore(%arg37 : memref<!tpu.dma_semaphore, #tpu.memory_space<semaphore_mem>>) src(%dma_wait3A_276 : memref<16384xf32, #tpu.memory_space<vmem>>) dst(%dma_wait3A_274 : memref<16384xf32, #tpu.memory_space<hbm>>)
    %add3A_277 = arith.constant 81920 : i32
    %add3A_278 = arith.addi %mul3A_236, %add3A_277 : i32
    %dma_wait3A_279 = arith.constant 0 : i32
    %dma_wait3A_280 = tpu.memref_slice %arg11[%dma_wait3A_279] : memref<16384xf32, #tpu.memory_space<vmem>> -> memref<16384xf32, #tpu.memory_space<vmem>>
    %dma_wait3A_281 = tpu.memref_slice %arg7[%add3A_278] : memref<25600000xf32, #tpu.memory_space<hbm>> -> memref<16384xf32, #tpu.memory_space<hbm>>
    %dma_wait3A_282 = tpu.memref_slice %arg7[%add3A_278] : memref<25600000xf32, #tpu.memory_space<hbm>> -> memref<16384xf32, #tpu.memory_space<hbm>>
    %dma_wait3A_283 = arith.constant 0 : i32
    %dma_wait3A_284 = tpu.memref_slice %arg11[%dma_wait3A_283] : memref<16384xf32, #tpu.memory_space<vmem>> -> memref<16384xf32, #tpu.memory_space<vmem>>
    tpu.wait_dma2 semaphore(%arg37 : memref<!tpu.dma_semaphore, #tpu.memory_space<semaphore_mem>>) src(%dma_wait3A_284 : memref<16384xf32, #tpu.memory_space<vmem>>) dst(%dma_wait3A_282 : memref<16384xf32, #tpu.memory_space<hbm>>)
    %add3A_285 = arith.constant 98304 : i32
    %add3A_286 = arith.addi %mul3A_236, %add3A_285 : i32
    %dma_wait3A_287 = arith.constant 0 : i32
    %dma_wait3A_288 = tpu.memref_slice %arg11[%dma_wait3A_287] : memref<16384xf32, #tpu.memory_space<vmem>> -> memref<1696xf32, #tpu.memory_space<vmem>>
    %dma_wait3A_289 = tpu.memref_slice %arg7[%add3A_286] : memref<25600000xf32, #tpu.memory_space<hbm>> -> memref<1696xf32, #tpu.memory_space<hbm>>
    %dma_wait3A_290 = tpu.memref_slice %arg7[%add3A_286] : memref<25600000xf32, #tpu.memory_space<hbm>> -> memref<1696xf32, #tpu.memory_space<hbm>>
    %dma_wait3A_291 = arith.constant 0 : i32
    %dma_wait3A_292 = tpu.memref_slice %arg11[%dma_wait3A_291] : memref<16384xf32, #tpu.memory_space<vmem>> -> memref<1696xf32, #tpu.memory_space<vmem>>
    tpu.wait_dma2 semaphore(%arg37 : memref<!tpu.dma_semaphore, #tpu.memory_space<semaphore_mem>>) src(%dma_wait3A_292 : memref<1696xf32, #tpu.memory_space<vmem>>) dst(%dma_wait3A_290 : memref<1696xf32, #tpu.memory_space<hbm>>)
    %mul3A_293 = arith.constant 8 : i32
    %mul3A_294 = arith.muli %add3A, %mul3A_293 : i32
    %add3A_295 = arith.constant 4 : i32
    %add3A_296 = arith.addi %mul3A_294, %add3A_295 : i32
    %mul3A_297 = arith.constant 100000 : i32
    %mul3A_298 = arith.muli %add3A_296, %mul3A_297 : i32
    %add3A_299 = arith.constant 0 : i32
    %add3A_300 = arith.addi %mul3A_298, %add3A_299 : i32
    %dma_wait3A_301 = arith.constant 0 : i32
    %dma_wait3A_302 = tpu.memref_slice %arg11[%dma_wait3A_301] : memref<16384xf32, #tpu.memory_space<vmem>> -> memref<16384xf32, #tpu.memory_space<vmem>>
    %dma_wait3A_303 = tpu.memref_slice %arg7[%add3A_300] : memref<25600000xf32, #tpu.memory_space<hbm>> -> memref<16384xf32, #tpu.memory_space<hbm>>
    %dma_wait3A_304 = tpu.memref_slice %arg7[%add3A_300] : memref<25600000xf32, #tpu.memory_space<hbm>> -> memref<16384xf32, #tpu.memory_space<hbm>>
    %dma_wait3A_305 = arith.constant 0 : i32
    %dma_wait3A_306 = tpu.memref_slice %arg11[%dma_wait3A_305] : memref<16384xf32, #tpu.memory_space<vmem>> -> memref<16384xf32, #tpu.memory_space<vmem>>
    tpu.wait_dma2 semaphore(%arg37 : memref<!tpu.dma_semaphore, #tpu.memory_space<semaphore_mem>>) src(%dma_wait3A_306 : memref<16384xf32, #tpu.memory_space<vmem>>) dst(%dma_wait3A_304 : memref<16384xf32, #tpu.memory_space<hbm>>)
    %add3A_307 = arith.constant 16384 : i32
    %add3A_308 = arith.addi %mul3A_298, %add3A_307 : i32
    %dma_wait3A_309 = arith.constant 0 : i32
    %dma_wait3A_310 = tpu.memref_slice %arg11[%dma_wait3A_309] : memref<16384xf32, #tpu.memory_space<vmem>> -> memref<16384xf32, #tpu.memory_space<vmem>>
    %dma_wait3A_311 = tpu.memref_slice %arg7[%add3A_308] : memref<25600000xf32, #tpu.memory_space<hbm>> -> memref<16384xf32, #tpu.memory_space<hbm>>
    %dma_wait3A_312 = tpu.memref_slice %arg7[%add3A_308] : memref<25600000xf32, #tpu.memory_space<hbm>> -> memref<16384xf32, #tpu.memory_space<hbm>>
    %dma_wait3A_313 = arith.constant 0 : i32
    %dma_wait3A_314 = tpu.memref_slice %arg11[%dma_wait3A_313] : memref<16384xf32, #tpu.memory_space<vmem>> -> memref<16384xf32, #tpu.memory_space<vmem>>
    tpu.wait_dma2 semaphore(%arg37 : memref<!tpu.dma_semaphore, #tpu.memory_space<semaphore_mem>>) src(%dma_wait3A_314 : memref<16384xf32, #tpu.memory_space<vmem>>) dst(%dma_wait3A_312 : memref<16384xf32, #tpu.memory_space<hbm>>)
    %add3A_315 = arith.constant 32768 : i32
    %add3A_316 = arith.addi %mul3A_298, %add3A_315 : i32
    %dma_wait3A_317 = arith.constant 0 : i32
    %dma_wait3A_318 = tpu.memref_slice %arg11[%dma_wait3A_317] : memref<16384xf32, #tpu.memory_space<vmem>> -> memref<16384xf32, #tpu.memory_space<vmem>>
    %dma_wait3A_319 = tpu.memref_slice %arg7[%add3A_316] : memref<25600000xf32, #tpu.memory_space<hbm>> -> memref<16384xf32, #tpu.memory_space<hbm>>
    %dma_wait3A_320 = tpu.memref_slice %arg7[%add3A_316] : memref<25600000xf32, #tpu.memory_space<hbm>> -> memref<16384xf32, #tpu.memory_space<hbm>>
    %dma_wait3A_321 = arith.constant 0 : i32
    %dma_wait3A_322 = tpu.memref_slice %arg11[%dma_wait3A_321] : memref<16384xf32, #tpu.memory_space<vmem>> -> memref<16384xf32, #tpu.memory_space<vmem>>
    tpu.wait_dma2 semaphore(%arg37 : memref<!tpu.dma_semaphore, #tpu.memory_space<semaphore_mem>>) src(%dma_wait3A_322 : memref<16384xf32, #tpu.memory_space<vmem>>) dst(%dma_wait3A_320 : memref<16384xf32, #tpu.memory_space<hbm>>)
    %add3A_323 = arith.constant 49152 : i32
    %add3A_324 = arith.addi %mul3A_298, %add3A_323 : i32
    %dma_wait3A_325 = arith.constant 0 : i32
    %dma_wait3A_326 = tpu.memref_slice %arg11[%dma_wait3A_325] : memref<16384xf32, #tpu.memory_space<vmem>> -> memref<16384xf32, #tpu.memory_space<vmem>>
    %dma_wait3A_327 = tpu.memref_slice %arg7[%add3A_324] : memref<25600000xf32, #tpu.memory_space<hbm>> -> memref<16384xf32, #tpu.memory_space<hbm>>
    %dma_wait3A_328 = tpu.memref_slice %arg7[%add3A_324] : memref<25600000xf32, #tpu.memory_space<hbm>> -> memref<16384xf32, #tpu.memory_space<hbm>>
    %dma_wait3A_329 = arith.constant 0 : i32
    %dma_wait3A_330 = tpu.memref_slice %arg11[%dma_wait3A_329] : memref<16384xf32, #tpu.memory_space<vmem>> -> memref<16384xf32, #tpu.memory_space<vmem>>
    tpu.wait_dma2 semaphore(%arg37 : memref<!tpu.dma_semaphore, #tpu.memory_space<semaphore_mem>>) src(%dma_wait3A_330 : memref<16384xf32, #tpu.memory_space<vmem>>) dst(%dma_wait3A_328 : memref<16384xf32, #tpu.memory_space<hbm>>)
    %add3A_331 = arith.constant 65536 : i32
    %add3A_332 = arith.addi %mul3A_298, %add3A_331 : i32
    %dma_wait3A_333 = arith.constant 0 : i32
    %dma_wait3A_334 = tpu.memref_slice %arg11[%dma_wait3A_333] : memref<16384xf32, #tpu.memory_space<vmem>> -> memref<16384xf32, #tpu.memory_space<vmem>>
    %dma_wait3A_335 = tpu.memref_slice %arg7[%add3A_332] : memref<25600000xf32, #tpu.memory_space<hbm>> -> memref<16384xf32, #tpu.memory_space<hbm>>
    %dma_wait3A_336 = tpu.memref_slice %arg7[%add3A_332] : memref<25600000xf32, #tpu.memory_space<hbm>> -> memref<16384xf32, #tpu.memory_space<hbm>>
    %dma_wait3A_337 = arith.constant 0 : i32
    %dma_wait3A_338 = tpu.memref_slice %arg11[%dma_wait3A_337] : memref<16384xf32, #tpu.memory_space<vmem>> -> memref<16384xf32, #tpu.memory_space<vmem>>
    tpu.wait_dma2 semaphore(%arg37 : memref<!tpu.dma_semaphore, #tpu.memory_space<semaphore_mem>>) src(%dma_wait3A_338 : memref<16384xf32, #tpu.memory_space<vmem>>) dst(%dma_wait3A_336 : memref<16384xf32, #tpu.memory_space<hbm>>)
    %add3A_339 = arith.constant 81920 : i32
    %add3A_340 = arith.addi %mul3A_298, %add3A_339 : i32
    %dma_wait3A_341 = arith.constant 0 : i32
    %dma_wait3A_342 = tpu.memref_slice %arg11[%dma_wait3A_341] : memref<16384xf32, #tpu.memory_space<vmem>> -> memref<16384xf32, #tpu.memory_space<vmem>>
    %dma_wait3A_343 = tpu.memref_slice %arg7[%add3A_340] : memref<25600000xf32, #tpu.memory_space<hbm>> -> memref<16384xf32, #tpu.memory_space<hbm>>
    %dma_wait3A_344 = tpu.memref_slice %arg7[%add3A_340] : memref<25600000xf32, #tpu.memory_space<hbm>> -> memref<16384xf32, #tpu.memory_space<hbm>>
    %dma_wait3A_345 = arith.constant 0 : i32
    %dma_wait3A_346 = tpu.memref_slice %arg11[%dma_wait3A_345] : memref<16384xf32, #tpu.memory_space<vmem>> -> memref<16384xf32, #tpu.memory_space<vmem>>
    tpu.wait_dma2 semaphore(%arg37 : memref<!tpu.dma_semaphore, #tpu.memory_space<semaphore_mem>>) src(%dma_wait3A_346 : memref<16384xf32, #tpu.memory_space<vmem>>) dst(%dma_wait3A_344 : memref<16384xf32, #tpu.memory_space<hbm>>)
    %add3A_347 = arith.constant 98304 : i32
    %add3A_348 = arith.addi %mul3A_298, %add3A_347 : i32
    %dma_wait3A_349 = arith.constant 0 : i32
    %dma_wait3A_350 = tpu.memref_slice %arg11[%dma_wait3A_349] : memref<16384xf32, #tpu.memory_space<vmem>> -> memref<1696xf32, #tpu.memory_space<vmem>>
    %dma_wait3A_351 = tpu.memref_slice %arg7[%add3A_348] : memref<25600000xf32, #tpu.memory_space<hbm>> -> memref<1696xf32, #tpu.memory_space<hbm>>
    %dma_wait3A_352 = tpu.memref_slice %arg7[%add3A_348] : memref<25600000xf32, #tpu.memory_space<hbm>> -> memref<1696xf32, #tpu.memory_space<hbm>>
    %dma_wait3A_353 = arith.constant 0 : i32
    %dma_wait3A_354 = tpu.memref_slice %arg11[%dma_wait3A_353] : memref<16384xf32, #tpu.memory_space<vmem>> -> memref<1696xf32, #tpu.memory_space<vmem>>
    tpu.wait_dma2 semaphore(%arg37 : memref<!tpu.dma_semaphore, #tpu.memory_space<semaphore_mem>>) src(%dma_wait3A_354 : memref<1696xf32, #tpu.memory_space<vmem>>) dst(%dma_wait3A_352 : memref<1696xf32, #tpu.memory_space<hbm>>)
    %mul3A_355 = arith.constant 8 : i32
    %mul3A_356 = arith.muli %add3A, %mul3A_355 : i32
    %add3A_357 = arith.constant 5 : i32
    %add3A_358 = arith.addi %mul3A_356, %add3A_357 : i32
    %mul3A_359 = arith.constant 100000 : i32
    %mul3A_360 = arith.muli %add3A_358, %mul3A_359 : i32
    %add3A_361 = arith.constant 0 : i32
    %add3A_362 = arith.addi %mul3A_360, %add3A_361 : i32
    %dma_wait3A_363 = arith.constant 0 : i32
    %dma_wait3A_364 = tpu.memref_slice %arg11[%dma_wait3A_363] : memref<16384xf32, #tpu.memory_space<vmem>> -> memref<16384xf32, #tpu.memory_space<vmem>>
    %dma_wait3A_365 = tpu.memref_slice %arg7[%add3A_362] : memref<25600000xf32, #tpu.memory_space<hbm>> -> memref<16384xf32, #tpu.memory_space<hbm>>
    %dma_wait3A_366 = tpu.memref_slice %arg7[%add3A_362] : memref<25600000xf32, #tpu.memory_space<hbm>> -> memref<16384xf32, #tpu.memory_space<hbm>>
    %dma_wait3A_367 = arith.constant 0 : i32
    %dma_wait3A_368 = tpu.memref_slice %arg11[%dma_wait3A_367] : memref<16384xf32, #tpu.memory_space<vmem>> -> memref<16384xf32, #tpu.memory_space<vmem>>
    tpu.wait_dma2 semaphore(%arg37 : memref<!tpu.dma_semaphore, #tpu.memory_space<semaphore_mem>>) src(%dma_wait3A_368 : memref<16384xf32, #tpu.memory_space<vmem>>) dst(%dma_wait3A_366 : memref<16384xf32, #tpu.memory_space<hbm>>)
    %add3A_369 = arith.constant 16384 : i32
    %add3A_370 = arith.addi %mul3A_360, %add3A_369 : i32
    %dma_wait3A_371 = arith.constant 0 : i32
    %dma_wait3A_372 = tpu.memref_slice %arg11[%dma_wait3A_371] : memref<16384xf32, #tpu.memory_space<vmem>> -> memref<16384xf32, #tpu.memory_space<vmem>>
    %dma_wait3A_373 = tpu.memref_slice %arg7[%add3A_370] : memref<25600000xf32, #tpu.memory_space<hbm>> -> memref<16384xf32, #tpu.memory_space<hbm>>
    %dma_wait3A_374 = tpu.memref_slice %arg7[%add3A_370] : memref<25600000xf32, #tpu.memory_space<hbm>> -> memref<16384xf32, #tpu.memory_space<hbm>>
    %dma_wait3A_375 = arith.constant 0 : i32
    %dma_wait3A_376 = tpu.memref_slice %arg11[%dma_wait3A_375] : memref<16384xf32, #tpu.memory_space<vmem>> -> memref<16384xf32, #tpu.memory_space<vmem>>
    tpu.wait_dma2 semaphore(%arg37 : memref<!tpu.dma_semaphore, #tpu.memory_space<semaphore_mem>>) src(%dma_wait3A_376 : memref<16384xf32, #tpu.memory_space<vmem>>) dst(%dma_wait3A_374 : memref<16384xf32, #tpu.memory_space<hbm>>)
    %add3A_377 = arith.constant 32768 : i32
    %add3A_378 = arith.addi %mul3A_360, %add3A_377 : i32
    %dma_wait3A_379 = arith.constant 0 : i32
    %dma_wait3A_380 = tpu.memref_slice %arg11[%dma_wait3A_379] : memref<16384xf32, #tpu.memory_space<vmem>> -> memref<16384xf32, #tpu.memory_space<vmem>>
    %dma_wait3A_381 = tpu.memref_slice %arg7[%add3A_378] : memref<25600000xf32, #tpu.memory_space<hbm>> -> memref<16384xf32, #tpu.memory_space<hbm>>
    %dma_wait3A_382 = tpu.memref_slice %arg7[%add3A_378] : memref<25600000xf32, #tpu.memory_space<hbm>> -> memref<16384xf32, #tpu.memory_space<hbm>>
    %dma_wait3A_383 = arith.constant 0 : i32
    %dma_wait3A_384 = tpu.memref_slice %arg11[%dma_wait3A_383] : memref<16384xf32, #tpu.memory_space<vmem>> -> memref<16384xf32, #tpu.memory_space<vmem>>
    tpu.wait_dma2 semaphore(%arg37 : memref<!tpu.dma_semaphore, #tpu.memory_space<semaphore_mem>>) src(%dma_wait3A_384 : memref<16384xf32, #tpu.memory_space<vmem>>) dst(%dma_wait3A_382 : memref<16384xf32, #tpu.memory_space<hbm>>)
    %add3A_385 = arith.constant 49152 : i32
    %add3A_386 = arith.addi %mul3A_360, %add3A_385 : i32
    %dma_wait3A_387 = arith.constant 0 : i32
    %dma_wait3A_388 = tpu.memref_slice %arg11[%dma_wait3A_387] : memref<16384xf32, #tpu.memory_space<vmem>> -> memref<16384xf32, #tpu.memory_space<vmem>>
    %dma_wait3A_389 = tpu.memref_slice %arg7[%add3A_386] : memref<25600000xf32, #tpu.memory_space<hbm>> -> memref<16384xf32, #tpu.memory_space<hbm>>
    %dma_wait3A_390 = tpu.memref_slice %arg7[%add3A_386] : memref<25600000xf32, #tpu.memory_space<hbm>> -> memref<16384xf32, #tpu.memory_space<hbm>>
    %dma_wait3A_391 = arith.constant 0 : i32
    %dma_wait3A_392 = tpu.memref_slice %arg11[%dma_wait3A_391] : memref<16384xf32, #tpu.memory_space<vmem>> -> memref<16384xf32, #tpu.memory_space<vmem>>
    tpu.wait_dma2 semaphore(%arg37 : memref<!tpu.dma_semaphore, #tpu.memory_space<semaphore_mem>>) src(%dma_wait3A_392 : memref<16384xf32, #tpu.memory_space<vmem>>) dst(%dma_wait3A_390 : memref<16384xf32, #tpu.memory_space<hbm>>)
    %add3A_393 = arith.constant 65536 : i32
    %add3A_394 = arith.addi %mul3A_360, %add3A_393 : i32
    %dma_wait3A_395 = arith.constant 0 : i32
    %dma_wait3A_396 = tpu.memref_slice %arg11[%dma_wait3A_395] : memref<16384xf32, #tpu.memory_space<vmem>> -> memref<16384xf32, #tpu.memory_space<vmem>>
    %dma_wait3A_397 = tpu.memref_slice %arg7[%add3A_394] : memref<25600000xf32, #tpu.memory_space<hbm>> -> memref<16384xf32, #tpu.memory_space<hbm>>
    %dma_wait3A_398 = tpu.memref_slice %arg7[%add3A_394] : memref<25600000xf32, #tpu.memory_space<hbm>> -> memref<16384xf32, #tpu.memory_space<hbm>>
    %dma_wait3A_399 = arith.constant 0 : i32
    %dma_wait3A_400 = tpu.memref_slice %arg11[%dma_wait3A_399] : memref<16384xf32, #tpu.memory_space<vmem>> -> memref<16384xf32, #tpu.memory_space<vmem>>
    tpu.wait_dma2 semaphore(%arg37 : memref<!tpu.dma_semaphore, #tpu.memory_space<semaphore_mem>>) src(%dma_wait3A_400 : memref<16384xf32, #tpu.memory_space<vmem>>) dst(%dma_wait3A_398 : memref<16384xf32, #tpu.memory_space<hbm>>)
    %add3A_401 = arith.constant 81920 : i32
    %add3A_402 = arith.addi %mul3A_360, %add3A_401 : i32
    %dma_wait3A_403 = arith.constant 0 : i32
    %dma_wait3A_404 = tpu.memref_slice %arg11[%dma_wait3A_403] : memref<16384xf32, #tpu.memory_space<vmem>> -> memref<16384xf32, #tpu.memory_space<vmem>>
    %dma_wait3A_405 = tpu.memref_slice %arg7[%add3A_402] : memref<25600000xf32, #tpu.memory_space<hbm>> -> memref<16384xf32, #tpu.memory_space<hbm>>
    %dma_wait3A_406 = tpu.memref_slice %arg7[%add3A_402] : memref<25600000xf32, #tpu.memory_space<hbm>> -> memref<16384xf32, #tpu.memory_space<hbm>>
    %dma_wait3A_407 = arith.constant 0 : i32
    %dma_wait3A_408 = tpu.memref_slice %arg11[%dma_wait3A_407] : memref<16384xf32, #tpu.memory_space<vmem>> -> memref<16384xf32, #tpu.memory_space<vmem>>
    tpu.wait_dma2 semaphore(%arg37 : memref<!tpu.dma_semaphore, #tpu.memory_space<semaphore_mem>>) src(%dma_wait3A_408 : memref<16384xf32, #tpu.memory_space<vmem>>) dst(%dma_wait3A_406 : memref<16384xf32, #tpu.memory_space<hbm>>)
    %add3A_409 = arith.constant 98304 : i32
    %add3A_410 = arith.addi %mul3A_360, %add3A_409 : i32
    %dma_wait3A_411 = arith.constant 0 : i32
    %dma_wait3A_412 = tpu.memref_slice %arg11[%dma_wait3A_411] : memref<16384xf32, #tpu.memory_space<vmem>> -> memref<1696xf32, #tpu.memory_space<vmem>>
    %dma_wait3A_413 = tpu.memref_slice %arg7[%add3A_410] : memref<25600000xf32, #tpu.memory_space<hbm>> -> memref<1696xf32, #tpu.memory_space<hbm>>
    %dma_wait3A_414 = tpu.memref_slice %arg7[%add3A_410] : memref<25600000xf32, #tpu.memory_space<hbm>> -> memref<1696xf32, #tpu.memory_space<hbm>>
    %dma_wait3A_415 = arith.constant 0 : i32
    %dma_wait3A_416 = tpu.memref_slice %arg11[%dma_wait3A_415] : memref<16384xf32, #tpu.memory_space<vmem>> -> memref<1696xf32, #tpu.memory_space<vmem>>
    tpu.wait_dma2 semaphore(%arg37 : memref<!tpu.dma_semaphore, #tpu.memory_space<semaphore_mem>>) src(%dma_wait3A_416 : memref<1696xf32, #tpu.memory_space<vmem>>) dst(%dma_wait3A_414 : memref<1696xf32, #tpu.memory_space<hbm>>)
    %mul3A_417 = arith.constant 8 : i32
    %mul3A_418 = arith.muli %add3A, %mul3A_417 : i32
    %add3A_419 = arith.constant 6 : i32
    %add3A_420 = arith.addi %mul3A_418, %add3A_419 : i32
    %mul3A_421 = arith.constant 100000 : i32
    %mul3A_422 = arith.muli %add3A_420, %mul3A_421 : i32
    %add3A_423 = arith.constant 0 : i32
    %add3A_424 = arith.addi %mul3A_422, %add3A_423 : i32
    %dma_wait3A_425 = arith.constant 0 : i32
    %dma_wait3A_426 = tpu.memref_slice %arg11[%dma_wait3A_425] : memref<16384xf32, #tpu.memory_space<vmem>> -> memref<16384xf32, #tpu.memory_space<vmem>>
    %dma_wait3A_427 = tpu.memref_slice %arg7[%add3A_424] : memref<25600000xf32, #tpu.memory_space<hbm>> -> memref<16384xf32, #tpu.memory_space<hbm>>
    %dma_wait3A_428 = tpu.memref_slice %arg7[%add3A_424] : memref<25600000xf32, #tpu.memory_space<hbm>> -> memref<16384xf32, #tpu.memory_space<hbm>>
    %dma_wait3A_429 = arith.constant 0 : i32
    %dma_wait3A_430 = tpu.memref_slice %arg11[%dma_wait3A_429] : memref<16384xf32, #tpu.memory_space<vmem>> -> memref<16384xf32, #tpu.memory_space<vmem>>
    tpu.wait_dma2 semaphore(%arg37 : memref<!tpu.dma_semaphore, #tpu.memory_space<semaphore_mem>>) src(%dma_wait3A_430 : memref<16384xf32, #tpu.memory_space<vmem>>) dst(%dma_wait3A_428 : memref<16384xf32, #tpu.memory_space<hbm>>)
    %add3A_431 = arith.constant 16384 : i32
    %add3A_432 = arith.addi %mul3A_422, %add3A_431 : i32
    %dma_wait3A_433 = arith.constant 0 : i32
    %dma_wait3A_434 = tpu.memref_slice %arg11[%dma_wait3A_433] : memref<16384xf32, #tpu.memory_space<vmem>> -> memref<16384xf32, #tpu.memory_space<vmem>>
    %dma_wait3A_435 = tpu.memref_slice %arg7[%add3A_432] : memref<25600000xf32, #tpu.memory_space<hbm>> -> memref<16384xf32, #tpu.memory_space<hbm>>
    %dma_wait3A_436 = tpu.memref_slice %arg7[%add3A_432] : memref<25600000xf32, #tpu.memory_space<hbm>> -> memref<16384xf32, #tpu.memory_space<hbm>>
    %dma_wait3A_437 = arith.constant 0 : i32
    %dma_wait3A_438 = tpu.memref_slice %arg11[%dma_wait3A_437] : memref<16384xf32, #tpu.memory_space<vmem>> -> memref<16384xf32, #tpu.memory_space<vmem>>
    tpu.wait_dma2 semaphore(%arg37 : memref<!tpu.dma_semaphore, #tpu.memory_space<semaphore_mem>>) src(%dma_wait3A_438 : memref<16384xf32, #tpu.memory_space<vmem>>) dst(%dma_wait3A_436 : memref<16384xf32, #tpu.memory_space<hbm>>)
    %add3A_439 = arith.constant 32768 : i32
    %add3A_440 = arith.addi %mul3A_422, %add3A_439 : i32
    %dma_wait3A_441 = arith.constant 0 : i32
    %dma_wait3A_442 = tpu.memref_slice %arg11[%dma_wait3A_441] : memref<16384xf32, #tpu.memory_space<vmem>> -> memref<16384xf32, #tpu.memory_space<vmem>>
    %dma_wait3A_443 = tpu.memref_slice %arg7[%add3A_440] : memref<25600000xf32, #tpu.memory_space<hbm>> -> memref<16384xf32, #tpu.memory_space<hbm>>
    %dma_wait3A_444 = tpu.memref_slice %arg7[%add3A_440] : memref<25600000xf32, #tpu.memory_space<hbm>> -> memref<16384xf32, #tpu.memory_space<hbm>>
    %dma_wait3A_445 = arith.constant 0 : i32
    %dma_wait3A_446 = tpu.memref_slice %arg11[%dma_wait3A_445] : memref<16384xf32, #tpu.memory_space<vmem>> -> memref<16384xf32, #tpu.memory_space<vmem>>
    tpu.wait_dma2 semaphore(%arg37 : memref<!tpu.dma_semaphore, #tpu.memory_space<semaphore_mem>>) src(%dma_wait3A_446 : memref<16384xf32, #tpu.memory_space<vmem>>) dst(%dma_wait3A_444 : memref<16384xf32, #tpu.memory_space<hbm>>)
    %add3A_447 = arith.constant 49152 : i32
    %add3A_448 = arith.addi %mul3A_422, %add3A_447 : i32
    %dma_wait3A_449 = arith.constant 0 : i32
    %dma_wait3A_450 = tpu.memref_slice %arg11[%dma_wait3A_449] : memref<16384xf32, #tpu.memory_space<vmem>> -> memref<16384xf32, #tpu.memory_space<vmem>>
    %dma_wait3A_451 = tpu.memref_slice %arg7[%add3A_448] : memref<25600000xf32, #tpu.memory_space<hbm>> -> memref<16384xf32, #tpu.memory_space<hbm>>
    %dma_wait3A_452 = tpu.memref_slice %arg7[%add3A_448] : memref<25600000xf32, #tpu.memory_space<hbm>> -> memref<16384xf32, #tpu.memory_space<hbm>>
    %dma_wait3A_453 = arith.constant 0 : i32
    %dma_wait3A_454 = tpu.memref_slice %arg11[%dma_wait3A_453] : memref<16384xf32, #tpu.memory_space<vmem>> -> memref<16384xf32, #tpu.memory_space<vmem>>
    tpu.wait_dma2 semaphore(%arg37 : memref<!tpu.dma_semaphore, #tpu.memory_space<semaphore_mem>>) src(%dma_wait3A_454 : memref<16384xf32, #tpu.memory_space<vmem>>) dst(%dma_wait3A_452 : memref<16384xf32, #tpu.memory_space<hbm>>)
    %add3A_455 = arith.constant 65536 : i32
    %add3A_456 = arith.addi %mul3A_422, %add3A_455 : i32
    %dma_wait3A_457 = arith.constant 0 : i32
    %dma_wait3A_458 = tpu.memref_slice %arg11[%dma_wait3A_457] : memref<16384xf32, #tpu.memory_space<vmem>> -> memref<16384xf32, #tpu.memory_space<vmem>>
    %dma_wait3A_459 = tpu.memref_slice %arg7[%add3A_456] : memref<25600000xf32, #tpu.memory_space<hbm>> -> memref<16384xf32, #tpu.memory_space<hbm>>
    %dma_wait3A_460 = tpu.memref_slice %arg7[%add3A_456] : memref<25600000xf32, #tpu.memory_space<hbm>> -> memref<16384xf32, #tpu.memory_space<hbm>>
    %dma_wait3A_461 = arith.constant 0 : i32
    %dma_wait3A_462 = tpu.memref_slice %arg11[%dma_wait3A_461] : memref<16384xf32, #tpu.memory_space<vmem>> -> memref<16384xf32, #tpu.memory_space<vmem>>
    tpu.wait_dma2 semaphore(%arg37 : memref<!tpu.dma_semaphore, #tpu.memory_space<semaphore_mem>>) src(%dma_wait3A_462 : memref<16384xf32, #tpu.memory_space<vmem>>) dst(%dma_wait3A_460 : memref<16384xf32, #tpu.memory_space<hbm>>)
    %add3A_463 = arith.constant 81920 : i32
    %add3A_464 = arith.addi %mul3A_422, %add3A_463 : i32
    %dma_wait3A_465 = arith.constant 0 : i32
    %dma_wait3A_466 = tpu.memref_slice %arg11[%dma_wait3A_465] : memref<16384xf32, #tpu.memory_space<vmem>> -> memref<16384xf32, #tpu.memory_space<vmem>>
    %dma_wait3A_467 = tpu.memref_slice %arg7[%add3A_464] : memref<25600000xf32, #tpu.memory_space<hbm>> -> memref<16384xf32, #tpu.memory_space<hbm>>
    %dma_wait3A_468 = tpu.memref_slice %arg7[%add3A_464] : memref<25600000xf32, #tpu.memory_space<hbm>> -> memref<16384xf32, #tpu.memory_space<hbm>>
    %dma_wait3A_469 = arith.constant 0 : i32
    %dma_wait3A_470 = tpu.memref_slice %arg11[%dma_wait3A_469] : memref<16384xf32, #tpu.memory_space<vmem>> -> memref<16384xf32, #tpu.memory_space<vmem>>
    tpu.wait_dma2 semaphore(%arg37 : memref<!tpu.dma_semaphore, #tpu.memory_space<semaphore_mem>>) src(%dma_wait3A_470 : memref<16384xf32, #tpu.memory_space<vmem>>) dst(%dma_wait3A_468 : memref<16384xf32, #tpu.memory_space<hbm>>)
    %add3A_471 = arith.constant 98304 : i32
    %add3A_472 = arith.addi %mul3A_422, %add3A_471 : i32
    %dma_wait3A_473 = arith.constant 0 : i32
    %dma_wait3A_474 = tpu.memref_slice %arg11[%dma_wait3A_473] : memref<16384xf32, #tpu.memory_space<vmem>> -> memref<1696xf32, #tpu.memory_space<vmem>>
    %dma_wait3A_475 = tpu.memref_slice %arg7[%add3A_472] : memref<25600000xf32, #tpu.memory_space<hbm>> -> memref<1696xf32, #tpu.memory_space<hbm>>
    %dma_wait3A_476 = tpu.memref_slice %arg7[%add3A_472] : memref<25600000xf32, #tpu.memory_space<hbm>> -> memref<1696xf32, #tpu.memory_space<hbm>>
    %dma_wait3A_477 = arith.constant 0 : i32
    %dma_wait3A_478 = tpu.memref_slice %arg11[%dma_wait3A_477] : memref<16384xf32, #tpu.memory_space<vmem>> -> memref<1696xf32, #tpu.memory_space<vmem>>
    tpu.wait_dma2 semaphore(%arg37 : memref<!tpu.dma_semaphore, #tpu.memory_space<semaphore_mem>>) src(%dma_wait3A_478 : memref<1696xf32, #tpu.memory_space<vmem>>) dst(%dma_wait3A_476 : memref<1696xf32, #tpu.memory_space<hbm>>)
    %mul3A_479 = arith.constant 8 : i32
    %mul3A_480 = arith.muli %add3A, %mul3A_479 : i32
    %add3A_481 = arith.constant 7 : i32
    %add3A_482 = arith.addi %mul3A_480, %add3A_481 : i32
    %mul3A_483 = arith.constant 100000 : i32
    %mul3A_484 = arith.muli %add3A_482, %mul3A_483 : i32
    %add3A_485 = arith.constant 0 : i32
    %add3A_486 = arith.addi %mul3A_484, %add3A_485 : i32
    %dma_wait3A_487 = arith.constant 0 : i32
    %dma_wait3A_488 = tpu.memref_slice %arg11[%dma_wait3A_487] : memref<16384xf32, #tpu.memory_space<vmem>> -> memref<16384xf32, #tpu.memory_space<vmem>>
    %dma_wait3A_489 = tpu.memref_slice %arg7[%add3A_486] : memref<25600000xf32, #tpu.memory_space<hbm>> -> memref<16384xf32, #tpu.memory_space<hbm>>
    %dma_wait3A_490 = tpu.memref_slice %arg7[%add3A_486] : memref<25600000xf32, #tpu.memory_space<hbm>> -> memref<16384xf32, #tpu.memory_space<hbm>>
    %dma_wait3A_491 = arith.constant 0 : i32
    %dma_wait3A_492 = tpu.memref_slice %arg11[%dma_wait3A_491] : memref<16384xf32, #tpu.memory_space<vmem>> -> memref<16384xf32, #tpu.memory_space<vmem>>
    tpu.wait_dma2 semaphore(%arg37 : memref<!tpu.dma_semaphore, #tpu.memory_space<semaphore_mem>>) src(%dma_wait3A_492 : memref<16384xf32, #tpu.memory_space<vmem>>) dst(%dma_wait3A_490 : memref<16384xf32, #tpu.memory_space<hbm>>)
    %add3A_493 = arith.constant 16384 : i32
    %add3A_494 = arith.addi %mul3A_484, %add3A_493 : i32
    %dma_wait3A_495 = arith.constant 0 : i32
    %dma_wait3A_496 = tpu.memref_slice %arg11[%dma_wait3A_495] : memref<16384xf32, #tpu.memory_space<vmem>> -> memref<16384xf32, #tpu.memory_space<vmem>>
    %dma_wait3A_497 = tpu.memref_slice %arg7[%add3A_494] : memref<25600000xf32, #tpu.memory_space<hbm>> -> memref<16384xf32, #tpu.memory_space<hbm>>
    %dma_wait3A_498 = tpu.memref_slice %arg7[%add3A_494] : memref<25600000xf32, #tpu.memory_space<hbm>> -> memref<16384xf32, #tpu.memory_space<hbm>>
    %dma_wait3A_499 = arith.constant 0 : i32
    %dma_wait3A_500 = tpu.memref_slice %arg11[%dma_wait3A_499] : memref<16384xf32, #tpu.memory_space<vmem>> -> memref<16384xf32, #tpu.memory_space<vmem>>
    tpu.wait_dma2 semaphore(%arg37 : memref<!tpu.dma_semaphore, #tpu.memory_space<semaphore_mem>>) src(%dma_wait3A_500 : memref<16384xf32, #tpu.memory_space<vmem>>) dst(%dma_wait3A_498 : memref<16384xf32, #tpu.memory_space<hbm>>)
    %add3A_501 = arith.constant 32768 : i32
    %add3A_502 = arith.addi %mul3A_484, %add3A_501 : i32
    %dma_wait3A_503 = arith.constant 0 : i32
    %dma_wait3A_504 = tpu.memref_slice %arg11[%dma_wait3A_503] : memref<16384xf32, #tpu.memory_space<vmem>> -> memref<16384xf32, #tpu.memory_space<vmem>>
    %dma_wait3A_505 = tpu.memref_slice %arg7[%add3A_502] : memref<25600000xf32, #tpu.memory_space<hbm>> -> memref<16384xf32, #tpu.memory_space<hbm>>
    %dma_wait3A_506 = tpu.memref_slice %arg7[%add3A_502] : memref<25600000xf32, #tpu.memory_space<hbm>> -> memref<16384xf32, #tpu.memory_space<hbm>>
    %dma_wait3A_507 = arith.constant 0 : i32
    %dma_wait3A_508 = tpu.memref_slice %arg11[%dma_wait3A_507] : memref<16384xf32, #tpu.memory_space<vmem>> -> memref<16384xf32, #tpu.memory_space<vmem>>
    tpu.wait_dma2 semaphore(%arg37 : memref<!tpu.dma_semaphore, #tpu.memory_space<semaphore_mem>>) src(%dma_wait3A_508 : memref<16384xf32, #tpu.memory_space<vmem>>) dst(%dma_wait3A_506 : memref<16384xf32, #tpu.memory_space<hbm>>)
    %add3A_509 = arith.constant 49152 : i32
    %add3A_510 = arith.addi %mul3A_484, %add3A_509 : i32
    %dma_wait3A_511 = arith.constant 0 : i32
    %dma_wait3A_512 = tpu.memref_slice %arg11[%dma_wait3A_511] : memref<16384xf32, #tpu.memory_space<vmem>> -> memref<16384xf32, #tpu.memory_space<vmem>>
    %dma_wait3A_513 = tpu.memref_slice %arg7[%add3A_510] : memref<25600000xf32, #tpu.memory_space<hbm>> -> memref<16384xf32, #tpu.memory_space<hbm>>
    %dma_wait3A_514 = tpu.memref_slice %arg7[%add3A_510] : memref<25600000xf32, #tpu.memory_space<hbm>> -> memref<16384xf32, #tpu.memory_space<hbm>>
    %dma_wait3A_515 = arith.constant 0 : i32
    %dma_wait3A_516 = tpu.memref_slice %arg11[%dma_wait3A_515] : memref<16384xf32, #tpu.memory_space<vmem>> -> memref<16384xf32, #tpu.memory_space<vmem>>
    tpu.wait_dma2 semaphore(%arg37 : memref<!tpu.dma_semaphore, #tpu.memory_space<semaphore_mem>>) src(%dma_wait3A_516 : memref<16384xf32, #tpu.memory_space<vmem>>) dst(%dma_wait3A_514 : memref<16384xf32, #tpu.memory_space<hbm>>)
    %add3A_517 = arith.constant 65536 : i32
    %add3A_518 = arith.addi %mul3A_484, %add3A_517 : i32
    %dma_wait3A_519 = arith.constant 0 : i32
    %dma_wait3A_520 = tpu.memref_slice %arg11[%dma_wait3A_519] : memref<16384xf32, #tpu.memory_space<vmem>> -> memref<16384xf32, #tpu.memory_space<vmem>>
    %dma_wait3A_521 = tpu.memref_slice %arg7[%add3A_518] : memref<25600000xf32, #tpu.memory_space<hbm>> -> memref<16384xf32, #tpu.memory_space<hbm>>
    %dma_wait3A_522 = tpu.memref_slice %arg7[%add3A_518] : memref<25600000xf32, #tpu.memory_space<hbm>> -> memref<16384xf32, #tpu.memory_space<hbm>>
    %dma_wait3A_523 = arith.constant 0 : i32
    %dma_wait3A_524 = tpu.memref_slice %arg11[%dma_wait3A_523] : memref<16384xf32, #tpu.memory_space<vmem>> -> memref<16384xf32, #tpu.memory_space<vmem>>
    tpu.wait_dma2 semaphore(%arg37 : memref<!tpu.dma_semaphore, #tpu.memory_space<semaphore_mem>>) src(%dma_wait3A_524 : memref<16384xf32, #tpu.memory_space<vmem>>) dst(%dma_wait3A_522 : memref<16384xf32, #tpu.memory_space<hbm>>)
    %add3A_525 = arith.constant 81920 : i32
    %add3A_526 = arith.addi %mul3A_484, %add3A_525 : i32
    %dma_wait3A_527 = arith.constant 0 : i32
    %dma_wait3A_528 = tpu.memref_slice %arg11[%dma_wait3A_527] : memref<16384xf32, #tpu.memory_space<vmem>> -> memref<16384xf32, #tpu.memory_space<vmem>>
    %dma_wait3A_529 = tpu.memref_slice %arg7[%add3A_526] : memref<25600000xf32, #tpu.memory_space<hbm>> -> memref<16384xf32, #tpu.memory_space<hbm>>
    %dma_wait3A_530 = tpu.memref_slice %arg7[%add3A_526] : memref<25600000xf32, #tpu.memory_space<hbm>> -> memref<16384xf32, #tpu.memory_space<hbm>>
    %dma_wait3A_531 = arith.constant 0 : i32
    %dma_wait3A_532 = tpu.memref_slice %arg11[%dma_wait3A_531] : memref<16384xf32, #tpu.memory_space<vmem>> -> memref<16384xf32, #tpu.memory_space<vmem>>
    tpu.wait_dma2 semaphore(%arg37 : memref<!tpu.dma_semaphore, #tpu.memory_space<semaphore_mem>>) src(%dma_wait3A_532 : memref<16384xf32, #tpu.memory_space<vmem>>) dst(%dma_wait3A_530 : memref<16384xf32, #tpu.memory_space<hbm>>)
    %add3A_533 = arith.constant 98304 : i32
    %add3A_534 = arith.addi %mul3A_484, %add3A_533 : i32
    %dma_wait3A_535 = arith.constant 0 : i32
    %dma_wait3A_536 = tpu.memref_slice %arg11[%dma_wait3A_535] : memref<16384xf32, #tpu.memory_space<vmem>> -> memref<1696xf32, #tpu.memory_space<vmem>>
    %dma_wait3A_537 = tpu.memref_slice %arg7[%add3A_534] : memref<25600000xf32, #tpu.memory_space<hbm>> -> memref<1696xf32, #tpu.memory_space<hbm>>
    %dma_wait3A_538 = tpu.memref_slice %arg7[%add3A_534] : memref<25600000xf32, #tpu.memory_space<hbm>> -> memref<1696xf32, #tpu.memory_space<hbm>>
    %dma_wait3A_539 = arith.constant 0 : i32
    %dma_wait3A_540 = tpu.memref_slice %arg11[%dma_wait3A_539] : memref<16384xf32, #tpu.memory_space<vmem>> -> memref<1696xf32, #tpu.memory_space<vmem>>
    tpu.wait_dma2 semaphore(%arg37 : memref<!tpu.dma_semaphore, #tpu.memory_space<semaphore_mem>>) src(%dma_wait3A_540 : memref<1696xf32, #tpu.memory_space<vmem>>) dst(%dma_wait3A_538 : memref<1696xf32, #tpu.memory_space<hbm>>)
    %mul3A_541 = arith.constant 8 : i32
    %mul3A_542 = arith.muli %add3A, %mul3A_541 : i32
    %add3A_543 = arith.constant 0 : i32
    %add3A_544 = arith.addi %mul3A_542, %add3A_543 : i32
    %mul3A_545 = arith.constant 100000 : i32
    %mul3A_546 = arith.muli %add3A_544, %mul3A_545 : i32
    %get3A_547 = arith.constant 0 : index
    %get3A_548 = tpu.vector_load %arg16[%get3A_547] {strides = array<i32>} : memref<128xi32, #tpu.memory_space<vmem>>, vector<16xi32>,
    %add3A_549 = vector.broadcast %mul3A_546 : i32 to vector<16xi32>
    %add3A_550 = arith.addi %add3A_549, %get3A_548 : vector<16xi32>
    %swap3A_551 = arith.constant 0 : index
    %swap3A_552 = tpu.vector_load %arg19[%swap3A_551] {strides = array<i32>} : memref<16xi32, #tpu.memory_space<vmem>>, vector<16xi32>,
    tpu.vector_store %arg19[%swap3A_551], %add3A_550 {strides = array<i32>} : memref<16xi32, #tpu.memory_space<vmem>>, vector<16xi32>,
    %get3A_553 = arith.constant 0 : index
    %get3A_554 = tpu.vector_load %arg17[%get3A_553] {strides = array<i32>} : memref<128xf32, #tpu.memory_space<vmem>>, vector<16xf32>,
    %swap3A_555 = arith.constant 0 : index
    %swap3A_556 = tpu.vector_load %arg27[%swap3A_555] {strides = array<i32>} : memref<16xf32, #tpu.memory_space<vmem>>, vector<16xf32>,
    tpu.vector_store %arg27[%swap3A_555], %get3A_554 {strides = array<i32>} : memref<16xf32, #tpu.memory_space<vmem>>, vector<16xf32>,
    %dma_start3A_557 = arith.constant 0 : i32
    %dma_start3A_558 = tpu.memref_slice %arg7[%dma_start3A_557] : memref<25600000xf32, #tpu.memory_space<hbm>> -> memref<25600000xf32, #tpu.memory_space<hbm>>
    tpu.enqueue_indirect_dma source(%arg27 : memref<16xf32, #tpu.memory_space<vmem>>) target(%dma_start3A_558 : memref<25600000xf32, #tpu.memory_space<hbm>>) offsets(%arg19 : memref<16xi32, #tpu.memory_space<vmem>>) semaphore(%arg38 : memref<!tpu.dma_semaphore, #tpu.memory_space<semaphore_mem>>)
    %mul3A_559 = arith.constant 8 : i32
    %mul3A_560 = arith.muli %add3A, %mul3A_559 : i32
    %add3A_561 = arith.constant 1 : i32
    %add3A_562 = arith.addi %mul3A_560, %add3A_561 : i32
    %mul3A_563 = arith.constant 100000 : i32
    %mul3A_564 = arith.muli %add3A_562, %mul3A_563 : i32
    %get3A_565 = arith.constant 16 : index
    %get3A_566 = tpu.vector_load %arg16[%get3A_565] {strides = array<i32>} : memref<128xi32, #tpu.memory_space<vmem>>, vector<16xi32>,
    %add3A_567 = vector.broadcast %mul3A_564 : i32 to vector<16xi32>
    %add3A_568 = arith.addi %add3A_567, %get3A_566 : vector<16xi32>
    %swap3A_569 = arith.constant 0 : index
    %swap3A_570 = tpu.vector_load %arg20[%swap3A_569] {strides = array<i32>} : memref<16xi32, #tpu.memory_space<vmem>>, vector<16xi32>,
    tpu.vector_store %arg20[%swap3A_569], %add3A_568 {strides = array<i32>} : memref<16xi32, #tpu.memory_space<vmem>>, vector<16xi32>,
    %get3A_571 = arith.constant 16 : index
    %get3A_572 = tpu.vector_load %arg17[%get3A_571] {strides = array<i32>} : memref<128xf32, #tpu.memory_space<vmem>>, vector<16xf32>,
    %swap3A_573 = arith.constant 0 : index
    %swap3A_574 = tpu.vector_load %arg28[%swap3A_573] {strides = array<i32>} : memref<16xf32, #tpu.memory_space<vmem>>, vector<16xf32>,
    tpu.vector_store %arg28[%swap3A_573], %get3A_572 {strides = array<i32>} : memref<16xf32, #tpu.memory_space<vmem>>, vector<16xf32>,
    %dma_start3A_575 = arith.constant 0 : i32
    %dma_start3A_576 = tpu.memref_slice %arg7[%dma_start3A_575] : memref<25600000xf32, #tpu.memory_space<hbm>> -> memref<25600000xf32, #tpu.memory_space<hbm>>
    tpu.enqueue_indirect_dma source(%arg28 : memref<16xf32, #tpu.memory_space<vmem>>) target(%dma_start3A_576 : memref<25600000xf32, #tpu.memory_space<hbm>>) offsets(%arg20 : memref<16xi32, #tpu.memory_space<vmem>>) semaphore(%arg38 : memref<!tpu.dma_semaphore, #tpu.memory_space<semaphore_mem>>)
    %mul3A_577 = arith.constant 8 : i32
    %mul3A_578 = arith.muli %add3A, %mul3A_577 : i32
    %add3A_579 = arith.constant 2 : i32
    %add3A_580 = arith.addi %mul3A_578, %add3A_579 : i32
    %mul3A_581 = arith.constant 100000 : i32
    %mul3A_582 = arith.muli %add3A_580, %mul3A_581 : i32
    %get3A_583 = arith.constant 32 : index
    %get3A_584 = tpu.vector_load %arg16[%get3A_583] {strides = array<i32>} : memref<128xi32, #tpu.memory_space<vmem>>, vector<16xi32>,
    %add3A_585 = vector.broadcast %mul3A_582 : i32 to vector<16xi32>
    %add3A_586 = arith.addi %add3A_585, %get3A_584 : vector<16xi32>
    %swap3A_587 = arith.constant 0 : index
    %swap3A_588 = tpu.vector_load %arg21[%swap3A_587] {strides = array<i32>} : memref<16xi32, #tpu.memory_space<vmem>>, vector<16xi32>,
    tpu.vector_store %arg21[%swap3A_587], %add3A_586 {strides = array<i32>} : memref<16xi32, #tpu.memory_space<vmem>>, vector<16xi32>,
    %get3A_589 = arith.constant 32 : index
    %get3A_590 = tpu.vector_load %arg17[%get3A_589] {strides = array<i32>} : memref<128xf32, #tpu.memory_space<vmem>>, vector<16xf32>,
    %swap3A_591 = arith.constant 0 : index
    %swap3A_592 = tpu.vector_load %arg29[%swap3A_591] {strides = array<i32>} : memref<16xf32, #tpu.memory_space<vmem>>, vector<16xf32>,
    tpu.vector_store %arg29[%swap3A_591], %get3A_590 {strides = array<i32>} : memref<16xf32, #tpu.memory_space<vmem>>, vector<16xf32>,
    %dma_start3A_593 = arith.constant 0 : i32
    %dma_start3A_594 = tpu.memref_slice %arg7[%dma_start3A_593] : memref<25600000xf32, #tpu.memory_space<hbm>> -> memref<25600000xf32, #tpu.memory_space<hbm>>
    tpu.enqueue_indirect_dma source(%arg29 : memref<16xf32, #tpu.memory_space<vmem>>) target(%dma_start3A_594 : memref<25600000xf32, #tpu.memory_space<hbm>>) offsets(%arg21 : memref<16xi32, #tpu.memory_space<vmem>>) semaphore(%arg38 : memref<!tpu.dma_semaphore, #tpu.memory_space<semaphore_mem>>)
    %mul3A_595 = arith.constant 8 : i32
    %mul3A_596 = arith.muli %add3A, %mul3A_595 : i32
    %add3A_597 = arith.constant 3 : i32
    %add3A_598 = arith.addi %mul3A_596, %add3A_597 : i32
    %mul3A_599 = arith.constant 100000 : i32
    %mul3A_600 = arith.muli %add3A_598, %mul3A_599 : i32
    %get3A_601 = arith.constant 48 : index
    %get3A_602 = tpu.vector_load %arg16[%get3A_601] {strides = array<i32>} : memref<128xi32, #tpu.memory_space<vmem>>, vector<16xi32>,
    %add3A_603 = vector.broadcast %mul3A_600 : i32 to vector<16xi32>
    %add3A_604 = arith.addi %add3A_603, %get3A_602 : vector<16xi32>
    %swap3A_605 = arith.constant 0 : index
    %swap3A_606 = tpu.vector_load %arg22[%swap3A_605] {strides = array<i32>} : memref<16xi32, #tpu.memory_space<vmem>>, vector<16xi32>,
    tpu.vector_store %arg22[%swap3A_605], %add3A_604 {strides = array<i32>} : memref<16xi32, #tpu.memory_space<vmem>>, vector<16xi32>,
    %get3A_607 = arith.constant 48 : index
    %get3A_608 = tpu.vector_load %arg17[%get3A_607] {strides = array<i32>} : memref<128xf32, #tpu.memory_space<vmem>>, vector<16xf32>,
    %swap3A_609 = arith.constant 0 : index
    %swap3A_610 = tpu.vector_load %arg30[%swap3A_609] {strides = array<i32>} : memref<16xf32, #tpu.memory_space<vmem>>, vector<16xf32>,
    tpu.vector_store %arg30[%swap3A_609], %get3A_608 {strides = array<i32>} : memref<16xf32, #tpu.memory_space<vmem>>, vector<16xf32>,
    %dma_start3A_611 = arith.constant 0 : i32
    %dma_start3A_612 = tpu.memref_slice %arg7[%dma_start3A_611] : memref<25600000xf32, #tpu.memory_space<hbm>> -> memref<25600000xf32, #tpu.memory_space<hbm>>
    tpu.enqueue_indirect_dma source(%arg30 : memref<16xf32, #tpu.memory_space<vmem>>) target(%dma_start3A_612 : memref<25600000xf32, #tpu.memory_space<hbm>>) offsets(%arg22 : memref<16xi32, #tpu.memory_space<vmem>>) semaphore(%arg38 : memref<!tpu.dma_semaphore, #tpu.memory_space<semaphore_mem>>)
    %mul3A_613 = arith.constant 8 : i32
    %mul3A_614 = arith.muli %add3A, %mul3A_613 : i32
    %add3A_615 = arith.constant 4 : i32
    %add3A_616 = arith.addi %mul3A_614, %add3A_615 : i32
    %mul3A_617 = arith.constant 100000 : i32
    %mul3A_618 = arith.muli %add3A_616, %mul3A_617 : i32
    %get3A_619 = arith.constant 64 : index
    %get3A_620 = tpu.vector_load %arg16[%get3A_619] {strides = array<i32>} : memref<128xi32, #tpu.memory_space<vmem>>, vector<16xi32>,
    %add3A_621 = vector.broadcast %mul3A_618 : i32 to vector<16xi32>
    %add3A_622 = arith.addi %add3A_621, %get3A_620 : vector<16xi32>
    %swap3A_623 = arith.constant 0 : index
    %swap3A_624 = tpu.vector_load %arg23[%swap3A_623] {strides = array<i32>} : memref<16xi32, #tpu.memory_space<vmem>>, vector<16xi32>,
    tpu.vector_store %arg23[%swap3A_623], %add3A_622 {strides = array<i32>} : memref<16xi32, #tpu.memory_space<vmem>>, vector<16xi32>,
    %get3A_625 = arith.constant 64 : index
    %get3A_626 = tpu.vector_load %arg17[%get3A_625] {strides = array<i32>} : memref<128xf32, #tpu.memory_space<vmem>>, vector<16xf32>,
    %swap3A_627 = arith.constant 0 : index
    %swap3A_628 = tpu.vector_load %arg31[%swap3A_627] {strides = array<i32>} : memref<16xf32, #tpu.memory_space<vmem>>, vector<16xf32>,
    tpu.vector_store %arg31[%swap3A_627], %get3A_626 {strides = array<i32>} : memref<16xf32, #tpu.memory_space<vmem>>, vector<16xf32>,
    %dma_start3A_629 = arith.constant 0 : i32
    %dma_start3A_630 = tpu.memref_slice %arg7[%dma_start3A_629] : memref<25600000xf32, #tpu.memory_space<hbm>> -> memref<25600000xf32, #tpu.memory_space<hbm>>
    tpu.enqueue_indirect_dma source(%arg31 : memref<16xf32, #tpu.memory_space<vmem>>) target(%dma_start3A_630 : memref<25600000xf32, #tpu.memory_space<hbm>>) offsets(%arg23 : memref<16xi32, #tpu.memory_space<vmem>>) semaphore(%arg38 : memref<!tpu.dma_semaphore, #tpu.memory_space<semaphore_mem>>)
    %mul3A_631 = arith.constant 8 : i32
    %mul3A_632 = arith.muli %add3A, %mul3A_631 : i32
    %add3A_633 = arith.constant 5 : i32
    %add3A_634 = arith.addi %mul3A_632, %add3A_633 : i32
    %mul3A_635 = arith.constant 100000 : i32
    %mul3A_636 = arith.muli %add3A_634, %mul3A_635 : i32
    %get3A_637 = arith.constant 80 : index
    %get3A_638 = tpu.vector_load %arg16[%get3A_637] {strides = array<i32>} : memref<128xi32, #tpu.memory_space<vmem>>, vector<16xi32>,
    %add3A_639 = vector.broadcast %mul3A_636 : i32 to vector<16xi32>
    %add3A_640 = arith.addi %add3A_639, %get3A_638 : vector<16xi32>
    %swap3A_641 = arith.constant 0 : index
    %swap3A_642 = tpu.vector_load %arg24[%swap3A_641] {strides = array<i32>} : memref<16xi32, #tpu.memory_space<vmem>>, vector<16xi32>,
    tpu.vector_store %arg24[%swap3A_641], %add3A_640 {strides = array<i32>} : memref<16xi32, #tpu.memory_space<vmem>>, vector<16xi32>,
    %get3A_643 = arith.constant 80 : index
    %get3A_644 = tpu.vector_load %arg17[%get3A_643] {strides = array<i32>} : memref<128xf32, #tpu.memory_space<vmem>>, vector<16xf32>,
    %swap3A_645 = arith.constant 0 : index
    %swap3A_646 = tpu.vector_load %arg32[%swap3A_645] {strides = array<i32>} : memref<16xf32, #tpu.memory_space<vmem>>, vector<16xf32>,
    tpu.vector_store %arg32[%swap3A_645], %get3A_644 {strides = array<i32>} : memref<16xf32, #tpu.memory_space<vmem>>, vector<16xf32>,
    %dma_start3A_647 = arith.constant 0 : i32
    %dma_start3A_648 = tpu.memref_slice %arg7[%dma_start3A_647] : memref<25600000xf32, #tpu.memory_space<hbm>> -> memref<25600000xf32, #tpu.memory_space<hbm>>
    tpu.enqueue_indirect_dma source(%arg32 : memref<16xf32, #tpu.memory_space<vmem>>) target(%dma_start3A_648 : memref<25600000xf32, #tpu.memory_space<hbm>>) offsets(%arg24 : memref<16xi32, #tpu.memory_space<vmem>>) semaphore(%arg38 : memref<!tpu.dma_semaphore, #tpu.memory_space<semaphore_mem>>)
    %mul3A_649 = arith.constant 8 : i32
    %mul3A_650 = arith.muli %add3A, %mul3A_649 : i32
    %add3A_651 = arith.constant 6 : i32
    %add3A_652 = arith.addi %mul3A_650, %add3A_651 : i32
    %mul3A_653 = arith.constant 100000 : i32
    %mul3A_654 = arith.muli %add3A_652, %mul3A_653 : i32
    %get3A_655 = arith.constant 96 : index
    %get3A_656 = tpu.vector_load %arg16[%get3A_655] {strides = array<i32>} : memref<128xi32, #tpu.memory_space<vmem>>, vector<16xi32>,
    %add3A_657 = vector.broadcast %mul3A_654 : i32 to vector<16xi32>
    %add3A_658 = arith.addi %add3A_657, %get3A_656 : vector<16xi32>
    %swap3A_659 = arith.constant 0 : index
    %swap3A_660 = tpu.vector_load %arg25[%swap3A_659] {strides = array<i32>} : memref<16xi32, #tpu.memory_space<vmem>>, vector<16xi32>,
    tpu.vector_store %arg25[%swap3A_659], %add3A_658 {strides = array<i32>} : memref<16xi32, #tpu.memory_space<vmem>>, vector<16xi32>,
    %get3A_661 = arith.constant 96 : index
    %get3A_662 = tpu.vector_load %arg17[%get3A_661] {strides = array<i32>} : memref<128xf32, #tpu.memory_space<vmem>>, vector<16xf32>,
    %swap3A_663 = arith.constant 0 : index
    %swap3A_664 = tpu.vector_load %arg33[%swap3A_663] {strides = array<i32>} : memref<16xf32, #tpu.memory_space<vmem>>, vector<16xf32>,
    tpu.vector_store %arg33[%swap3A_663], %get3A_662 {strides = array<i32>} : memref<16xf32, #tpu.memory_space<vmem>>, vector<16xf32>,
    %dma_start3A_665 = arith.constant 0 : i32
    %dma_start3A_666 = tpu.memref_slice %arg7[%dma_start3A_665] : memref<25600000xf32, #tpu.memory_space<hbm>> -> memref<25600000xf32, #tpu.memory_space<hbm>>
    tpu.enqueue_indirect_dma source(%arg33 : memref<16xf32, #tpu.memory_space<vmem>>) target(%dma_start3A_666 : memref<25600000xf32, #tpu.memory_space<hbm>>) offsets(%arg25 : memref<16xi32, #tpu.memory_space<vmem>>) semaphore(%arg38 : memref<!tpu.dma_semaphore, #tpu.memory_space<semaphore_mem>>)
    %mul3A_667 = arith.constant 8 : i32
    %mul3A_668 = arith.muli %add3A, %mul3A_667 : i32
    %add3A_669 = arith.constant 7 : i32
    %add3A_670 = arith.addi %mul3A_668, %add3A_669 : i32
    %mul3A_671 = arith.constant 100000 : i32
    %mul3A_672 = arith.muli %add3A_670, %mul3A_671 : i32
    %get3A_673 = arith.constant 112 : index
    %get3A_674 = tpu.vector_load %arg16[%get3A_673] {strides = array<i32>} : memref<128xi32, #tpu.memory_space<vmem>>, vector<16xi32>,
    %add3A_675 = vector.broadcast %mul3A_672 : i32 to vector<16xi32>
    %add3A_676 = arith.addi %add3A_675, %get3A_674 : vector<16xi32>
    %swap3A_677 = arith.constant 0 : index
    %swap3A_678 = tpu.vector_load %arg26[%swap3A_677] {strides = array<i32>} : memref<16xi32, #tpu.memory_space<vmem>>, vector<16xi32>,
    tpu.vector_store %arg26[%swap3A_677], %add3A_676 {strides = array<i32>} : memref<16xi32, #tpu.memory_space<vmem>>, vector<16xi32>,
    %get3A_679 = arith.constant 112 : index
    %get3A_680 = tpu.vector_load %arg17[%get3A_679] {strides = array<i32>} : memref<128xf32, #tpu.memory_space<vmem>>, vector<16xf32>,
    %swap3A_681 = arith.constant 0 : index
    %swap3A_682 = tpu.vector_load %arg34[%swap3A_681] {strides = array<i32>} : memref<16xf32, #tpu.memory_space<vmem>>, vector<16xf32>,
    tpu.vector_store %arg34[%swap3A_681], %get3A_680 {strides = array<i32>} : memref<16xf32, #tpu.memory_space<vmem>>, vector<16xf32>,
    %dma_start3A_683 = arith.constant 0 : i32
    %dma_start3A_684 = tpu.memref_slice %arg7[%dma_start3A_683] : memref<25600000xf32, #tpu.memory_space<hbm>> -> memref<25600000xf32, #tpu.memory_space<hbm>>
    tpu.enqueue_indirect_dma source(%arg34 : memref<16xf32, #tpu.memory_space<vmem>>) target(%dma_start3A_684 : memref<25600000xf32, #tpu.memory_space<hbm>>) offsets(%arg26 : memref<16xi32, #tpu.memory_space<vmem>>) semaphore(%arg38 : memref<!tpu.dma_semaphore, #tpu.memory_space<semaphore_mem>>)
    %dma_wait3A_685 = arith.constant 0 : i32
    %dma_wait3A_686 = tpu.memref_slice %arg7[%dma_wait3A_685] : memref<25600000xf32, #tpu.memory_space<hbm>> -> memref<25600000xf32, #tpu.memory_space<hbm>>
    tpu.wait_indirect_dma semaphore(%arg38 : memref<!tpu.dma_semaphore, #tpu.memory_space<semaphore_mem>>) src(%arg27 : memref<16xf32, #tpu.memory_space<vmem>>) dst(%dma_wait3A_686 : memref<25600000xf32, #tpu.memory_space<hbm>>)
    %dma_wait3A_687 = arith.constant 0 : i32
    %dma_wait3A_688 = tpu.memref_slice %arg7[%dma_wait3A_687] : memref<25600000xf32, #tpu.memory_space<hbm>> -> memref<25600000xf32, #tpu.memory_space<hbm>>
    tpu.wait_indirect_dma semaphore(%arg38 : memref<!tpu.dma_semaphore, #tpu.memory_space<semaphore_mem>>) src(%arg28 : memref<16xf32, #tpu.memory_space<vmem>>) dst(%dma_wait3A_688 : memref<25600000xf32, #tpu.memory_space<hbm>>)
    %dma_wait3A_689 = arith.constant 0 : i32
    %dma_wait3A_690 = tpu.memref_slice %arg7[%dma_wait3A_689] : memref<25600000xf32, #tpu.memory_space<hbm>> -> memref<25600000xf32, #tpu.memory_space<hbm>>
    tpu.wait_indirect_dma semaphore(%arg38 : memref<!tpu.dma_semaphore, #tpu.memory_space<semaphore_mem>>) src(%arg29 : memref<16xf32, #tpu.memory_space<vmem>>) dst(%dma_wait3A_690 : memref<25600000xf32, #tpu.memory_space<hbm>>)
    %dma_wait3A_691 = arith.constant 0 : i32
    %dma_wait3A_692 = tpu.memref_slice %arg7[%dma_wait3A_691] : memref<25600000xf32, #tpu.memory_space<hbm>> -> memref<25600000xf32, #tpu.memory_space<hbm>>
    tpu.wait_indirect_dma semaphore(%arg38 : memref<!tpu.dma_semaphore, #tpu.memory_space<semaphore_mem>>) src(%arg30 : memref<16xf32, #tpu.memory_space<vmem>>) dst(%dma_wait3A_692 : memref<25600000xf32, #tpu.memory_space<hbm>>)
    %dma_wait3A_693 = arith.constant 0 : i32
    %dma_wait3A_694 = tpu.memref_slice %arg7[%dma_wait3A_693] : memref<25600000xf32, #tpu.memory_space<hbm>> -> memref<25600000xf32, #tpu.memory_space<hbm>>
    tpu.wait_indirect_dma semaphore(%arg38 : memref<!tpu.dma_semaphore, #tpu.memory_space<semaphore_mem>>) src(%arg31 : memref<16xf32, #tpu.memory_space<vmem>>) dst(%dma_wait3A_694 : memref<25600000xf32, #tpu.memory_space<hbm>>)
    %dma_wait3A_695 = arith.constant 0 : i32
    %dma_wait3A_696 = tpu.memref_slice %arg7[%dma_wait3A_695] : memref<25600000xf32, #tpu.memory_space<hbm>> -> memref<25600000xf32, #tpu.memory_space<hbm>>
    tpu.wait_indirect_dma semaphore(%arg38 : memref<!tpu.dma_semaphore, #tpu.memory_space<semaphore_mem>>) src(%arg32 : memref<16xf32, #tpu.memory_space<vmem>>) dst(%dma_wait3A_696 : memref<25600000xf32, #tpu.memory_space<hbm>>)
    %dma_wait3A_697 = arith.constant 0 : i32
    %dma_wait3A_698 = tpu.memref_slice %arg7[%dma_wait3A_697] : memref<25600000xf32, #tpu.memory_space<hbm>> -> memref<25600000xf32, #tpu.memory_space<hbm>>
    tpu.wait_indirect_dma semaphore(%arg38 : memref<!tpu.dma_semaphore, #tpu.memory_space<semaphore_mem>>) src(%arg33 : memref<16xf32, #tpu.memory_space<vmem>>) dst(%dma_wait3A_698 : memref<25600000xf32, #tpu.memory_space<hbm>>)
    %dma_wait3A_699 = arith.constant 0 : i32
    %dma_wait3A_700 = tpu.memref_slice %arg7[%dma_wait3A_699] : memref<25600000xf32, #tpu.memory_space<hbm>> -> memref<25600000xf32, #tpu.memory_space<hbm>>
    tpu.wait_indirect_dma semaphore(%arg38 : memref<!tpu.dma_semaphore, #tpu.memory_space<semaphore_mem>>) src(%arg34 : memref<16xf32, #tpu.memory_space<vmem>>) dst(%dma_wait3A_700 : memref<25600000xf32, #tpu.memory_space<hbm>>)
    return
  }
}

</mosaic_0001>

<sc_bundles>
// kernel: kernel.3.cloned.1.call-start
scs
__scs_entry_jumppad:
0x0: {  	(pc) =	sbr.rel $0x88, $3  }
0x1: {  	(tag) =	ssettag $0x0;
	lr =	simm.s32 $0x1  }
0x2: {  	[smem:$0x3F9A] =	sst lr;
	_ =	strace $0xD0000000  }
0x3: {  	_ = 	snop  }
0x4: {  	_ = 	snop  }
0x5: {  	_ = 	snop  }
0x6: {  	_ = 	snop  }
0x7: {  	_ = 	snop  }
__scs_overlays_trampoline_lowered:
0x8: {  	[smem:$0x3FA9] =	sst s0  }
0x9: {  	[smem:$0x3FAA] =	sst s1  }
0xa: {  	[smem:$0x3FAB] =	sst s2  }
0xb: {  	[smem:$0x3FAC] =	sst s3  }
0xc: {  	[smem:$0x3FAD] =	sst s4  }
0xd: {  	[smem:$0x3FAE] =	sst s5  }
0xe: {  	[smem:$0x3FAF] =	sst s6  }
0xf: {  	[smem:$0x3FB0] =	sst s7  }
0x10: {  	[smem:$0x3FB1] =	sst s8  }
0x11: {  	[smem:$0x3FB2] =	sst s9;
	s0 =	simm.s32 @!p0 $0x0  }
0x12: {  	s1 =	sld [smem:$0x3F98];
	s0 =	simm.s32 @p0 $0x1  }
0x13: {  	[smem:$0x3FB3] =	sst s0;
	s0 =	simm.s32 @!p1 $0x0  }
0x14: {  	s2 =	sld [smem:$0x3F97];
	s0 =	simm.s32 @p1 $0x1  }
0x15: {  	[smem:$0x3FB4] =	sst s0;
	s0 =	simm.s32 @!p2 $0x0  }
0x16: {  	s3 =	sld [smem:$0x3FDB];
	s0 =	simm.s32 @p2 $0x1  }
0x17: {  	s4 =	simm.s32 $0x1BF5;
	[smem:$0x3FB6] =	sst s0  }
0x18: {  	s0 =	sld [smem:$0x3F99];
	_ =	swait.ge [sflag:s4], $0x0  }
0x19: {  	s7 =	sld [smem:$0x3F9A]  }
0x1a: {  	s8 =	sadd.s32 $0xFFFFE003, lr  }
0x1b: {  	s9 =	sadd.s32 $0xFFFFFEF7, lr;
	s5 =	simm.s32 $0xFFFFFFFF;
	p2 =	slt.u32 s8, $0xFFFFF086  }
0x1c: {  	p1 =	slt.u32 s9, $0xF7A;
	s5 =	simm.s32 @!p2 $0x0  }
0x1d: {  	s5 =	simm.s32 @p1 $0x1;
	p0 =	seq.s32 s7, s2  }
0x1e: {  	s7 =	smul.u32 @!p0 $0xF7A, s2;
	p2 =	seq.s32 @!p0 s5, $0x0  }
0x1f: {  	s9 =	smul.u32 $0xF7A, s1;
	s8 =	simm.s32 @!p0 $0x1BF5;
	p2 =	por !p2, p0  }
0x20: {  	[sflag:s8] =	ssyncset.s32 @!p0 $0xFFFFF086;
	s6 =	sadd.s32 @!p0 s3, s7;
	s7 =	simm.s32 @!p0 $0x108  }
0x21: {  	s3 =	sadd.s32 s3, s9;
	s6 =	sadd.s32 @!p0 $0x88, s6;
	s7 =	simm.s32 @p2 $0x1082  }
0x22: {  	[simem:s7], [sflag:s8] =	dma.local @!p0 [hbm:s6], $0xF7A  }
0x23: {  	s9 =	sor.u32 $0xD0000000, s2;
	s6 =	simm.s32 $0x108;
	_ =	swait.ge @!p0 [sflag:s8], $0x0  }
0x24: {  	s3 =	sadd.s32 $0x88, s3;
	s6 =	simm.s32 @!p1 $0x1082;
	[sflag:s4] =	ssyncset.s32 $0xFFFFF086  }
0x25: {  	[simem:s6], [sflag:s4] =	dma.local [hbm:s3], $0xF7A  }
0x26: {  	[smem:$0x3F9A] =	sst s1;
	(tag) =	ssettag s2;
	_ =	strace s9  }
0x27: {  	s1 =	sld [smem:$0x3FAA]  }
0x28: {  	s2 =	sld [smem:$0x3FAB]  }
0x29: {  	s4 =	sld [smem:$0x3FAD]  }
0x2a: {  	p0 =	seq.s32 s5, $0x0;
	s5 =	sld [smem:$0x3FAE]  }
0x2b: {  	s6 =	sld [smem:$0x3FAF]  }
0x2c: {  	s7 =	sld [smem:$0x3FB0]  }
0x2d: {  	s3 =	simm.s32 $0x108;
	s8 =	sld [smem:$0x3FB1]  }
0x2e: {  	s3 =	simm.s32 @!p0 $0x1082;
	s9 =	sld [smem:$0x3FB2]  }
0x2f: {  	lr =	sadd.s32 s0, s3;
	s0 =	sld [smem:$0x3FA9]  }
0x30: {  	s3 =	sld [smem:$0x3FAC]  }
0x31: {  	[smem:$0x3FB5] =	sst s10  }
0x32: {  	s10 =	sld [smem:$0x3FB3];
	_ =	sdelay $0x3  }
0x33: {  	p0 =	seq.s32 s10, $0x1;
	s10 =	sld [smem:$0x3FB5];
	_ =	sdelay $0x3  }
0x34: {  	[smem:$0x3FB5] =	sst s10  }
0x35: {  	s10 =	sld [smem:$0x3FB4];
	_ =	sdelay $0x3  }
0x36: {  	p1 =	seq.s32 s10, $0x1;
	s10 =	sld [smem:$0x3FB5];
	_ =	sdelay $0x3  }
0x37: {  	[smem:$0x3FB5] =	sst s10  }
0x38: {  	s10 =	sld [smem:$0x3FB6]  }
0x39: {  	_ = 	snop;
	(pc) =	sbr.ind lr, $3  }
0x3a: {  	_ = 	snop  }
0x3b: {  	_ = 	snop  }
0x3c: {  	p2 =	seq.s32 s10, $0x1;
	s10 =	sld [smem:$0x3FB5]  }
0x3d: {  	_ =	shalt  }
0x3e: {  	_ =	shalt  }
0x3f: {  	_ =	shalt  }
0x40: {  	_ =	shalt  }
0x41: {  	_ =	shalt  }
0x42: {  	_ =	shalt  }
0x43: {  	_ =	shalt  }
0x44: {  	_ =	shalt  }
0x45: {  	_ =	shalt  }
0x46: {  	_ =	shalt  }
0x47: {  	_ =	shalt  }
0x48: {  	_ =	shalt  }
0x49: {  	_ =	shalt  }
0x4a: {  	_ =	shalt  }
0x4b: {  	_ =	shalt  }
0x4c: {  	_ =	shalt  }
0x4d: {  	_ =	shalt  }
0x4e: {  	_ =	shalt  }
0x4f: {  	_ =	shalt  }
0x50: {  	_ =	shalt  }
0x51: {  	_ =	shalt  }
0x52: {  	_ =	shalt  }
0x53: {  	_ =	shalt  }
0x54: {  	_ =	shalt  }
0x55: {  	_ =	shalt  }
0x56: {  	_ =	shalt  }
0x57: {  	_ =	shalt  }
0x58: {  	_ =	shalt  }
0x59: {  	_ =	shalt  }
0x5a: {  	_ =	shalt  }
0x5b: {  	_ =	shalt  }
0x5c: {  	_ =	shalt  }
0x5d: {  	_ =	shalt  }
0x5e: {  	_ =	shalt  }
0x5f: {  	_ =	shalt  }
0x60: {  	_ =	shalt  }
0x61: {  	_ =	shalt  }
0x62: {  	_ =	shalt  }
0x63: {  	_ =	shalt  }
0x64: {  	_ =	shalt  }
0x65: {  	_ =	shalt  }
0x66: {  	_ =	shalt  }
0x67: {  	_ =	shalt  }
0x68: {  	_ =	shalt  }
0x69: {  	_ =	shalt  }
0x6a: {  	_ =	shalt  }
0x6b: {  	_ =	shalt  }
0x6c: {  	_ =	shalt  }
0x6d: {  	_ =	shalt  }
0x6e: {  	_ =	shalt  }
0x6f: {  	_ =	shalt  }
0x70: {  	_ =	shalt  }
0x71: {  	_ =	shalt  }
0x72: {  	_ =	shalt  }
0x73: {  	_ =	shalt  }
0x74: {  	_ =	shalt  }
0x75: {  	_ =	shalt  }
0x76: {  	_ =	shalt  }
0x77: {  	_ =	shalt  }
0x78: {  	_ =	shalt  }
0x79: {  	_ =	shalt  }
0x7a: {  	_ =	shalt  }
0x7b: {  	_ =	shalt  }
0x7c: {  	_ =	shalt  }
0x7d: {  	_ =	shalt  }
0x7e: {  	_ =	shalt  }
0x7f: {  	_ =	shalt  }
0x80: {  	_ =	shalt  }
0x81: {  	_ =	shalt  }
0x82: {  	_ =	shalt  }
0x83: {  	_ =	shalt  }
0x84: {  	_ =	shalt  }
0x85: {  	_ =	shalt  }
0x86: {  	_ =	shalt  }
0x87: {  	_ =	shalt  }
.Lfunc_end0:
.L_simem_size_0:
called_computation.1_lowered:
.L_overlay_start_0:
0x88: {  	s2 =	sld [smem:$0x3FD9]  }
0x89: {  	s3 =	sld [smem:$0x3FFE];
	_ =	sdelay $0x1  }
0x8a: {  	s1 =	srdreg.scid  }
0x8b: {  	s0 =	sand.u32 $0x1, s1  }
0x8c: {  	s14 =	sshll.u32 s0, $0xA;
	s2 =	sadd.s32 s3, s2  }
0x8d: {  	s2 =	sadd.s32 s2, s14  }
0x8e: {  	[smem:$0x3FC1] =	sst s2  }
0x8f: {  	_ = 	snop  }
0x90: {  	s2 =	sld [smem:$0x3FD0]  }
0x91: {  	s15 =	sld [smem:$0x3FC9]  }
0x92: {  	s4 =	sld [smem:$0x3FC8]  }
0x93: {  	s6 =	simm.s32 $0xA;
	s7 =	simm.s32 $0x10;
	s5 =	sld [smem:$0x3FC7]  }
0x94: {  	[smem:s7], [sflag:s6] =	dma.local [hbm:s2], $0x1  }
0x95: {  	_ =	swait.eq [sflag:s6], $0x1  }
0x96: {  	[sflag:s6] =	ssyncset.done $0x0  }
0x97: {  	[sflag:s6] =	ssyncadd.s32 $0xFFFFFFFF  }
0x98: {  	s16 =	sld [smem:$0x11];
	(tm) =	ssettm $0x1  }
0x99: {  	s17 =	sld [smem:$0x3FFB];
	_ =	sdelay $0x3  }
0x9a: {  	_ =	strace s17  }
0x9b: {  	s6 =	sld [smem:$0x3FFC];
	_ =	sdelay $0x3  }
0x9c: {  	_ =	strace s6  }
0x9d: {  	s6 =	sld [smem:$0x3FFD];
	_ =	sdelay $0x3  }
0x9e: {  	_ =	strace s6  }
0x9f: {  	_ =	strace $0x8FFFFFFF  }
0xa0: {  	s18 =	sld [smem:$0x3FDB];
	_ =	sdelay $0x1  }
0xa1: {  	s19 =	simm.s32 $_scs_section_size  }
0xa2: {  	s8 =	simm.s32 $_size__tile_overlayer_lowered;
	s9 =	simm.s32 $_tile_overlayer_lowered  }
0xa3: {  	s22 =	simm.s32 $0x1BFF;
	s21 =	sshll.u32 s9, $0x1;
	s6 =	sadd.s32 s19, s18  }
0xa4: {  	s10 =	simm.s32 $0x0;
	s20 =	sshll.u32 s8, $0x1;
	s8 =	sadd.s32 s21, s6  }
0xa5: {  	[timem:s10], [sflag:s22] =	dma.local [hbm:s8], s20  }
0xa6: {  	_ =	swait.ge [sflag:s22], s20  }
0xa7: {  	s7 =	ssub.s32 $0x0, s20;
	[sflag:s22] =	ssyncset.done $0x0  }
0xa8: {  	[sflag:s22] =	ssyncadd.s32 s7;
	_ =	sdelay $0x1  }
0xa9: {  	s23 =	simm.s32 $0x1B8B  }
0xaa: {  	_ =	swait.ge [sflag:s23], $0x1  }
0xab: {  	[sflag:s23] =	ssyncset.done $0x0  }
0xac: {  	s25 =	simm.s32 $0x1B8E;
	s24 =	sld [smem:$0x3FFE];
	[sflag:s23] =	ssyncadd.s32 $0xFFFFFFFF  }
0xad: {  	s26 =	simm.s32 $execute0_lowered;
	[smem:$0x3FD2] =	sst s25  }
0xae: {  	s8 =	sshll.u32 s26, $0x1;
	_ =	strace $0x80000046;
	[dreg:$0x1] =	wrdreg $0xFFFFFFFF  }
0xaf: {  	s28 =	simm.s32 $_size_execute0_lowered;
	s6 =	sadd.s32 s6, s8;
	[dreg:$0x0] =	wrdreg $0x0  }
0xb0: {  	s8 =	sshll.u32 s28, $0x1;
	[dreg:$0x2] =	wrdreg s6  }
0xb1: {  	[dreg:$0x3] =	wrdreg s8  }
0xb2: {  	[dreg:$0x4] =	wrdreg $0xC0  }
0xb3: {  	_ =	task [dreg:s10], $0x5FFFF  }
0xb4: {  	[dreg:$0x1] =	wrdreg $0xFFFFFFFF  }
0xb5: {  	[dreg:$0x0] =	wrdreg $0x60  }
0xb6: {  	[dreg:$0x2] =	wrdreg s16  }
0xb7: {  	[dreg:$0x3] =	wrdreg s4  }
0xb8: {  	[dreg:$0x4] =	wrdreg s15  }
0xb9: {  	[dreg:$0x5] =	wrdreg s5  }
0xba: {  	[dreg:$0x6] =	wrdreg s24  }
0xbb: {  	[dreg:$0x7] =	wrdreg $0x9  }
0xbc: {  	_ =	task.clear_ibuf [dreg:s10], $0x8FFFF;
	_ =	strace $0x90000046  }
0xbd: {  	s29 =	simm.s32 $0x9;
	_ =	strace $0x80000048  }
0xbe: {  	_ =	swait.ge [sflag:s29], $0x1  }
0xbf: {  	[sflag:s29] =	ssyncadd.s32 $0xFFFFFFFF  }
0xc0: {  	_ =	strace $0x90000048  }
0xc1: {  	_ =	sfence  }
0xc2: {  	s30 =	sld [smem:$0x0];
	_ =	sdelay $0x2  }
0xc3: {  	s31 =	sshll.u32 s1, $0xD;
	s1 =	sshrl.u32 s1, $0x2  }
0xc4: {  	s3 =	sand.u32 $0x4000, s31;
	s1 =	sadd.s32 s1, s30  }
0xc5: {  	s0 =	sor.u32 s3, s0;
	s1 =	sshll.u32 s1, $0x11  }
0xc6: {  	s0 =	sor.u32 s1, s0  }
0xc7: {  	s0 =	sadd.s32 $0x8F2B, s0  }
0xc8: {  	[sflag:s0] =	ssyncadd.remote.s32 $0x1  }
0xc9: {  	_ =	sfence.sel $0xFFFF  }
0xca: {  	[dreg:$0x0] =	wrdreg $0xFFFFFFFF;
	(pc) =	sbr.abs _section_cstart, $3  }
0xcb: {  	[dreg:$0x1] =	wrdreg $0xFFFFFFFF  }
0xcc: {  	_ =	task.clear_ibuf [dreg:s10], $0x2FFFF;
	_ =	strace $0x9FFFFFFF  }
0xcd: {  	(tm) =	ssettm $0x7FFFFFFF  }
tec
execute0_lowered:
.L_overlay_start_1:
0x0: {  	(tag) =	ssettag $0x1  }
0x1: {  	s1 =	rddreg [dreg:$0x0]  }
0x2: {  	s2 =	rddreg [dreg:$0x1]  }
0x3: {  	s0 =	rddreg [dreg:$0x2]  }
0x4: {  	s3 =	rddreg [dreg:$0x3]  }
0x5: {  	s6 =	rddreg [dreg:$0x4];
	s4 =	simm.s32 $0x0;
	s5 =	srdreg.scid  }
0x6: {  	s8 =	stileid.u32;
	s14 =	simm.s32 $0x5;
	s28 =	simm.s32 $0x1EC00  }
0x7: {  	s29 =	simm.s32 $0x1EC80;
	s30 =	simm.s32 $0x1ED00;
	s31 =	simm.s32 $0x2  }
0x8: {  	s16 =	simm.s32 $0x4;
	s15 =	simm.s32 $0x0;
	[smem:$0x7FF] =	sst s4  }
0x9: {  	s7 =	sand.u32 $0x1, s5;
	s8 =	sshll.u32 s8, $0x1;
	s5 =	sadd.s32 $0x1400, s6  }
0xa: {  	_ =	strace $0x80000047;
	s8 =	sor.u32 s7, s8;
	s7 =	ssub.s32 $0x2, s7  }
0xb: {  	v2 =	vlaneseq.u32;
	v9 =	vimm.f32 $-Inf;
	vm0 =	vmmov $0x3ff;
	s9 =	sshll.u32 s8, $0x1;
	s10 =	sshrl.u32 s7, $0x1;
	s11 =	smul.u32 $0xC3500, s8  }
0xc: {  	vm1 =	vcmask $0x308;
	vm2 =	vcmask $0x70C;
	vm3 =	vcmask $0xB10;
	s17 =	sshll.u32 s8, $0x7;
	s6 =	sadd.s32 s9, s6;
	s7 =	ssub.s32 s7, s10  }
0xd: {  	vm4 =	vcmask $0xF14;
	vm5 =	vcmask $0x1318;
	vm6 =	vcmask $0x171C;
	s0 =	sadd.s32 s0, s17;
	s18 =	sadd.s32 s3, s17;
	s10 =	sshll.u32 s8, $0x3  }
0xe: {  	vm7 =	vcmask $0x1B20;
	vm8 =	vcmask $0x1F24;
	vm9 =	vcmask $0x2328;
	s17 =	simm.s32 $0x1A000;
	s3 =	simm.s32 $0x3;
	[dreg:$0x6] =	wrdreg s0  }
0xf: {  	vm10 =	vcmask $0x3F28;
	v26 =	vimm.f32 $0.0e+00;
	v10 =	vmul.u32 $0xFFFFFFFF, v2;
	[dreg:$0x7] =	wrdreg s18;
	s19 =	sshrl.u32 s11, $0x3;
	s20 =	sadd.s32 $0x1200, s6  }
0x10: {  	v11 =	vor.u32 $0x10, v2;
	v12 =	vor.u32 $0x20, v2;
	v13 =	vor.u32 $0x30, v2;
	s21 =	sadd.s32 $0x30E800, s6;
	s22 =	sadd.s32 $0x186A0, s11;
	s23 =	sadd.s32 $0x30D40, s11  }
0x11: {  	v14 =	vor.u32 $0x40, v2;
	v15 =	vor.u32 $0x50, v2;
	v16 =	vor.u32 $0x60, v2;
	s24 =	sadd.s32 $0x493E0, s11;
	s25 =	sadd.s32 $0x61A80, s11;
	s26 =	sadd.s32 $0x7A120, s11  }
0x12: {  	v17 =	vor.u32 $0x70, v2;
	v18 =	vor.u32 $0x80, v2;
	v19 =	vor.u32 $0x90, v2;
	s12 =	sadd.s32 $0x927C0, s11;
	s13 =	sadd.s32 $0xAAE60, s11;
	[dreg:$0x8] =	wrdreg s20  }
0x13: {  	v20 =	vor.u32 $0xA0, v2;
	v21 =	vor.u32 $0xB0, v2;
	v22 =	vor.u32 $0xC0, v2;
	s7 =	smax.u32 s7, $0x1;
	s18 =	simm.s32 $0x1;
	[dreg:$0xa] =	wrdreg s21  }
0x14: {  	v23 =	vor.u32 $0xD0, v2;
	v24 =	vor.u32 $0xE0, v2;
	v0 =	vmov s11;
	s0 =	sadd.s32 s1, s19;
	[dreg:$0xb] =	wrdreg s7;
	s19 =	simm.s32 $0xD000  }
0x15: {  	v25 =	vor.u32 $0xF0, v2;
	v10 =	vadd.s32 $0xF, v10;
	[tilespmem:$0x1FFE0] =	vst v0;
	v0 =	vmov s22;
	s20 =	simm.s32 $0x1E880;
	s21 =	simm.s32 $0x1E900;
	s22 =	simm.s32 $0x1E980  }
0x16: {  	v3 =	vmov s23;
	v4 =	vmov s24;
	v5 =	vmov s25;
	s23 =	simm.s32 $0x1EA00;
	s24 =	simm.s32 $0x1EA80;
	s25 =	simm.s32 $0x1EB00  }
0x17: {  	v6 =	vmov s26;
	v7 =	vmov s12;
	v8 =	vmov s13;
	s26 =	simm.s32 $0x1EB80;
	[dreg:$0x9] =	wrdreg s0;
	[tilespmem:$0x1FFF0] =	vst v0;
	s0 =	simm.s32 $0x0  }
.LBB2_1:
0x18: {  	s6 =	simm.s32 $0x0  }
.LBB2_2:
0x19: {  	p0 =	sne.s32 s6, $0x3280  }
.Ltmp0:
0x1a: {  	_ = 	snop;
	(pc) =	sbr.rel @p0 .LBB2_2-.Ltmp0, $4  }
0x1b: {  	_ = 	snop  }
0x1c: {  	s7 =	sshra.s32 s6, $0x2  }
0x1d: {  	[tilespmem:s7+$0xC350] =	vst v9  }
0x1e: {  	s6 =	sadd.s32 $0x40, s6;
	[tilespmem:s7+$0x19350] =	vst v9  }
0x1f: {  	s6 =	simm.s32 $0x40;
	s7 =	simm.s32 $0x0  }
.LBB2_4:
0x20: {  	p0 =	sne.s32 s6, $0xFFC0;
	[tilespmem:s7+$0x1A000] =	vst v9;
	s7 =	smov.u32 s6;
	s6 =	sadd.s32 $0x40, s6  }
.Ltmp1:
0x21: {  	(pc) =	sbr.rel @p0 .LBB2_4-.Ltmp1, $2  }
0x22: {  	_ =	sdelay $0x2  }
0x23: {  	s7 =	sshra.s32 s7, $0x2  }
0x24: {  	[tilespmem:s7+$0x1A000] =	vst v9;
	s6 =	rddreg [dreg:$0x6];
	s13 =	simm.s32 $0x1E000  }
0x25: {  	[tilespmem:s13], [sflag:$0x5] =	stream.linear.gather [hbm4b:s6+s15], $0x400, $0x38;
	[tilespmem:$0x1F700] =	vst v63  }
0x26: {  	_ =	swait.ge [sflag:s14], $0x400  }
0x27: {  	[sflag:s14] =	ssyncset.done $0x0  }
0x28: {  	s9 =	simm.s32 $0x1E400;
	s8 =	rddreg [dreg:$0x7];
	[sflag:s14] =	ssyncadd.s32 $0xFFFFFC00  }
0x29: {  	[tilespmem:s9], [sflag:$0x5] =	stream.linear.gather [hbm4b:s8+s15], $0x400, $0x38;
	[tilespmem:$0x1F700] =	vst v63  }
0x2a: {  	_ =	swait.ge [sflag:s14], $0x400  }
0x2b: {  	[sflag:s14] =	ssyncset.done $0x0  }
0x2c: {  	s12 =	simm.s32 $0x1E800;
	s11 =	rddreg [dreg:$0x8];
	[sflag:s14] =	ssyncadd.s32 $0xFFFFFC00  }
0x2d: {  	[tilespmem:s12], [sflag:$0x5] =	stream.linear.gather [hbm4b:s11+s15], $0x10, $0x38;
	[tilespmem:$0x1F700] =	vst v63  }
0x2e: {  	_ =	swait.ge [sflag:s14], $0x10  }
0x2f: {  	[sflag:s14] =	ssyncset.done $0x0  }
0x30: {  	[sflag:s14] =	ssyncadd.s32 $0xFFFFFFF0  }
0x31: {  	v27 =	vld [tilespmem:$0x1E800];
	_ =	sdelay $0x3  }
0x32: {  	s6 =	simm.s32 $0x0;
	s13 =	rddreg [dreg:$0x9]  }
0x33: {  	[tilespmem:s15], [sflag:$0x1] =	stream.linear.gather [hbm4b:s13+s15], $0xC350, $0x38;
	v28 =	vxor.u32 $0x80000000, v27;
	v27 =	vimm.s32 $0x0;
	[tilespmem:$0x1F700] =	vst v63  }
.LBB2_6:
0x34: {  	s7 =	sadd.s32 s10, s6  }
0x35: {  	s7 =	smul.u32 $0x186A0, s7;
	_ =	sdelay $0x1  }
0x36: {  	s8 =	sshrl.u32 s7, $0x3  }
0x37: {  	s9 =	sadd.s32 s5, s8  }
0x38: {  	[hbm4b:s9+s15] =	stream.linear.scatter [tilespmem:s17], [sflag:$0x3], $0x4000, $0x38;
	[tilespmem:$0x1F700] =	vst v63  }
0x39: {  	s11 =	sadd.s32 $0x800, s9  }
0x3a: {  	[hbm4b:s11+s15] =	stream.linear.scatter [tilespmem:s17], [sflag:$0x3], $0x4000, $0x38;
	[tilespmem:$0x1F700] =	vst v63  }
0x3b: {  	s13 =	sadd.s32 $0x1000, s9  }
0x3c: {  	[hbm4b:s13+s15] =	stream.linear.scatter [tilespmem:s17], [sflag:$0x3], $0x4000, $0x38;
	[tilespmem:$0x1F700] =	vst v63  }
0x3d: {  	s12 =	sadd.s32 $0x1800, s9  }
0x3e: {  	[hbm4b:s12+s15] =	stream.linear.scatter [tilespmem:s17], [sflag:$0x3], $0x4000, $0x38;
	[tilespmem:$0x1F700] =	vst v63  }
0x3f: {  	s13 =	sadd.s32 $0x2000, s9  }
0x40: {  	[hbm4b:s13+s15] =	stream.linear.scatter [tilespmem:s17], [sflag:$0x3], $0x4000, $0x38;
	[tilespmem:$0x1F700] =	vst v63  }
0x41: {  	s12 =	sadd.s32 $0x2800, s9  }
0x42: {  	[hbm4b:s12+s15] =	stream.linear.scatter [tilespmem:s17], [sflag:$0x3], $0x4000, $0x38;
	[tilespmem:$0x1F700] =	vst v63  }
0x43: {  	s9 =	sadd.s32 $0x3000, s9  }
0x44: {  	[hbm4b:s9+s15] =	stream.linear.scatter [tilespmem:s17], [sflag:$0x3], $0x6A0, $0x38;
	[tilespmem:$0x1F700] =	vst v63  }
0x45: {  	_ =	swait.ge [sflag:s18], $0xC350  }
0x46: {  	s8 =	sadd.s32 s1, s8;
	[sflag:s18] =	ssyncset.done $0x0  }
0x47: {  	s8 =	sadd.s32 $0x186A, s8;
	s13 =	simm.s32 $0x0;
	[sflag:s18] =	ssyncadd.s32 $0xFFFF3CB0  }
0x48: {  	[tilespmem:s19], [sflag:$0x1] =	stream.linear.gather [hbm4b:s8+s15], $0xC350, $0x38;
	[tilespmem:$0x1F700] =	vst v63  }
0x49: {  	v29 =	vld [tilespmem:s13+$0xF0]  }
0x4a: {  	v30 =	vld [tilespmem:s13+$0x0]  }
0x4b: {  	v31 =	vld [tilespmem:s13+$0x10]  }
0x4c: {  	v32 =	vld [tilespmem:s13+$0x20]  }
0x4d: {  	v34 =	vld [tilespmem:s13+$0x30]  }
0x4e: {  	v35 =	vld [tilespmem:s13+$0x40]  }
0x4f: {  	v36 =	vld [tilespmem:s13+$0x50]  }
0x50: {  	v37 =	vld [tilespmem:s13+$0x60]  }
0x51: {  	v38 =	vld [tilespmem:s13+$0x70]  }
0x52: {  	v40 =	vld [tilespmem:s13+$0x80]  }
0x53: {  	v50 =	vld [tilespmem:s13+$0x90]  }
0x54: {  	v33 =	vimm.f32 $-Inf  }
0x55: {  	v41 =	vld [tilespmem:s13+$0xA0];
	v29 =	vmax.f32 v33, v29;
	v49 =	vmax.f32 v33, v30;
	v48 =	vmax.f32 v33, v31  }
0x56: {  	v39 =	vld [tilespmem:s13+$0xB0];
	v47 =	vmax.f32 v33, v32;
	v46 =	vmax.f32 v33, v34;
	v45 =	vmax.f32 v33, v35  }
0x57: {  	v44 =	vmax.f32 v33, v36;
	v43 =	vmax.f32 v33, v37;
	v42 =	vmax.f32 v33, v38;
	v37 =	vld [tilespmem:s13+$0xC0]  }
0x58: {  	v40 =	vmax.f32 v33, v40;
	v36 =	vld [tilespmem:s13+$0xD0];
	v38 =	vmax.f32 v33, v50;
	v34 =	vimm.f32 $-Inf  }
0x59: {  	s9 =	simm.s32 $0x800;
	s8 =	simm.s32 $0x100;
	v35 =	vld [tilespmem:s13+$0xE0];
	v32 =	vimm.f32 $-Inf;
	v31 =	vimm.f32 $-Inf;
	v30 =	vimm.f32 $-Inf  }
.LBB2_7:
0x5a: {  	p0 =	sne.s32 s9, $0x33C00;
	v50 =	vld [tilespmem:s8+$0xF0];
	v33 =	vmax.f32 v33, v41  }
0x5b: {  	v41 =	vld [tilespmem:s8+$0x0];
	v34 =	vmax.f32 v34, v39  }
0x5c: {  	v39 =	vld [tilespmem:s8+$0x10];
	v32 =	vmax.f32 v32, v37  }
0x5d: {  	v37 =	vld [tilespmem:s8+$0x20];
	v31 =	vmax.f32 v31, v36  }
0x5e: {  	v36 =	vld [tilespmem:s8+$0x30];
	v30 =	vmax.f32 v30, v35  }
0x5f: {  	v35 =	vld [tilespmem:s8+$0x40];
	v29 =	vmax.f32 v29, v50  }
0x60: {  	v49 =	vmax.f32 v49, v41;
	v41 =	vld [tilespmem:s8+$0x50]  }
0x61: {  	v48 =	vmax.f32 v48, v39;
	v39 =	vld [tilespmem:s8+$0x60]  }
0x62: {  	v47 =	vmax.f32 v47, v37;
	v37 =	vld [tilespmem:s8+$0x70]  }
0x63: {  	v46 =	vmax.f32 v46, v36;
	v36 =	vld [tilespmem:s8+$0x80]  }
0x64: {  	v45 =	vmax.f32 v45, v35;
	v35 =	vld [tilespmem:s8+$0x90]  }
.Ltmp2:
0x65: {  	v44 =	vmax.f32 v44, v41;
	v41 =	vld [tilespmem:s8+$0xA0];
	(pc) =	sbr.rel @p0 .LBB2_7-.Ltmp2, $4  }
0x66: {  	v43 =	vmax.f32 v43, v39;
	v39 =	vld [tilespmem:s8+$0xB0]  }
0x67: {  	v42 =	vmax.f32 v42, v37;
	v37 =	vld [tilespmem:s8+$0xC0]  }
0x68: {  	v40 =	vmax.f32 v40, v36;
	v36 =	vld [tilespmem:s8+$0xD0]  }
0x69: {  	v38 =	vmax.f32 v38, v35;
	v35 =	vld [tilespmem:s8+$0xE0];
	s8 =	sshra.s32 s9, $0x2;
	s9 =	sadd.s32 $0x400, s9  }
0x6a: {  	v50 =	vld [tilespmem:s8+$0x0];
	_ =	sdelay $0x4  }
0x6b: {  	v49 =	vmax.f32 v49, v50  }
0x6c: {  	(xrf1) =	vsort.dscd.msk.f32 $0xffff, v49, v2;
	_ =	sdelay $0xd  }
0x6d: {  	v55 =	vld [tilespmem:s8+$0x10];
	v56, v51, _ =	vpop (xrf1)  }
0x6e: {  	v50 =	vperm.xlane v56, v10  }
0x6f: {  	v51 =	vperm.xlane v51, v10  }
0x70: {  	vm11 =	veq.f32 v50, $-Inf  }
0x71: {  	v51 =	vsel vm11, $0x0, v51  }
0x72: {  	v48 =	vmax.f32 v48, v55;
	(xrf1) =	vsort.dscd.msk.f32 $0xffff, v50, v51  }
0x73: {  	(xrf1) =	vsort.dscd.msk.f32 $0xffff, v48, v11;
	_ =	sdelay $0xc  }
0x74: {  	v57, v49, _ =	vpop (xrf1)  }
0x75: {  	v58 =	vld [tilespmem:s8+$0x20];
	v59, v52, _ =	vpop (xrf1)  }
0x76: {  	v51 =	vperm.xlane v59, v10  }
0x77: {  	v52 =	vperm.xlane v52, v10  }
0x78: {  	vm11 =	vge.f32 v57, v51  }
0x79: {  	v48 =	vsel vm11, v57, v51;
	v49 =	vsel vm11, v49, v52  }
0x7a: {  	v47 =	vmax.f32 v47, v58;
	(xrf1) =	vsort.dscd.msk.f32 $0xffff, v48, v49  }
0x7b: {  	(xrf1) =	vsort.dscd.msk.f32 $0xffff, v47, v12;
	_ =	sdelay $0xc  }
0x7c: {  	v60, v48, _ =	vpop (xrf1)  }
0x7d: {  	v61 =	vld [tilespmem:s8+$0x30];
	v63, v62, _ =	vpop (xrf1)  }
0x7e: {  	v50 =	vperm.xlane v63, v10  }
0x7f: {  	v51 =	vperm.xlane v62, v10  }
0x80: {  	vm11 =	vge.f32 v60, v50  }
0x81: {  	v47 =	vsel vm11, v60, v50;
	v48 =	vsel vm11, v48, v51  }
0x82: {  	v46 =	vmax.f32 v46, v61;
	(xrf1) =	vsort.dscd.msk.f32 $0xffff, v47, v48  }
0x83: {  	(xrf1) =	vsort.dscd.msk.f32 $0xffff, v46, v13;
	_ =	sdelay $0xc  }
0x84: {  	v52, v47, _ =	vpop (xrf1)  }
0x85: {  	v53 =	vld [tilespmem:s8+$0x40];
	v55, v54, _ =	vpop (xrf1)  }
0x86: {  	v49 =	vperm.xlane v55, v10  }
0x87: {  	v50 =	vperm.xlane v54, v10  }
0x88: {  	vm11 =	vge.f32 v52, v49  }
0x89: {  	v46 =	vsel vm11, v52, v49;
	v47 =	vsel vm11, v47, v50  }
0x8a: {  	v45 =	vmax.f32 v45, v53;
	(xrf1) =	vsort.dscd.msk.f32 $0xffff, v46, v47  }
0x8b: {  	(xrf1) =	vsort.dscd.msk.f32 $0xffff, v45, v14;
	_ =	sdelay $0xc  }
0x8c: {  	v56, v46, _ =	vpop (xrf1)  }
0x8d: {  	v57 =	vld [tilespmem:s8+$0x50];
	v59, v58, _ =	vpop (xrf1)  }
0x8e: {  	v48 =	vperm.xlane v59, v10  }
0x8f: {  	v49 =	vperm.xlane v58, v10  }
0x90: {  	vm11 =	vge.f32 v56, v48  }
0x91: {  	v45 =	vsel vm11, v56, v48;
	v46 =	vsel vm11, v46, v49  }
0x92: {  	v44 =	vmax.f32 v44, v57;
	(xrf1) =	vsort.dscd.msk.f32 $0xffff, v45, v46  }
0x93: {  	(xrf1) =	vsort.dscd.msk.f32 $0xffff, v44, v15;
	_ =	sdelay $0xc  }
0x94: {  	v60, v45, _ =	vpop (xrf1)  }
0x95: {  	v61 =	vld [tilespmem:s8+$0x60];
	v63, v62, _ =	vpop (xrf1)  }
0x96: {  	v47 =	vperm.xlane v63, v10  }
0x97: {  	v48 =	vperm.xlane v62, v10  }
0x98: {  	vm11 =	vge.f32 v60, v47  }
0x99: {  	v44 =	vsel vm11, v60, v47;
	v45 =	vsel vm11, v45, v48  }
0x9a: {  	v43 =	vmax.f32 v43, v61;
	(xrf1) =	vsort.dscd.msk.f32 $0xffff, v44, v45  }
0x9b: {  	(xrf1) =	vsort.dscd.msk.f32 $0xffff, v43, v16;
	_ =	sdelay $0xc  }
0x9c: {  	v48, v44, _ =	vpop (xrf1)  }
0x9d: {  	v49 =	vld [tilespmem:s8+$0x70];
	v51, v50, _ =	vpop (xrf1)  }
0x9e: {  	v46 =	vperm.xlane v51, v10  }
0x9f: {  	v47 =	vperm.xlane v50, v10  }
0xa0: {  	vm11 =	vge.f32 v48, v46  }
0xa1: {  	v43 =	vsel vm11, v48, v46;
	v44 =	vsel vm11, v44, v47  }
0xa2: {  	v42 =	vmax.f32 v42, v49;
	(xrf1) =	vsort.dscd.msk.f32 $0xffff, v43, v44  }
0xa3: {  	(xrf1) =	vsort.dscd.msk.f32 $0xffff, v42, v17;
	_ =	sdelay $0xc  }
0xa4: {  	v52, v43, _ =	vpop (xrf1)  }
0xa5: {  	v53 =	vld [tilespmem:s8+$0x80];
	v55, v54, _ =	vpop (xrf1)  }
0xa6: {  	v45 =	vperm.xlane v55, v10  }
0xa7: {  	v46 =	vperm.xlane v54, v10  }
0xa8: {  	vm11 =	vge.f32 v52, v45  }
0xa9: {  	v42 =	vsel vm11, v52, v45;
	v43 =	vsel vm11, v43, v46  }
0xaa: {  	v40 =	vmax.f32 v40, v53;
	(xrf1) =	vsort.dscd.msk.f32 $0xffff, v42, v43  }
0xab: {  	(xrf1) =	vsort.dscd.msk.f32 $0xffff, v40, v18;
	_ =	sdelay $0xc  }
0xac: {  	v56, v42, _ =	vpop (xrf1)  }
0xad: {  	v57 =	vld [tilespmem:s8+$0x90];
	v59, v58, _ =	vpop (xrf1)  }
0xae: {  	v44 =	vperm.xlane v59, v10  }
0xaf: {  	v45 =	vperm.xlane v58, v10  }
0xb0: {  	vm11 =	vge.f32 v56, v44  }
0xb1: {  	v40 =	vsel vm11, v56, v44;
	v42 =	vsel vm11, v42, v45  }
0xb2: {  	v38 =	vmax.f32 v38, v57;
	(xrf1) =	vsort.dscd.msk.f32 $0xffff, v40, v42  }
0xb3: {  	(xrf1) =	vsort.dscd.msk.f32 $0xffff, v38, v19;
	_ =	sdelay $0xc  }
0xb4: {  	v60, v40, _ =	vpop (xrf1)  }
0xb5: {  	v61 =	vld [tilespmem:s8+$0xA0];
	v63, v62, _ =	vpop (xrf1)  }
0xb6: {  	v43 =	vperm.xlane v63, v10  }
0xb7: {  	v44 =	vperm.xlane v62, v10  }
0xb8: {  	vm11 =	vge.f32 v60, v43  }
0xb9: {  	v33 =	vmax.f32 v33, v41;
	v38 =	vsel vm11, v60, v43;
	v40 =	vsel vm11, v40, v44  }
0xba: {  	v33 =	vmax.f32 v33, v61;
	(xrf1) =	vsort.dscd.msk.f32 $0xffff, v38, v40  }
0xbb: {  	(xrf1) =	vsort.dscd.msk.f32 $0xffff, v33, v20;
	_ =	sdelay $0xc  }
0xbc: {  	v45, v38, _ =	vpop (xrf1)  }
0xbd: {  	v46 =	vld [tilespmem:s8+$0xB0];
	v47, v48, _ =	vpop (xrf1)  }
0xbe: {  	v41 =	vperm.xlane v47, v10  }
0xbf: {  	v42 =	vperm.xlane v48, v10  }
0xc0: {  	vm11 =	vge.f32 v45, v41  }
0xc1: {  	v34 =	vmax.f32 v34, v39;
	v33 =	vsel vm11, v45, v41;
	v38 =	vsel vm11, v38, v42  }
0xc2: {  	v34 =	vmax.f32 v34, v46;
	(xrf1) =	vsort.dscd.msk.f32 $0xffff, v33, v38  }
0xc3: {  	(xrf1) =	vsort.dscd.msk.f32 $0xffff, v34, v21;
	_ =	sdelay $0xc  }
0xc4: {  	v33, v49, _ =	vpop (xrf1)  }
0xc5: {  	v50 =	vld [tilespmem:s8+$0xC0];
	v51, v52, _ =	vpop (xrf1)  }
0xc6: {  	v39 =	vperm.xlane v51, v10  }
0xc7: {  	v40 =	vperm.xlane v52, v10  }
0xc8: {  	vm11 =	vge.f32 v33, v39  }
0xc9: {  	v32 =	vmax.f32 v32, v37;
	v33 =	vsel vm11, v33, v39;
	v34 =	vsel vm11, v49, v40  }
0xca: {  	v32 =	vmax.f32 v32, v50;
	(xrf1) =	vsort.dscd.msk.f32 $0xffff, v33, v34  }
0xcb: {  	(xrf1) =	vsort.dscd.msk.f32 $0xffff, v32, v22;
	_ =	sdelay $0xc  }
0xcc: {  	v53, v33, _ =	vpop (xrf1)  }
0xcd: {  	v54 =	vld [tilespmem:s8+$0xD0];
	v55, v56, _ =	vpop (xrf1)  }
0xce: {  	v37 =	vperm.xlane v55, v10  }
0xcf: {  	v38 =	vperm.xlane v56, v10  }
0xd0: {  	vm11 =	vge.f32 v53, v37  }
0xd1: {  	v31 =	vmax.f32 v31, v36;
	v32 =	vsel vm11, v53, v37;
	v33 =	vsel vm11, v33, v38  }
0xd2: {  	v31 =	vmax.f32 v31, v54;
	(xrf1) =	vsort.dscd.msk.f32 $0xffff, v32, v33  }
0xd3: {  	(xrf1) =	vsort.dscd.msk.f32 $0xffff, v31, v23;
	_ =	sdelay $0xc  }
0xd4: {  	v31, v32, _ =	vpop (xrf1)  }
0xd5: {  	v57 =	vld [tilespmem:s8+$0xE0];
	v59, v58, _ =	vpop (xrf1)  }
0xd6: {  	v34 =	vperm.xlane v59, v10  }
0xd7: {  	v36 =	vperm.xlane v58, v10  }
0xd8: {  	vm11 =	vge.f32 v31, v34  }
0xd9: {  	v30 =	vmax.f32 v30, v35;
	v31 =	vsel vm11, v31, v34;
	v32 =	vsel vm11, v32, v36  }
0xda: {  	v30 =	vmax.f32 v30, v57;
	(xrf1) =	vsort.dscd.msk.f32 $0xffff, v31, v32  }
0xdb: {  	(xrf1) =	vsort.dscd.msk.f32 $0xffff, v30, v24;
	_ =	sdelay $0xc  }
0xdc: {  	v30, v31, _ =	vpop (xrf1)  }
0xdd: {  	v60 =	vld [tilespmem:s8+$0xF0];
	v62, v61, _ =	vpop (xrf1)  }
0xde: {  	v33 =	vperm.xlane v62, v10  }
0xdf: {  	v34 =	vperm.xlane v61, v10  }
0xe0: {  	vm11 =	vge.f32 v30, v33  }
0xe1: {  	v30 =	vsel vm11, v30, v33;
	v31 =	vsel vm11, v31, v34  }
0xe2: {  	v29 =	vmax.f32 v29, v60;
	(xrf1) =	vsort.dscd.msk.f32 $0xffff, v30, v31  }
0xe3: {  	(xrf1) =	vsort.dscd.msk.f32 $0xffff, v29, v25;
	_ =	sdelay $0xc  }
0xe4: {  	v29, v30, _ =	vpop (xrf1)  }
0xe5: {  	v31, v63, _ =	vpop (xrf1)  }
0xe6: {  	v31 =	vperm.xlane v31, v10  }
0xe7: {  	v32 =	vperm.xlane v63, v10  }
0xe8: {  	vm11 =	vge.f32 v29, v31  }
0xe9: {  	v29 =	vsel vm11, v29, v31;
	v30 =	vsel vm11, v30, v32  }
0xea: {  	(xrf1) =	vsort.dscd.msk.f32 $0xffff, v29, v30;
	_ =	sdelay $0xd  }
0xeb: {  	v31, v30, _ =	vpop (xrf1)  }
0xec: {  	v29 =	vnsel vm0, $0x7F800000, v31  }
0xed: {  	(xrf0) =	vmin.scan.msk.f32 $0xffff, v29;
	_ =	sdelay $0x5  }
0xee: {  	v29, _, _ =	vpop (xrf0)  }
0xef: {  	(v2sf) =	vpush v29, $0xF;
	_ =	sdelay $0xa  }
.Ltmp3:
0xf0: {  	_ = 	snop;
	(pc) =	sbr.rel .LBB2_9-.Ltmp3, $3  }
0xf1: {  	_ =	sdelay $0x1  }
0xf2: {  	v32 =	vimm.f32 $-Inf  }
0xf3: {  	s9 =	simm.s32 $0x0;
	v33 =	vxor.u32 $0x80000000, v30;
	v30 =	vimm.f32 $-Inf;
	v29 =	vimm.s32 $0x0;
	s8 =	spop (v2sf)  }
.LBB2_12:
0xf4: {  	_ =	sdelay $0x7  }
0xf5: {  	v34, v35, _ =	vpop @p1 (xrf1)  }
0xf6: {  	(xrf0) =	vmin.scan.msk.f32 @p1 $0xffff, v34;
	_ =	sdelay $0x5  }
0xf7: {  	v36, _, _ =	vpop @p1 (xrf0)  }
0xf8: {  	v36 =	vbroadcast @p1 v36, $0xF;
	_ =	sdelay $0x1  }
0xf9: {  	v30 =	vpsel p1, v34, v30;
	v29 =	vpsel p1, v35, v29;
	v32 =	vpsel p1, v36, v32  }
.LBB2_13:
0xfa: {  	s9 =	sadd.s32 $0x1, s9  }
0xfb: {  	p0 =	sne.s32 s9, $0x10  }
.Ltmp4:
0xfc: {  	_ = 	snop;
	(pc) =	sbr.rel @!p0 .LBB2_14-.Ltmp4, $1  }
0xfd: {  	_ =	sdelay $0x3  }
.LBB2_9:
0xfe: {  	v34 =	vmov s9  }
0xff: {  	vm11 =	veq.s32 v34, v2  }
0x100: {  	v34 =	vnsel vm11, $0xFF800000, v31  }
0x101: {  	(xrf0) =	vmax.scan.msk.f32 $0xffff, v34;
	_ =	sdelay $0x4  }
0x102: {  	v61 =	vnsel vm11, $0x80000000, v33  }
0x103: {  	(xrf0) =	vmax.scan.msk.u32 $0xffff, v61;
	v62, _, _ =	vpop (xrf0)  }
0x104: {  	(v2sf) =	vpush v62, $0xF;
	_ =	sdelay $0x4  }
0x105: {  	v63, _, _ =	vpop (xrf0)  }
0x106: {  	(v2sf) =	vpush v63, $0xF;
	_ =	sdelay $0x8  }
0x107: {  	s11 =	spop (v2sf)  }
0x108: {  	p0 =	sge.f32 s11, s8  }
.Ltmp5:
0x109: {  	_ = 	snop;
	(pc) =	sbr.rel @!p0 .LBB2_13-.Ltmp5, $2  }
0x10a: {  	_ =	sdelay $0x2  }
0x10b: {  	s11 =	spop (v2sf)  }
0x10c: {  	s11 =	sxor.u32 $0x80000000, s11;
	v34 =	vmul.u32 $0x100, v2  }
0x10d: {  	s12 =	sadd.s32 $0x0, s11  }
0x10e: {  	v35 =	vadd.s32 s12, v34;
	_ =	sdelay $0x4  }
0x10f: {  	v36 =	vld.idx.msk [tilespmem:v35+s4+$0x0], $0xffff;
	_ =	sdelay $0x4  }
0x110: {  	vm11 =	vgt.f32 v36, v32  }
0x111: {  	v37 =	vsel vm11, $0x3F800000, v26  }
0x112: {  	(xrf0) =	vmax.scan.msk.f32 $0xffff, v37;
	_ =	sdelay $0x5  }
0x113: {  	v37, _, _ =	vpop (xrf0)  }
0x114: {  	(v2sf) =	vpush v37, $0xF;
	_ =	sdelay $0xe  }
0x115: {  	s13 =	spop (v2sf)  }
0x116: {  	p1 =	sgt.f32 s13, $0.0e+00;
	_ =	sdelay $0x1  }
0x117: {  	(xrf1) =	vsort.dscd.msk.f32 @p1 $0xffff, v36, v35;
	_ =	sdelay $0xa  }
0x118: {  	v35 =	vlaneseq.u32 @p1  }
0x119: {  	v35 =	vmul.u32 @p1 $0xFFFFFFFF, v35;
	_ =	sdelay $0x1  }
0x11a: {  	v35 =	vadd.s32 @p1 $0xF, v35;
	v36, v37, _ =	vpop @p1 (xrf1)  }
0x11b: {  	v36 =	vperm.xlane @p1 v36, v35  }
0x11c: {  	v35 =	vperm.xlane @p1 v37, v35  }
0x11d: {  	vm11 =	vge.f32 @p1 v30, v36  }
0x11e: {  	v36 =	vsel @p1 vm11, v30, v36;
	v35 =	vsel @p1 vm11, v29, v35  }
0x11f: {  	(xrf1) =	vsort.dscd.msk.f32 @p1 $0xffff, v36, v35;
	_ =	sdelay $0x4  }
0x120: {  	s12 =	simm.s32 $0x1000  }
.LBB2_11:
0x121: {  	_ =	sdelay $0x5  }
0x122: {  	s13 =	smov.u32 s12;
	s12 =	sadd.s32 $0x1000, s12  }
0x123: {  	s13 =	sadd.s32 s13, s11;
	p0 =	sne.s32 s12, $0xD000  }
0x124: {  	v35 =	vadd.s32 s13, v34;
	v36, v37, _ =	vpop @p1 (xrf1)  }
0x125: {  	v30 =	vpsel p1, v36, v30;
	v29 =	vpsel p1, v37, v29;
	(xrf0) =	vmin.scan.msk.f32 @p1 $0xffff, v36;
	_ =	sdelay $0x3  }
0x126: {  	v36 =	vld.idx.msk [tilespmem:v35+s4+$0x0], $0xffff;
	_ =	sdelay $0x1  }
0x127: {  	v37, _, _ =	vpop @p1 (xrf0)  }
0x128: {  	v37 =	vbroadcast @p1 v37, $0xF;
	_ =	sdelay $0x1  }
0x129: {  	v32 =	vpsel p1, v37, v32  }
0x12a: {  	vm11 =	vgt.f32 v36, v32  }
0x12b: {  	v37 =	vsel vm11, $0x3F800000, v26  }
0x12c: {  	(xrf0) =	vmax.scan.msk.f32 $0xffff, v37;
	_ =	sdelay $0x5  }
0x12d: {  	v37, _, _ =	vpop (xrf0)  }
0x12e: {  	(v2sf) =	vpush v37, $0xF;
	_ =	sdelay $0xe  }
0x12f: {  	s13 =	spop (v2sf)  }
0x130: {  	p1 =	sgt.f32 s13, $0.0e+00;
	_ =	sdelay $0x1  }
0x131: {  	(xrf1) =	vsort.dscd.msk.f32 @p1 $0xffff, v36, v35;
	_ =	sdelay $0xa  }
0x132: {  	v35 =	vlaneseq.u32 @p1  }
0x133: {  	v35 =	vmul.u32 @p1 $0xFFFFFFFF, v35;
	_ =	sdelay $0x1  }
0x134: {  	v35 =	vadd.s32 @p1 $0xF, v35;
	v36, v37, _ =	vpop @p1 (xrf1)  }
.Ltmp6:
0x135: {  	v36 =	vperm.xlane @p1 v36, v35;
	(pc) =	sbr.rel @p0 .LBB2_11-.Ltmp6, $4  }
0x136: {  	v35 =	vperm.xlane @p1 v37, v35  }
0x137: {  	vm11 =	vge.f32 @p1 v30, v36  }
0x138: {  	v36 =	vsel @p1 vm11, v30, v36;
	v35 =	vsel @p1 vm11, v29, v35  }
0x139: {  	(xrf1) =	vsort.dscd.msk.f32 @p1 $0xffff, v36, v35  }
.Ltmp7:
0x13a: {  	_ = 	snop;
	(pc) =	sbr.rel .LBB2_12-.Ltmp7, $1  }
0x13b: {  	_ =	sdelay $0x3  }
.LBB2_14:
0x13c: {  	p0 =	seq.s32 s6, $0x7  }
0x13d: {  	_ =	swait.ge [sflag:s18], $0xC350;
	s7 =	sshrl.u32 @!p0 s7, $0x3  }
0x13e: {  	s9 =	simm.s32 $0x0;
	[sflag:s18] =	ssyncset.done $0x0;
	s7 =	sadd.s32 @!p0 s1, s7  }
0x13f: {  	s8 =	simm.s32 @!p0 $0x0;
	[sflag:s18] =	ssyncadd.s32 $0xFFFF3CB0;
	s7 =	sadd.s32 @!p0 $0x30D4, s7  }
0x140: {  	[tilespmem:s8], [sflag:$0x1] =	stream.linear.gather @!p0 [hbm4b:s7+s8], $0xC350, $0x38;
	[tilespmem:$0x1F700] =	vst v63  }
0x141: {  	v31 =	vld [tilespmem:s9+$0xD0F0]  }
0x142: {  	v32 =	vld [tilespmem:s9+$0xD000]  }
0x143: {  	v33 =	vld [tilespmem:s9+$0xD010]  }
0x144: {  	v34 =	vld [tilespmem:s9+$0xD020]  }
0x145: {  	v36 =	vld [tilespmem:s9+$0xD030]  }
0x146: {  	v37 =	vld [tilespmem:s9+$0xD040]  }
0x147: {  	v38 =	vld [tilespmem:s9+$0xD050]  }
0x148: {  	v39 =	vld [tilespmem:s9+$0xD060]  }
0x149: {  	v40 =	vld [tilespmem:s9+$0xD070]  }
0x14a: {  	v42 =	vld [tilespmem:s9+$0xD080]  }
0x14b: {  	v52 =	vld [tilespmem:s9+$0xD090]  }
0x14c: {  	v35 =	vimm.f32 $-Inf  }
0x14d: {  	v43 =	vld [tilespmem:s9+$0xD0A0];
	v31 =	vmax.f32 v35, v31;
	v51 =	vmax.f32 v35, v32;
	v50 =	vmax.f32 v35, v33  }
0x14e: {  	v41 =	vld [tilespmem:s9+$0xD0B0];
	v49 =	vmax.f32 v35, v34;
	v48 =	vmax.f32 v35, v36;
	v47 =	vmax.f32 v35, v37  }
0x14f: {  	v46 =	vmax.f32 v35, v38;
	v45 =	vmax.f32 v35, v39;
	v44 =	vmax.f32 v35, v40;
	v39 =	vld [tilespmem:s9+$0xD0C0]  }
0x150: {  	v42 =	vmax.f32 v35, v42;
	v38 =	vld [tilespmem:s9+$0xD0D0];
	v40 =	vmax.f32 v35, v52;
	v36 =	vimm.f32 $-Inf  }
0x151: {  	s7 =	simm.s32 $0x100;
	s8 =	simm.s32 $0x800;
	v37 =	vld [tilespmem:s9+$0xD0E0];
	v34 =	vimm.f32 $-Inf;
	v33 =	vimm.f32 $-Inf;
	v32 =	vimm.f32 $-Inf  }
.LBB2_15:
0x152: {  	p0 =	sne.s32 s8, $0x33C00;
	v52 =	vld [tilespmem:s7+$0xD0F0];
	v35 =	vmax.f32 v35, v43  }
0x153: {  	v43 =	vld [tilespmem:s7+$0xD000];
	v36 =	vmax.f32 v36, v41  }
0x154: {  	v41 =	vld [tilespmem:s7+$0xD010];
	v34 =	vmax.f32 v34, v39  }
0x155: {  	v39 =	vld [tilespmem:s7+$0xD020];
	v33 =	vmax.f32 v33, v38  }
0x156: {  	v38 =	vld [tilespmem:s7+$0xD030];
	v32 =	vmax.f32 v32, v37  }
0x157: {  	v37 =	vld [tilespmem:s7+$0xD040];
	v31 =	vmax.f32 v31, v52  }
0x158: {  	v51 =	vmax.f32 v51, v43;
	v43 =	vld [tilespmem:s7+$0xD050]  }
0x159: {  	v50 =	vmax.f32 v50, v41;
	v41 =	vld [tilespmem:s7+$0xD060]  }
0x15a: {  	v49 =	vmax.f32 v49, v39;
	v39 =	vld [tilespmem:s7+$0xD070]  }
0x15b: {  	v48 =	vmax.f32 v48, v38;
	v38 =	vld [tilespmem:s7+$0xD080]  }
0x15c: {  	v47 =	vmax.f32 v47, v37;
	v37 =	vld [tilespmem:s7+$0xD090]  }
.Ltmp8:
0x15d: {  	v46 =	vmax.f32 v46, v43;
	v43 =	vld [tilespmem:s7+$0xD0A0];
	(pc) =	sbr.rel @p0 .LBB2_15-.Ltmp8, $4  }
0x15e: {  	v45 =	vmax.f32 v45, v41;
	v41 =	vld [tilespmem:s7+$0xD0B0]  }
0x15f: {  	v44 =	vmax.f32 v44, v39;
	v39 =	vld [tilespmem:s7+$0xD0C0]  }
0x160: {  	v42 =	vmax.f32 v42, v38;
	v38 =	vld [tilespmem:s7+$0xD0D0]  }
0x161: {  	v40 =	vmax.f32 v40, v37;
	v37 =	vld [tilespmem:s7+$0xD0E0];
	s7 =	sshra.s32 s8, $0x2;
	s8 =	sadd.s32 $0x400, s8  }
0x162: {  	v52 =	vld [tilespmem:s7+$0xD000];
	_ =	sdelay $0x4  }
0x163: {  	v51 =	vmax.f32 v51, v52  }
0x164: {  	(xrf1) =	vsort.dscd.msk.f32 $0xffff, v51, v2;
	_ =	sdelay $0xd  }
0x165: {  	v63 =	vld [tilespmem:s7+$0xD010];
	v56, v53, _ =	vpop (xrf1)  }
0x166: {  	v52 =	vperm.xlane v56, v10  }
0x167: {  	v53 =	vperm.xlane v53, v10  }
0x168: {  	vm11 =	veq.f32 v52, $-Inf  }
0x169: {  	v53 =	vsel vm11, $0x0, v53  }
0x16a: {  	v50 =	vmax.f32 v50, v63;
	(xrf1) =	vsort.dscd.msk.f32 $0xffff, v52, v53  }
0x16b: {  	(xrf1) =	vsort.dscd.msk.f32 $0xffff, v50, v11;
	_ =	sdelay $0xc  }
0x16c: {  	v57, v51, _ =	vpop (xrf1)  }
0x16d: {  	v58 =	vld [tilespmem:s7+$0xD020];
	v59, v54, _ =	vpop (xrf1)  }
0x16e: {  	v53 =	vperm.xlane v59, v10  }
0x16f: {  	v54 =	vperm.xlane v54, v10  }
0x170: {  	vm11 =	vge.f32 v57, v53  }
0x171: {  	v50 =	vsel vm11, v57, v53;
	v51 =	vsel vm11, v51, v54  }
0x172: {  	v49 =	vmax.f32 v49, v58;
	(xrf1) =	vsort.dscd.msk.f32 $0xffff, v50, v51  }
0x173: {  	(xrf1) =	vsort.dscd.msk.f32 $0xffff, v49, v12;
	_ =	sdelay $0xc  }
0x174: {  	v60, v50, _ =	vpop (xrf1)  }
0x175: {  	v61 =	vld [tilespmem:s7+$0xD030];
	v63, v62, _ =	vpop (xrf1)  }
0x176: {  	v52 =	vperm.xlane v63, v10  }
0x177: {  	v53 =	vperm.xlane v62, v10  }
0x178: {  	vm11 =	vge.f32 v60, v52  }
0x179: {  	v49 =	vsel vm11, v60, v52;
	v50 =	vsel vm11, v50, v53  }
0x17a: {  	v48 =	vmax.f32 v48, v61;
	(xrf1) =	vsort.dscd.msk.f32 $0xffff, v49, v50  }
0x17b: {  	(xrf1) =	vsort.dscd.msk.f32 $0xffff, v48, v13;
	_ =	sdelay $0xc  }
0x17c: {  	v56, v49, _ =	vpop (xrf1)  }
0x17d: {  	v57 =	vld [tilespmem:s7+$0xD040];
	v59, v58, _ =	vpop (xrf1)  }
0x17e: {  	v51 =	vperm.xlane v59, v10  }
0x17f: {  	v52 =	vperm.xlane v58, v10  }
0x180: {  	vm11 =	vge.f32 v56, v51  }
0x181: {  	v48 =	vsel vm11, v56, v51;
	v49 =	vsel vm11, v49, v52  }
0x182: {  	v47 =	vmax.f32 v47, v57;
	(xrf1) =	vsort.dscd.msk.f32 $0xffff, v48, v49  }
0x183: {  	(xrf1) =	vsort.dscd.msk.f32 $0xffff, v47, v14;
	_ =	sdelay $0xc  }
0x184: {  	v60, v48, _ =	vpop (xrf1)  }
0x185: {  	v61 =	vld [tilespmem:s7+$0xD050];
	v63, v62, _ =	vpop (xrf1)  }
0x186: {  	v50 =	vperm.xlane v63, v10  }
0x187: {  	v51 =	vperm.xlane v62, v10  }
0x188: {  	vm11 =	vge.f32 v60, v50  }
0x189: {  	v47 =	vsel vm11, v60, v50;
	v48 =	vsel vm11, v48, v51  }
0x18a: {  	v46 =	vmax.f32 v46, v61;
	(xrf1) =	vsort.dscd.msk.f32 $0xffff, v47, v48  }
0x18b: {  	(xrf1) =	vsort.dscd.msk.f32 $0xffff, v46, v15;
	_ =	sdelay $0xc  }
0x18c: {  	v52, v47, _ =	vpop (xrf1)  }
0x18d: {  	v53 =	vld [tilespmem:s7+$0xD060];
	v55, v54, _ =	vpop (xrf1)  }
0x18e: {  	v49 =	vperm.xlane v55, v10  }
0x18f: {  	v50 =	vperm.xlane v54, v10  }
0x190: {  	vm11 =	vge.f32 v52, v49  }
0x191: {  	v46 =	vsel vm11, v52, v49;
	v47 =	vsel vm11, v47, v50  }
0x192: {  	v45 =	vmax.f32 v45, v53;
	(xrf1) =	vsort.dscd.msk.f32 $0xffff, v46, v47  }
0x193: {  	(xrf1) =	vsort.dscd.msk.f32 $0xffff, v45, v16;
	_ =	sdelay $0xc  }
0x194: {  	v56, v46, _ =	vpop (xrf1)  }
0x195: {  	v57 =	vld [tilespmem:s7+$0xD070];
	v59, v58, _ =	vpop (xrf1)  }
0x196: {  	v48 =	vperm.xlane v59, v10  }
0x197: {  	v49 =	vperm.xlane v58, v10  }
0x198: {  	vm11 =	vge.f32 v56, v48  }
0x199: {  	v45 =	vsel vm11, v56, v48;
	v46 =	vsel vm11, v46, v49  }
0x19a: {  	v44 =	vmax.f32 v44, v57;
	(xrf1) =	vsort.dscd.msk.f32 $0xffff, v45, v46  }
0x19b: {  	(xrf1) =	vsort.dscd.msk.f32 $0xffff, v44, v17;
	_ =	sdelay $0xc  }
0x19c: {  	v60, v45, _ =	vpop (xrf1)  }
0x19d: {  	v61 =	vld [tilespmem:s7+$0xD080];
	v63, v62, _ =	vpop (xrf1)  }
0x19e: {  	v47 =	vperm.xlane v63, v10  }
0x19f: {  	v48 =	vperm.xlane v62, v10  }
0x1a0: {  	vm11 =	vge.f32 v60, v47  }
0x1a1: {  	v44 =	vsel vm11, v60, v47;
	v45 =	vsel vm11, v45, v48  }
0x1a2: {  	v42 =	vmax.f32 v42, v61;
	(xrf1) =	vsort.dscd.msk.f32 $0xffff, v44, v45  }
0x1a3: {  	(xrf1) =	vsort.dscd.msk.f32 $0xffff, v42, v18;
	_ =	sdelay $0xc  }
0x1a4: {  	v51, v44, _ =	vpop (xrf1)  }
0x1a5: {  	v52 =	vld [tilespmem:s7+$0xD090];
	v54, v53, _ =	vpop (xrf1)  }
0x1a6: {  	v46 =	vperm.xlane v54, v10  }
0x1a7: {  	v47 =	vperm.xlane v53, v10  }
0x1a8: {  	vm11 =	vge.f32 v51, v46  }
0x1a9: {  	v42 =	vsel vm11, v51, v46;
	v44 =	vsel vm11, v44, v47  }
0x1aa: {  	v40 =	vmax.f32 v40, v52;
	(xrf1) =	vsort.dscd.msk.f32 $0xffff, v42, v44  }
0x1ab: {  	(xrf1) =	vsort.dscd.msk.f32 $0xffff, v40, v19;
	_ =	sdelay $0xc  }
0x1ac: {  	v55, v42, _ =	vpop (xrf1)  }
0x1ad: {  	v56 =	vld [tilespmem:s7+$0xD0A0];
	v58, v57, _ =	vpop (xrf1)  }
0x1ae: {  	v45 =	vperm.xlane v58, v10  }
0x1af: {  	v46 =	vperm.xlane v57, v10  }
0x1b0: {  	vm11 =	vge.f32 v55, v45  }
0x1b1: {  	v35 =	vmax.f32 v35, v43;
	v40 =	vsel vm11, v55, v45;
	v42 =	vsel vm11, v42, v46  }
0x1b2: {  	v35 =	vmax.f32 v35, v56;
	(xrf1) =	vsort.dscd.msk.f32 $0xffff, v40, v42  }
0x1b3: {  	(xrf1) =	vsort.dscd.msk.f32 $0xffff, v35, v20;
	_ =	sdelay $0xc  }
0x1b4: {  	v59, v40, _ =	vpop (xrf1)  }
0x1b5: {  	v60 =	vld [tilespmem:s7+$0xD0B0];
	v61, v62, _ =	vpop (xrf1)  }
0x1b6: {  	v43 =	vperm.xlane v61, v10  }
0x1b7: {  	v44 =	vperm.xlane v62, v10  }
0x1b8: {  	vm11 =	vge.f32 v59, v43  }
0x1b9: {  	v36 =	vmax.f32 v36, v41;
	v35 =	vsel vm11, v59, v43;
	v40 =	vsel vm11, v40, v44  }
0x1ba: {  	v36 =	vmax.f32 v36, v60;
	(xrf1) =	vsort.dscd.msk.f32 $0xffff, v35, v40  }
0x1bb: {  	(xrf1) =	vsort.dscd.msk.f32 $0xffff, v36, v21;
	_ =	sdelay $0xc  }
0x1bc: {  	v35, v63, _ =	vpop (xrf1)  }
0x1bd: {  	v45 =	vld [tilespmem:s7+$0xD0C0];
	v46, v47, _ =	vpop (xrf1)  }
0x1be: {  	v41 =	vperm.xlane v46, v10  }
0x1bf: {  	v42 =	vperm.xlane v47, v10  }
0x1c0: {  	vm11 =	vge.f32 v35, v41  }
0x1c1: {  	v34 =	vmax.f32 v34, v39;
	v35 =	vsel vm11, v35, v41;
	v36 =	vsel vm11, v63, v42  }
0x1c2: {  	v34 =	vmax.f32 v34, v45;
	(xrf1) =	vsort.dscd.msk.f32 $0xffff, v35, v36  }
0x1c3: {  	(xrf1) =	vsort.dscd.msk.f32 $0xffff, v34, v22;
	_ =	sdelay $0xc  }
0x1c4: {  	v48, v35, _ =	vpop (xrf1)  }
0x1c5: {  	v49 =	vld [tilespmem:s7+$0xD0D0];
	v50, v51, _ =	vpop (xrf1)  }
0x1c6: {  	v39 =	vperm.xlane v50, v10  }
0x1c7: {  	v40 =	vperm.xlane v51, v10  }
0x1c8: {  	vm11 =	vge.f32 v48, v39  }
0x1c9: {  	v33 =	vmax.f32 v33, v38;
	v34 =	vsel vm11, v48, v39;
	v35 =	vsel vm11, v35, v40  }
0x1ca: {  	v33 =	vmax.f32 v33, v49;
	(xrf1) =	vsort.dscd.msk.f32 $0xffff, v34, v35  }
0x1cb: {  	(xrf1) =	vsort.dscd.msk.f32 $0xffff, v33, v23;
	_ =	sdelay $0xc  }
0x1cc: {  	v52, v34, _ =	vpop (xrf1)  }
0x1cd: {  	v53 =	vld [tilespmem:s7+$0xD0E0];
	v55, v54, _ =	vpop (xrf1)  }
0x1ce: {  	v36 =	vperm.xlane v55, v10  }
0x1cf: {  	v38 =	vperm.xlane v54, v10  }
0x1d0: {  	vm11 =	vge.f32 v52, v36  }
0x1d1: {  	v32 =	vmax.f32 v32, v37;
	v33 =	vsel vm11, v52, v36;
	v34 =	vsel vm11, v34, v38  }
0x1d2: {  	v32 =	vmax.f32 v32, v53;
	(xrf1) =	vsort.dscd.msk.f32 $0xffff, v33, v34  }
0x1d3: {  	(xrf1) =	vsort.dscd.msk.f32 $0xffff, v32, v24;
	_ =	sdelay $0xc  }
0x1d4: {  	v56, v33, _ =	vpop (xrf1)  }
0x1d5: {  	v57 =	vld [tilespmem:s7+$0xD0F0];
	v59, v58, _ =	vpop (xrf1)  }
0x1d6: {  	v35 =	vperm.xlane v59, v10  }
0x1d7: {  	v36 =	vperm.xlane v58, v10  }
0x1d8: {  	vm11 =	vge.f32 v56, v35  }
0x1d9: {  	v32 =	vsel vm11, v56, v35;
	v33 =	vsel vm11, v33, v36  }
0x1da: {  	v31 =	vmax.f32 v31, v57;
	(xrf1) =	vsort.dscd.msk.f32 $0xffff, v32, v33  }
0x1db: {  	(xrf1) =	vsort.dscd.msk.f32 $0xffff, v31, v25;
	_ =	sdelay $0xc  }
0x1dc: {  	v31, v32, _ =	vpop (xrf1)  }
0x1dd: {  	v61, v60, _ =	vpop (xrf1)  }
0x1de: {  	v33 =	vperm.xlane v61, v10  }
0x1df: {  	v34 =	vperm.xlane v60, v10  }
0x1e0: {  	vm11 =	vge.f32 v31, v33  }
0x1e1: {  	v31 =	vsel vm11, v31, v33;
	v32 =	vsel vm11, v32, v34  }
0x1e2: {  	(xrf1) =	vsort.dscd.msk.f32 $0xffff, v31, v32;
	_ =	sdelay $0xd  }
0x1e3: {  	v31, v62, _ =	vpop (xrf1)  }
0x1e4: {  	v63 =	vnsel vm0, $0x7F800000, v31  }
0x1e5: {  	(xrf0) =	vmin.scan.msk.f32 $0xffff, v63;
	_ =	sdelay $0x5  }
0x1e6: {  	v32, _, _ =	vpop (xrf0)  }
0x1e7: {  	(v2sf) =	vpush v32, $0xF;
	_ =	sdelay $0xa  }
.Ltmp9:
0x1e8: {  	_ = 	snop;
	(pc) =	sbr.rel .LBB2_17-.Ltmp9, $3  }
0x1e9: {  	_ =	sdelay $0x1  }
0x1ea: {  	v33 =	vimm.f32 $-Inf  }
0x1eb: {  	s8 =	simm.s32 $0x0;
	v34 =	vimm.f32 $-Inf;
	v35 =	vxor.u32 $0x80000000, v62;
	v32 =	vimm.s32 $0x0;
	s7 =	spop (v2sf)  }
.LBB2_20:
0x1ec: {  	_ =	sdelay $0x7  }
0x1ed: {  	v36, v37, _ =	vpop @p1 (xrf1)  }
0x1ee: {  	(xrf0) =	vmin.scan.msk.f32 @p1 $0xffff, v36;
	_ =	sdelay $0x5  }
0x1ef: {  	v38, _, _ =	vpop @p1 (xrf0)  }
0x1f0: {  	v38 =	vbroadcast @p1 v38, $0xF;
	_ =	sdelay $0x1  }
0x1f1: {  	v34 =	vpsel p1, v36, v34;
	v32 =	vpsel p1, v37, v32;
	v33 =	vpsel p1, v38, v33  }
.LBB2_21:
0x1f2: {  	s8 =	sadd.s32 $0x1, s8  }
0x1f3: {  	p0 =	sne.s32 s8, $0x10  }
.Ltmp10:
0x1f4: {  	_ = 	snop;
	(pc) =	sbr.rel @!p0 .LBB2_22-.Ltmp10, $1  }
0x1f5: {  	_ =	sdelay $0x3  }
.LBB2_17:
0x1f6: {  	v36 =	vmov s8  }
0x1f7: {  	vm11 =	veq.s32 v36, v2  }
0x1f8: {  	v36 =	vnsel vm11, $0xFF800000, v31  }
0x1f9: {  	(xrf0) =	vmax.scan.msk.f32 $0xffff, v36;
	_ =	sdelay $0x4  }
0x1fa: {  	v61 =	vnsel vm11, $0x80000000, v35  }
0x1fb: {  	(xrf0) =	vmax.scan.msk.u32 $0xffff, v61;
	v62, _, _ =	vpop (xrf0)  }
0x1fc: {  	(v2sf) =	vpush v62, $0xF;
	_ =	sdelay $0x4  }
0x1fd: {  	v63, _, _ =	vpop (xrf0)  }
0x1fe: {  	(v2sf) =	vpush v63, $0xF;
	_ =	sdelay $0x8  }
0x1ff: {  	s9 =	spop (v2sf)  }
0x200: {  	p0 =	sge.f32 s9, s7  }
.Ltmp11:
0x201: {  	_ = 	snop;
	(pc) =	sbr.rel @!p0 .LBB2_21-.Ltmp11, $2  }
0x202: {  	_ =	sdelay $0x2  }
0x203: {  	s9 =	spop (v2sf)  }
0x204: {  	s9 =	sxor.u32 $0x80000000, s9;
	v36 =	vmul.u32 $0x100, v2  }
0x205: {  	s11 =	sadd.s32 $0x0, s9  }
0x206: {  	v37 =	vadd.s32 s11, v36;
	_ =	sdelay $0x4  }
0x207: {  	v38 =	vld.idx.msk [tilespmem:v37+s19+$0x0], $0xffff;
	_ =	sdelay $0x4  }
0x208: {  	vm11 =	vgt.f32 v38, v33  }
0x209: {  	v39 =	vsel vm11, $0x3F800000, v26  }
0x20a: {  	(xrf0) =	vmax.scan.msk.f32 $0xffff, v39;
	_ =	sdelay $0x5  }
0x20b: {  	v39, _, _ =	vpop (xrf0)  }
0x20c: {  	(v2sf) =	vpush v39, $0xF;
	_ =	sdelay $0xe  }
0x20d: {  	s13 =	spop (v2sf)  }
0x20e: {  	p1 =	sgt.f32 s13, $0.0e+00;
	_ =	sdelay $0x1  }
0x20f: {  	(xrf1) =	vsort.dscd.msk.f32 @p1 $0xffff, v38, v37;
	_ =	sdelay $0xa  }
0x210: {  	v37 =	vlaneseq.u32 @p1  }
0x211: {  	v37 =	vmul.u32 @p1 $0xFFFFFFFF, v37;
	_ =	sdelay $0x1  }
0x212: {  	v37 =	vadd.s32 @p1 $0xF, v37;
	v38, v39, _ =	vpop @p1 (xrf1)  }
0x213: {  	v38 =	vperm.xlane @p1 v38, v37  }
0x214: {  	v37 =	vperm.xlane @p1 v39, v37  }
0x215: {  	vm11 =	vge.f32 @p1 v34, v38  }
0x216: {  	v38 =	vsel @p1 vm11, v34, v38;
	v37 =	vsel @p1 vm11, v32, v37  }
0x217: {  	(xrf1) =	vsort.dscd.msk.f32 @p1 $0xffff, v38, v37;
	_ =	sdelay $0x4  }
0x218: {  	s11 =	simm.s32 $0x1000  }
.LBB2_19:
0x219: {  	_ =	sdelay $0x5  }
0x21a: {  	s12 =	smov.u32 s11;
	s11 =	sadd.s32 $0x1000, s11  }
0x21b: {  	s12 =	sadd.s32 s12, s9;
	p0 =	sne.s32 s11, $0xD000  }
0x21c: {  	v37 =	vadd.s32 s12, v36;
	v38, v39, _ =	vpop @p1 (xrf1)  }
0x21d: {  	v34 =	vpsel p1, v38, v34;
	v32 =	vpsel p1, v39, v32;
	(xrf0) =	vmin.scan.msk.f32 @p1 $0xffff, v38;
	_ =	sdelay $0x3  }
0x21e: {  	v38 =	vld.idx.msk [tilespmem:v37+s19+$0x0], $0xffff;
	_ =	sdelay $0x1  }
0x21f: {  	v39, _, _ =	vpop @p1 (xrf0)  }
0x220: {  	v39 =	vbroadcast @p1 v39, $0xF;
	_ =	sdelay $0x1  }
0x221: {  	v33 =	vpsel p1, v39, v33  }
0x222: {  	vm11 =	vgt.f32 v38, v33  }
0x223: {  	v39 =	vsel vm11, $0x3F800000, v26  }
0x224: {  	(xrf0) =	vmax.scan.msk.f32 $0xffff, v39;
	_ =	sdelay $0x5  }
0x225: {  	v39, _, _ =	vpop (xrf0)  }
0x226: {  	(v2sf) =	vpush v39, $0xF;
	_ =	sdelay $0xe  }
0x227: {  	s12 =	spop (v2sf)  }
0x228: {  	p1 =	sgt.f32 s12, $0.0e+00;
	_ =	sdelay $0x1  }
0x229: {  	(xrf1) =	vsort.dscd.msk.f32 @p1 $0xffff, v38, v37;
	_ =	sdelay $0xa  }
0x22a: {  	v37 =	vlaneseq.u32 @p1  }
0x22b: {  	v37 =	vmul.u32 @p1 $0xFFFFFFFF, v37;
	_ =	sdelay $0x1  }
0x22c: {  	v37 =	vadd.s32 @p1 $0xF, v37;
	v38, v39, _ =	vpop @p1 (xrf1)  }
.Ltmp12:
0x22d: {  	v38 =	vperm.xlane @p1 v38, v37;
	(pc) =	sbr.rel @p0 .LBB2_19-.Ltmp12, $4  }
0x22e: {  	v37 =	vperm.xlane @p1 v39, v37  }
0x22f: {  	vm11 =	vge.f32 @p1 v34, v38  }
0x230: {  	v38 =	vsel @p1 vm11, v34, v38;
	v37 =	vsel @p1 vm11, v32, v37  }
0x231: {  	(xrf1) =	vsort.dscd.msk.f32 @p1 $0xffff, v38, v37  }
.Ltmp13:
0x232: {  	_ = 	snop;
	(pc) =	sbr.rel .LBB2_20-.Ltmp13, $1  }
0x233: {  	_ =	sdelay $0x3  }
.LBB2_22:
0x234: {  	v31 =	vadd.s32 $0xC350, v32  }
0x235: {  	(xrf1) =	vsort.dscd.msk.f32 $0xffff, v34, v31;
	_ =	sdelay $0x5  }
0x236: {  	s7 =	sor.u32 $0x8, s6  }
0x237: {  	v31 =	vmov s7  }
0x238: {  	vm11 =	veq.s32 v31, v2  }
0x239: {  	v31 =	vnsel vm11, $0x80000000, v28  }
0x23a: {  	(xrf0) =	vmax.scan.msk.u32 $0xffff, v31;
	_ =	sdelay $0x3  }
0x23b: {  	v31, v59, _ =	vpop (xrf1)  }
0x23c: {  	v31 =	vperm.xlane v31, v10  }
0x23d: {  	v33, _, _ =	vpop (xrf0);
	v32 =	vperm.xlane v59, v10  }
0x23e: {  	(v2sf) =	vpush v33, $0xF;
	vm11 =	vge.f32 v30, v31  }
0x23f: {  	v30 =	vsel vm11, v30, v31;
	v29 =	vsel vm11, v29, v32  }
0x240: {  	(xrf1) =	vsort.dscd.msk.f32 $0xffff, v30, v29;
	_ =	sdelay $0xc  }
0x241: {  	s12 =	spop (v2sf)  }
0x242: {  	s7 =	sxor.u32 $0x80000000, s12;
	_, v29, _ =	vpop (xrf1)  }
0x243: {  	v29 =	vmul.u32 s7, v29  }
0x244: {  	vm11 =	vmmov $0x1  }
0x245: {  	v30 =	vnsel vm11, $0x0, v29  }
0x246: {  	v30 =	vxor.u32 $0x80000000, v30  }
0x247: {  	(xrf0) =	vmax.scan.msk.u32 $0xffff, v30  }
0x248: {  	v30 =	vsel vm1, $0x0, v29  }
0x249: {  	v30 =	vxor.u32 $0x80000000, v30  }
0x24a: {  	(xrf0) =	vmax.scan.msk.u32 $0xffff, v30;
	_ =	sdelay $0x1  }
0x24b: {  	v30 =	vsel vm2, $0x0, v29  }
0x24c: {  	v30 =	vxor.u32 $0x80000000, v30;
	v31, _, _ =	vpop (xrf0)  }
0x24d: {  	(xrf0) =	vmax.scan.msk.u32 $0xffff, v30;
	(v2sf) =	vpush v31, $0xF;
	_ =	sdelay $0x1  }
0x24e: {  	v30, _, _ =	vpop (xrf0)  }
0x24f: {  	(v2sf) =	vpush v30, $0xF;
	_ =	sdelay $0x1  }
0x250: {  	v30 =	vsel vm3, $0x0, v29  }
0x251: {  	v30 =	vxor.u32 $0x80000000, v30;
	v31, _, _ =	vpop (xrf0)  }
0x252: {  	(xrf0) =	vmax.scan.msk.u32 $0xffff, v30;
	(v2sf) =	vpush v31, $0xF;
	_ =	sdelay $0x1  }
0x253: {  	v30 =	vsel vm4, $0x0, v29  }
0x254: {  	v30 =	vxor.u32 $0x80000000, v30;
	_ =	sdelay $0x1  }
0x255: {  	(xrf0) =	vmax.scan.msk.u32 $0xffff, v30  }
0x256: {  	v30, _, _ =	vpop (xrf0)  }
0x257: {  	(v2sf) =	vpush v30, $0xF;
	v30 =	vsel vm5, $0x0, v29  }
0x258: {  	v30 =	vxor.u32 $0x80000000, v30;
	s7 =	spop (v2sf)  }
0x259: {  	s8 =	sshll.u32 s7, $0x4  }
0x25a: {  	(xrf0) =	vmax.scan.msk.u32 $0xffff, v30;
	s8 =	sand.u32 $0x1FFFFFF0, s8  }
0x25b: {  	v31 =	vsel vm6, $0x0, v29;
	v30, _, _ =	vpop (xrf0);
	s13 =	spop (v2sf);
	s9 =	sadd.s32 s2, s8;
	s8 =	simm.s32 $0x0  }
0x25c: {  	(v2sf) =	vpush v30, $0xF;
	v30 =	vxor.u32 $0x80000000, v31;
	[tilespmem:s20], [sflag:$0x2] =	stream.linear.gather [hbm4b:s9+s8], $0x80, $0x38;
	[tilespmem:$0x1F700] =	vst v63  }
0x25d: {  	(xrf0) =	vmax.scan.msk.u32 $0xffff, v30;
	s9 =	sshll.u32 s13, $0x4  }
0x25e: {  	s9 =	sand.u32 $0x1FFFFFF0, s9  }
0x25f: {  	v30 =	vsel vm7, $0x0, v29;
	s9 =	sadd.s32 s2, s9;
	s11 =	spop (v2sf)  }
0x260: {  	v31, _, _ =	vpop (xrf0);
	v30 =	vxor.u32 $0x80000000, v30;
	[tilespmem:s21], [sflag:$0x2] =	stream.linear.gather [hbm4b:s9+s8], $0x80, $0x38;
	[tilespmem:$0x1F700] =	vst v63  }
0x261: {  	(xrf0) =	vmax.scan.msk.u32 $0xffff, v30;
	(v2sf) =	vpush v31, $0xF;
	s9 =	sshll.u32 s11, $0x4  }
0x262: {  	s9 =	sand.u32 $0x1FFFFFF0, s9  }
0x263: {  	v31 =	vsel vm8, $0x0, v29;
	s9 =	sadd.s32 s2, s9;
	v30, _, _ =	vpop (xrf0)  }
0x264: {  	[tilespmem:s22], [sflag:$0x2] =	stream.linear.gather [hbm4b:s9+s8], $0x80, $0x38;
	(v2sf) =	vpush v30, $0xF;
	v30 =	vxor.u32 $0x80000000, v31;
	[tilespmem:$0x1F700] =	vst v63  }
0x265: {  	(xrf0) =	vmax.scan.msk.u32 $0xffff, v30  }
0x266: {  	s12 =	spop (v2sf)  }
0x267: {  	s9 =	sshll.u32 s12, $0x4;
	v30, _, _ =	vpop (xrf0)  }
0x268: {  	s9 =	sand.u32 $0x1FFFFFF0, s9;
	(v2sf) =	vpush v30, $0xF  }
0x269: {  	s9 =	sadd.s32 s2, s9;
	v30 =	vsel vm9, $0x0, v29  }
0x26a: {  	[tilespmem:s23], [sflag:$0x2] =	stream.linear.gather [hbm4b:s9+s8], $0x80, $0x38;
	v30 =	vxor.u32 $0x80000000, v30;
	[tilespmem:$0x1F700] =	vst v63  }
0x26b: {  	(xrf0) =	vmax.scan.msk.u32 $0xffff, v30;
	s13 =	spop (v2sf);
	v31, _, _ =	vpop (xrf0)  }
0x26c: {  	s9 =	sshll.u32 s13, $0x4;
	(v2sf) =	vpush v31, $0xF  }
0x26d: {  	s9 =	sand.u32 $0x1FFFFFF0, s9  }
0x26e: {  	s9 =	sadd.s32 s2, s9  }
0x26f: {  	[tilespmem:s24], [sflag:$0x2] =	stream.linear.gather [hbm4b:s9+s8], $0x80, $0x38;
	[tilespmem:$0x1F700] =	vst v63  }
0x270: {  	s11 =	spop (v2sf)  }
0x271: {  	s9 =	sshll.u32 s11, $0x4;
	v30, _, _ =	vpop (xrf0)  }
0x272: {  	s9 =	sand.u32 $0x1FFFFFF0, s9;
	(v2sf) =	vpush v30, $0xF  }
0x273: {  	s9 =	sadd.s32 s2, s9;
	s11 =	spop (v2sf)  }
0x274: {  	[tilespmem:s25], [sflag:$0x2] =	stream.linear.gather [hbm4b:s9+s8], $0x80, $0x38;
	[tilespmem:$0x1F700] =	vst v63  }
0x275: {  	s12 =	sshll.u32 s11, $0x4  }
0x276: {  	s9 =	sand.u32 $0x1FFFFFF0, s12  }
0x277: {  	s9 =	sadd.s32 s2, s9;
	s13 =	spop (v2sf)  }
0x278: {  	[tilespmem:s26], [sflag:$0x2] =	stream.linear.gather [hbm4b:s9+s8], $0x80, $0x38;
	[tilespmem:$0x1F700] =	vst v63  }
0x279: {  	s12 =	sshll.u32 s13, $0x4  }
0x27a: {  	s9 =	sand.u32 $0x1FFFFFF0, s12  }
0x27b: {  	s9 =	sadd.s32 s2, s9;
	s13 =	spop (v2sf)  }
0x27c: {  	[tilespmem:s28], [sflag:$0x2] =	stream.linear.gather [hbm4b:s9+s8], $0x80, $0x38;
	[tilespmem:$0x1F700] =	vst v63  }
0x27d: {  	s12 =	sshll.u32 s13, $0x4  }
0x27e: {  	s9 =	sand.u32 $0x1FFFFFF0, s12  }
0x27f: {  	s9 =	sadd.s32 s2, s9  }
0x280: {  	[tilespmem:s29], [sflag:$0x2] =	stream.linear.gather [hbm4b:s9+s8], $0x80, $0x38;
	[tilespmem:$0x1F700] =	vst v63  }
0x281: {  	s13 =	spop (v2sf)  }
0x282: {  	s9 =	sshll.u32 s13, $0x4  }
0x283: {  	s9 =	sand.u32 $0x1FFFFFF0, s9  }
0x284: {  	s11 =	sshll.u32 s6, $0x7;
	s9 =	sadd.s32 s2, s9  }
0x285: {  	[tilespmem:s30], [sflag:$0x2] =	stream.linear.gather [hbm4b:s9+s8], $0x80, $0x38;
	[tilespmem:$0x1F700] =	vst v63  }
0x286: {  	v46 =	vld [tilespmem:s11+$0x1E000]  }
0x287: {  	v43 =	vld [tilespmem:s11+$0x1E400]  }
0x288: {  	v45 =	vld [tilespmem:s11+$0x1E010]  }
0x289: {  	v44 =	vld [tilespmem:s11+$0x1E410]  }
0x28a: {  	v42 =	vld [tilespmem:s11+$0x1E020]  }
0x28b: {  	v40 =	vld [tilespmem:s11+$0x1E420]  }
0x28c: {  	v39 =	vld [tilespmem:s11+$0x1E030]  }
0x28d: {  	v38 =	vld [tilespmem:s11+$0x1E430]  }
0x28e: {  	v37 =	vld [tilespmem:s11+$0x1E040]  }
0x28f: {  	v36 =	vld [tilespmem:s11+$0x1E440]  }
0x290: {  	v35 =	vld [tilespmem:s11+$0x1E050]  }
0x291: {  	v34 =	vld [tilespmem:s11+$0x1E450]  }
0x292: {  	v33 =	vld [tilespmem:s11+$0x1E060]  }
0x293: {  	v32 =	vld [tilespmem:s11+$0x1E460]  }
0x294: {  	v31 =	vld [tilespmem:s11+$0x1E070]  }
0x295: {  	v30 =	vld [tilespmem:s11+$0x1E470];
	_ =	swait.ge [sflag:s31], $0x80  }
0x296: {  	[sflag:s31] =	ssyncset.done $0x0  }
0x297: {  	[sflag:s31] =	ssyncadd.s32 $0xFFFFFF80  }
0x298: {  	_ =	swait.ge [sflag:s31], $0x80  }
0x299: {  	[sflag:s31] =	ssyncset.done $0x0  }
0x29a: {  	[sflag:s31] =	ssyncadd.s32 $0xFFFFFF80  }
0x29b: {  	_ =	swait.ge [sflag:s31], $0x80  }
0x29c: {  	[sflag:s31] =	ssyncset.done $0x0  }
0x29d: {  	[sflag:s31] =	ssyncadd.s32 $0xFFFFFF80  }
0x29e: {  	_ =	swait.ge [sflag:s31], $0x80  }
0x29f: {  	[sflag:s31] =	ssyncset.done $0x0  }
0x2a0: {  	[sflag:s31] =	ssyncadd.s32 $0xFFFFFF80  }
0x2a1: {  	_ =	swait.ge [sflag:s31], $0x80  }
0x2a2: {  	[sflag:s31] =	ssyncset.done $0x0  }
0x2a3: {  	[sflag:s31] =	ssyncadd.s32 $0xFFFFFF80  }
0x2a4: {  	_ =	swait.ge [sflag:s31], $0x80  }
0x2a5: {  	[sflag:s31] =	ssyncset.done $0x0  }
0x2a6: {  	[sflag:s31] =	ssyncadd.s32 $0xFFFFFF80  }
0x2a7: {  	_ =	swait.ge [sflag:s31], $0x80  }
0x2a8: {  	[sflag:s31] =	ssyncset.done $0x0  }
0x2a9: {  	[sflag:s31] =	ssyncadd.s32 $0xFFFFFF80  }
0x2aa: {  	_ =	swait.ge [sflag:s31], $0x80  }
0x2ab: {  	[sflag:s31] =	ssyncset.done $0x0  }
0x2ac: {  	[sflag:s31] =	ssyncadd.s32 $0xFFFFFF80  }
0x2ad: {  	_ =	swait.ge [sflag:s31], $0x80  }
0x2ae: {  	[sflag:s31] =	ssyncset.done $0x0  }
0x2af: {  	[sflag:s31] =	ssyncadd.s32 $0xFFFFFF80  }
0x2b0: {  	_ =	swait.ge [sflag:s31], $0x80  }
0x2b1: {  	[sflag:s31] =	ssyncset.done $0x0  }
0x2b2: {  	[sflag:s31] =	ssyncadd.s32 $0xFFFFFF80  }
0x2b3: {  	s12 =	simm.s32 $0x1E8C0;
	v49 =	vld [tilespmem:s11+$0x1E400]  }
0x2b4: {  	v41 =	vld [tilespmem:s12+$0xFFFFFFC0]  }
0x2b5: {  	v47 =	vld [tilespmem:s11+$0x1E410]  }
0x2b6: {  	v50 =	vld [tilespmem:s12+$0xFFFFFFD0]  }
0x2b7: {  	v51 =	vld [tilespmem:s11+$0x1E000]  }
0x2b8: {  	v52 =	vld [tilespmem:s12+$0xFFFFFFE0]  }
0x2b9: {  	v48 =	vld [tilespmem:s11+$0x1E010];
	v53 =	vmul.f32 v41, v49  }
0x2ba: {  	v54 =	vld [tilespmem:s12+$0xFFFFFFF0]  }
0x2bb: {  	v55 =	vmul.f32 v50, v47;
	v53 =	vadd.f32 $0.0e+00, v53  }
0x2bc: {  	v57 =	vld [tilespmem:s12+$0x0];
	v56 =	vmul.f32 v41, v51  }
0x2bd: {  	v41 =	vmul.f32 v41, v41;
	v60 =	vmul.f32 v52, v40;
	v53 =	vadd.f32 v55, v53  }
0x2be: {  	v59 =	vld [tilespmem:s12+$0x10];
	v58 =	vmul.f32 v50, v48;
	v50 =	vmul.f32 v50, v50;
	v56 =	vadd.f32 $0.0e+00, v56  }
0x2bf: {  	v55 =	vmul.f32 v54, v38;
	v53 =	vadd.f32 v60, v53  }
0x2c0: {  	v41 =	vadd.f32 v50, v41;
	v50 =	vld [tilespmem:s12+$0x20];
	v56 =	vadd.f32 v58, v56;
	v60 =	vmul.f32 v52, v42  }
0x2c1: {  	v53 =	vadd.f32 v55, v53;
	v55 =	vmul.f32 v57, v36  }
0x2c2: {  	v52 =	vmul.f32 v52, v52;
	v56 =	vadd.f32 v60, v56;
	v60 =	vld [tilespmem:s12+$0x30]  }
0x2c3: {  	v62 =	vmul.f32 v59, v34;
	v58 =	vmul.f32 v54, v39;
	v61 =	vadd.f32 v55, v53  }
0x2c4: {  	v63 =	vmul.f32 v57, v37;
	v54 =	vmul.f32 v54, v54;
	v41 =	vadd.f32 v52, v41  }
0x2c5: {  	s13 =	simm.s32 $0x1E940;
	v56 =	vadd.f32 v58, v56;
	v52 =	vadd.f32 v62, v61;
	v61 =	vmul.f32 v50, v32  }
0x2c6: {  	v57 =	vmul.f32 v57, v57;
	v41 =	vadd.f32 v54, v41;
	v55 =	vld [tilespmem:s13+$0xFFFFFFD0]  }
0x2c7: {  	v54 =	vadd.f32 v63, v56;
	v56 =	vld [tilespmem:s13+$0xFFFFFFC0];
	v63 =	vmul.f32 v60, v30;
	v52 =	vadd.f32 v61, v52  }
0x2c8: {  	v62 =	vmul.f32 v59, v35;
	v57 =	vadd.f32 v57, v41  }
0x2c9: {  	v59 =	vmul.f32 v59, v59;
	v53 =	vmul.f32 v60, v31;
	v52 =	vadd.f32 v63, v52  }
0x2ca: {  	v61 =	vmul.f32 v50, v33;
	v54 =	vadd.f32 v62, v54;
	v50 =	vmul.f32 v50, v50  }
0x2cb: {  	v57 =	vadd.f32 v59, v57;
	v59 =	vmul.f32 v60, v60;
	v62 =	vmul.f32 v55, v48;
	(xrf2) =	vadd.scan.msk.f32 $0xffff, v52  }
0x2cc: {  	v58 =	vld [tilespmem:s13+$0xFFFFFFE0];
	v54 =	vadd.f32 v61, v54;
	v61 =	vmul.f32 v55, v47;
	v60 =	vmul.f32 v56, v51  }
0x2cd: {  	v55 =	vmul.f32 v55, v55;
	v52 =	vmul.f32 v56, v49  }
0x2ce: {  	v53 =	vadd.f32 v53, v54;
	v56 =	vmul.f32 v56, v56;
	v60 =	vadd.f32 $0.0e+00, v60  }
0x2cf: {  	v50 =	vadd.f32 v50, v57;
	v52 =	vadd.f32 $0.0e+00, v52  }
0x2d0: {  	v54 =	vld [tilespmem:s13+$0xFFFFFFF0];
	(xrf2) =	vadd.scan.msk.f32 $0xffff, v53;
	v55 =	vadd.f32 v55, v56;
	v53 =	vadd.f32 v62, v60  }
0x2d1: {  	v62 =	vmul.f32 v58, v58;
	v52 =	vadd.f32 v61, v52;
	v61 =	vmul.f32 v58, v42  }
0x2d2: {  	v63 =	vld [tilespmem:s13+$0x0]  }
0x2d3: {  	v0 =	vmul.f32 v58, v40;
	v55 =	vadd.f32 v62, v55;
	v62 =	vadd.f32 v59, v50;
	_ =	sdelay $0x1  }
0x2d4: {  	v58 =	vld [tilespmem:s13+$0x10];
	v60 =	vmul.f32 v54, v38;
	v0 =	vadd.f32 v0, v52;
	v53 =	vadd.f32 v61, v53;
	v61, _, _ =	vpop (xrf2);
	(xrf2) =	vadd.scan.msk.f32 $0xffff, v62  }
0x2d5: {  	v57 =	vmul.f32 v54, v39;
	v56 =	vmul.f32 v54, v54  }
0x2d6: {  	v54 =	vld [tilespmem:s13+$0x20];
	v52 =	vmul.f32 v63, v36;
	v0 =	vadd.f32 v60, v0  }
0x2d7: {  	v50 =	vmul.f32 v63, v37;
	v56 =	vadd.f32 v56, v55;
	v55 =	vld [tilespmem:s13+$0x30];
	v53 =	vadd.f32 v57, v53  }
0x2d8: {  	v41 =	vimm.f32 $0.0e+00;
	v59 =	vmov s8;
	v0 =	vadd.f32 v52, v0  }
0x2d9: {  	v52 =	vmul.f32 v58, v34;
	v57 =	vadd.f32 v50, v53;
	v53 =	vmul.f32 v63, v63  }
0x2da: {  	vm12 =	veq.s32 v59, v2;
	v60 =	vbroadcast v61, $0xF;
	v61 =	vmul.f32 v58, v58  }
0x2db: {  	v0 =	vadd.f32 v52, v0;
	v52 =	vmul.f32 v54, v32;
	v59 =	vadd.f32 v53, v56  }
0x2dc: {  	s11 =	simm.s32 $0x1E9C0;
	v63 =	vmul.f32 v55, v30;
	v50 =	vsel vm12, v60, v41;
	v60 =	vmul.f32 v58, v35  }
0x2dd: {  	s9 =	simm.s32 $0x1;
	s12 =	simm.s32 $0x3;
	s8 =	simm.s32 $0x2;
	v56 =	vld [tilespmem:s11+$0xFFFFFFC0];
	v58 =	vmul.f32 v54, v33;
	v53, _, _ =	vpop (xrf2);
	v62 =	vadd.f32 v52, v0;
	v52 =	vimm.f32 $0.0e+00  }
.LBB2_23:
0x2de: {  	p0 =	sne.s32 s12, $0x9;
	v0 =	vadd.f32 v60, v57;
	v57 =	vadd.f32 v61, v59;
	v54 =	vmul.f32 v54, v54;
	v59, _, _ =	vpop (xrf2)  }
0x2df: {  	v61 =	vmul.f32 v55, v31;
	v55 =	vmul.f32 v55, v55;
	v60 =	vld [tilespmem:s11+$0xFFFFFFD0];
	v62 =	vadd.f32 v63, v62  }
0x2e0: {  	v53 =	vbroadcast v53, $0xF;
	v0 =	vadd.f32 v58, v0;
	v54 =	vadd.f32 v54, v57  }
0x2e1: {  	v58 =	vbroadcast v59, $0xF;
	v57 =	vld [tilespmem:s11+$0xFFFFFFE0];
	(xrf2) =	vadd.scan.msk.f32 $0xffff, v62  }
0x2e2: {  	v59 =	vmul.f32 v56, v51;
	v62 =	vmul.f32 v56, v49;
	v0 =	vadd.f32 v61, v0  }
0x2e3: {  	v41 =	vsel vm12, v53, v41;
	v56 =	vmul.f32 v56, v56;
	v54 =	vadd.f32 v55, v54;
	v61 =	vld [tilespmem:s11+$0xFFFFFFF0]  }
0x2e4: {  	v53 =	vadd.f32 $0.0e+00, v59;
	v55 =	vadd.f32 $0.0e+00, v62;
	v59 =	vmul.f32 v60, v47;
	(xrf2) =	vadd.scan.msk.f32 $0xffff, v0  }
0x2e5: {  	v52 =	vsel vm12, v58, v52;
	v0 =	vmul.f32 v60, v48;
	v60 =	vmul.f32 v60, v60;
	v62 =	vld [tilespmem:s11+$0x0]  }
0x2e6: {  	v55 =	vadd.f32 v59, v55;
	v58 =	vmul.f32 v57, v42;
	v59 =	vmul.f32 v57, v40  }
0x2e7: {  	v0 =	vadd.f32 v0, v53;
	v53 =	vadd.f32 v60, v56;
	v56 =	vmul.f32 v57, v57;
	v63 =	vld [tilespmem:s11+$0x10];
	(xrf2) =	vadd.scan.msk.f32 $0xffff, v54  }
0x2e8: {  	v55 =	vadd.f32 v59, v55;
	v1 =	vmul.f32 v61, v39;
	v59 =	vmul.f32 v61, v38  }
0x2e9: {  	v0 =	vadd.f32 v58, v0;
	v53 =	vadd.f32 v56, v53;
	v56 =	vmul.f32 v61, v61;
	v54 =	vld [tilespmem:s11+$0x20]  }
0x2ea: {  	v58 =	vadd.f32 v59, v55;
	v59 =	vmul.f32 v62, v37;
	v60 =	vmul.f32 v62, v36  }
0x2eb: {  	v0 =	vadd.f32 v1, v0;
	v56 =	vadd.f32 v56, v53;
	v53 =	vmov s9;
	s9 =	smov.u32 s8;
	s8 =	smov.u32 s12;
	v55 =	vld [tilespmem:s11+$0x30];
	v57, _, _ =	vpop (xrf2)  }
.Ltmp14:
0x2ec: {  	v58 =	vadd.f32 v60, v58;
	v60 =	vmul.f32 v63, v34;
	v61 =	vbroadcast v57, $0xF;
	(pc) =	sbr.rel @p0 .LBB2_23-.Ltmp14, $4  }
0x2ed: {  	vm12 =	veq.s32 v53, v2;
	v57 =	vadd.f32 v59, v0;
	v0 =	vmul.f32 v62, v62  }
0x2ee: {  	v62 =	vadd.f32 v60, v58;
	v1 =	vmul.f32 v54, v32;
	v50 =	vsel vm12, v61, v50;
	v53, _, _ =	vpop (xrf2)  }
0x2ef: {  	s11 =	sadd.s32 $0x80, s11;
	v59 =	vadd.f32 v0, v56;
	v60 =	vmul.f32 v63, v35;
	v61 =	vmul.f32 v63, v63  }
0x2f0: {  	s12 =	sadd.s32 $0x1, s12;
	v58 =	vmul.f32 v54, v33;
	v56 =	vld [tilespmem:s11+$0xFFFFFFC0];
	v62 =	vadd.f32 v1, v62;
	v63 =	vmul.f32 v55, v30  }
0x2f1: {  	_ = 	snop  }
0x2f2: {  	v0 =	vadd.f32 v60, v57;
	v1 =	vld [tilespmem:s11+$0xFFFFFFD0];
	v54 =	vmul.f32 v54, v54  }
0x2f3: {  	v57 =	vadd.f32 v61, v59;
	v59 =	vmul.f32 v55, v31;
	v55 =	vmul.f32 v55, v55  }
0x2f4: {  	v46 =	vmul.f32 v43, v46;
	v45 =	vmul.f32 v44, v45;
	v0 =	vadd.f32 v58, v0;
	v58 =	vld [tilespmem:s11+$0xFFFFFFE0]  }
0x2f5: {  	v60 =	vadd.f32 v63, v62;
	v54 =	vadd.f32 v54, v57;
	v57 =	vld [tilespmem:s11+$0xFFFFFFF0];
	v49 =	vmul.f32 v56, v49  }
0x2f6: {  	v46 =	vadd.f32 $0.0e+00, v46;
	v51 =	vmul.f32 v56, v51;
	v0 =	vadd.f32 v59, v0;
	v59 =	vld [tilespmem:s11+$0x0]  }
0x2f7: {  	v56 =	vmul.f32 v56, v56;
	v47 =	vmul.f32 v1, v47;
	v49 =	vadd.f32 $0.0e+00, v49  }
0x2f8: {  	v45 =	vadd.f32 v45, v46;
	v48 =	vmul.f32 v1, v48;
	v51 =	vadd.f32 $0.0e+00, v51  }
0x2f9: {  	v1 =	vmul.f32 v1, v1;
	v61 =	vmul.f32 v58, v40;
	v47 =	vadd.f32 v47, v49  }
0x2fa: {  	v62 =	vld [tilespmem:s11+$0x20];
	v49 =	vmul.f32 v58, v42;
	v48 =	vadd.f32 v48, v51;
	v51 =	vmul.f32 v58, v58  }
0x2fb: {  	v1 =	vadd.f32 v1, v56;
	v56 =	vld [tilespmem:s11+$0x10];
	v58 =	vmul.f32 v57, v39;
	v63 =	vmul.f32 v59, v37  }
0x2fc: {  	v47 =	vadd.f32 v61, v47;
	v61 =	vmul.f32 v57, v38;
	v48 =	vadd.f32 v49, v48  }
0x2fd: {  	v1 =	vadd.f32 v51, v1;
	v57 =	vmul.f32 v57, v57;
	v51 =	vadd.f32 v55, v54  }
0x2fe: {  	v54 =	vmul.f32 v43, v43;
	v47 =	vadd.f32 v61, v47;
	v61 =	vmul.f32 v59, v36  }
0x2ff: {  	v55 =	vmul.f32 v62, v62;
	v48 =	vadd.f32 v58, v48;
	v1 =	vadd.f32 v57, v1  }
0x300: {  	v49 =	vmul.f32 v56, v34;
	v58 =	vmul.f32 v62, v33;
	v47 =	vadd.f32 v61, v47  }
0x301: {  	v57 =	vld [tilespmem:s11+$0x30];
	v61 =	vmul.f32 v59, v59;
	v48 =	vadd.f32 v63, v48;
	v63 =	vmul.f32 v62, v32  }
0x302: {  	v59 =	vmul.f32 v44, v44;
	v47 =	vadd.f32 v49, v47;
	v49 =	vmul.f32 v56, v35  }
0x303: {  	v56 =	vmul.f32 v56, v56;
	v1 =	vadd.f32 v61, v1;
	v61 =	vmul.f32 v40, v42  }
0x304: {  	v43 =	vadd.f32 v59, v54;
	v47 =	vadd.f32 v63, v47;
	v63 =	vmul.f32 v40, v40  }
0x305: {  	v48 =	vadd.f32 v49, v48;
	v42 =	vadd.f32 v61, v45;
	v49 =	vmul.f32 v38, v39  }
0x306: {  	v54 =	vmul.f32 v38, v38;
	v46 =	vmul.f32 v57, v30;
	v40 =	vadd.f32 v63, v43  }
0x307: {  	v1 =	vadd.f32 v56, v1;
	v56 =	vmul.f32 v36, v37;
	v39 =	vadd.f32 v49, v42  }
0x308: {  	v59 =	vmul.f32 v57, v31;
	v61 =	vmul.f32 v36, v36;
	v38 =	vadd.f32 v54, v40  }
0x309: {  	v45 =	vmul.f32 v57, v57;
	v63 =	vmul.f32 v34, v35;
	v37 =	vadd.f32 v56, v39  }
0x30a: {  	v62 =	vadd.f32 v46, v47;
	v46 =	vmul.f32 v34, v34;
	v36 =	vadd.f32 v61, v38  }
0x30b: {  	(xrf2) =	vadd.scan.msk.f32 $0xffff, v60;
	v47 =	vadd.f32 v58, v48;
	v48 =	vmul.f32 v32, v33;
	v35 =	vadd.f32 v63, v37  }
0x30c: {  	(xrf2) =	vadd.scan.msk.f32 $0xffff, v0;
	v0 =	vadd.f32 v55, v1;
	v49 =	vmul.f32 v32, v32;
	v1 =	vadd.f32 v46, v36  }
0x30d: {  	(xrf2) =	vadd.scan.msk.f32 $0xffff, v51;
	v31 =	vmul.f32 v30, v31;
	v54 =	vadd.f32 v59, v47;
	v33 =	vadd.f32 v48, v35  }
0x30e: {  	v30 =	vmul.f32 v30, v30;
	(xrf2) =	vadd.scan.msk.f32 $0xffff, v62;
	v0 =	vadd.f32 v45, v0;
	v1 =	vadd.f32 v49, v1  }
0x30f: {  	(xrf2) =	vadd.scan.msk.f32 $0xffff, v54;
	v31 =	vadd.f32 v31, v33  }
0x310: {  	(xrf2) =	vadd.scan.msk.f32 $0xffff, v0;
	v0 =	vadd.f32 v30, v1  }
0x311: {  	(xrf2) =	vadd.scan.msk.f32 $0xffff, v31  }
0x312: {  	(xrf2) =	vadd.scan.msk.f32 $0xffff, v0;
	_ =	sdelay $0x1  }
0x313: {  	v0, _, _ =	vpop (xrf2)  }
0x314: {  	v1, _, _ =	vpop (xrf2)  }
0x315: {  	v30, _, _ =	vpop (xrf2)  }
0x316: {  	v31, _, _ =	vpop (xrf2)  }
0x317: {  	v55, _, _ =	vpop (xrf2)  }
0x318: {  	v60 =	vmov s8;
	v56, _, _ =	vpop (xrf2)  }
0x319: {  	vm15 =	veq.s32 v60, v2;
	v57 =	vmov s9;
	v0 =	vbroadcast v0, $0xF;
	v58, _, _ =	vpop (xrf2)  }
0x31a: {  	vm14 =	veq.s32 v57, v2;
	v1 =	vbroadcast v1, $0xF;
	v31 =	vbroadcast v31, $0xF;
	v59, _, _ =	vpop (xrf2)  }
0x31b: {  	v0 =	vsel vm12, v0, v52;
	v32 =	vbroadcast v55, $0xF;
	v34 =	vbroadcast v58, $0xF;
	v61, _, _ =	vpop (xrf2)  }
0x31c: {  	v1 =	vsel vm14, v1, v50;
	v0 =	vsel vm14, v31, v0;
	v31 =	vbroadcast v61, $0xF  }
0x31d: {  	v1 =	vsel vm15, v32, v1;
	v0 =	vsel vm15, v34, v0  }
0x31e: {  	v1 =	vadd.f32 v1, v1;
	v0 =	vadd.f32 v0, v31;
	_ =	sdelay $0x1  }
0x31f: {  	v0 =	vsub.f32 v0, v1;
	_ =	sdelay $0x1  }
0x320: {  	v0 =	vmax.f32 v0, $0.0e+00  }
0x321: {  	v0 =	vadd.f32 $9.999999680e-21, v0;
	_ =	sdelay $0x1  }
0x322: {  	v1 =	vshra.s32 v0, $0x1;
	v0 =	vmul.f32 $5.000000000e-01, v0  }
0x323: {  	v1 =	vsub.s32 $0x5F3759DF, v1  }
0x324: {  	v31 =	vmul.f32 v1, v0;
	_ =	sdelay $0x1  }
0x325: {  	v31 =	vmul.f32 v1, v31;
	_ =	sdelay $0x1  }
0x326: {  	v62 =	vmov s6;
	v31 =	vsub.f32 $1.500000000e+00, v31  }
0x327: {  	vm13 =	veq.s32 v62, v2  }
0x328: {  	v32 =	vnsel vm13, $0x80000000, v28;
	v1 =	vmul.f32 v1, v31  }
0x329: {  	(xrf0) =	vmax.scan.msk.u32 $0xffff, v32  }
0x32a: {  	v31 =	vmul.f32 v1, v0;
	_ =	sdelay $0x1  }
0x32b: {  	v31 =	vmul.f32 v31, v1;
	_ =	sdelay $0x1  }
0x32c: {  	v31 =	vsub.f32 $1.500000000e+00, v31  }
0x32d: {  	v32, _, _ =	vpop (xrf0)  }
0x32e: {  	(v2sf) =	vpush v32, $0xF;
	v1 =	vmul.f32 v31, v1;
	_ =	sdelay $0x1  }
0x32f: {  	v31 =	vmul.f32 v1, v0;
	_ =	sdelay $0x1  }
0x330: {  	v31 =	vmul.f32 v31, v1;
	_ =	sdelay $0x1  }
0x331: {  	v31 =	vsub.f32 $1.500000000e+00, v31;
	_ =	sdelay $0x1  }
0x332: {  	v1 =	vmul.f32 v31, v1;
	_ =	sdelay $0x1  }
0x333: {  	v0 =	vmul.f32 v1, v0  }
0x334: {  	v31 =	vbroadcast v53, $0xF  }
0x335: {  	v30 =	vbroadcast v30, $0xF;
	v0 =	vmul.f32 v0, v1  }
0x336: {  	v63 =	vbroadcast v56, $0xF;
	v31 =	vsel vm12, v31, v41  }
0x337: {  	v30 =	vsel vm14, v30, v31;
	v31 =	vbroadcast v59, $0xF;
	v0 =	vsub.f32 $1.500000000e+00, v0  }
0x338: {  	s9 =	spop (v2sf);
	v30 =	vsel vm15, v63, v30  }
0x339: {  	s8 =	sxor.u32 $0x80000000, s9;
	v30 =	vsub.f32 v30, v31;
	v0 =	vmul.f32 v0, v1  }
0x33a: {  	vm12 =	vgt.s32 v29, $0x3E6;
	vm14 =	vne.s32 v29, s8  }
0x33b: {  	vm12 =	vmand vm12, vm14;
	v0 =	vmul.f32 v0, v30  }
0x33c: {  	vm12 =	vmand vm12, vm0  }
0x33d: {  	v0 =	vnsel vm12, $0xFF800000, v0  }
0x33e: {  	(xrf0) =	vmax.scan.msk.f32 $0xffff, v0;
	_ =	sdelay $0x5  }
0x33f: {  	v1, _, _ =	vpop (xrf0)  }
0x340: {  	v30 =	vbroadcast v1, $0xF;
	_ =	sdelay $0x1  }
0x341: {  	vm12 =	veq.f32 v0, v30;
	v30 =	vxor.u32 $0x80000000, v29  }
0x342: {  	v30 =	vnsel vm12, $0x800186A0, v30  }
0x343: {  	(xrf0) =	vmin.scan.msk.u32 $0xffff, v30;
	_ =	sdelay $0x5  }
0x344: {  	(v2sf) =	vpush v1, $0xF;
	v1, _, _ =	vpop (xrf0)  }
0x345: {  	(v2sf) =	vpush v1, $0xF;
	_ =	sdelay $0xa  }
0x346: {  	v1 =	vnsel vm11, $0xFF800000, v0  }
0x347: {  	(xrf0) =	vmax.scan.msk.f32 $0xffff, v1;
	_ =	sdelay $0x1  }
0x348: {  	s11 =	spop (v2sf)  }
0x349: {  	p0 =	seq.f32 s11, $-Inf;
	s12 =	spop (v2sf)  }
0x34a: {  	s13 =	sshll.u32 s6, $0x4;
	s6 =	sadd.s32 $0x1, s6;
	s9 =	sxor.u32 $0x80000000, s12  }
0x34b: {  	s9 =	simm.s32 @p0 $0x0;
	p0 =	sne.s32 s6, $0x8  }
.Ltmp15:
0x34c: {  	v1, _, _ =	vpop (xrf0);
	(pc) =	sbr.rel @p0 .LBB2_6-.Ltmp15, $4  }
0x34d: {  	s7 =	sxor.u32 $0x80000000, s7;
	v1 =	vbroadcast v1, $0xF  }
0x34e: {  	v29 =	vsel vm10, s7, v29  }
0x34f: {  	[tilespmem:s13+$0x1ED80] =	vst v29;
	v0 =	vsel vm10, v1, v0  }
0x350: {  	[tilespmem:s13+$0x1EE00] =	vst v0;
	v27 =	vsel vm13, s9, v27  }
0x351: {  	[tilespmem:$0x1EE80] =	vst v27;
	s6 =	rddreg [dreg:$0xa];
	s7 =	simm.s32 $0x1EE80  }
0x352: {  	[hbm4b:s6+s4] =	stream.linear.scatter [tilespmem:s7], [sflag:$0x5], $0x10, $0x38;
	[tilespmem:$0x1F700] =	vst v63  }
0x353: {  	_ =	swait.ge [sflag:s14], $0x10  }
0x354: {  	[sflag:s14] =	ssyncset.done $0x0  }
0x355: {  	[sflag:s14] =	ssyncadd.s32 $0xFFFFFFF0  }
0x356: {  	_ =	swait.ge [sflag:s3], $0x4000  }
0x357: {  	[sflag:s3] =	ssyncset.done $0x0  }
0x358: {  	[sflag:s3] =	ssyncadd.s32 $0xFFFFC000  }
0x359: {  	_ =	swait.ge [sflag:s3], $0x4000  }
0x35a: {  	[sflag:s3] =	ssyncset.done $0x0  }
0x35b: {  	[sflag:s3] =	ssyncadd.s32 $0xFFFFC000  }
0x35c: {  	_ =	swait.ge [sflag:s3], $0x4000  }
0x35d: {  	[sflag:s3] =	ssyncset.done $0x0  }
0x35e: {  	[sflag:s3] =	ssyncadd.s32 $0xFFFFC000  }
0x35f: {  	_ =	swait.ge [sflag:s3], $0x4000  }
0x360: {  	[sflag:s3] =	ssyncset.done $0x0  }
0x361: {  	[sflag:s3] =	ssyncadd.s32 $0xFFFFC000  }
0x362: {  	_ =	swait.ge [sflag:s3], $0x4000  }
0x363: {  	[sflag:s3] =	ssyncset.done $0x0  }
0x364: {  	[sflag:s3] =	ssyncadd.s32 $0xFFFFC000  }
0x365: {  	_ =	swait.ge [sflag:s3], $0x4000  }
0x366: {  	[sflag:s3] =	ssyncset.done $0x0  }
0x367: {  	[sflag:s3] =	ssyncadd.s32 $0xFFFFC000  }
0x368: {  	_ =	swait.ge [sflag:s3], $0x6A0  }
0x369: {  	[sflag:s3] =	ssyncset.done $0x0  }
0x36a: {  	[sflag:s3] =	ssyncadd.s32 $0xFFFFF960  }
0x36b: {  	_ =	swait.ge [sflag:s3], $0x4000  }
0x36c: {  	[sflag:s3] =	ssyncset.done $0x0  }
0x36d: {  	[sflag:s3] =	ssyncadd.s32 $0xFFFFC000  }
0x36e: {  	_ =	swait.ge [sflag:s3], $0x4000  }
0x36f: {  	[sflag:s3] =	ssyncset.done $0x0  }
0x370: {  	[sflag:s3] =	ssyncadd.s32 $0xFFFFC000  }
0x371: {  	_ =	swait.ge [sflag:s3], $0x4000  }
0x372: {  	[sflag:s3] =	ssyncset.done $0x0  }
0x373: {  	[sflag:s3] =	ssyncadd.s32 $0xFFFFC000  }
0x374: {  	_ =	swait.ge [sflag:s3], $0x4000  }
0x375: {  	[sflag:s3] =	ssyncset.done $0x0  }
0x376: {  	[sflag:s3] =	ssyncadd.s32 $0xFFFFC000  }
0x377: {  	_ =	swait.ge [sflag:s3], $0x4000  }
0x378: {  	[sflag:s3] =	ssyncset.done $0x0  }
0x379: {  	[sflag:s3] =	ssyncadd.s32 $0xFFFFC000  }
0x37a: {  	_ =	swait.ge [sflag:s3], $0x4000  }
0x37b: {  	[sflag:s3] =	ssyncset.done $0x0  }
0x37c: {  	[sflag:s3] =	ssyncadd.s32 $0xFFFFC000  }
0x37d: {  	_ =	swait.ge [sflag:s3], $0x6A0  }
0x37e: {  	[sflag:s3] =	ssyncset.done $0x0  }
0x37f: {  	[sflag:s3] =	ssyncadd.s32 $0xFFFFF960  }
0x380: {  	_ =	swait.ge [sflag:s3], $0x4000  }
0x381: {  	[sflag:s3] =	ssyncset.done $0x0  }
0x382: {  	[sflag:s3] =	ssyncadd.s32 $0xFFFFC000  }
0x383: {  	_ =	swait.ge [sflag:s3], $0x4000  }
0x384: {  	[sflag:s3] =	ssyncset.done $0x0  }
0x385: {  	[sflag:s3] =	ssyncadd.s32 $0xFFFFC000  }
0x386: {  	_ =	swait.ge [sflag:s3], $0x4000  }
0x387: {  	[sflag:s3] =	ssyncset.done $0x0  }
0x388: {  	[sflag:s3] =	ssyncadd.s32 $0xFFFFC000  }
0x389: {  	_ =	swait.ge [sflag:s3], $0x4000  }
0x38a: {  	[sflag:s3] =	ssyncset.done $0x0  }
0x38b: {  	[sflag:s3] =	ssyncadd.s32 $0xFFFFC000  }
0x38c: {  	_ =	swait.ge [sflag:s3], $0x4000  }
0x38d: {  	[sflag:s3] =	ssyncset.done $0x0  }
0x38e: {  	[sflag:s3] =	ssyncadd.s32 $0xFFFFC000  }
0x38f: {  	_ =	swait.ge [sflag:s3], $0x4000  }
0x390: {  	[sflag:s3] =	ssyncset.done $0x0  }
0x391: {  	[sflag:s3] =	ssyncadd.s32 $0xFFFFC000  }
0x392: {  	_ =	swait.ge [sflag:s3], $0x6A0  }
0x393: {  	[sflag:s3] =	ssyncset.done $0x0  }
0x394: {  	[sflag:s3] =	ssyncadd.s32 $0xFFFFF960  }
0x395: {  	_ =	swait.ge [sflag:s3], $0x4000  }
0x396: {  	[sflag:s3] =	ssyncset.done $0x0  }
0x397: {  	[sflag:s3] =	ssyncadd.s32 $0xFFFFC000  }
0x398: {  	_ =	swait.ge [sflag:s3], $0x4000  }
0x399: {  	[sflag:s3] =	ssyncset.done $0x0  }
0x39a: {  	[sflag:s3] =	ssyncadd.s32 $0xFFFFC000  }
0x39b: {  	_ =	swait.ge [sflag:s3], $0x4000  }
0x39c: {  	[sflag:s3] =	ssyncset.done $0x0  }
0x39d: {  	[sflag:s3] =	ssyncadd.s32 $0xFFFFC000  }
0x39e: {  	_ =	swait.ge [sflag:s3], $0x4000  }
0x39f: {  	[sflag:s3] =	ssyncset.done $0x0  }
0x3a0: {  	[sflag:s3] =	ssyncadd.s32 $0xFFFFC000  }
0x3a1: {  	_ =	swait.ge [sflag:s3], $0x4000  }
0x3a2: {  	[sflag:s3] =	ssyncset.done $0x0  }
0x3a3: {  	[sflag:s3] =	ssyncadd.s32 $0xFFFFC000  }
0x3a4: {  	_ =	swait.ge [sflag:s3], $0x4000  }
0x3a5: {  	[sflag:s3] =	ssyncset.done $0x0  }
0x3a6: {  	[sflag:s3] =	ssyncadd.s32 $0xFFFFC000  }
0x3a7: {  	_ =	swait.ge [sflag:s3], $0x6A0  }
0x3a8: {  	[sflag:s3] =	ssyncset.done $0x0  }
0x3a9: {  	[sflag:s3] =	ssyncadd.s32 $0xFFFFF960  }
0x3aa: {  	_ =	swait.ge [sflag:s3], $0x4000  }
0x3ab: {  	[sflag:s3] =	ssyncset.done $0x0  }
0x3ac: {  	[sflag:s3] =	ssyncadd.s32 $0xFFFFC000  }
0x3ad: {  	_ =	swait.ge [sflag:s3], $0x4000  }
0x3ae: {  	[sflag:s3] =	ssyncset.done $0x0  }
0x3af: {  	[sflag:s3] =	ssyncadd.s32 $0xFFFFC000  }
0x3b0: {  	_ =	swait.ge [sflag:s3], $0x4000  }
0x3b1: {  	[sflag:s3] =	ssyncset.done $0x0  }
0x3b2: {  	[sflag:s3] =	ssyncadd.s32 $0xFFFFC000  }
0x3b3: {  	_ =	swait.ge [sflag:s3], $0x4000  }
0x3b4: {  	[sflag:s3] =	ssyncset.done $0x0  }
0x3b5: {  	[sflag:s3] =	ssyncadd.s32 $0xFFFFC000  }
0x3b6: {  	_ =	swait.ge [sflag:s3], $0x4000  }
0x3b7: {  	[sflag:s3] =	ssyncset.done $0x0  }
0x3b8: {  	[sflag:s3] =	ssyncadd.s32 $0xFFFFC000  }
0x3b9: {  	_ =	swait.ge [sflag:s3], $0x4000  }
0x3ba: {  	[sflag:s3] =	ssyncset.done $0x0  }
0x3bb: {  	[sflag:s3] =	ssyncadd.s32 $0xFFFFC000  }
0x3bc: {  	_ =	swait.ge [sflag:s3], $0x6A0  }
0x3bd: {  	[sflag:s3] =	ssyncset.done $0x0  }
0x3be: {  	[sflag:s3] =	ssyncadd.s32 $0xFFFFF960  }
0x3bf: {  	_ =	swait.ge [sflag:s3], $0x4000  }
0x3c0: {  	[sflag:s3] =	ssyncset.done $0x0  }
0x3c1: {  	[sflag:s3] =	ssyncadd.s32 $0xFFFFC000  }
0x3c2: {  	_ =	swait.ge [sflag:s3], $0x4000  }
0x3c3: {  	[sflag:s3] =	ssyncset.done $0x0  }
0x3c4: {  	[sflag:s3] =	ssyncadd.s32 $0xFFFFC000  }
0x3c5: {  	_ =	swait.ge [sflag:s3], $0x4000  }
0x3c6: {  	[sflag:s3] =	ssyncset.done $0x0  }
0x3c7: {  	[sflag:s3] =	ssyncadd.s32 $0xFFFFC000  }
0x3c8: {  	_ =	swait.ge [sflag:s3], $0x4000  }
0x3c9: {  	[sflag:s3] =	ssyncset.done $0x0  }
0x3ca: {  	[sflag:s3] =	ssyncadd.s32 $0xFFFFC000  }
0x3cb: {  	_ =	swait.ge [sflag:s3], $0x4000  }
0x3cc: {  	[sflag:s3] =	ssyncset.done $0x0  }
0x3cd: {  	[sflag:s3] =	ssyncadd.s32 $0xFFFFC000  }
0x3ce: {  	_ =	swait.ge [sflag:s3], $0x4000  }
0x3cf: {  	[sflag:s3] =	ssyncset.done $0x0  }
0x3d0: {  	[sflag:s3] =	ssyncadd.s32 $0xFFFFC000  }
0x3d1: {  	_ =	swait.ge [sflag:s3], $0x6A0  }
0x3d2: {  	[sflag:s3] =	ssyncset.done $0x0  }
0x3d3: {  	[sflag:s3] =	ssyncadd.s32 $0xFFFFF960  }
0x3d4: {  	_ =	swait.ge [sflag:s3], $0x4000  }
0x3d5: {  	[sflag:s3] =	ssyncset.done $0x0  }
0x3d6: {  	[sflag:s3] =	ssyncadd.s32 $0xFFFFC000  }
0x3d7: {  	_ =	swait.ge [sflag:s3], $0x4000  }
0x3d8: {  	[sflag:s3] =	ssyncset.done $0x0  }
0x3d9: {  	[sflag:s3] =	ssyncadd.s32 $0xFFFFC000  }
0x3da: {  	_ =	swait.ge [sflag:s3], $0x4000  }
0x3db: {  	[sflag:s3] =	ssyncset.done $0x0  }
0x3dc: {  	[sflag:s3] =	ssyncadd.s32 $0xFFFFC000  }
0x3dd: {  	_ =	swait.ge [sflag:s3], $0x4000  }
0x3de: {  	[sflag:s3] =	ssyncset.done $0x0  }
0x3df: {  	[sflag:s3] =	ssyncadd.s32 $0xFFFFC000  }
0x3e0: {  	_ =	swait.ge [sflag:s3], $0x4000  }
0x3e1: {  	[sflag:s3] =	ssyncset.done $0x0  }
0x3e2: {  	[sflag:s3] =	ssyncadd.s32 $0xFFFFC000  }
0x3e3: {  	_ =	swait.ge [sflag:s3], $0x4000  }
0x3e4: {  	[sflag:s3] =	ssyncset.done $0x0  }
0x3e5: {  	[sflag:s3] =	ssyncadd.s32 $0xFFFFC000  }
0x3e6: {  	_ =	swait.ge [sflag:s3], $0x6A0  }
0x3e7: {  	[sflag:s3] =	ssyncset.done $0x0  }
0x3e8: {  	[sflag:s3] =	ssyncadd.s32 $0xFFFFF960  }
0x3e9: {  	_ =	swait.ge [sflag:s3], $0x4000  }
0x3ea: {  	[sflag:s3] =	ssyncset.done $0x0  }
0x3eb: {  	[sflag:s3] =	ssyncadd.s32 $0xFFFFC000  }
0x3ec: {  	_ =	swait.ge [sflag:s3], $0x4000  }
0x3ed: {  	[sflag:s3] =	ssyncset.done $0x0  }
0x3ee: {  	[sflag:s3] =	ssyncadd.s32 $0xFFFFC000  }
0x3ef: {  	_ =	swait.ge [sflag:s3], $0x4000  }
0x3f0: {  	[sflag:s3] =	ssyncset.done $0x0  }
0x3f1: {  	[sflag:s3] =	ssyncadd.s32 $0xFFFFC000  }
0x3f2: {  	_ =	swait.ge [sflag:s3], $0x4000  }
0x3f3: {  	[sflag:s3] =	ssyncset.done $0x0  }
0x3f4: {  	[sflag:s3] =	ssyncadd.s32 $0xFFFFC000  }
0x3f5: {  	_ =	swait.ge [sflag:s3], $0x4000  }
0x3f6: {  	[sflag:s3] =	ssyncset.done $0x0  }
0x3f7: {  	[sflag:s3] =	ssyncadd.s32 $0xFFFFC000  }
0x3f8: {  	_ =	swait.ge [sflag:s3], $0x4000  }
0x3f9: {  	[sflag:s3] =	ssyncset.done $0x0  }
0x3fa: {  	[sflag:s3] =	ssyncadd.s32 $0xFFFFC000  }
0x3fb: {  	_ =	swait.ge [sflag:s3], $0x6A0  }
0x3fc: {  	[sflag:s3] =	ssyncset.done $0x0  }
0x3fd: {  	v27 =	vld [tilespmem:$0x1FFE0];
	[sflag:s3] =	ssyncadd.s32 $0xFFFFF960  }
0x3fe: {  	v0 =	vld [tilespmem:$0x1ED80]  }
0x3ff: {  	v1 =	vld [tilespmem:$0x1EE00];
	_ =	sdelay $0x4  }
0x400: {  	v0 =	vadd.s32 v27, v0;
	[tilespmem:$0x1F300] =	vst v1  }
0x401: {  	s11 =	simm.s32 $0x1EF00;
	s8 =	simm.s32 $0x1F300;
	s6 =	simm.s32 $0x10;
	[tilespmem:$0x1EF00] =	vst v0  }
0x402: {  	v27 =	vld [tilespmem:$0x1FFF0];
	[hbm4b:s5+s6] =	stream.indirect.scatter [tilespmem:s8], [sflag:$0x4], $0x1, s11, s6, $0xb8  }
0x403: {  	v0 =	vld [tilespmem:$0x1ED90]  }
0x404: {  	v1 =	vld [tilespmem:$0x1EE10];
	_ =	sdelay $0x4  }
0x405: {  	v0 =	vadd.s32 v27, v0;
	[tilespmem:$0x1F380] =	vst v1  }
0x406: {  	s12 =	simm.s32 $0x1EF80;
	s13 =	simm.s32 $0x1F380;
	[tilespmem:$0x1EF80] =	vst v0  }
0x407: {  	[hbm4b:s5+s6] =	stream.indirect.scatter [tilespmem:s13], [sflag:$0x4], $0x1, s12, s6, $0xb8;
	[tilespmem:$0x1F700] =	vst v63  }
0x408: {  	v0 =	vld [tilespmem:$0x1EDA0]  }
0x409: {  	v1 =	vld [tilespmem:$0x1EE20];
	_ =	sdelay $0x4  }
0x40a: {  	v0 =	vadd.s32 v3, v0;
	[tilespmem:$0x1F400] =	vst v1  }
0x40b: {  	s9 =	simm.s32 $0x1F000;
	s11 =	simm.s32 $0x1F400;
	[tilespmem:$0x1F000] =	vst v0  }
0x40c: {  	[hbm4b:s5+s6] =	stream.indirect.scatter [tilespmem:s11], [sflag:$0x4], $0x1, s9, s6, $0xb8;
	[tilespmem:$0x1F700] =	vst v63  }
0x40d: {  	v0 =	vld [tilespmem:$0x1EDB0]  }
0x40e: {  	v1 =	vld [tilespmem:$0x1EE30];
	_ =	sdelay $0x4  }
0x40f: {  	v0 =	vadd.s32 v4, v0;
	[tilespmem:$0x1F480] =	vst v1  }
0x410: {  	s12 =	simm.s32 $0x1F080;
	s13 =	simm.s32 $0x1F480;
	[tilespmem:$0x1F080] =	vst v0  }
0x411: {  	[hbm4b:s5+s6] =	stream.indirect.scatter [tilespmem:s13], [sflag:$0x4], $0x1, s12, s6, $0xb8;
	[tilespmem:$0x1F700] =	vst v63  }
0x412: {  	v0 =	vld [tilespmem:$0x1EDC0]  }
0x413: {  	v1 =	vld [tilespmem:$0x1EE40];
	_ =	sdelay $0x4  }
0x414: {  	v0 =	vadd.s32 v5, v0;
	[tilespmem:$0x1F500] =	vst v1  }
0x415: {  	s9 =	simm.s32 $0x1F100;
	s11 =	simm.s32 $0x1F500;
	[tilespmem:$0x1F100] =	vst v0  }
0x416: {  	[hbm4b:s5+s6] =	stream.indirect.scatter [tilespmem:s11], [sflag:$0x4], $0x1, s9, s6, $0xb8;
	[tilespmem:$0x1F700] =	vst v63  }
0x417: {  	v0 =	vld [tilespmem:$0x1EDD0]  }
0x418: {  	v1 =	vld [tilespmem:$0x1EE50];
	_ =	sdelay $0x4  }
0x419: {  	v0 =	vadd.s32 v6, v0;
	[tilespmem:$0x1F580] =	vst v1  }
0x41a: {  	s12 =	simm.s32 $0x1F180;
	s13 =	simm.s32 $0x1F580;
	[tilespmem:$0x1F180] =	vst v0  }
0x41b: {  	[hbm4b:s5+s6] =	stream.indirect.scatter [tilespmem:s13], [sflag:$0x4], $0x1, s12, s6, $0xb8;
	[tilespmem:$0x1F700] =	vst v63  }
0x41c: {  	v0 =	vld [tilespmem:$0x1EDE0]  }
0x41d: {  	v1 =	vld [tilespmem:$0x1EE60];
	_ =	sdelay $0x4  }
0x41e: {  	v0 =	vadd.s32 v7, v0;
	[tilespmem:$0x1F600] =	vst v1  }
0x41f: {  	s8 =	simm.s32 $0x1F200;
	s9 =	simm.s32 $0x1F600;
	[tilespmem:$0x1F200] =	vst v0  }
0x420: {  	[hbm4b:s5+s6] =	stream.indirect.scatter [tilespmem:s9], [sflag:$0x4], $0x1, s8, s6, $0xb8;
	[tilespmem:$0x1F700] =	vst v63  }
0x421: {  	v0 =	vld [tilespmem:$0x1EDF0]  }
0x422: {  	v1 =	vld [tilespmem:$0x1EE70];
	_ =	sdelay $0x4  }
0x423: {  	v0 =	vadd.s32 v8, v0;
	[tilespmem:$0x1F680] =	vst v1  }
0x424: {  	s11 =	simm.s32 $0x1F280;
	s12 =	simm.s32 $0x1F680;
	[tilespmem:$0x1F280] =	vst v0  }
0x425: {  	[hbm4b:s5+s6] =	stream.indirect.scatter [tilespmem:s12], [sflag:$0x4], $0x1, s11, s6, $0xb8;
	[tilespmem:$0x1F700] =	vst v63  }
0x426: {  	_ =	swait.ge [sflag:s16], $0x10  }
0x427: {  	[sflag:s16] =	ssyncset.done $0x0  }
0x428: {  	[sflag:s16] =	ssyncadd.s32 $0xFFFFFFF0  }
0x429: {  	_ =	swait.ge [sflag:s16], $0x10  }
0x42a: {  	[sflag:s16] =	ssyncset.done $0x0  }
0x42b: {  	[sflag:s16] =	ssyncadd.s32 $0xFFFFFFF0  }
0x42c: {  	_ =	swait.ge [sflag:s16], $0x10  }
0x42d: {  	[sflag:s16] =	ssyncset.done $0x0  }
0x42e: {  	[sflag:s16] =	ssyncadd.s32 $0xFFFFFFF0  }
0x42f: {  	_ =	swait.ge [sflag:s16], $0x10  }
0x430: {  	[sflag:s16] =	ssyncset.done $0x0  }
0x431: {  	[sflag:s16] =	ssyncadd.s32 $0xFFFFFFF0  }
0x432: {  	_ =	swait.ge [sflag:s16], $0x10  }
0x433: {  	[sflag:s16] =	ssyncset.done $0x0  }
0x434: {  	[sflag:s16] =	ssyncadd.s32 $0xFFFFFFF0  }
0x435: {  	_ =	swait.ge [sflag:s16], $0x10  }
0x436: {  	[sflag:s16] =	ssyncset.done $0x0  }
0x437: {  	[sflag:s16] =	ssyncadd.s32 $0xFFFFFFF0  }
0x438: {  	_ =	swait.ge [sflag:s16], $0x10  }
0x439: {  	[sflag:s16] =	ssyncset.done $0x0  }
0x43a: {  	[sflag:s16] =	ssyncadd.s32 $0xFFFFFFF0  }
0x43b: {  	_ =	swait.ge [sflag:s16], $0x10  }
0x43c: {  	s0 =	sadd.s32 $0x1, s0;
	s13 =	rddreg [dreg:$0xb]  }
0x43d: {  	p0 =	sne.s32 s0, s13  }
.Ltmp16:
0x43e: {  	_ = 	snop;
	(pc) =	sbr.rel @p0 .LBB2_1-.Ltmp16, $3  }
0x43f: {  	_ =	sdelay $0x1  }
0x440: {  	[sflag:s16] =	ssyncset.done $0x0  }
0x441: {  	[sflag:s16] =	ssyncadd.s32 $0xFFFFFFF0  }
0x442: {  	_ =	sfence.sel $0x180000  }
0x443: {  	[bflag:$0x0] =	sbarrier.arrive $0xFFFF  }
0x444: {  	_ =	strace $0x90000047  }
0x445: {  	s0 =	stileid.u32;
	[bflag:$0x2] =	sbarrier.arrive $0xFFFF  }
0x446: {  	p0 =	sne.s32 s0, $0x0;
	s0 =	rddreg [dreg:$0x5]  }
0x447: {  	s0 =	sadd.s32 @!p0 $0x100000, s0  }
0x448: {  	[sflag:s0] =	ssyncadd.tile.s32 @!p0 $0x1;
	_ =	shalt  }
.Lfunc_end2:
_tile_overlayer_lowered:
.L_overlay_start_2:
0x449: {  	(tag) =	ssettag $0x2  }
0x44a: {  	s0 =	rddreg [dreg:$0x0];
	s2 =	stileid.u32  }
0x44b: {  	s1 =	rddreg [dreg:$0x1];
	p0 =	sne.s32 s2, $0x0  }
0x44c: {  	s3 =	rddreg [dreg:$0x2];
	[bflag:$0x3] =	sbarrier.arrive $0xFFFF;
	s2 =	simm.s32 @!p0 $0x1C05  }
0x44d: {  	[timem:s3], [sflag:s2] =	dma.local @!p0 [hbm:s0], s1  }
0x44e: {  	s0 =	simm.s32 @!p0 $0x5  }
0x44f: {  	_ =	swait.ge @!p0 [sflag:s0], s1  }
0x450: {  	s1 =	ssub.s32 @!p0 $0x0, s1;
	[sflag:s0] =	ssyncset.done @!p0 $0x0  }
0x451: {  	[sflag:s0] =	ssyncadd.s32 @!p0 s1  }
0x452: {  	[bflag:$0x3] =	sbarrier.arrive $0xFFFF  }
0x453: {  	_ =	shalt  }

// kernel: sparse-core-data-format-call.cloned.1.call-start
scs
called_computation_lowered:
.L_overlay_start_0:
0x0: {  	s2 =	sld [smem:$0x3FD9]  }
0x1: {  	s3 =	sld [smem:$0x3FFE];
	_ =	sdelay $0x1  }
0x2: {  	s1 =	srdreg.scid  }
0x3: {  	s0 =	sand.u32 $0x1, s1  }
0x4: {  	s15 =	sshll.u32 s0, $0xA;
	s2 =	sadd.s32 s3, s2  }
0x5: {  	s2 =	sadd.s32 s2, s15  }
0x6: {  	[smem:$0x3FC1] =	sst s2  }
0x7: {  	_ = 	snop  }
0x8: {  	s2 =	sld [smem:$0x3FD0];
	_ =	sdelay $0x2  }
0x9: {  	s16 =	simm.s32 $0xA;
	s4 =	simm.s32 $0x10  }
0xa: {  	[smem:s4], [sflag:s16] =	dma.local [hbm:s2], $0x1  }
0xb: {  	_ =	swait.eq [sflag:s16], $0x1  }
0xc: {  	[sflag:s16] =	ssyncset.done $0x0  }
0xd: {  	[sflag:s16] =	ssyncadd.s32 $0xFFFFFFFF  }
0xe: {  	s17 =	sld [smem:$0x11];
	(tm) =	ssettm $0x1  }
0xf: {  	s18 =	sld [smem:$0x3FFB];
	_ =	sdelay $0x3  }
0x10: {  	_ =	strace s18  }
0x11: {  	s3 =	sld [smem:$0x3FFC];
	_ =	sdelay $0x3  }
0x12: {  	_ =	strace s3  }
0x13: {  	s3 =	sld [smem:$0x3FFD];
	_ =	sdelay $0x3  }
0x14: {  	_ =	strace s3  }
0x15: {  	_ =	strace $0x8FFFFFFF  }
0x16: {  	s19 =	sld [smem:$0x3FDB];
	_ =	sdelay $0x1  }
0x17: {  	s20 =	simm.s32 $_scs_section_size  }
0x18: {  	s5 =	simm.s32 $_size__tile_overlayer_lowered;
	s6 =	simm.s32 $_tile_overlayer_lowered  }
0x19: {  	s23 =	simm.s32 $0x1BFF;
	s22 =	sshll.u32 s6, $0x1;
	s3 =	sadd.s32 s20, s19  }
0x1a: {  	s7 =	simm.s32 $0x0;
	s21 =	sshll.u32 s5, $0x1;
	s5 =	sadd.s32 s22, s3  }
0x1b: {  	[timem:s7], [sflag:s23] =	dma.local [hbm:s5], s21  }
0x1c: {  	_ =	swait.ge [sflag:s23], s21  }
0x1d: {  	s4 =	ssub.s32 $0x0, s21;
	[sflag:s23] =	ssyncset.done $0x0  }
0x1e: {  	[sflag:s23] =	ssyncadd.s32 s4;
	_ =	sdelay $0x1  }
0x1f: {  	s24 =	simm.s32 $0x1B8B  }
0x20: {  	_ =	swait.ge [sflag:s24], $0x1  }
0x21: {  	[sflag:s24] =	ssyncset.done $0x0  }
0x22: {  	s26 =	simm.s32 $0x1B8E;
	s25 =	sld [smem:$0x3FFE];
	[sflag:s24] =	ssyncadd.s32 $0xFFFFFFFF  }
0x23: {  	s27 =	simm.s32 $execute0_lowered;
	[smem:$0x3FD2] =	sst s26  }
0x24: {  	s5 =	sshll.u32 s27, $0x1;
	_ =	strace $0x80000049;
	[dreg:$0x1] =	wrdreg $0xFFFFFFFF  }
0x25: {  	s28 =	simm.s32 $_size_execute0_lowered;
	s3 =	sadd.s32 s3, s5;
	[dreg:$0x0] =	wrdreg $0x0  }
0x26: {  	s5 =	sshll.u32 s28, $0x1;
	[dreg:$0x2] =	wrdreg s3  }
0x27: {  	[dreg:$0x3] =	wrdreg s5  }
0x28: {  	[dreg:$0x4] =	wrdreg $0xC0  }
0x29: {  	_ =	task [dreg:s7], $0x5FFFF  }
0x2a: {  	[dreg:$0x1] =	wrdreg $0xFFFFFFFF  }
0x2b: {  	[dreg:$0x0] =	wrdreg $0x60  }
0x2c: {  	[dreg:$0x2] =	wrdreg s25  }
0x2d: {  	[dreg:$0x3] =	wrdreg s17  }
0x2e: {  	[dreg:$0x4] =	wrdreg $0x9  }
0x2f: {  	_ =	task.clear_ibuf [dreg:s7], $0x5FFFF;
	_ =	strace $0x90000049  }
0x30: {  	s29 =	simm.s32 $0x9;
	_ =	strace $0x8000004B  }
0x31: {  	_ =	swait.ge [sflag:s29], $0x1  }
0x32: {  	[sflag:s29] =	ssyncadd.s32 $0xFFFFFFFF  }
0x33: {  	_ =	strace $0x9000004B  }
0x34: {  	_ =	sfence  }
0x35: {  	s30 =	sld [smem:$0x0];
	_ =	sdelay $0x2  }
0x36: {  	s31 =	sshll.u32 s1, $0xD;
	s1 =	sshrl.u32 s1, $0x2  }
0x37: {  	s3 =	sand.u32 $0x4000, s31;
	s1 =	sadd.s32 s1, s30  }
0x38: {  	s0 =	sor.u32 s3, s0;
	s1 =	sshll.u32 s1, $0x11  }
0x39: {  	s0 =	sor.u32 s1, s0  }
0x3a: {  	s0 =	sadd.s32 $0x8F2B, s0  }
0x3b: {  	[sflag:s0] =	ssyncadd.remote.s32 $0x1  }
0x3c: {  	_ =	sfence.sel $0xFFFF  }
0x3d: {  	[dreg:$0x0] =	wrdreg $0xFFFFFFFF;
	(pc) =	sbr.abs _section_cstart, $3  }
0x3e: {  	[dreg:$0x1] =	wrdreg $0xFFFFFFFF  }
0x3f: {  	_ =	task.clear_ibuf [dreg:s7], $0x2FFFF;
	_ =	strace $0x9FFFFFFF  }
0x40: {  	(tm) =	ssettm $0x7FFFFFFF  }
0x41: {  	_ =	shalt  }
tec
execute0_lowered:
.L_overlay_start_1:
0x0: {  	(tag) =	ssettag $0x1  }
0x1: {  	s0 =	stileid.u32;
	s7 =	rddreg [dreg:$0x0]  }
0x2: {  	s1 =	srdreg.scid;
	s4 =	rddreg [dreg:$0x1]  }
0x3: {  	s31 =	simm.s32 $0x2;
	s17 =	simm.s32 $0x0;
	p0 =	por $0x0, $0x0  }
0x4: {  	s16 =	simm.s32 $0x0;
	s18 =	simm.s32 $0x0;
	s9 =	simm.s32 $0x0  }
0x5: {  	s10 =	simm.s32 $0x0;
	s2 =	sshll.u32 s0, $0x6;
	s1 =	sshll.u32 s1, $0xA  }
0x6: {  	s11 =	simm.s32 $0x0;
	s1 =	sor.u32 s2, s1;
	s2 =	sand.u32 $0x1, s0  }
0x7: {  	s13 =	simm.s32 $0x0;
	s3 =	sand.u32 $0x780, s1;
	s29 =	ssub.s32 $0x2, s2  }
0x8: {  	s15 =	simm.s32 $0x0;
	s5 =	ssub.s32 $0x18680, s3;
	s6 =	sshrl.u32 s29, $0x1  }
.Ltmp0:
0x9: {  	s8 =	sand.u32 $0x1, s29;
	s5 =	sshrl.u32 s5, $0xB;
	(pc) =	sbr.rel .LBB1_1-.Ltmp0, $4  }
0xa: {  	s1 =	rddreg [dreg:$0x2];
	s6 =	sadd.s32 s8, s6;
	s30 =	sadd.s32 $0x1, s5  }
0xb: {  	_ =	strace $0x8000004A;
	s5 =	simm.s32 $0x1;
	s6 =	smul.u32 s6, s30  }
0xc: {  	s7 =	sadd.s32 $0x30EA00, s7;
	s14 =	smov.u32 s2;
	[sflag:s5] =	ssyncpa.u1 $0x0  }
0xd: {  	s12 =	smov.u32 s3;
	[sflag:s31] =	ssyncpa.u1 $0x0;
	s8 =	sadd.s32 $0x1, s6  }
.LBB1_4:
0xe: {  	s24 =	sshll.u32 s9, $0x7  }
0xf: {  	s25 =	sshll.u32 s10, $0x3;
	s23 =	sshra.s32 s23, $0x2;
	s31 =	sshra.s32 s11, $0x1F  }
0x10: {  	p1 =	sgt.s32 s11, $0x1;
	s26 =	sand.u32 $0xFFFFFC00, s24;
	s25 =	sand.u32 $0xFFFFFC00, s25  }
0x11: {  	s29 =	ssub.s32 $0x0, s10;
	s24 =	sand.u32 $0x380, s24;
	s25 =	sadd.s32 s25, s26  }
0x12: {  	[tilespmem:s21+$0x2040 ss:$0x81] =	vst.msk $0xffff, v4;
	s26 =	smov.u32 s11;
	s24 =	sor.u32 s24, s25;
	s25 =	sand.u32 s31, s11  }
0x13: {  	[tilespmem:s21+$0x2850 ss:$0x81] =	vst.msk $0xffff, v3;
	s26 =	simm.s32 @!p1 $0x1;
	s24 =	sshrl.u32 s24, $0x7;
	s25 =	sxor.u32 $0xFFFFFFFF, s25  }
0x14: {  	v5 =	vld [tilespmem:s20+$0xFFFFFFD0];
	[tilespmem:s21+$0x3060 ss:$0x81] =	vst.msk $0xffff, v2;
	s30 =	sshra.s32 s9, $0x1F;
	s27 =	smulhi.u32 $0x14F8B59, s24;
	s26 =	sadd.s32 s25, s26  }
0x15: {  	v58 =	vld [tilespmem:s20+$0xFFFFFFE0];
	[tilespmem:s21+$0x0 ss:$0x81] =	vst.msk $0xffff, v0;
	s22 =	sadd.s32 s23, s22;
	s21 =	sand.u32 s30, s9;
	p1 =	sgt.s32 s26, $0x0  }
0x16: {  	v59 =	vld [tilespmem:s20+$0xFFFFFFF0];
	s23 =	ssub.s32 $0x1, s26;
	s26 =	smov.u32 s9;
	s28 =	sshrl.u32 s27, $0x9  }
0x17: {  	v60 =	vld [tilespmem:s20+$0x0];
	s23 =	simm.s32 @p1 $0x0;
	p1 =	sgt.s32 s9, $0x18620;
	s27 =	smin.u32 s10, s29  }
0x18: {  	v61 =	vld [tilespmem:s20+$0x10];
	[tilespmem:s22+$0x3870 ss:$0x81] =	vst.msk $0xffff, v1;
	s26 =	simm.s32 @!p1 $0x18620;
	p1 =	sgt.s32 s27, $0x7F;
	s27 =	ssub.s32 $0x80, s27  }
0x19: {  	v62 =	vld [tilespmem:s20+$0x20];
	[tilespmem:s22+$0x810 ss:$0x81] =	vst.msk $0xffff, v5;
	s25 =	smul.u32 $0x186A0, s28;
	s21 =	ssub.s32 s26, s21;
	s27 =	simm.s32 @p1 $0x0  }
0x1a: {  	v63 =	vld [tilespmem:s20+$0xFFFFFFC0];
	[tilespmem:s22+$0x1020 ss:$0x81] =	vst.msk $0xffff, v58;
	s28 =	sshrl.u32 s10, $0x3;
	s31 =	smul.u32 s23, s27;
	s26 =	sadd.s32 $0xFFFE79E0, s21  }
0x1b: {  	[tilespmem:s22+$0x1830 ss:$0x81] =	vst.msk $0xffff, v59;
	s21 =	ssub.s32 $0x186A0, s21;
	s27 =	smul.u32 $0x186A00, s11;
	p1 =	sgt.s32 s26, $0x7F  }
0x1c: {  	[tilespmem:s22+$0x2040 ss:$0x81] =	vst.msk $0xffff, v60;
	s29 =	sand.u32 $0xF, s28;
	s21 =	simm.s32 @p1 $0x0  }
0x1d: {  	[tilespmem:s22+$0x2850 ss:$0x81] =	vst.msk $0xffff, v61;
	s24 =	ssub.s32 s24, s25;
	s23 =	sadd.s32 s4, s27;
	s20 =	smul.u32 s21, s31  }
0x1e: {  	[tilespmem:s22+$0x3060 ss:$0x81] =	vst.msk $0xffff, v62;
	s30 =	sshll.u32 s24, $0x4;
	s21 =	sadd.s32 s29, s23  }
0x1f: {  	[tilespmem:s22+$0x0 ss:$0x81] =	vst.msk $0xffff, v63;
	s31 =	sand.u32 $0x7, s10;
	s21 =	sadd.s32 s30, s21;
	s20 =	sand.u32 $0x3FFFFFFF, s20  }
0x20: {  	[hbm4b:s21+s31] =	stream.linear.scatter [tilespmem:s19], [sflag:$0x2], s20, $0x20;
	[tilespmem:$0x10100] =	vst v63  }
.LBB1_5:
0x21: {  	p1 =	slt.u32 s15, $0x2  }
0x22: {  	p2 =	sgt.s32 @!p1 s18, $0x1;
	s19 =	sshra.s32 @!p1 s18, $0x1F  }
0x23: {  	s20 =	smov.u32 s18;
	p2 =	por !p2, p1;
	s18 =	sand.u32 @!p1 s19, s18  }
0x24: {  	p3 =	sgt.s32 @!p1 s17, $0x18620;
	s20 =	simm.s32 @p2 $0x1;
	s18 =	sxor.u32 @!p1 $0xFFFFFFFF, s18  }
0x25: {  	s19 =	sshra.s32 @!p1 s17, $0x1F;
	p3 =	por !p3, p1;
	s18 =	sadd.s32 @!p1 s18, s20  }
0x26: {  	s20 =	smov.u32 s17;
	s17 =	sand.u32 @!p1 s19, s17;
	s19 =	ssub.s32 @!p1 $0x0, s16  }
0x27: {  	p2 =	sgt.s32 @!p1 s18, $0x0;
	s18 =	ssub.s32 @!p1 $0x1, s18;
	s20 =	simm.s32 @p3 $0x18620  }
0x28: {  	s16 =	smin.u32 @!p1 s16, s19;
	p2 =	por !p2, p1;
	s17 =	ssub.s32 @!p1 s20, s17  }
0x29: {  	s20 =	smov.u32 s13;
	s18 =	simm.s32 @!p2 $0x0;
	p2 =	sgt.s32 @!p1 s16, $0x7F  }
0x2a: {  	s19 =	sadd.s32 @!p1 $0xFFFE79E0, s17;
	s16 =	ssub.s32 @!p1 $0x80, s16;
	p2 =	por !p2, p1  }
0x2b: {  	s17 =	ssub.s32 @!p1 $0x186A0, s17;
	p3 =	sgt.s32 @!p1 s19, $0x7F;
	s16 =	simm.s32 @!p2 $0x0  }
0x2c: {  	s19 =	sadd.s32 $0x800, s12;
	p2 =	por !p3, p1;
	s16 =	smul.u32 @!p1 s18, s16  }
0x2d: {  	s17 =	simm.s32 @!p2 $0x0;
	p2 =	sgt.s32 s19, $0x1869F;
	s18 =	sadd.s32 $0x80, s13  }
0x2e: {  	s21 =	smov.u32 s14;
	s20 =	smov.u32 @p2 s18  }
0x2f: {  	s16 =	smul.u32 @!p1 s17, s16;
	p3 =	sgt.s32 s20, $0x7F;
	s17 =	sadd.s32 $0x2, s14  }
0x30: {  	p0 =	por !p0, !p0;
	s22 =	simm.s32 @!p1 $0x2;
	s21 =	smov.u32 @p3 s17  }
0x31: {  	s19 =	smov.u32 @p2 s3;
	s18 =	smov.u32 s11;
	p2 =	sgt.s32 s21, $0x1  }
0x32: {  	s11 =	smov.u32 s14;
	s21 =	smov.u32 @p2 s2;
	p2 =	sne.s32 s15, s8  }
.Ltmp1:
0x33: {  	s20 =	simm.s32 @p3 $0x0;
	s17 =	smov.u32 s9;
	(pc) =	sbr.rel @!p2 .LBB1_6-.Ltmp1, $4  }
0x34: {  	s9 =	smov.u32 s12;
	s12 =	smov.u32 s19;
	s16 =	sand.u32 @!p1 $0x3FFFFFFF, s16  }
0x35: {  	_ =	swait.ge @!p1 [sflag:s22], s16;
	s23 =	ssub.s32 @!p1 $0x0, s16;
	s16 =	smov.u32 s10  }
0x36: {  	s15 =	sadd.s32 $0x1, s15;
	s10 =	smov.u32 s13;
	[sflag:s22] =	ssyncset.done @!p1 $0x0  }
0x37: {  	s13 =	smov.u32 s20;
	s14 =	smov.u32 s21;
	[sflag:s22] =	ssyncadd.s32 @!p1 s23  }
.LBB1_1:
0x38: {  	p1 =	sge.u32 s15, s6  }
0x39: {  	s19 =	sshrl.u32 @!p1 s13, $0x3  }
0x3a: {  	s20 =	sshll.u32 @!p1 s12, $0x3;
	s19 =	smul.u32 @!p1 $0xC3800, s19  }
0x3b: {  	s21 =	sshll.u32 @!p1 s13, $0x7;
	s20 =	sand.u32 @!p1 $0xFFFFFC00, s20  }
0x3c: {  	s19 =	sadd.s32 @!p1 s19, s20;
	s20 =	sand.u32 @!p1 $0x380, s21  }
0x3d: {  	s21 =	sand.u32 @!p1 $0x7F, s12;
	s19 =	sor.u32 @!p1 s20, s19  }
0x3e: {  	s20 =	sor.u32 @!p1 s21, s19  }
0x3f: {  	s21 =	smulhi.u32 @!p1 $0xA79C7B17, s20  }
0x40: {  	s19 =	smulhi.u32 @!p1 $0xA79C7B17, s19  }
0x41: {  	s21 =	sshrl.u32 @!p1 s21, $0x10  }
0x42: {  	s31 =	sadd.s32 $0xFFFFFFFF, s15;
	s19 =	sshrl.u32 @!p1 s19, $0x10;
	s21 =	smul.u32 @!p1 $0x18700, s21  }
0x43: {  	s22 =	sxor.u32 @!p1 $0xFFFFFFFF, s15;
	s23 =	smul.u32 @!p1 $0x187000, s14;
	s19 =	sand.u32 @!p1 $0x7F, s19  }
0x44: {  	s22 =	sshll.u32 @!p1 s22, $0xE;
	s19 =	smul.u32 @!p1 $0x30E0, s19;
	s20 =	ssub.s32 @!p1 s20, s21  }
0x45: {  	s21 =	sand.u32 @!p1 $0x4000, s22;
	s22 =	sadd.s32 @!p1 s7, s23;
	s23 =	sand.u32 @!p1 $0x7, s20  }
0x46: {  	s20 =	sshrl.u32 @!p1 s20, $0x3;
	s19 =	sadd.s32 @!p1 s19, s22;
	s22 =	sshll.u32 @!p1 s23, $0x12  }
0x47: {  	s19 =	sadd.s32 @!p1 s20, s19;
	s20 =	sor.u32 @!p1 $0x400, s22;
	s22 =	simm.s32 @!p1 $0xC3800  }
0x48: {  	[tilespmem:s21], [sflag:$0x1] =	stream.strided.gather @!p1 [hbm4b:s19+s20], $0x4000, s22, s20, $0x38;
	[tilespmem:$0x10100] =	vst v63  }
0x49: {  	p1 =	sge.u32 s31, s6  }
.Ltmp2:
0x4a: {  	_ = 	snop;
	(pc) =	sbr.rel @p1 .LBB1_5-.Ltmp2, $1  }
0x4b: {  	_ =	sdelay $0x3  }
0x4c: {  	s19 =	simm.s32 $0x1  }
0x4d: {  	_ =	swait.ge [sflag:s5], $0x4000;
	s19 =	simm.s32 @!p0 $0x0  }
0x4e: {  	[sflag:s5] =	ssyncset.done $0x0;
	s20 =	sshll.u32 s19, $0xE  }
0x4f: {  	[sflag:s5] =	ssyncadd.s32 $0xFFFFC000;
	s20 =	sor.u32 $0x40, s20  }
0x50: {  	s19 =	smul.u32 $0x10200, s19;
	v0 =	vld [tilespmem:s20+$0x30]  }
0x51: {  	v1 =	vld [tilespmem:s20+$0xFFFFFFD0]  }
0x52: {  	s19 =	sshrl.u32 s19, $0x2;
	v5 =	vld [tilespmem:s20+$0xFFFFFFE0]  }
0x53: {  	v6 =	vld [tilespmem:s20+$0xFFFFFFF0];
	s22 =	sor.u32 $0x8000, s19  }
0x54: {  	s31 =	sand.u32 $0x1, s15;
	v4 =	vld [tilespmem:s20+$0x0];
	s21 =	sadd.s32 $0x0, s22  }
0x55: {  	v3 =	vld [tilespmem:s20+$0x10];
	s19 =	smul.u32 $0x10200, s31;
	[tilespmem:s21+$0x3870 ss:$0x81] =	vst.msk $0xffff, v0  }
0x56: {  	v2 =	vld [tilespmem:s20+$0x20];
	[tilespmem:s21+$0x810 ss:$0x81] =	vst.msk $0xffff, v1  }
0x57: {  	s19 =	sshrl.u32 s19, $0x2;
	v0 =	vld [tilespmem:s20+$0xFFFFFFC0];
	[tilespmem:s21+$0x1020 ss:$0x81] =	vst.msk $0xffff, v5;
	s20 =	sadd.s32 $0x80, s20  }
0x58: {  	s23 =	simm.s32 $0x4;
	s24 =	simm.s32 $0x8;
	s19 =	sor.u32 $0x8000, s19;
	[tilespmem:s21+$0x1830 ss:$0x81] =	vst.msk $0xffff, v6;
	v1 =	vld [tilespmem:s20+$0x30]  }
.LBB1_3:
0x59: {  	p1 =	sne.s32 s24, $0x1FC;
	v5 =	vld [tilespmem:s20+$0xFFFFFFD0];
	[tilespmem:s21+$0x2040 ss:$0x81] =	vst.msk $0xffff, v4  }
0x5a: {  	v6 =	vld [tilespmem:s20+$0xFFFFFFE0];
	[tilespmem:s21+$0x2850 ss:$0x81] =	vst.msk $0xffff, v3  }
0x5b: {  	s25 =	sshra.s32 s23, $0x2;
	s23 =	smov.u32 s24;
	v7 =	vld [tilespmem:s20+$0xFFFFFFF0];
	[tilespmem:s21+$0x3060 ss:$0x81] =	vst.msk $0xffff, v2  }
.Ltmp3:
0x5c: {  	v4 =	vld [tilespmem:s20+$0x0];
	[tilespmem:s21+$0x0 ss:$0x81] =	vst.msk $0xffff, v0;
	s21 =	sadd.s32 s25, s22;
	(pc) =	sbr.rel @p1 .LBB1_3-.Ltmp3, $4  }
0x5d: {  	v3 =	vld [tilespmem:s20+$0x10];
	[tilespmem:s21+$0x3870 ss:$0x81] =	vst.msk $0xffff, v1  }
0x5e: {  	[tilespmem:s21+$0x810 ss:$0x81] =	vst.msk $0xffff, v5;
	v2 =	vld [tilespmem:s20+$0x20]  }
0x5f: {  	v0 =	vld [tilespmem:s20+$0xFFFFFFC0];
	[tilespmem:s21+$0x1020 ss:$0x81] =	vst.msk $0xffff, v6;
	s20 =	sadd.s32 $0x80, s20  }
0x60: {  	s24 =	sadd.s32 $0x4, s24;
	v1 =	vld [tilespmem:s20+$0x30];
	[tilespmem:s21+$0x1830 ss:$0x81] =	vst.msk $0xffff, v7  }
.Ltmp4:
0x61: {  	_ = 	snop;
	(pc) =	sbr.rel .LBB1_4-.Ltmp4, $1  }
0x62: {  	_ =	sdelay $0x3  }
.LBB1_6:
0x63: {  	_ =	sfence.sel $0x180000  }
0x64: {  	s2 =	simm.s32 $0x1;
	[bflag:$0x0] =	sbarrier.arrive $0xFFFF  }
0x65: {  	s31 =	simm.s32 $0x2;
	[sflag:s2] =	ssyncpa.u1 $0x1  }
0x66: {  	[sflag:s31] =	ssyncpa.u1 $0x1  }
0x67: {  	p0 =	sne.s32 s0, $0x0;
	_ =	strace $0x9000004A  }
0x68: {  	s0 =	sadd.s32 @!p0 $0x100000, s1;
	[bflag:$0x2] =	sbarrier.arrive $0xFFFF  }
0x69: {  	[sflag:s0] =	ssyncadd.tile.s32 @!p0 $0x1;
	_ =	shalt  }
.Lfunc_end1:
_tile_overlayer_lowered:
.L_overlay_start_2:
0x6a: {  	(tag) =	ssettag $0x2  }
0x6b: {  	s0 =	rddreg [dreg:$0x0];
	s2 =	stileid.u32  }
0x6c: {  	s1 =	rddreg [dreg:$0x1];
	p0 =	sne.s32 s2, $0x0  }
0x6d: {  	s3 =	rddreg [dreg:$0x2];
	[bflag:$0x3] =	sbarrier.arrive $0xFFFF;
	s2 =	simm.s32 @!p0 $0x1C01  }
0x6e: {  	[timem:s3], [sflag:s2] =	dma.local @!p0 [hbm:s0], s1  }
0x6f: {  	s0 =	simm.s32 @!p0 $0x1  }
0x70: {  	_ =	swait.ge @!p0 [sflag:s0], s1  }
0x71: {  	s1 =	ssub.s32 @!p0 $0x0, s1;
	[sflag:s0] =	ssyncset.done @!p0 $0x0  }
0x72: {  	[sflag:s0] =	ssyncadd.s32 @!p0 s1  }
0x73: {  	[bflag:$0x3] =	sbarrier.arrive $0xFFFF  }
0x74: {  	_ =	shalt  }

</sc_bundles>
